<compile_context>
chip_gen: v7x
topology: tpu7x:2x2x1
jax: 0.10.2.dev20260603
libtpu: 0.0.44.dev20260713+nightly
codegen_flags: <defaults>
</compile_context>

<pallas_src>
import jax
import jax.numpy as jnp
from jax import lax
from jax.experimental import pallas as pl
from jax.experimental.pallas import tpu as pltpu
from jax.experimental.pallas import tpu_sc as plsc

B = 16
N_NODES = 32768
N_EDGES = 524288
NC = 2
NS = 16
CHUNK = 128
ROWS_PER_TILE = N_NODES // NS

PREC = lax.Precision.HIGHEST



def _conv1_body(xs_ref, m_ref, b_ref, out_ref):
    a = xs_ref[0]
    r = (jnp.dot(a[1:4097], m_ref[0], precision=PREC)
         + jnp.dot(a[2:4098], m_ref[1], precision=PREC)
         + jnp.dot(a[3:4099], m_ref[2], precision=PREC))
    out_ref[0] = jnp.maximum(
        jnp.maximum(r[:, :16], r[:, 16:]) + b_ref[...], 0.0)


def _conv2_body(h_ref, n_ref, b_ref, w_ref, out_ref):
    a = h_ref[0]
    r = (jnp.dot(a[1:2049], n_ref[0], precision=PREC)
         + jnp.dot(a[2:2050], n_ref[1], precision=PREC)
         + jnp.dot(a[3:2051], n_ref[2], precision=PREC))
    p = jnp.maximum(jnp.maximum(r[:, :32], r[:, 32:]) + b_ref[...], 0.0)
    xw = jnp.dot(p, w_ref[...], precision=PREC)
    out_ref[0] = xw[:, :32]
    out_ref[1] = xw[:, 32:]


def _scale_body(degp_ref, xw_ref, src_ref, dis_ref, y_ref, srcs_ref):
    d = degp_ref[0, :, 0:1] + degp_ref[1, :, 0:1] + 1.0
    dis = lax.rsqrt(d)
    dis_ref[...] = dis
    y_ref[0] = dis * xw_ref[0]
    y_ref[1] = dis * xw_ref[1]
    e = src_ref[...]
    srcs_ref[0] = e
    srcs_ref[1] = e + N_NODES


def _layer_body(s_ref, dis_ref, b_ref, w_ref, y_ref):
    dis = dis_ref[...]
    g = jnp.maximum(
        dis * jnp.concatenate([s_ref[0], s_ref[1]], axis=1) + b_ref[...], 0.0)
    y = dis * jnp.dot(g, w_ref[...], precision=PREC)
    y_ref[0] = y[:, :32]
    y_ref[1] = y[:, 32:]


def _head_body(s_ref, dis_ref, b_ref, w_ref, cb_ref, out_ref):
    dis = dis_ref[...]
    g = jnp.maximum(
        dis * jnp.concatenate([s_ref[0], s_ref[1]], axis=1) + b_ref[...], 0.0)
    m = jnp.mean(g, axis=0, keepdims=True)
    out_ref[0] = jnp.dot(m, w_ref[...], precision=PREC) + cb_ref[...]



def _deg_kernel(dst_hbm, degp_hbm, spmem, dstd2, ones_v, zero_v):
    c = lax.axis_index("c")
    s = lax.axis_index("s")
    w = c * NS + s

    @pl.loop(0, CHUNK)
    def _(i):
        ones_v[i] = jnp.ones((16,), jnp.float32)
        zero_v[i] = jnp.zeros((16,), jnp.float32)

    pltpu.sync_copy(dst_hbm.at[pl.ds(w * 128, 128)], dstd2)

    @pl.loop(0, ROWS_PER_TILE // CHUNK)
    def _(t):
        pltpu.sync_copy(zero_v,
                        spmem.at[pl.ds(s * ROWS_PER_TILE + t * CHUNK, CHUNK)])

    plsc.subcore_barrier()

    @pl.loop(0, 128)
    def _(i):
        pltpu.sync_copy(ones_v, spmem.at[dstd2.at[i]], add=True)

    plsc.subcore_barrier()
    pltpu.sync_copy(spmem.at[pl.ds(s * ROWS_PER_TILE, ROWS_PER_TILE)],
                    degp_hbm.at[c].at[pl.ds(s * ROWS_PER_TILE, ROWS_PER_TILE)])


def _agg_kernel(y_hbm, srcs_hbm, dst_hbm, s_hbm, spmem,
                adj_a, dst_a, vals_a, adj_b, dst_b, vals_b, sem_a, sem_b):
    c = lax.axis_index("c")
    s = lax.axis_index("s")
    row0 = s * ROWS_PER_TILE
    erow0 = s * 256

    init = pltpu.async_copy(y_hbm.at[pl.ds(c * N_NODES + row0, ROWS_PER_TILE)],
                            spmem.at[pl.ds(row0, ROWS_PER_TILE)], sem_a)

    def load_idx(g, adj, dst):
        pltpu.sync_copy(srcs_hbm.at[c].at[pl.ds(erow0 + g * 4, 4)], adj)
        pltpu.sync_copy(dst_hbm.at[pl.ds(erow0 + g * 4, 4)], dst)

    def fire(adj, vals, sem):
        for b in range(4):
            pltpu.async_copy(y_hbm.at[adj.at[b]], vals.at[b], sem)

    def drain(adj, vals, sem):
        for b in range(4):
            pltpu.make_async_copy(y_hbm.at[adj.at[b]], vals.at[b],
                                  sem).wait()

    def scat(dst, vals):
        for b in range(4):
            pltpu.sync_copy(vals.at[b], spmem.at[dst.at[b]], add=True)

    load_idx(0, adj_a, dst_a)
    init.wait()
    plsc.subcore_barrier()
    fire(adj_a, vals_a, sem_a)

    @pl.loop(0, 64, step=2)
    def _(g):
        load_idx(g + 1, adj_b, dst_b)
        fire(adj_b, vals_b, sem_b)
        drain(adj_a, vals_a, sem_a)
        scat(dst_a, vals_a)

        @pl.when(g + 2 < 64)
        def _():
            load_idx(g + 2, adj_a, dst_a)
            fire(adj_a, vals_a, sem_a)

        drain(adj_b, vals_b, sem_b)
        scat(dst_b, vals_b)

    plsc.subcore_barrier()
    pltpu.sync_copy(spmem.at[pl.ds(row0, ROWS_PER_TILE)],
                    s_hbm.at[c].at[pl.ds(row0, ROWS_PER_TILE)])


def _sc_mesh():
    return plsc.VectorSubcoreMesh(core_axis_name="c", subcore_axis_name="s")


_SC_PARAMS = pltpu.CompilerParams(use_tc_tiling_on_sc=False)


def _sc_degree(dst_r):
    return pl.kernel(
        _deg_kernel,
        out_type=jax.ShapeDtypeStruct((NC, N_NODES, 16), jnp.float32),
        mesh=_sc_mesh(),
        scratch_types=[
            pltpu.VMEM_SHARED((N_NODES, 16), jnp.float32),
            pltpu.VMEM((128, CHUNK), jnp.int32),
            pltpu.VMEM((CHUNK, 16), jnp.float32),
            pltpu.VMEM((CHUNK, 16), jnp.float32),
        ],
        compiler_params=_SC_PARAMS,
    )(dst_r)


def _sc_aggregate(y_flat, srcs, dst_r):
    return pl.kernel(
        _agg_kernel,
        out_type=jax.ShapeDtypeStruct((NC, N_NODES, 32), jnp.float32),
        mesh=_sc_mesh(),
        scratch_types=[
            pltpu.VMEM_SHARED((N_NODES, 32), jnp.float32),
            pltpu.VMEM((4, CHUNK), jnp.int32),
            pltpu.VMEM((4, CHUNK), jnp.int32),
            pltpu.VMEM((4, CHUNK, 32), jnp.float32),
            pltpu.VMEM((4, CHUNK), jnp.int32),
            pltpu.VMEM((4, CHUNK), jnp.int32),
            pltpu.VMEM((4, CHUNK, 32), jnp.float32),
            pltpu.SemaphoreType.DMA,
            pltpu.SemaphoreType.DMA,
        ],
        compiler_params=_SC_PARAMS,
    )(y_flat, srcs, dst_r)



def _stack_taps(wt, z):
    m1 = jnp.concatenate([jnp.concatenate([wt[0], z], 1),
                          jnp.concatenate([wt[1], wt[0]], 1)], 0)
    m2 = jnp.concatenate([jnp.concatenate([wt[2], wt[1]], 1),
                          jnp.concatenate([wt[3], wt[2]], 1)], 0)
    m3 = jnp.concatenate([jnp.concatenate([wt[4], wt[3]], 1),
                          jnp.concatenate([z, wt[4]], 1)], 0)
    return jnp.stack([m1, m2, m3])


def kernel(x, edge_index, conv1_w, conv1_b, conv2_w, conv2_b,
           gcn1_W, gcn1_b, gcn2_W, gcn2_b, cls_W, cls_b):
    f32 = jnp.float32

    wt1 = jnp.transpose(conv1_w, (2, 1, 0))
    m = _stack_taps(wt1, jnp.zeros_like(wt1[0]))
    wt2 = jnp.transpose(conv2_w, (2, 1, 0))
    n = _stack_taps(wt2, jnp.zeros_like(wt2[0]))

    xs = jnp.pad(jnp.transpose(x, (0, 2, 1)),
                 ((0, 0), (4, 12), (0, 0))).reshape(B, 4104, 128)
    src_r = edge_index[0].reshape(4096, 128)
    dst_r = edge_index[1].reshape(4096, 128)

    degp = _sc_degree(dst_r)

    h1p = pl.pallas_call(
        _conv1_body,
        grid=(B,),
        in_specs=[pl.BlockSpec((1, 4104, 128), lambda b: (b, 0, 0)),
                  pl.BlockSpec((3, 128, 32), lambda b: (0, 0, 0)),
                  pl.BlockSpec((1, 16), lambda b: (0, 0))],
        out_specs=pl.BlockSpec((1, 4096, 16), lambda b: (b, 0, 0)),
        out_shape=jax.ShapeDtypeStruct((B, 4096, 16), f32),
    )(xs, m, conv1_b.reshape(1, 16))

    h1s = jnp.pad(h1p, ((0, 0), (4, 12), (0, 0))).reshape(B, 2056, 32)

    xw1 = pl.pallas_call(
        _conv2_body,
        grid=(B,),
        in_specs=[pl.BlockSpec((1, 2056, 32), lambda b: (b, 0, 0)),
                  pl.BlockSpec((3, 32, 64), lambda b: (0, 0, 0)),
                  pl.BlockSpec((1, 32), lambda b: (0, 0)),
                  pl.BlockSpec((32, 64), lambda b: (0, 0))],
        out_specs=pl.BlockSpec((2, 2048, 32), lambda b: (0, b, 0)),
        out_shape=jax.ShapeDtypeStruct((NC, N_NODES, 32), f32),
    )(h1s, n, conv2_b.reshape(1, 32), gcn1_W)

    dis, y1, srcs = pl.pallas_call(
        _scale_body,
        grid=(16,),
        in_specs=[pl.BlockSpec((2, 2048, 16), lambda i: (0, i, 0)),
                  pl.BlockSpec((2, 2048, 32), lambda i: (0, i, 0)),
                  pl.BlockSpec((256, 128), lambda i: (i, 0))],
        out_specs=[pl.BlockSpec((2048, 1), lambda i: (i, 0)),
                   pl.BlockSpec((2, 2048, 32), lambda i: (0, i, 0)),
                   pl.BlockSpec((2, 256, 128), lambda i: (0, i, 0))],
        out_shape=[jax.ShapeDtypeStruct((N_NODES, 1), f32),
                   jax.ShapeDtypeStruct((NC, N_NODES, 32), f32),
                   jax.ShapeDtypeStruct((NC, 4096, 128), jnp.int32)],
    )(degp, xw1, src_r)

    s1 = _sc_aggregate(y1.reshape(NC * N_NODES, 32), srcs, dst_r)

    y2 = pl.pallas_call(
        _layer_body,
        grid=(16,),
        in_specs=[pl.BlockSpec((2, 2048, 32), lambda i: (0, i, 0)),
                  pl.BlockSpec((2048, 1), lambda i: (i, 0)),
                  pl.BlockSpec((1, 64), lambda i: (0, 0)),
                  pl.BlockSpec((64, 64), lambda i: (0, 0))],
        out_specs=pl.BlockSpec((2, 2048, 32), lambda i: (0, i, 0)),
        out_shape=jax.ShapeDtypeStruct((NC, N_NODES, 32), f32),
    )(s1, dis, gcn1_b.reshape(1, 64), gcn2_W)

    s2 = _sc_aggregate(y2.reshape(NC * N_NODES, 32), srcs, dst_r)

    cls_wp = jnp.pad(cls_W, ((0, 0), (0, 118)))
    cls_bp = jnp.pad(cls_b, (0, 118)).reshape(1, 128)
    outp = pl.pallas_call(
        _head_body,
        grid=(B,),
        in_specs=[pl.BlockSpec((2, 2048, 32), lambda b: (0, b, 0)),
                  pl.BlockSpec((2048, 1), lambda b: (b, 0)),
                  pl.BlockSpec((1, 64), lambda b: (0, 0)),
                  pl.BlockSpec((64, 128), lambda b: (0, 0)),
                  pl.BlockSpec((1, 128), lambda b: (0, 0))],
        out_specs=pl.BlockSpec((1, 1, 128), lambda b: (b, 0, 0)),
        out_shape=jax.ShapeDtypeStruct((B, 1, 128), f32),
    )(s2, dis, gcn2_b.reshape(1, 64), cls_wp, cls_bp)

    return outp[:, 0, :10]

# --- scband reference (transcript-rebuilt; emitter-appended) ---
"""Pipeline reference for scband-temporal-gcn-56873956934012 (READ-ONLY COPY).

The authoritative reference and input builder live on the scoring server;
editing this copy changes nothing except your own understanding.
"""

import jax, jax.numpy as jnp
import numpy as np

B, C, T = 16, 64, 8192
HIDDEN, OUT = 64, 10
NEW_T = T // 4
N_NODES = B * NEW_T
N_EDGES = N_NODES * 16
FEAT = 32


def setup_inputs(seed: int = 0) -> dict:
    key = jax.random.key(seed)
    ks = jax.random.split(key, 14)
    inp = {}
    inp["x"] = jax.random.normal(ks[0], (B, C, T), dtype=jnp.float32)
    inp["edge_index"] = jax.random.randint(ks[1], (2, N_EDGES), 0, N_NODES, dtype=jnp.int32)
    inp["conv1_w"] = jax.random.normal(ks[2], (16, C, 5), dtype=jnp.float32) * 0.05
    inp["conv1_b"] = jnp.zeros((16,), dtype=jnp.float32)
    inp["conv2_w"] = jax.random.normal(ks[3], (32, 16, 5), dtype=jnp.float32) * 0.05
    inp["conv2_b"] = jnp.zeros((32,), dtype=jnp.float32)
    inp["gcn1_W"] = jax.random.normal(ks[4], (FEAT, HIDDEN), dtype=jnp.float32) * 0.05
    inp["gcn1_b"] = jnp.zeros((HIDDEN,), dtype=jnp.float32)
    inp["gcn2_W"] = jax.random.normal(ks[5], (HIDDEN, HIDDEN), dtype=jnp.float32) * 0.05
    inp["gcn2_b"] = jnp.zeros((HIDDEN,), dtype=jnp.float32)
    inp["cls_W"] = jax.random.normal(ks[6], (HIDDEN, OUT), dtype=jnp.float32) * 0.05
    inp["cls_b"] = jnp.zeros((OUT,), dtype=jnp.float32)
    return inp


def _conv1d(x, w, b):
    y = jax.lax.conv_general_dilated(x, w, window_strides=(1,), padding=[(2, 2)],
                                     dimension_numbers=("NCH", "OIH", "NCH"))
    return y + b[None, :, None]


def _maxpool1d(x):
    return jax.lax.reduce_window(x, -jnp.inf, jax.lax.max, (1, 1, 2), (1, 1, 2), "VALID")


def _gcn_conv(x, edge_index, W, b):
    n = x.shape[0]
    loop = jnp.arange(n, dtype=edge_index.dtype)
    src = jnp.concatenate([edge_index[0], loop])
    dst = jnp.concatenate([edge_index[1], loop])
    xw = x @ W
    deg = jnp.zeros((n,), x.dtype).at[dst].add(1.0)
    dis = jnp.where(deg > 0, jax.lax.rsqrt(deg), 0.0)
    norm = dis[src] * dis[dst]
    out = jnp.zeros((n, W.shape[1]), x.dtype).at[dst].add(norm[:, None] * xw[src])
    return out + b


def reference(x, edge_index, conv1_w, conv1_b, conv2_w, conv2_b,
              gcn1_W, gcn1_b, gcn2_W, gcn2_b, cls_W, cls_b):
    h = jax.nn.relu(_conv1d(x, conv1_w, conv1_b))
    h = _maxpool1d(h)
    h = jax.nn.relu(_conv1d(h, conv2_w, conv2_b))
    h = _maxpool1d(h)
    Bb, Fd, Tn = h.shape
    x_temp = jnp.transpose(h, (0, 2, 1)).reshape(-1, Fd)
    g = jax.nn.relu(_gcn_conv(x_temp, edge_index, gcn1_W, gcn1_b))
    g = jax.nn.relu(_gcn_conv(g, edge_index, gcn2_W, gcn2_b))
    g = g.reshape(Bb, Tn, -1).mean(axis=1)
    return g @ cls_W + cls_b

if __name__ == "__main__":
    import jax
    _d = setup_inputs()
    print(jax.jit(kernel)(*tuple(_d.values())))

</pallas_src>

<mosaic_0001>
#map = affine_map<(d0, d1) -> (0, 0)>
#map1 = affine_map<(d0, d1) -> (0, 0, 0)>
module attributes {stable_mosaic.version = 14 : i64} {
  func.func @_agg_kernel(%arg0: i32, %arg1: i32, %arg2: memref<65536x32xf32, #tpu.memory_space<hbm>>, %arg3: memref<2x4096x128xi32, #tpu.memory_space<hbm>>, %arg4: memref<4096x128xi32, #tpu.memory_space<hbm>>, %arg5: memref<2x32768x32xf32, #tpu.memory_space<hbm>>, %arg6: memref<32768x32xf32, #tpu.memory_space<vmem_shared>>, %arg7: memref<4x128xi32, #tpu.memory_space<vmem>>, %arg8: memref<4x128xi32, #tpu.memory_space<vmem>>, %arg9: memref<4x128x32xf32, #tpu.memory_space<vmem>>, %arg10: memref<4x128xi32, #tpu.memory_space<vmem>>, %arg11: memref<4x128xi32, #tpu.memory_space<vmem>>, %arg12: memref<4x128x32xf32, #tpu.memory_space<vmem>>, %arg13: memref<!tpu.dma_semaphore, #tpu.memory_space<semaphore_mem>>, %arg14: memref<!tpu.dma_semaphore, #tpu.memory_space<semaphore_mem>>) attributes {dimension_semantics = [#tpu.dimension_semantics<core_parallel>, #tpu.dimension_semantics<subcore_parallel>], iteration_bounds = array<i64: 2, 16>, scalar_prefetch = 0 : i64, scratch_operands = 9 : i64, tpu.core_type = #tpu.core_type<sc_vector_subcore>, window_params = [{transform_indices = #map}, {transform_indices = #map1}, {transform_indices = #map}, {transform_indices = #map1}]} {
    %mul3A = arith.constant 2048 : i32
    %mul3A_0 = arith.muli %arg1, %mul3A : i32
    %mul3A_1 = arith.constant 256 : i32
    %mul3A_2 = arith.muli %arg1, %mul3A_1 : i32
    %mul3A_3 = arith.constant 32768 : i32
    %mul3A_4 = arith.muli %arg0, %mul3A_3 : i32
    %add3A = arith.addi %mul3A_4, %mul3A_0 : i32
    %dma_start3A = arith.constant 0 : i32
    %dma_start3A_5 = tpu.memref_slice %arg6[%mul3A_0, %dma_start3A] : memref<32768x32xf32, #tpu.memory_space<vmem_shared>> -> memref<2048x32xf32, #tpu.memory_space<vmem_shared>>
    %dma_start3A_6 = arith.constant 0 : i32
    %dma_start3A_7 = tpu.memref_slice %arg2[%add3A, %dma_start3A_6] : memref<65536x32xf32, #tpu.memory_space<hbm>> -> memref<2048x32xf32, #tpu.memory_space<hbm>>
    tpu.enqueue_dma source(%dma_start3A_7 : memref<2048x32xf32, #tpu.memory_space<hbm>>) target(%dma_start3A_5 : memref<2048x32xf32, #tpu.memory_space<vmem_shared>>) target_semaphore(%arg13 : memref<!tpu.dma_semaphore, #tpu.memory_space<semaphore_mem>>)
    %add3A_8 = arith.constant 0 : i32
    %add3A_9 = arith.addi %mul3A_2, %add3A_8 : i32
    "tpu.region"() ({
      %run_scoped3A = tpu.sem_alloc : memref<!tpu.dma_semaphore, #tpu.memory_space<semaphore_mem>>
      %dma_start3A_68 = arith.constant 0 : i32
      %dma_start3A_69 = arith.constant 0 : i32
      %dma_start3A_70 = tpu.memref_slice %arg3[%arg0, %dma_start3A_68, %dma_start3A_69] : memref<2x4096x128xi32, #tpu.memory_space<hbm>> -> memref<1x4096x128xi32, #tpu.memory_space<hbm>>
      %dma_start3A_71 = tpu.memref_squeeze %dma_start3A_70 : memref<1x4096x128xi32, #tpu.memory_space<hbm>> -> memref<4096x128xi32, #tpu.memory_space<hbm>>
      %dma_start3A_72 = arith.constant 0 : i32
      %dma_start3A_73 = tpu.memref_slice %dma_start3A_71[%add3A_9, %dma_start3A_72] : memref<4096x128xi32, #tpu.memory_space<hbm>> -> memref<4x128xi32, #tpu.memory_space<hbm>>
      %dma_start3A_74 = arith.constant 0 : i32
      %dma_start3A_75 = arith.constant 0 : i32
      %dma_start3A_76 = tpu.memref_slice %arg3[%arg0, %dma_start3A_74, %dma_start3A_75] : memref<2x4096x128xi32, #tpu.memory_space<hbm>> -> memref<1x4096x128xi32, #tpu.memory_space<hbm>>
      %dma_start3A_77 = tpu.memref_squeeze %dma_start3A_76 : memref<1x4096x128xi32, #tpu.memory_space<hbm>> -> memref<4096x128xi32, #tpu.memory_space<hbm>>
      %dma_start3A_78 = arith.constant 0 : i32
      %dma_start3A_79 = tpu.memref_slice %dma_start3A_77[%add3A_9, %dma_start3A_78] : memref<4096x128xi32, #tpu.memory_space<hbm>> -> memref<4x128xi32, #tpu.memory_space<hbm>>
      tpu.enqueue_dma source(%dma_start3A_79 : memref<4x128xi32, #tpu.memory_space<hbm>>) target(%arg7 : memref<4x128xi32, #tpu.memory_space<vmem>>) target_semaphore(%run_scoped3A : memref<!tpu.dma_semaphore, #tpu.memory_space<semaphore_mem>>)
      %dma_wait3A_80 = arith.constant 0 : i32
      %dma_wait3A_81 = arith.constant 0 : i32
      %dma_wait3A_82 = tpu.memref_slice %arg3[%arg0, %dma_wait3A_80, %dma_wait3A_81] : memref<2x4096x128xi32, #tpu.memory_space<hbm>> -> memref<1x4096x128xi32, #tpu.memory_space<hbm>>
      %dma_wait3A_83 = tpu.memref_squeeze %dma_wait3A_82 : memref<1x4096x128xi32, #tpu.memory_space<hbm>> -> memref<4096x128xi32, #tpu.memory_space<hbm>>
      %dma_wait3A_84 = arith.constant 0 : i32
      %dma_wait3A_85 = tpu.memref_slice %dma_wait3A_83[%add3A_9, %dma_wait3A_84] : memref<4096x128xi32, #tpu.memory_space<hbm>> -> memref<4x128xi32, #tpu.memory_space<hbm>>
      %dma_wait3A_86 = arith.constant 0 : i32
      %dma_wait3A_87 = arith.constant 0 : i32
      %dma_wait3A_88 = tpu.memref_slice %arg3[%arg0, %dma_wait3A_86, %dma_wait3A_87] : memref<2x4096x128xi32, #tpu.memory_space<hbm>> -> memref<1x4096x128xi32, #tpu.memory_space<hbm>>
      %dma_wait3A_89 = tpu.memref_squeeze %dma_wait3A_88 : memref<1x4096x128xi32, #tpu.memory_space<hbm>> -> memref<4096x128xi32, #tpu.memory_space<hbm>>
      %dma_wait3A_90 = arith.constant 0 : i32
      %dma_wait3A_91 = tpu.memref_slice %dma_wait3A_89[%add3A_9, %dma_wait3A_90] : memref<4096x128xi32, #tpu.memory_space<hbm>> -> memref<4x128xi32, #tpu.memory_space<hbm>>
      tpu.wait_dma2 semaphore(%run_scoped3A : memref<!tpu.dma_semaphore, #tpu.memory_space<semaphore_mem>>) src(%dma_wait3A_91 : memref<4x128xi32, #tpu.memory_space<hbm>>) dst(%arg7 : memref<4x128xi32, #tpu.memory_space<vmem>>)
      tpu.yield
    }) : () -> ()
    %add3A_10 = arith.constant 0 : i32
    %add3A_11 = arith.addi %mul3A_2, %add3A_10 : i32
    "tpu.region"() ({
      %run_scoped3A = tpu.sem_alloc : memref<!tpu.dma_semaphore, #tpu.memory_space<semaphore_mem>>
      %dma_start3A_68 = arith.constant 0 : i32
      %dma_start3A_69 = tpu.memref_slice %arg4[%add3A_11, %dma_start3A_68] : memref<4096x128xi32, #tpu.memory_space<hbm>> -> memref<4x128xi32, #tpu.memory_space<hbm>>
      %dma_start3A_70 = arith.constant 0 : i32
      %dma_start3A_71 = tpu.memref_slice %arg4[%add3A_11, %dma_start3A_70] : memref<4096x128xi32, #tpu.memory_space<hbm>> -> memref<4x128xi32, #tpu.memory_space<hbm>>
      tpu.enqueue_dma source(%dma_start3A_71 : memref<4x128xi32, #tpu.memory_space<hbm>>) target(%arg8 : memref<4x128xi32, #tpu.memory_space<vmem>>) target_semaphore(%run_scoped3A : memref<!tpu.dma_semaphore, #tpu.memory_space<semaphore_mem>>)
      %dma_wait3A_72 = arith.constant 0 : i32
      %dma_wait3A_73 = tpu.memref_slice %arg4[%add3A_11, %dma_wait3A_72] : memref<4096x128xi32, #tpu.memory_space<hbm>> -> memref<4x128xi32, #tpu.memory_space<hbm>>
      %dma_wait3A_74 = arith.constant 0 : i32
      %dma_wait3A_75 = tpu.memref_slice %arg4[%add3A_11, %dma_wait3A_74] : memref<4096x128xi32, #tpu.memory_space<hbm>> -> memref<4x128xi32, #tpu.memory_space<hbm>>
      tpu.wait_dma2 semaphore(%run_scoped3A : memref<!tpu.dma_semaphore, #tpu.memory_space<semaphore_mem>>) src(%dma_wait3A_75 : memref<4x128xi32, #tpu.memory_space<hbm>>) dst(%arg8 : memref<4x128xi32, #tpu.memory_space<vmem>>)
      tpu.yield
    }) : () -> ()
    %dma_wait3A = arith.constant 0 : i32
    %dma_wait3A_12 = tpu.memref_slice %arg6[%mul3A_0, %dma_wait3A] : memref<32768x32xf32, #tpu.memory_space<vmem_shared>> -> memref<2048x32xf32, #tpu.memory_space<vmem_shared>>
    %dma_wait3A_13 = arith.constant 0 : i32
    %dma_wait3A_14 = tpu.memref_slice %arg2[%add3A, %dma_wait3A_13] : memref<65536x32xf32, #tpu.memory_space<hbm>> -> memref<2048x32xf32, #tpu.memory_space<hbm>>
    tpu.wait_dma2 semaphore(%arg13 : memref<!tpu.dma_semaphore, #tpu.memory_space<semaphore_mem>>) src(%dma_wait3A_14 : memref<2048x32xf32, #tpu.memory_space<hbm>>) dst(%dma_wait3A_12 : memref<2048x32xf32, #tpu.memory_space<vmem_shared>>)
    %barrier3A = arith.constant 0 : index
    tpu.barrier barrier_id(%barrier3A)
    %dma_start3A_15 = arith.constant 0 : i32
    %dma_start3A_16 = arith.constant 0 : i32
    %dma_start3A_17 = arith.constant 0 : i32
    %dma_start3A_18 = arith.constant 0 : i32
    %dma_start3A_19 = tpu.memref_slice %arg9[%dma_start3A_16, %dma_start3A_17, %dma_start3A_18] : memref<4x128x32xf32, #tpu.memory_space<vmem>> -> memref<1x128x32xf32, #tpu.memory_space<vmem>>
    %dma_start3A_20 = tpu.memref_squeeze %dma_start3A_19 : memref<1x128x32xf32, #tpu.memory_space<vmem>> -> memref<128x32xf32, #tpu.memory_space<vmem>>
    %dma_start3A_21 = arith.constant 0 : i32
    %dma_start3A_22 = tpu.memref_slice %arg7[%dma_start3A_15, %dma_start3A_21] : memref<4x128xi32, #tpu.memory_space<vmem>> -> memref<1x128xi32, #tpu.memory_space<vmem>>
    %dma_start3A_23 = tpu.memref_squeeze %dma_start3A_22 : memref<1x128xi32, #tpu.memory_space<vmem>> -> memref<128xi32, #tpu.memory_space<vmem>>
    %dma_start3A_24 = arith.constant 0 : i32
    %dma_start3A_25 = arith.constant 0 : i32
    %dma_start3A_26 = tpu.memref_slice %arg2[%dma_start3A_24, %dma_start3A_25] : memref<65536x32xf32, #tpu.memory_space<hbm>> -> memref<65536x32xf32, #tpu.memory_space<hbm>>
    tpu.enqueue_indirect_dma source(%dma_start3A_26 : memref<65536x32xf32, #tpu.memory_space<hbm>>) target(%dma_start3A_20 : memref<128x32xf32, #tpu.memory_space<vmem>>) offsets(%dma_start3A_23 : memref<128xi32, #tpu.memory_space<vmem>>) semaphore(%arg13 : memref<!tpu.dma_semaphore, #tpu.memory_space<semaphore_mem>>)
    %dma_start3A_27 = arith.constant 1 : i32
    %dma_start3A_28 = arith.constant 1 : i32
    %dma_start3A_29 = arith.constant 0 : i32
    %dma_start3A_30 = arith.constant 0 : i32
    %dma_start3A_31 = tpu.memref_slice %arg9[%dma_start3A_28, %dma_start3A_29, %dma_start3A_30] : memref<4x128x32xf32, #tpu.memory_space<vmem>> -> memref<1x128x32xf32, #tpu.memory_space<vmem>>
    %dma_start3A_32 = tpu.memref_squeeze %dma_start3A_31 : memref<1x128x32xf32, #tpu.memory_space<vmem>> -> memref<128x32xf32, #tpu.memory_space<vmem>>
    %dma_start3A_33 = arith.constant 0 : i32
    %dma_start3A_34 = tpu.memref_slice %arg7[%dma_start3A_27, %dma_start3A_33] : memref<4x128xi32, #tpu.memory_space<vmem>> -> memref<1x128xi32, #tpu.memory_space<vmem>>
    %dma_start3A_35 = tpu.memref_squeeze %dma_start3A_34 : memref<1x128xi32, #tpu.memory_space<vmem>> -> memref<128xi32, #tpu.memory_space<vmem>>
    %dma_start3A_36 = arith.constant 0 : i32
    %dma_start3A_37 = arith.constant 0 : i32
    %dma_start3A_38 = tpu.memref_slice %arg2[%dma_start3A_36, %dma_start3A_37] : memref<65536x32xf32, #tpu.memory_space<hbm>> -> memref<65536x32xf32, #tpu.memory_space<hbm>>
    tpu.enqueue_indirect_dma source(%dma_start3A_38 : memref<65536x32xf32, #tpu.memory_space<hbm>>) target(%dma_start3A_32 : memref<128x32xf32, #tpu.memory_space<vmem>>) offsets(%dma_start3A_35 : memref<128xi32, #tpu.memory_space<vmem>>) semaphore(%arg13 : memref<!tpu.dma_semaphore, #tpu.memory_space<semaphore_mem>>)
    %dma_start3A_39 = arith.constant 2 : i32
    %dma_start3A_40 = arith.constant 2 : i32
    %dma_start3A_41 = arith.constant 0 : i32
    %dma_start3A_42 = arith.constant 0 : i32
    %dma_start3A_43 = tpu.memref_slice %arg9[%dma_start3A_40, %dma_start3A_41, %dma_start3A_42] : memref<4x128x32xf32, #tpu.memory_space<vmem>> -> memref<1x128x32xf32, #tpu.memory_space<vmem>>
    %dma_start3A_44 = tpu.memref_squeeze %dma_start3A_43 : memref<1x128x32xf32, #tpu.memory_space<vmem>> -> memref<128x32xf32, #tpu.memory_space<vmem>>
    %dma_start3A_45 = arith.constant 0 : i32
    %dma_start3A_46 = tpu.memref_slice %arg7[%dma_start3A_39, %dma_start3A_45] : memref<4x128xi32, #tpu.memory_space<vmem>> -> memref<1x128xi32, #tpu.memory_space<vmem>>
    %dma_start3A_47 = tpu.memref_squeeze %dma_start3A_46 : memref<1x128xi32, #tpu.memory_space<vmem>> -> memref<128xi32, #tpu.memory_space<vmem>>
    %dma_start3A_48 = arith.constant 0 : i32
    %dma_start3A_49 = arith.constant 0 : i32
    %dma_start3A_50 = tpu.memref_slice %arg2[%dma_start3A_48, %dma_start3A_49] : memref<65536x32xf32, #tpu.memory_space<hbm>> -> memref<65536x32xf32, #tpu.memory_space<hbm>>
    tpu.enqueue_indirect_dma source(%dma_start3A_50 : memref<65536x32xf32, #tpu.memory_space<hbm>>) target(%dma_start3A_44 : memref<128x32xf32, #tpu.memory_space<vmem>>) offsets(%dma_start3A_47 : memref<128xi32, #tpu.memory_space<vmem>>) semaphore(%arg13 : memref<!tpu.dma_semaphore, #tpu.memory_space<semaphore_mem>>)
    %dma_start3A_51 = arith.constant 3 : i32
    %dma_start3A_52 = arith.constant 3 : i32
    %dma_start3A_53 = arith.constant 0 : i32
    %dma_start3A_54 = arith.constant 0 : i32
    %dma_start3A_55 = tpu.memref_slice %arg9[%dma_start3A_52, %dma_start3A_53, %dma_start3A_54] : memref<4x128x32xf32, #tpu.memory_space<vmem>> -> memref<1x128x32xf32, #tpu.memory_space<vmem>>
    %dma_start3A_56 = tpu.memref_squeeze %dma_start3A_55 : memref<1x128x32xf32, #tpu.memory_space<vmem>> -> memref<128x32xf32, #tpu.memory_space<vmem>>
    %dma_start3A_57 = arith.constant 0 : i32
    %dma_start3A_58 = tpu.memref_slice %arg7[%dma_start3A_51, %dma_start3A_57] : memref<4x128xi32, #tpu.memory_space<vmem>> -> memref<1x128xi32, #tpu.memory_space<vmem>>
    %dma_start3A_59 = tpu.memref_squeeze %dma_start3A_58 : memref<1x128xi32, #tpu.memory_space<vmem>> -> memref<128xi32, #tpu.memory_space<vmem>>
    %dma_start3A_60 = arith.constant 0 : i32
    %dma_start3A_61 = arith.constant 0 : i32
    %dma_start3A_62 = tpu.memref_slice %arg2[%dma_start3A_60, %dma_start3A_61] : memref<65536x32xf32, #tpu.memory_space<hbm>> -> memref<65536x32xf32, #tpu.memory_space<hbm>>
    tpu.enqueue_indirect_dma source(%dma_start3A_62 : memref<65536x32xf32, #tpu.memory_space<hbm>>) target(%dma_start3A_56 : memref<128x32xf32, #tpu.memory_space<vmem>>) offsets(%dma_start3A_59 : memref<128xi32, #tpu.memory_space<vmem>>) semaphore(%arg13 : memref<!tpu.dma_semaphore, #tpu.memory_space<semaphore_mem>>)
    %scan3A = arith.constant 0 : i32
    %scan3A_63 = arith.constant 32 : i32
    %scan3A_64 = arith.addi %scan3A, %scan3A_63 : i32
    %scan3A_65 = arith.constant 1 : i32
    scf.for %scan3A_68 = %scan3A to %scan3A_64 step %scan3A_65  : i32 {
      %mul3A_69 = arith.constant 2 : i32
      %mul3A_70 = arith.muli %scan3A_68, %mul3A_69 : i32
      %add3A_71 = arith.constant 0 : i32
      %add3A_72 = arith.addi %add3A_71, %mul3A_70 : i32
      %add3A_73 = arith.constant 1 : i32
      %add3A_74 = arith.addi %add3A_72, %add3A_73 : i32
      %mul3A_75 = arith.constant 4 : i32
      %mul3A_76 = arith.muli %add3A_74, %mul3A_75 : i32
      %add3A_77 = arith.addi %mul3A_2, %mul3A_76 : i32
      "tpu.region"() ({
        %run_scoped3A_244 = tpu.sem_alloc : memref<!tpu.dma_semaphore, #tpu.memory_space<semaphore_mem>>
        %dma_start3A_245 = arith.constant 0 : i32
        %dma_start3A_246 = arith.constant 0 : i32
        %dma_start3A_247 = tpu.memref_slice %arg3[%arg0, %dma_start3A_245, %dma_start3A_246] : memref<2x4096x128xi32, #tpu.memory_space<hbm>> -> memref<1x4096x128xi32, #tpu.memory_space<hbm>>
        %dma_start3A_248 = tpu.memref_squeeze %dma_start3A_247 : memref<1x4096x128xi32, #tpu.memory_space<hbm>> -> memref<4096x128xi32, #tpu.memory_space<hbm>>
        %dma_start3A_249 = arith.constant 0 : i32
        %dma_start3A_250 = tpu.memref_slice %dma_start3A_248[%add3A_77, %dma_start3A_249] : memref<4096x128xi32, #tpu.memory_space<hbm>> -> memref<4x128xi32, #tpu.memory_space<hbm>>
        %dma_start3A_251 = arith.constant 0 : i32
        %dma_start3A_252 = arith.constant 0 : i32
        %dma_start3A_253 = tpu.memref_slice %arg3[%arg0, %dma_start3A_251, %dma_start3A_252] : memref<2x4096x128xi32, #tpu.memory_space<hbm>> -> memref<1x4096x128xi32, #tpu.memory_space<hbm>>
        %dma_start3A_254 = tpu.memref_squeeze %dma_start3A_253 : memref<1x4096x128xi32, #tpu.memory_space<hbm>> -> memref<4096x128xi32, #tpu.memory_space<hbm>>
        %dma_start3A_255 = arith.constant 0 : i32
        %dma_start3A_256 = tpu.memref_slice %dma_start3A_254[%add3A_77, %dma_start3A_255] : memref<4096x128xi32, #tpu.memory_space<hbm>> -> memref<4x128xi32, #tpu.memory_space<hbm>>
        tpu.enqueue_dma source(%dma_start3A_256 : memref<4x128xi32, #tpu.memory_space<hbm>>) target(%arg10 : memref<4x128xi32, #tpu.memory_space<vmem>>) target_semaphore(%run_scoped3A_244 : memref<!tpu.dma_semaphore, #tpu.memory_space<semaphore_mem>>)
        %dma_wait3A_257 = arith.constant 0 : i32
        %dma_wait3A_258 = arith.constant 0 : i32
        %dma_wait3A_259 = tpu.memref_slice %arg3[%arg0, %dma_wait3A_257, %dma_wait3A_258] : memref<2x4096x128xi32, #tpu.memory_space<hbm>> -> memref<1x4096x128xi32, #tpu.memory_space<hbm>>
        %dma_wait3A_260 = tpu.memref_squeeze %dma_wait3A_259 : memref<1x4096x128xi32, #tpu.memory_space<hbm>> -> memref<4096x128xi32, #tpu.memory_space<hbm>>
        %dma_wait3A_261 = arith.constant 0 : i32
        %dma_wait3A_262 = tpu.memref_slice %dma_wait3A_260[%add3A_77, %dma_wait3A_261] : memref<4096x128xi32, #tpu.memory_space<hbm>> -> memref<4x128xi32, #tpu.memory_space<hbm>>
        %dma_wait3A_263 = arith.constant 0 : i32
        %dma_wait3A_264 = arith.constant 0 : i32
        %dma_wait3A_265 = tpu.memref_slice %arg3[%arg0, %dma_wait3A_263, %dma_wait3A_264] : memref<2x4096x128xi32, #tpu.memory_space<hbm>> -> memref<1x4096x128xi32, #tpu.memory_space<hbm>>
        %dma_wait3A_266 = tpu.memref_squeeze %dma_wait3A_265 : memref<1x4096x128xi32, #tpu.memory_space<hbm>> -> memref<4096x128xi32, #tpu.memory_space<hbm>>
        %dma_wait3A_267 = arith.constant 0 : i32
        %dma_wait3A_268 = tpu.memref_slice %dma_wait3A_266[%add3A_77, %dma_wait3A_267] : memref<4096x128xi32, #tpu.memory_space<hbm>> -> memref<4x128xi32, #tpu.memory_space<hbm>>
        tpu.wait_dma2 semaphore(%run_scoped3A_244 : memref<!tpu.dma_semaphore, #tpu.memory_space<semaphore_mem>>) src(%dma_wait3A_268 : memref<4x128xi32, #tpu.memory_space<hbm>>) dst(%arg10 : memref<4x128xi32, #tpu.memory_space<vmem>>)
        tpu.yield
      }) : () -> ()
      %mul3A_78 = arith.constant 4 : i32
      %mul3A_79 = arith.muli %add3A_74, %mul3A_78 : i32
      %add3A_80 = arith.addi %mul3A_2, %mul3A_79 : i32
      "tpu.region"() ({
        %run_scoped3A_244 = tpu.sem_alloc : memref<!tpu.dma_semaphore, #tpu.memory_space<semaphore_mem>>
        %dma_start3A_245 = arith.constant 0 : i32
        %dma_start3A_246 = tpu.memref_slice %arg4[%add3A_80, %dma_start3A_245] : memref<4096x128xi32, #tpu.memory_space<hbm>> -> memref<4x128xi32, #tpu.memory_space<hbm>>
        %dma_start3A_247 = arith.constant 0 : i32
        %dma_start3A_248 = tpu.memref_slice %arg4[%add3A_80, %dma_start3A_247] : memref<4096x128xi32, #tpu.memory_space<hbm>> -> memref<4x128xi32, #tpu.memory_space<hbm>>
        tpu.enqueue_dma source(%dma_start3A_248 : memref<4x128xi32, #tpu.memory_space<hbm>>) target(%arg11 : memref<4x128xi32, #tpu.memory_space<vmem>>) target_semaphore(%run_scoped3A_244 : memref<!tpu.dma_semaphore, #tpu.memory_space<semaphore_mem>>)
        %dma_wait3A_249 = arith.constant 0 : i32
        %dma_wait3A_250 = tpu.memref_slice %arg4[%add3A_80, %dma_wait3A_249] : memref<4096x128xi32, #tpu.memory_space<hbm>> -> memref<4x128xi32, #tpu.memory_space<hbm>>
        %dma_wait3A_251 = arith.constant 0 : i32
        %dma_wait3A_252 = tpu.memref_slice %arg4[%add3A_80, %dma_wait3A_251] : memref<4096x128xi32, #tpu.memory_space<hbm>> -> memref<4x128xi32, #tpu.memory_space<hbm>>
        tpu.wait_dma2 semaphore(%run_scoped3A_244 : memref<!tpu.dma_semaphore, #tpu.memory_space<semaphore_mem>>) src(%dma_wait3A_252 : memref<4x128xi32, #tpu.memory_space<hbm>>) dst(%arg11 : memref<4x128xi32, #tpu.memory_space<vmem>>)
        tpu.yield
      }) : () -> ()
      %dma_start3A_81 = arith.constant 0 : i32
      %dma_start3A_82 = arith.constant 0 : i32
      %dma_start3A_83 = arith.constant 0 : i32
      %dma_start3A_84 = arith.constant 0 : i32
      %dma_start3A_85 = tpu.memref_slice %arg12[%dma_start3A_82, %dma_start3A_83, %dma_start3A_84] : memref<4x128x32xf32, #tpu.memory_space<vmem>> -> memref<1x128x32xf32, #tpu.memory_space<vmem>>
      %dma_start3A_86 = tpu.memref_squeeze %dma_start3A_85 : memref<1x128x32xf32, #tpu.memory_space<vmem>> -> memref<128x32xf32, #tpu.memory_space<vmem>>
      %dma_start3A_87 = arith.constant 0 : i32
      %dma_start3A_88 = tpu.memref_slice %arg10[%dma_start3A_81, %dma_start3A_87] : memref<4x128xi32, #tpu.memory_space<vmem>> -> memref<1x128xi32, #tpu.memory_space<vmem>>
      %dma_start3A_89 = tpu.memref_squeeze %dma_start3A_88 : memref<1x128xi32, #tpu.memory_space<vmem>> -> memref<128xi32, #tpu.memory_space<vmem>>
      %dma_start3A_90 = arith.constant 0 : i32
      %dma_start3A_91 = arith.constant 0 : i32
      %dma_start3A_92 = tpu.memref_slice %arg2[%dma_start3A_90, %dma_start3A_91] : memref<65536x32xf32, #tpu.memory_space<hbm>> -> memref<65536x32xf32, #tpu.memory_space<hbm>>
      tpu.enqueue_indirect_dma source(%dma_start3A_92 : memref<65536x32xf32, #tpu.memory_space<hbm>>) target(%dma_start3A_86 : memref<128x32xf32, #tpu.memory_space<vmem>>) offsets(%dma_start3A_89 : memref<128xi32, #tpu.memory_space<vmem>>) semaphore(%arg14 : memref<!tpu.dma_semaphore, #tpu.memory_space<semaphore_mem>>)
      %dma_start3A_93 = arith.constant 1 : i32
      %dma_start3A_94 = arith.constant 1 : i32
      %dma_start3A_95 = arith.constant 0 : i32
      %dma_start3A_96 = arith.constant 0 : i32
      %dma_start3A_97 = tpu.memref_slice %arg12[%dma_start3A_94, %dma_start3A_95, %dma_start3A_96] : memref<4x128x32xf32, #tpu.memory_space<vmem>> -> memref<1x128x32xf32, #tpu.memory_space<vmem>>
      %dma_start3A_98 = tpu.memref_squeeze %dma_start3A_97 : memref<1x128x32xf32, #tpu.memory_space<vmem>> -> memref<128x32xf32, #tpu.memory_space<vmem>>
      %dma_start3A_99 = arith.constant 0 : i32
      %dma_start3A_100 = tpu.memref_slice %arg10[%dma_start3A_93, %dma_start3A_99] : memref<4x128xi32, #tpu.memory_space<vmem>> -> memref<1x128xi32, #tpu.memory_space<vmem>>
      %dma_start3A_101 = tpu.memref_squeeze %dma_start3A_100 : memref<1x128xi32, #tpu.memory_space<vmem>> -> memref<128xi32, #tpu.memory_space<vmem>>
      %dma_start3A_102 = arith.constant 0 : i32
      %dma_start3A_103 = arith.constant 0 : i32
      %dma_start3A_104 = tpu.memref_slice %arg2[%dma_start3A_102, %dma_start3A_103] : memref<65536x32xf32, #tpu.memory_space<hbm>> -> memref<65536x32xf32, #tpu.memory_space<hbm>>
      tpu.enqueue_indirect_dma source(%dma_start3A_104 : memref<65536x32xf32, #tpu.memory_space<hbm>>) target(%dma_start3A_98 : memref<128x32xf32, #tpu.memory_space<vmem>>) offsets(%dma_start3A_101 : memref<128xi32, #tpu.memory_space<vmem>>) semaphore(%arg14 : memref<!tpu.dma_semaphore, #tpu.memory_space<semaphore_mem>>)
      %dma_start3A_105 = arith.constant 2 : i32
      %dma_start3A_106 = arith.constant 2 : i32
      %dma_start3A_107 = arith.constant 0 : i32
      %dma_start3A_108 = arith.constant 0 : i32
      %dma_start3A_109 = tpu.memref_slice %arg12[%dma_start3A_106, %dma_start3A_107, %dma_start3A_108] : memref<4x128x32xf32, #tpu.memory_space<vmem>> -> memref<1x128x32xf32, #tpu.memory_space<vmem>>
      %dma_start3A_110 = tpu.memref_squeeze %dma_start3A_109 : memref<1x128x32xf32, #tpu.memory_space<vmem>> -> memref<128x32xf32, #tpu.memory_space<vmem>>
      %dma_start3A_111 = arith.constant 0 : i32
      %dma_start3A_112 = tpu.memref_slice %arg10[%dma_start3A_105, %dma_start3A_111] : memref<4x128xi32, #tpu.memory_space<vmem>> -> memref<1x128xi32, #tpu.memory_space<vmem>>
      %dma_start3A_113 = tpu.memref_squeeze %dma_start3A_112 : memref<1x128xi32, #tpu.memory_space<vmem>> -> memref<128xi32, #tpu.memory_space<vmem>>
      %dma_start3A_114 = arith.constant 0 : i32
      %dma_start3A_115 = arith.constant 0 : i32
      %dma_start3A_116 = tpu.memref_slice %arg2[%dma_start3A_114, %dma_start3A_115] : memref<65536x32xf32, #tpu.memory_space<hbm>> -> memref<65536x32xf32, #tpu.memory_space<hbm>>
      tpu.enqueue_indirect_dma source(%dma_start3A_116 : memref<65536x32xf32, #tpu.memory_space<hbm>>) target(%dma_start3A_110 : memref<128x32xf32, #tpu.memory_space<vmem>>) offsets(%dma_start3A_113 : memref<128xi32, #tpu.memory_space<vmem>>) semaphore(%arg14 : memref<!tpu.dma_semaphore, #tpu.memory_space<semaphore_mem>>)
      %dma_start3A_117 = arith.constant 3 : i32
      %dma_start3A_118 = arith.constant 3 : i32
      %dma_start3A_119 = arith.constant 0 : i32
      %dma_start3A_120 = arith.constant 0 : i32
      %dma_start3A_121 = tpu.memref_slice %arg12[%dma_start3A_118, %dma_start3A_119, %dma_start3A_120] : memref<4x128x32xf32, #tpu.memory_space<vmem>> -> memref<1x128x32xf32, #tpu.memory_space<vmem>>
      %dma_start3A_122 = tpu.memref_squeeze %dma_start3A_121 : memref<1x128x32xf32, #tpu.memory_space<vmem>> -> memref<128x32xf32, #tpu.memory_space<vmem>>
      %dma_start3A_123 = arith.constant 0 : i32
      %dma_start3A_124 = tpu.memref_slice %arg10[%dma_start3A_117, %dma_start3A_123] : memref<4x128xi32, #tpu.memory_space<vmem>> -> memref<1x128xi32, #tpu.memory_space<vmem>>
      %dma_start3A_125 = tpu.memref_squeeze %dma_start3A_124 : memref<1x128xi32, #tpu.memory_space<vmem>> -> memref<128xi32, #tpu.memory_space<vmem>>
      %dma_start3A_126 = arith.constant 0 : i32
      %dma_start3A_127 = arith.constant 0 : i32
      %dma_start3A_128 = tpu.memref_slice %arg2[%dma_start3A_126, %dma_start3A_127] : memref<65536x32xf32, #tpu.memory_space<hbm>> -> memref<65536x32xf32, #tpu.memory_space<hbm>>
      tpu.enqueue_indirect_dma source(%dma_start3A_128 : memref<65536x32xf32, #tpu.memory_space<hbm>>) target(%dma_start3A_122 : memref<128x32xf32, #tpu.memory_space<vmem>>) offsets(%dma_start3A_125 : memref<128xi32, #tpu.memory_space<vmem>>) semaphore(%arg14 : memref<!tpu.dma_semaphore, #tpu.memory_space<semaphore_mem>>)
      %dma_wait3A_129 = arith.constant 0 : i32
      %dma_wait3A_130 = arith.constant 0 : i32
      %dma_wait3A_131 = arith.constant 0 : i32
      %dma_wait3A_132 = arith.constant 0 : i32
      %dma_wait3A_133 = tpu.memref_slice %arg9[%dma_wait3A_130, %dma_wait3A_131, %dma_wait3A_132] : memref<4x128x32xf32, #tpu.memory_space<vmem>> -> memref<1x128x32xf32, #tpu.memory_space<vmem>>
      %dma_wait3A_134 = tpu.memref_squeeze %dma_wait3A_133 : memref<1x128x32xf32, #tpu.memory_space<vmem>> -> memref<128x32xf32, #tpu.memory_space<vmem>>
      %dma_wait3A_135 = arith.constant 0 : i32
      %dma_wait3A_136 = tpu.memref_slice %arg7[%dma_wait3A_129, %dma_wait3A_135] : memref<4x128xi32, #tpu.memory_space<vmem>> -> memref<1x128xi32, #tpu.memory_space<vmem>>
      %dma_wait3A_137 = tpu.memref_squeeze %dma_wait3A_136 : memref<1x128xi32, #tpu.memory_space<vmem>> -> memref<128xi32, #tpu.memory_space<vmem>>
      %dma_wait3A_138 = arith.constant 0 : i32
      %dma_wait3A_139 = arith.constant 0 : i32
      %dma_wait3A_140 = tpu.memref_slice %arg2[%dma_wait3A_138, %dma_wait3A_139] : memref<65536x32xf32, #tpu.memory_space<hbm>> -> memref<65536x32xf32, #tpu.memory_space<hbm>>
      tpu.wait_indirect_dma semaphore(%arg13 : memref<!tpu.dma_semaphore, #tpu.memory_space<semaphore_mem>>) src(%dma_wait3A_140 : memref<65536x32xf32, #tpu.memory_space<hbm>>) dst(%dma_wait3A_134 : memref<128x32xf32, #tpu.memory_space<vmem>>)
      %dma_wait3A_141 = arith.constant 1 : i32
      %dma_wait3A_142 = arith.constant 1 : i32
      %dma_wait3A_143 = arith.constant 0 : i32
      %dma_wait3A_144 = arith.constant 0 : i32
      %dma_wait3A_145 = tpu.memref_slice %arg9[%dma_wait3A_142, %dma_wait3A_143, %dma_wait3A_144] : memref<4x128x32xf32, #tpu.memory_space<vmem>> -> memref<1x128x32xf32, #tpu.memory_space<vmem>>
      %dma_wait3A_146 = tpu.memref_squeeze %dma_wait3A_145 : memref<1x128x32xf32, #tpu.memory_space<vmem>> -> memref<128x32xf32, #tpu.memory_space<vmem>>
      %dma_wait3A_147 = arith.constant 0 : i32
      %dma_wait3A_148 = tpu.memref_slice %arg7[%dma_wait3A_141, %dma_wait3A_147] : memref<4x128xi32, #tpu.memory_space<vmem>> -> memref<1x128xi32, #tpu.memory_space<vmem>>
      %dma_wait3A_149 = tpu.memref_squeeze %dma_wait3A_148 : memref<1x128xi32, #tpu.memory_space<vmem>> -> memref<128xi32, #tpu.memory_space<vmem>>
      %dma_wait3A_150 = arith.constant 0 : i32
      %dma_wait3A_151 = arith.constant 0 : i32
      %dma_wait3A_152 = tpu.memref_slice %arg2[%dma_wait3A_150, %dma_wait3A_151] : memref<65536x32xf32, #tpu.memory_space<hbm>> -> memref<65536x32xf32, #tpu.memory_space<hbm>>
      tpu.wait_indirect_dma semaphore(%arg13 : memref<!tpu.dma_semaphore, #tpu.memory_space<semaphore_mem>>) src(%dma_wait3A_152 : memref<65536x32xf32, #tpu.memory_space<hbm>>) dst(%dma_wait3A_146 : memref<128x32xf32, #tpu.memory_space<vmem>>)
      %dma_wait3A_153 = arith.constant 2 : i32
      %dma_wait3A_154 = arith.constant 2 : i32
      %dma_wait3A_155 = arith.constant 0 : i32
      %dma_wait3A_156 = arith.constant 0 : i32
      %dma_wait3A_157 = tpu.memref_slice %arg9[%dma_wait3A_154, %dma_wait3A_155, %dma_wait3A_156] : memref<4x128x32xf32, #tpu.memory_space<vmem>> -> memref<1x128x32xf32, #tpu.memory_space<vmem>>
      %dma_wait3A_158 = tpu.memref_squeeze %dma_wait3A_157 : memref<1x128x32xf32, #tpu.memory_space<vmem>> -> memref<128x32xf32, #tpu.memory_space<vmem>>
      %dma_wait3A_159 = arith.constant 0 : i32
      %dma_wait3A_160 = tpu.memref_slice %arg7[%dma_wait3A_153, %dma_wait3A_159] : memref<4x128xi32, #tpu.memory_space<vmem>> -> memref<1x128xi32, #tpu.memory_space<vmem>>
      %dma_wait3A_161 = tpu.memref_squeeze %dma_wait3A_160 : memref<1x128xi32, #tpu.memory_space<vmem>> -> memref<128xi32, #tpu.memory_space<vmem>>
      %dma_wait3A_162 = arith.constant 0 : i32
      %dma_wait3A_163 = arith.constant 0 : i32
      %dma_wait3A_164 = tpu.memref_slice %arg2[%dma_wait3A_162, %dma_wait3A_163] : memref<65536x32xf32, #tpu.memory_space<hbm>> -> memref<65536x32xf32, #tpu.memory_space<hbm>>
      tpu.wait_indirect_dma semaphore(%arg13 : memref<!tpu.dma_semaphore, #tpu.memory_space<semaphore_mem>>) src(%dma_wait3A_164 : memref<65536x32xf32, #tpu.memory_space<hbm>>) dst(%dma_wait3A_158 : memref<128x32xf32, #tpu.memory_space<vmem>>)
      %dma_wait3A_165 = arith.constant 3 : i32
      %dma_wait3A_166 = arith.constant 3 : i32
      %dma_wait3A_167 = arith.constant 0 : i32
      %dma_wait3A_168 = arith.constant 0 : i32
      %dma_wait3A_169 = tpu.memref_slice %arg9[%dma_wait3A_166, %dma_wait3A_167, %dma_wait3A_168] : memref<4x128x32xf32, #tpu.memory_space<vmem>> -> memref<1x128x32xf32, #tpu.memory_space<vmem>>
      %dma_wait3A_170 = tpu.memref_squeeze %dma_wait3A_169 : memref<1x128x32xf32, #tpu.memory_space<vmem>> -> memref<128x32xf32, #tpu.memory_space<vmem>>
      %dma_wait3A_171 = arith.constant 0 : i32
      %dma_wait3A_172 = tpu.memref_slice %arg7[%dma_wait3A_165, %dma_wait3A_171] : memref<4x128xi32, #tpu.memory_space<vmem>> -> memref<1x128xi32, #tpu.memory_space<vmem>>
      %dma_wait3A_173 = tpu.memref_squeeze %dma_wait3A_172 : memref<1x128xi32, #tpu.memory_space<vmem>> -> memref<128xi32, #tpu.memory_space<vmem>>
      %dma_wait3A_174 = arith.constant 0 : i32
      %dma_wait3A_175 = arith.constant 0 : i32
      %dma_wait3A_176 = tpu.memref_slice %arg2[%dma_wait3A_174, %dma_wait3A_175] : memref<65536x32xf32, #tpu.memory_space<hbm>> -> memref<65536x32xf32, #tpu.memory_space<hbm>>
      tpu.wait_indirect_dma semaphore(%arg13 : memref<!tpu.dma_semaphore, #tpu.memory_space<semaphore_mem>>) src(%dma_wait3A_176 : memref<65536x32xf32, #tpu.memory_space<hbm>>) dst(%dma_wait3A_170 : memref<128x32xf32, #tpu.memory_space<vmem>>)
      %run_scoped3A = arith.constant 0 : i32
      %run_scoped3A_177 = arith.constant 0 : i32
      "tpu.region"() ({
        %run_scoped3A_244 = tpu.sem_alloc : memref<!tpu.dma_semaphore, #tpu.memory_space<semaphore_mem>>
        %dma_start3A_245 = arith.constant 0 : i32
        %dma_start3A_246 = arith.constant 0 : i32
        %dma_start3A_247 = tpu.memref_slice %arg9[%run_scoped3A, %dma_start3A_245, %dma_start3A_246] : memref<4x128x32xf32, #tpu.memory_space<vmem>> -> memref<1x128x32xf32, #tpu.memory_space<vmem>>
        %dma_start3A_248 = tpu.memref_squeeze %dma_start3A_247 : memref<1x128x32xf32, #tpu.memory_space<vmem>> -> memref<128x32xf32, #tpu.memory_space<vmem>>
        %dma_start3A_249 = arith.constant 0 : i32
        %dma_start3A_250 = tpu.memref_slice %arg8[%run_scoped3A_177, %dma_start3A_249] : memref<4x128xi32, #tpu.memory_space<vmem>> -> memref<1x128xi32, #tpu.memory_space<vmem>>
        %dma_start3A_251 = tpu.memref_squeeze %dma_start3A_250 : memref<1x128xi32, #tpu.memory_space<vmem>> -> memref<128xi32, #tpu.memory_space<vmem>>
        %dma_start3A_252 = arith.constant 0 : i32
        %dma_start3A_253 = arith.constant 0 : i32
        %dma_start3A_254 = tpu.memref_slice %arg6[%dma_start3A_252, %dma_start3A_253] : memref<32768x32xf32, #tpu.memory_space<vmem_shared>> -> memref<32768x32xf32, #tpu.memory_space<vmem_shared>>
        tpu.enqueue_indirect_dma source(%dma_start3A_248 : memref<128x32xf32, #tpu.memory_space<vmem>>) target(%dma_start3A_254 : memref<32768x32xf32, #tpu.memory_space<vmem_shared>>) offsets(%dma_start3A_251 : memref<128xi32, #tpu.memory_space<vmem>>) semaphore(%run_scoped3A_244 : memref<!tpu.dma_semaphore, #tpu.memory_space<semaphore_mem>>) {add = true}
        %dma_wait3A_255 = arith.constant 0 : i32
        %dma_wait3A_256 = arith.constant 0 : i32
        %dma_wait3A_257 = tpu.memref_slice %arg9[%run_scoped3A, %dma_wait3A_255, %dma_wait3A_256] : memref<4x128x32xf32, #tpu.memory_space<vmem>> -> memref<1x128x32xf32, #tpu.memory_space<vmem>>
        %dma_wait3A_258 = tpu.memref_squeeze %dma_wait3A_257 : memref<1x128x32xf32, #tpu.memory_space<vmem>> -> memref<128x32xf32, #tpu.memory_space<vmem>>
        %dma_wait3A_259 = arith.constant 0 : i32
        %dma_wait3A_260 = tpu.memref_slice %arg8[%run_scoped3A_177, %dma_wait3A_259] : memref<4x128xi32, #tpu.memory_space<vmem>> -> memref<1x128xi32, #tpu.memory_space<vmem>>
        %dma_wait3A_261 = tpu.memref_squeeze %dma_wait3A_260 : memref<1x128xi32, #tpu.memory_space<vmem>> -> memref<128xi32, #tpu.memory_space<vmem>>
        %dma_wait3A_262 = arith.constant 0 : i32
        %dma_wait3A_263 = arith.constant 0 : i32
        %dma_wait3A_264 = tpu.memref_slice %arg6[%dma_wait3A_262, %dma_wait3A_263] : memref<32768x32xf32, #tpu.memory_space<vmem_shared>> -> memref<32768x32xf32, #tpu.memory_space<vmem_shared>>
        tpu.wait_indirect_dma semaphore(%run_scoped3A_244 : memref<!tpu.dma_semaphore, #tpu.memory_space<semaphore_mem>>) src(%dma_wait3A_258 : memref<128x32xf32, #tpu.memory_space<vmem>>) dst(%dma_wait3A_264 : memref<32768x32xf32, #tpu.memory_space<vmem_shared>>)
        tpu.yield
      }) : () -> ()
      %run_scoped3A_178 = arith.constant 1 : i32
      %run_scoped3A_179 = arith.constant 1 : i32
      "tpu.region"() ({
        %run_scoped3A_244 = tpu.sem_alloc : memref<!tpu.dma_semaphore, #tpu.memory_space<semaphore_mem>>
        %dma_start3A_245 = arith.constant 0 : i32
        %dma_start3A_246 = arith.constant 0 : i32
        %dma_start3A_247 = tpu.memref_slice %arg9[%run_scoped3A_178, %dma_start3A_245, %dma_start3A_246] : memref<4x128x32xf32, #tpu.memory_space<vmem>> -> memref<1x128x32xf32, #tpu.memory_space<vmem>>
        %dma_start3A_248 = tpu.memref_squeeze %dma_start3A_247 : memref<1x128x32xf32, #tpu.memory_space<vmem>> -> memref<128x32xf32, #tpu.memory_space<vmem>>
        %dma_start3A_249 = arith.constant 0 : i32
        %dma_start3A_250 = tpu.memref_slice %arg8[%run_scoped3A_179, %dma_start3A_249] : memref<4x128xi32, #tpu.memory_space<vmem>> -> memref<1x128xi32, #tpu.memory_space<vmem>>
        %dma_start3A_251 = tpu.memref_squeeze %dma_start3A_250 : memref<1x128xi32, #tpu.memory_space<vmem>> -> memref<128xi32, #tpu.memory_space<vmem>>
        %dma_start3A_252 = arith.constant 0 : i32
        %dma_start3A_253 = arith.constant 0 : i32
        %dma_start3A_254 = tpu.memref_slice %arg6[%dma_start3A_252, %dma_start3A_253] : memref<32768x32xf32, #tpu.memory_space<vmem_shared>> -> memref<32768x32xf32, #tpu.memory_space<vmem_shared>>
        tpu.enqueue_indirect_dma source(%dma_start3A_248 : memref<128x32xf32, #tpu.memory_space<vmem>>) target(%dma_start3A_254 : memref<32768x32xf32, #tpu.memory_space<vmem_shared>>) offsets(%dma_start3A_251 : memref<128xi32, #tpu.memory_space<vmem>>) semaphore(%run_scoped3A_244 : memref<!tpu.dma_semaphore, #tpu.memory_space<semaphore_mem>>) {add = true}
        %dma_wait3A_255 = arith.constant 0 : i32
        %dma_wait3A_256 = arith.constant 0 : i32
        %dma_wait3A_257 = tpu.memref_slice %arg9[%run_scoped3A_178, %dma_wait3A_255, %dma_wait3A_256] : memref<4x128x32xf32, #tpu.memory_space<vmem>> -> memref<1x128x32xf32, #tpu.memory_space<vmem>>
        %dma_wait3A_258 = tpu.memref_squeeze %dma_wait3A_257 : memref<1x128x32xf32, #tpu.memory_space<vmem>> -> memref<128x32xf32, #tpu.memory_space<vmem>>
        %dma_wait3A_259 = arith.constant 0 : i32
        %dma_wait3A_260 = tpu.memref_slice %arg8[%run_scoped3A_179, %dma_wait3A_259] : memref<4x128xi32, #tpu.memory_space<vmem>> -> memref<1x128xi32, #tpu.memory_space<vmem>>
        %dma_wait3A_261 = tpu.memref_squeeze %dma_wait3A_260 : memref<1x128xi32, #tpu.memory_space<vmem>> -> memref<128xi32, #tpu.memory_space<vmem>>
        %dma_wait3A_262 = arith.constant 0 : i32
        %dma_wait3A_263 = arith.constant 0 : i32
        %dma_wait3A_264 = tpu.memref_slice %arg6[%dma_wait3A_262, %dma_wait3A_263] : memref<32768x32xf32, #tpu.memory_space<vmem_shared>> -> memref<32768x32xf32, #tpu.memory_space<vmem_shared>>
        tpu.wait_indirect_dma semaphore(%run_scoped3A_244 : memref<!tpu.dma_semaphore, #tpu.memory_space<semaphore_mem>>) src(%dma_wait3A_258 : memref<128x32xf32, #tpu.memory_space<vmem>>) dst(%dma_wait3A_264 : memref<32768x32xf32, #tpu.memory_space<vmem_shared>>)
        tpu.yield
      }) : () -> ()
      %run_scoped3A_180 = arith.constant 2 : i32
      %run_scoped3A_181 = arith.constant 2 : i32
      "tpu.region"() ({
        %run_scoped3A_244 = tpu.sem_alloc : memref<!tpu.dma_semaphore, #tpu.memory_space<semaphore_mem>>
        %dma_start3A_245 = arith.constant 0 : i32
        %dma_start3A_246 = arith.constant 0 : i32
        %dma_start3A_247 = tpu.memref_slice %arg9[%run_scoped3A_180, %dma_start3A_245, %dma_start3A_246] : memref<4x128x32xf32, #tpu.memory_space<vmem>> -> memref<1x128x32xf32, #tpu.memory_space<vmem>>
        %dma_start3A_248 = tpu.memref_squeeze %dma_start3A_247 : memref<1x128x32xf32, #tpu.memory_space<vmem>> -> memref<128x32xf32, #tpu.memory_space<vmem>>
        %dma_start3A_249 = arith.constant 0 : i32
        %dma_start3A_250 = tpu.memref_slice %arg8[%run_scoped3A_181, %dma_start3A_249] : memref<4x128xi32, #tpu.memory_space<vmem>> -> memref<1x128xi32, #tpu.memory_space<vmem>>
        %dma_start3A_251 = tpu.memref_squeeze %dma_start3A_250 : memref<1x128xi32, #tpu.memory_space<vmem>> -> memref<128xi32, #tpu.memory_space<vmem>>
        %dma_start3A_252 = arith.constant 0 : i32
        %dma_start3A_253 = arith.constant 0 : i32
        %dma_start3A_254 = tpu.memref_slice %arg6[%dma_start3A_252, %dma_start3A_253] : memref<32768x32xf32, #tpu.memory_space<vmem_shared>> -> memref<32768x32xf32, #tpu.memory_space<vmem_shared>>
        tpu.enqueue_indirect_dma source(%dma_start3A_248 : memref<128x32xf32, #tpu.memory_space<vmem>>) target(%dma_start3A_254 : memref<32768x32xf32, #tpu.memory_space<vmem_shared>>) offsets(%dma_start3A_251 : memref<128xi32, #tpu.memory_space<vmem>>) semaphore(%run_scoped3A_244 : memref<!tpu.dma_semaphore, #tpu.memory_space<semaphore_mem>>) {add = true}
        %dma_wait3A_255 = arith.constant 0 : i32
        %dma_wait3A_256 = arith.constant 0 : i32
        %dma_wait3A_257 = tpu.memref_slice %arg9[%run_scoped3A_180, %dma_wait3A_255, %dma_wait3A_256] : memref<4x128x32xf32, #tpu.memory_space<vmem>> -> memref<1x128x32xf32, #tpu.memory_space<vmem>>
        %dma_wait3A_258 = tpu.memref_squeeze %dma_wait3A_257 : memref<1x128x32xf32, #tpu.memory_space<vmem>> -> memref<128x32xf32, #tpu.memory_space<vmem>>
        %dma_wait3A_259 = arith.constant 0 : i32
        %dma_wait3A_260 = tpu.memref_slice %arg8[%run_scoped3A_181, %dma_wait3A_259] : memref<4x128xi32, #tpu.memory_space<vmem>> -> memref<1x128xi32, #tpu.memory_space<vmem>>
        %dma_wait3A_261 = tpu.memref_squeeze %dma_wait3A_260 : memref<1x128xi32, #tpu.memory_space<vmem>> -> memref<128xi32, #tpu.memory_space<vmem>>
        %dma_wait3A_262 = arith.constant 0 : i32
        %dma_wait3A_263 = arith.constant 0 : i32
        %dma_wait3A_264 = tpu.memref_slice %arg6[%dma_wait3A_262, %dma_wait3A_263] : memref<32768x32xf32, #tpu.memory_space<vmem_shared>> -> memref<32768x32xf32, #tpu.memory_space<vmem_shared>>
        tpu.wait_indirect_dma semaphore(%run_scoped3A_244 : memref<!tpu.dma_semaphore, #tpu.memory_space<semaphore_mem>>) src(%dma_wait3A_258 : memref<128x32xf32, #tpu.memory_space<vmem>>) dst(%dma_wait3A_264 : memref<32768x32xf32, #tpu.memory_space<vmem_shared>>)
        tpu.yield
      }) : () -> ()
      %run_scoped3A_182 = arith.constant 3 : i32
      %run_scoped3A_183 = arith.constant 3 : i32
      "tpu.region"() ({
        %run_scoped3A_244 = tpu.sem_alloc : memref<!tpu.dma_semaphore, #tpu.memory_space<semaphore_mem>>
        %dma_start3A_245 = arith.constant 0 : i32
        %dma_start3A_246 = arith.constant 0 : i32
        %dma_start3A_247 = tpu.memref_slice %arg9[%run_scoped3A_182, %dma_start3A_245, %dma_start3A_246] : memref<4x128x32xf32, #tpu.memory_space<vmem>> -> memref<1x128x32xf32, #tpu.memory_space<vmem>>
        %dma_start3A_248 = tpu.memref_squeeze %dma_start3A_247 : memref<1x128x32xf32, #tpu.memory_space<vmem>> -> memref<128x32xf32, #tpu.memory_space<vmem>>
        %dma_start3A_249 = arith.constant 0 : i32
        %dma_start3A_250 = tpu.memref_slice %arg8[%run_scoped3A_183, %dma_start3A_249] : memref<4x128xi32, #tpu.memory_space<vmem>> -> memref<1x128xi32, #tpu.memory_space<vmem>>
        %dma_start3A_251 = tpu.memref_squeeze %dma_start3A_250 : memref<1x128xi32, #tpu.memory_space<vmem>> -> memref<128xi32, #tpu.memory_space<vmem>>
        %dma_start3A_252 = arith.constant 0 : i32
        %dma_start3A_253 = arith.constant 0 : i32
        %dma_start3A_254 = tpu.memref_slice %arg6[%dma_start3A_252, %dma_start3A_253] : memref<32768x32xf32, #tpu.memory_space<vmem_shared>> -> memref<32768x32xf32, #tpu.memory_space<vmem_shared>>
        tpu.enqueue_indirect_dma source(%dma_start3A_248 : memref<128x32xf32, #tpu.memory_space<vmem>>) target(%dma_start3A_254 : memref<32768x32xf32, #tpu.memory_space<vmem_shared>>) offsets(%dma_start3A_251 : memref<128xi32, #tpu.memory_space<vmem>>) semaphore(%run_scoped3A_244 : memref<!tpu.dma_semaphore, #tpu.memory_space<semaphore_mem>>) {add = true}
        %dma_wait3A_255 = arith.constant 0 : i32
        %dma_wait3A_256 = arith.constant 0 : i32
        %dma_wait3A_257 = tpu.memref_slice %arg9[%run_scoped3A_182, %dma_wait3A_255, %dma_wait3A_256] : memref<4x128x32xf32, #tpu.memory_space<vmem>> -> memref<1x128x32xf32, #tpu.memory_space<vmem>>
        %dma_wait3A_258 = tpu.memref_squeeze %dma_wait3A_257 : memref<1x128x32xf32, #tpu.memory_space<vmem>> -> memref<128x32xf32, #tpu.memory_space<vmem>>
        %dma_wait3A_259 = arith.constant 0 : i32
        %dma_wait3A_260 = tpu.memref_slice %arg8[%run_scoped3A_183, %dma_wait3A_259] : memref<4x128xi32, #tpu.memory_space<vmem>> -> memref<1x128xi32, #tpu.memory_space<vmem>>
        %dma_wait3A_261 = tpu.memref_squeeze %dma_wait3A_260 : memref<1x128xi32, #tpu.memory_space<vmem>> -> memref<128xi32, #tpu.memory_space<vmem>>
        %dma_wait3A_262 = arith.constant 0 : i32
        %dma_wait3A_263 = arith.constant 0 : i32
        %dma_wait3A_264 = tpu.memref_slice %arg6[%dma_wait3A_262, %dma_wait3A_263] : memref<32768x32xf32, #tpu.memory_space<vmem_shared>> -> memref<32768x32xf32, #tpu.memory_space<vmem_shared>>
        tpu.wait_indirect_dma semaphore(%run_scoped3A_244 : memref<!tpu.dma_semaphore, #tpu.memory_space<semaphore_mem>>) src(%dma_wait3A_258 : memref<128x32xf32, #tpu.memory_space<vmem>>) dst(%dma_wait3A_264 : memref<32768x32xf32, #tpu.memory_space<vmem_shared>>)
        tpu.yield
      }) : () -> ()
      %add3A_184 = arith.constant 2 : i32
      %add3A_185 = arith.addi %add3A_72, %add3A_184 : i32
      %lt3A = arith.constant 64 : i32
      %lt3A_186 = arith.cmpi slt, %add3A_185, %lt3A : i32
      %convert_element_type3A = arith.extui %lt3A_186 : i1 to i32
      %cond3A = arith.constant 0 : i32
      %cond3A_187 = arith.cmpi ne, %convert_element_type3A, %cond3A : i32
      scf.if %cond3A_187 {
        %add3A_244 = arith.constant 2 : i32
        %add3A_245 = arith.addi %add3A_72, %add3A_244 : i32
        %mul3A_246 = arith.constant 4 : i32
        %mul3A_247 = arith.muli %add3A_245, %mul3A_246 : i32
        %add3A_248 = arith.addi %mul3A_2, %mul3A_247 : i32
        "tpu.region"() ({
          %run_scoped3A_300 = tpu.sem_alloc : memref<!tpu.dma_semaphore, #tpu.memory_space<semaphore_mem>>
          %dma_start3A_301 = arith.constant 0 : i32
          %dma_start3A_302 = arith.constant 0 : i32
          %dma_start3A_303 = tpu.memref_slice %arg3[%arg0, %dma_start3A_301, %dma_start3A_302] : memref<2x4096x128xi32, #tpu.memory_space<hbm>> -> memref<1x4096x128xi32, #tpu.memory_space<hbm>>
          %dma_start3A_304 = tpu.memref_squeeze %dma_start3A_303 : memref<1x4096x128xi32, #tpu.memory_space<hbm>> -> memref<4096x128xi32, #tpu.memory_space<hbm>>
          %dma_start3A_305 = arith.constant 0 : i32
          %dma_start3A_306 = tpu.memref_slice %dma_start3A_304[%add3A_248, %dma_start3A_305] : memref<4096x128xi32, #tpu.memory_space<hbm>> -> memref<4x128xi32, #tpu.memory_space<hbm>>
          %dma_start3A_307 = arith.constant 0 : i32
          %dma_start3A_308 = arith.constant 0 : i32
          %dma_start3A_309 = tpu.memref_slice %arg3[%arg0, %dma_start3A_307, %dma_start3A_308] : memref<2x4096x128xi32, #tpu.memory_space<hbm>> -> memref<1x4096x128xi32, #tpu.memory_space<hbm>>
          %dma_start3A_310 = tpu.memref_squeeze %dma_start3A_309 : memref<1x4096x128xi32, #tpu.memory_space<hbm>> -> memref<4096x128xi32, #tpu.memory_space<hbm>>
          %dma_start3A_311 = arith.constant 0 : i32
          %dma_start3A_312 = tpu.memref_slice %dma_start3A_310[%add3A_248, %dma_start3A_311] : memref<4096x128xi32, #tpu.memory_space<hbm>> -> memref<4x128xi32, #tpu.memory_space<hbm>>
          tpu.enqueue_dma source(%dma_start3A_312 : memref<4x128xi32, #tpu.memory_space<hbm>>) target(%arg7 : memref<4x128xi32, #tpu.memory_space<vmem>>) target_semaphore(%run_scoped3A_300 : memref<!tpu.dma_semaphore, #tpu.memory_space<semaphore_mem>>)
          %dma_wait3A_313 = arith.constant 0 : i32
          %dma_wait3A_314 = arith.constant 0 : i32
          %dma_wait3A_315 = tpu.memref_slice %arg3[%arg0, %dma_wait3A_313, %dma_wait3A_314] : memref<2x4096x128xi32, #tpu.memory_space<hbm>> -> memref<1x4096x128xi32, #tpu.memory_space<hbm>>
          %dma_wait3A_316 = tpu.memref_squeeze %dma_wait3A_315 : memref<1x4096x128xi32, #tpu.memory_space<hbm>> -> memref<4096x128xi32, #tpu.memory_space<hbm>>
          %dma_wait3A_317 = arith.constant 0 : i32
          %dma_wait3A_318 = tpu.memref_slice %dma_wait3A_316[%add3A_248, %dma_wait3A_317] : memref<4096x128xi32, #tpu.memory_space<hbm>> -> memref<4x128xi32, #tpu.memory_space<hbm>>
          %dma_wait3A_319 = arith.constant 0 : i32
          %dma_wait3A_320 = arith.constant 0 : i32
          %dma_wait3A_321 = tpu.memref_slice %arg3[%arg0, %dma_wait3A_319, %dma_wait3A_320] : memref<2x4096x128xi32, #tpu.memory_space<hbm>> -> memref<1x4096x128xi32, #tpu.memory_space<hbm>>
          %dma_wait3A_322 = tpu.memref_squeeze %dma_wait3A_321 : memref<1x4096x128xi32, #tpu.memory_space<hbm>> -> memref<4096x128xi32, #tpu.memory_space<hbm>>
          %dma_wait3A_323 = arith.constant 0 : i32
          %dma_wait3A_324 = tpu.memref_slice %dma_wait3A_322[%add3A_248, %dma_wait3A_323] : memref<4096x128xi32, #tpu.memory_space<hbm>> -> memref<4x128xi32, #tpu.memory_space<hbm>>
          tpu.wait_dma2 semaphore(%run_scoped3A_300 : memref<!tpu.dma_semaphore, #tpu.memory_space<semaphore_mem>>) src(%dma_wait3A_324 : memref<4x128xi32, #tpu.memory_space<hbm>>) dst(%arg7 : memref<4x128xi32, #tpu.memory_space<vmem>>)
          tpu.yield
        }) : () -> ()
        %mul3A_249 = arith.constant 4 : i32
        %mul3A_250 = arith.muli %add3A_245, %mul3A_249 : i32
        %add3A_251 = arith.addi %mul3A_2, %mul3A_250 : i32
        "tpu.region"() ({
          %run_scoped3A_300 = tpu.sem_alloc : memref<!tpu.dma_semaphore, #tpu.memory_space<semaphore_mem>>
          %dma_start3A_301 = arith.constant 0 : i32
          %dma_start3A_302 = tpu.memref_slice %arg4[%add3A_251, %dma_start3A_301] : memref<4096x128xi32, #tpu.memory_space<hbm>> -> memref<4x128xi32, #tpu.memory_space<hbm>>
          %dma_start3A_303 = arith.constant 0 : i32
          %dma_start3A_304 = tpu.memref_slice %arg4[%add3A_251, %dma_start3A_303] : memref<4096x128xi32, #tpu.memory_space<hbm>> -> memref<4x128xi32, #tpu.memory_space<hbm>>
          tpu.enqueue_dma source(%dma_start3A_304 : memref<4x128xi32, #tpu.memory_space<hbm>>) target(%arg8 : memref<4x128xi32, #tpu.memory_space<vmem>>) target_semaphore(%run_scoped3A_300 : memref<!tpu.dma_semaphore, #tpu.memory_space<semaphore_mem>>)
          %dma_wait3A_305 = arith.constant 0 : i32
          %dma_wait3A_306 = tpu.memref_slice %arg4[%add3A_251, %dma_wait3A_305] : memref<4096x128xi32, #tpu.memory_space<hbm>> -> memref<4x128xi32, #tpu.memory_space<hbm>>
          %dma_wait3A_307 = arith.constant 0 : i32
          %dma_wait3A_308 = tpu.memref_slice %arg4[%add3A_251, %dma_wait3A_307] : memref<4096x128xi32, #tpu.memory_space<hbm>> -> memref<4x128xi32, #tpu.memory_space<hbm>>
          tpu.wait_dma2 semaphore(%run_scoped3A_300 : memref<!tpu.dma_semaphore, #tpu.memory_space<semaphore_mem>>) src(%dma_wait3A_308 : memref<4x128xi32, #tpu.memory_space<hbm>>) dst(%arg8 : memref<4x128xi32, #tpu.memory_space<vmem>>)
          tpu.yield
        }) : () -> ()
        %dma_start3A_252 = arith.constant 0 : i32
        %dma_start3A_253 = arith.constant 0 : i32
        %dma_start3A_254 = arith.constant 0 : i32
        %dma_start3A_255 = arith.constant 0 : i32
        %dma_start3A_256 = tpu.memref_slice %arg9[%dma_start3A_253, %dma_start3A_254, %dma_start3A_255] : memref<4x128x32xf32, #tpu.memory_space<vmem>> -> memref<1x128x32xf32, #tpu.memory_space<vmem>>
        %dma_start3A_257 = tpu.memref_squeeze %dma_start3A_256 : memref<1x128x32xf32, #tpu.memory_space<vmem>> -> memref<128x32xf32, #tpu.memory_space<vmem>>
        %dma_start3A_258 = arith.constant 0 : i32
        %dma_start3A_259 = tpu.memref_slice %arg7[%dma_start3A_252, %dma_start3A_258] : memref<4x128xi32, #tpu.memory_space<vmem>> -> memref<1x128xi32, #tpu.memory_space<vmem>>
        %dma_start3A_260 = tpu.memref_squeeze %dma_start3A_259 : memref<1x128xi32, #tpu.memory_space<vmem>> -> memref<128xi32, #tpu.memory_space<vmem>>
        %dma_start3A_261 = arith.constant 0 : i32
        %dma_start3A_262 = arith.constant 0 : i32
        %dma_start3A_263 = tpu.memref_slice %arg2[%dma_start3A_261, %dma_start3A_262] : memref<65536x32xf32, #tpu.memory_space<hbm>> -> memref<65536x32xf32, #tpu.memory_space<hbm>>
        tpu.enqueue_indirect_dma source(%dma_start3A_263 : memref<65536x32xf32, #tpu.memory_space<hbm>>) target(%dma_start3A_257 : memref<128x32xf32, #tpu.memory_space<vmem>>) offsets(%dma_start3A_260 : memref<128xi32, #tpu.memory_space<vmem>>) semaphore(%arg13 : memref<!tpu.dma_semaphore, #tpu.memory_space<semaphore_mem>>)
        %dma_start3A_264 = arith.constant 1 : i32
        %dma_start3A_265 = arith.constant 1 : i32
        %dma_start3A_266 = arith.constant 0 : i32
        %dma_start3A_267 = arith.constant 0 : i32
        %dma_start3A_268 = tpu.memref_slice %arg9[%dma_start3A_265, %dma_start3A_266, %dma_start3A_267] : memref<4x128x32xf32, #tpu.memory_space<vmem>> -> memref<1x128x32xf32, #tpu.memory_space<vmem>>
        %dma_start3A_269 = tpu.memref_squeeze %dma_start3A_268 : memref<1x128x32xf32, #tpu.memory_space<vmem>> -> memref<128x32xf32, #tpu.memory_space<vmem>>
        %dma_start3A_270 = arith.constant 0 : i32
        %dma_start3A_271 = tpu.memref_slice %arg7[%dma_start3A_264, %dma_start3A_270] : memref<4x128xi32, #tpu.memory_space<vmem>> -> memref<1x128xi32, #tpu.memory_space<vmem>>
        %dma_start3A_272 = tpu.memref_squeeze %dma_start3A_271 : memref<1x128xi32, #tpu.memory_space<vmem>> -> memref<128xi32, #tpu.memory_space<vmem>>
        %dma_start3A_273 = arith.constant 0 : i32
        %dma_start3A_274 = arith.constant 0 : i32
        %dma_start3A_275 = tpu.memref_slice %arg2[%dma_start3A_273, %dma_start3A_274] : memref<65536x32xf32, #tpu.memory_space<hbm>> -> memref<65536x32xf32, #tpu.memory_space<hbm>>
        tpu.enqueue_indirect_dma source(%dma_start3A_275 : memref<65536x32xf32, #tpu.memory_space<hbm>>) target(%dma_start3A_269 : memref<128x32xf32, #tpu.memory_space<vmem>>) offsets(%dma_start3A_272 : memref<128xi32, #tpu.memory_space<vmem>>) semaphore(%arg13 : memref<!tpu.dma_semaphore, #tpu.memory_space<semaphore_mem>>)
        %dma_start3A_276 = arith.constant 2 : i32
        %dma_start3A_277 = arith.constant 2 : i32
        %dma_start3A_278 = arith.constant 0 : i32
        %dma_start3A_279 = arith.constant 0 : i32
        %dma_start3A_280 = tpu.memref_slice %arg9[%dma_start3A_277, %dma_start3A_278, %dma_start3A_279] : memref<4x128x32xf32, #tpu.memory_space<vmem>> -> memref<1x128x32xf32, #tpu.memory_space<vmem>>
        %dma_start3A_281 = tpu.memref_squeeze %dma_start3A_280 : memref<1x128x32xf32, #tpu.memory_space<vmem>> -> memref<128x32xf32, #tpu.memory_space<vmem>>
        %dma_start3A_282 = arith.constant 0 : i32
        %dma_start3A_283 = tpu.memref_slice %arg7[%dma_start3A_276, %dma_start3A_282] : memref<4x128xi32, #tpu.memory_space<vmem>> -> memref<1x128xi32, #tpu.memory_space<vmem>>
        %dma_start3A_284 = tpu.memref_squeeze %dma_start3A_283 : memref<1x128xi32, #tpu.memory_space<vmem>> -> memref<128xi32, #tpu.memory_space<vmem>>
        %dma_start3A_285 = arith.constant 0 : i32
        %dma_start3A_286 = arith.constant 0 : i32
        %dma_start3A_287 = tpu.memref_slice %arg2[%dma_start3A_285, %dma_start3A_286] : memref<65536x32xf32, #tpu.memory_space<hbm>> -> memref<65536x32xf32, #tpu.memory_space<hbm>>
        tpu.enqueue_indirect_dma source(%dma_start3A_287 : memref<65536x32xf32, #tpu.memory_space<hbm>>) target(%dma_start3A_281 : memref<128x32xf32, #tpu.memory_space<vmem>>) offsets(%dma_start3A_284 : memref<128xi32, #tpu.memory_space<vmem>>) semaphore(%arg13 : memref<!tpu.dma_semaphore, #tpu.memory_space<semaphore_mem>>)
        %dma_start3A_288 = arith.constant 3 : i32
        %dma_start3A_289 = arith.constant 3 : i32
        %dma_start3A_290 = arith.constant 0 : i32
        %dma_start3A_291 = arith.constant 0 : i32
        %dma_start3A_292 = tpu.memref_slice %arg9[%dma_start3A_289, %dma_start3A_290, %dma_start3A_291] : memref<4x128x32xf32, #tpu.memory_space<vmem>> -> memref<1x128x32xf32, #tpu.memory_space<vmem>>
        %dma_start3A_293 = tpu.memref_squeeze %dma_start3A_292 : memref<1x128x32xf32, #tpu.memory_space<vmem>> -> memref<128x32xf32, #tpu.memory_space<vmem>>
        %dma_start3A_294 = arith.constant 0 : i32
        %dma_start3A_295 = tpu.memref_slice %arg7[%dma_start3A_288, %dma_start3A_294] : memref<4x128xi32, #tpu.memory_space<vmem>> -> memref<1x128xi32, #tpu.memory_space<vmem>>
        %dma_start3A_296 = tpu.memref_squeeze %dma_start3A_295 : memref<1x128xi32, #tpu.memory_space<vmem>> -> memref<128xi32, #tpu.memory_space<vmem>>
        %dma_start3A_297 = arith.constant 0 : i32
        %dma_start3A_298 = arith.constant 0 : i32
        %dma_start3A_299 = tpu.memref_slice %arg2[%dma_start3A_297, %dma_start3A_298] : memref<65536x32xf32, #tpu.memory_space<hbm>> -> memref<65536x32xf32, #tpu.memory_space<hbm>>
        tpu.enqueue_indirect_dma source(%dma_start3A_299 : memref<65536x32xf32, #tpu.memory_space<hbm>>) target(%dma_start3A_293 : memref<128x32xf32, #tpu.memory_space<vmem>>) offsets(%dma_start3A_296 : memref<128xi32, #tpu.memory_space<vmem>>) semaphore(%arg13 : memref<!tpu.dma_semaphore, #tpu.memory_space<semaphore_mem>>)
      } else {
      }
      %dma_wait3A_188 = arith.constant 0 : i32
      %dma_wait3A_189 = arith.constant 0 : i32
      %dma_wait3A_190 = arith.constant 0 : i32
      %dma_wait3A_191 = arith.constant 0 : i32
      %dma_wait3A_192 = tpu.memref_slice %arg12[%dma_wait3A_189, %dma_wait3A_190, %dma_wait3A_191] : memref<4x128x32xf32, #tpu.memory_space<vmem>> -> memref<1x128x32xf32, #tpu.memory_space<vmem>>
      %dma_wait3A_193 = tpu.memref_squeeze %dma_wait3A_192 : memref<1x128x32xf32, #tpu.memory_space<vmem>> -> memref<128x32xf32, #tpu.memory_space<vmem>>
      %dma_wait3A_194 = arith.constant 0 : i32
      %dma_wait3A_195 = tpu.memref_slice %arg10[%dma_wait3A_188, %dma_wait3A_194] : memref<4x128xi32, #tpu.memory_space<vmem>> -> memref<1x128xi32, #tpu.memory_space<vmem>>
      %dma_wait3A_196 = tpu.memref_squeeze %dma_wait3A_195 : memref<1x128xi32, #tpu.memory_space<vmem>> -> memref<128xi32, #tpu.memory_space<vmem>>
      %dma_wait3A_197 = arith.constant 0 : i32
      %dma_wait3A_198 = arith.constant 0 : i32
      %dma_wait3A_199 = tpu.memref_slice %arg2[%dma_wait3A_197, %dma_wait3A_198] : memref<65536x32xf32, #tpu.memory_space<hbm>> -> memref<65536x32xf32, #tpu.memory_space<hbm>>
      tpu.wait_indirect_dma semaphore(%arg14 : memref<!tpu.dma_semaphore, #tpu.memory_space<semaphore_mem>>) src(%dma_wait3A_199 : memref<65536x32xf32, #tpu.memory_space<hbm>>) dst(%dma_wait3A_193 : memref<128x32xf32, #tpu.memory_space<vmem>>)
      %dma_wait3A_200 = arith.constant 1 : i32
      %dma_wait3A_201 = arith.constant 1 : i32
      %dma_wait3A_202 = arith.constant 0 : i32
      %dma_wait3A_203 = arith.constant 0 : i32
      %dma_wait3A_204 = tpu.memref_slice %arg12[%dma_wait3A_201, %dma_wait3A_202, %dma_wait3A_203] : memref<4x128x32xf32, #tpu.memory_space<vmem>> -> memref<1x128x32xf32, #tpu.memory_space<vmem>>
      %dma_wait3A_205 = tpu.memref_squeeze %dma_wait3A_204 : memref<1x128x32xf32, #tpu.memory_space<vmem>> -> memref<128x32xf32, #tpu.memory_space<vmem>>
      %dma_wait3A_206 = arith.constant 0 : i32
      %dma_wait3A_207 = tpu.memref_slice %arg10[%dma_wait3A_200, %dma_wait3A_206] : memref<4x128xi32, #tpu.memory_space<vmem>> -> memref<1x128xi32, #tpu.memory_space<vmem>>
      %dma_wait3A_208 = tpu.memref_squeeze %dma_wait3A_207 : memref<1x128xi32, #tpu.memory_space<vmem>> -> memref<128xi32, #tpu.memory_space<vmem>>
      %dma_wait3A_209 = arith.constant 0 : i32
      %dma_wait3A_210 = arith.constant 0 : i32
      %dma_wait3A_211 = tpu.memref_slice %arg2[%dma_wait3A_209, %dma_wait3A_210] : memref<65536x32xf32, #tpu.memory_space<hbm>> -> memref<65536x32xf32, #tpu.memory_space<hbm>>
      tpu.wait_indirect_dma semaphore(%arg14 : memref<!tpu.dma_semaphore, #tpu.memory_space<semaphore_mem>>) src(%dma_wait3A_211 : memref<65536x32xf32, #tpu.memory_space<hbm>>) dst(%dma_wait3A_205 : memref<128x32xf32, #tpu.memory_space<vmem>>)
      %dma_wait3A_212 = arith.constant 2 : i32
      %dma_wait3A_213 = arith.constant 2 : i32
      %dma_wait3A_214 = arith.constant 0 : i32
      %dma_wait3A_215 = arith.constant 0 : i32
      %dma_wait3A_216 = tpu.memref_slice %arg12[%dma_wait3A_213, %dma_wait3A_214, %dma_wait3A_215] : memref<4x128x32xf32, #tpu.memory_space<vmem>> -> memref<1x128x32xf32, #tpu.memory_space<vmem>>
      %dma_wait3A_217 = tpu.memref_squeeze %dma_wait3A_216 : memref<1x128x32xf32, #tpu.memory_space<vmem>> -> memref<128x32xf32, #tpu.memory_space<vmem>>
      %dma_wait3A_218 = arith.constant 0 : i32
      %dma_wait3A_219 = tpu.memref_slice %arg10[%dma_wait3A_212, %dma_wait3A_218] : memref<4x128xi32, #tpu.memory_space<vmem>> -> memref<1x128xi32, #tpu.memory_space<vmem>>
      %dma_wait3A_220 = tpu.memref_squeeze %dma_wait3A_219 : memref<1x128xi32, #tpu.memory_space<vmem>> -> memref<128xi32, #tpu.memory_space<vmem>>
      %dma_wait3A_221 = arith.constant 0 : i32
      %dma_wait3A_222 = arith.constant 0 : i32
      %dma_wait3A_223 = tpu.memref_slice %arg2[%dma_wait3A_221, %dma_wait3A_222] : memref<65536x32xf32, #tpu.memory_space<hbm>> -> memref<65536x32xf32, #tpu.memory_space<hbm>>
      tpu.wait_indirect_dma semaphore(%arg14 : memref<!tpu.dma_semaphore, #tpu.memory_space<semaphore_mem>>) src(%dma_wait3A_223 : memref<65536x32xf32, #tpu.memory_space<hbm>>) dst(%dma_wait3A_217 : memref<128x32xf32, #tpu.memory_space<vmem>>)
      %dma_wait3A_224 = arith.constant 3 : i32
      %dma_wait3A_225 = arith.constant 3 : i32
      %dma_wait3A_226 = arith.constant 0 : i32
      %dma_wait3A_227 = arith.constant 0 : i32
      %dma_wait3A_228 = tpu.memref_slice %arg12[%dma_wait3A_225, %dma_wait3A_226, %dma_wait3A_227] : memref<4x128x32xf32, #tpu.memory_space<vmem>> -> memref<1x128x32xf32, #tpu.memory_space<vmem>>
      %dma_wait3A_229 = tpu.memref_squeeze %dma_wait3A_228 : memref<1x128x32xf32, #tpu.memory_space<vmem>> -> memref<128x32xf32, #tpu.memory_space<vmem>>
      %dma_wait3A_230 = arith.constant 0 : i32
      %dma_wait3A_231 = tpu.memref_slice %arg10[%dma_wait3A_224, %dma_wait3A_230] : memref<4x128xi32, #tpu.memory_space<vmem>> -> memref<1x128xi32, #tpu.memory_space<vmem>>
      %dma_wait3A_232 = tpu.memref_squeeze %dma_wait3A_231 : memref<1x128xi32, #tpu.memory_space<vmem>> -> memref<128xi32, #tpu.memory_space<vmem>>
      %dma_wait3A_233 = arith.constant 0 : i32
      %dma_wait3A_234 = arith.constant 0 : i32
      %dma_wait3A_235 = tpu.memref_slice %arg2[%dma_wait3A_233, %dma_wait3A_234] : memref<65536x32xf32, #tpu.memory_space<hbm>> -> memref<65536x32xf32, #tpu.memory_space<hbm>>
      tpu.wait_indirect_dma semaphore(%arg14 : memref<!tpu.dma_semaphore, #tpu.memory_space<semaphore_mem>>) src(%dma_wait3A_235 : memref<65536x32xf32, #tpu.memory_space<hbm>>) dst(%dma_wait3A_229 : memref<128x32xf32, #tpu.memory_space<vmem>>)
      %run_scoped3A_236 = arith.constant 0 : i32
      %run_scoped3A_237 = arith.constant 0 : i32
      "tpu.region"() ({
        %run_scoped3A_244 = tpu.sem_alloc : memref<!tpu.dma_semaphore, #tpu.memory_space<semaphore_mem>>
        %dma_start3A_245 = arith.constant 0 : i32
        %dma_start3A_246 = arith.constant 0 : i32
        %dma_start3A_247 = tpu.memref_slice %arg12[%run_scoped3A_236, %dma_start3A_245, %dma_start3A_246] : memref<4x128x32xf32, #tpu.memory_space<vmem>> -> memref<1x128x32xf32, #tpu.memory_space<vmem>>
        %dma_start3A_248 = tpu.memref_squeeze %dma_start3A_247 : memref<1x128x32xf32, #tpu.memory_space<vmem>> -> memref<128x32xf32, #tpu.memory_space<vmem>>
        %dma_start3A_249 = arith.constant 0 : i32
        %dma_start3A_250 = tpu.memref_slice %arg11[%run_scoped3A_237, %dma_start3A_249] : memref<4x128xi32, #tpu.memory_space<vmem>> -> memref<1x128xi32, #tpu.memory_space<vmem>>
        %dma_start3A_251 = tpu.memref_squeeze %dma_start3A_250 : memref<1x128xi32, #tpu.memory_space<vmem>> -> memref<128xi32, #tpu.memory_space<vmem>>
        %dma_start3A_252 = arith.constant 0 : i32
        %dma_start3A_253 = arith.constant 0 : i32
        %dma_start3A_254 = tpu.memref_slice %arg6[%dma_start3A_252, %dma_start3A_253] : memref<32768x32xf32, #tpu.memory_space<vmem_shared>> -> memref<32768x32xf32, #tpu.memory_space<vmem_shared>>
        tpu.enqueue_indirect_dma source(%dma_start3A_248 : memref<128x32xf32, #tpu.memory_space<vmem>>) target(%dma_start3A_254 : memref<32768x32xf32, #tpu.memory_space<vmem_shared>>) offsets(%dma_start3A_251 : memref<128xi32, #tpu.memory_space<vmem>>) semaphore(%run_scoped3A_244 : memref<!tpu.dma_semaphore, #tpu.memory_space<semaphore_mem>>) {add = true}
        %dma_wait3A_255 = arith.constant 0 : i32
        %dma_wait3A_256 = arith.constant 0 : i32
        %dma_wait3A_257 = tpu.memref_slice %arg12[%run_scoped3A_236, %dma_wait3A_255, %dma_wait3A_256] : memref<4x128x32xf32, #tpu.memory_space<vmem>> -> memref<1x128x32xf32, #tpu.memory_space<vmem>>
        %dma_wait3A_258 = tpu.memref_squeeze %dma_wait3A_257 : memref<1x128x32xf32, #tpu.memory_space<vmem>> -> memref<128x32xf32, #tpu.memory_space<vmem>>
        %dma_wait3A_259 = arith.constant 0 : i32
        %dma_wait3A_260 = tpu.memref_slice %arg11[%run_scoped3A_237, %dma_wait3A_259] : memref<4x128xi32, #tpu.memory_space<vmem>> -> memref<1x128xi32, #tpu.memory_space<vmem>>
        %dma_wait3A_261 = tpu.memref_squeeze %dma_wait3A_260 : memref<1x128xi32, #tpu.memory_space<vmem>> -> memref<128xi32, #tpu.memory_space<vmem>>
        %dma_wait3A_262 = arith.constant 0 : i32
        %dma_wait3A_263 = arith.constant 0 : i32
        %dma_wait3A_264 = tpu.memref_slice %arg6[%dma_wait3A_262, %dma_wait3A_263] : memref<32768x32xf32, #tpu.memory_space<vmem_shared>> -> memref<32768x32xf32, #tpu.memory_space<vmem_shared>>
        tpu.wait_indirect_dma semaphore(%run_scoped3A_244 : memref<!tpu.dma_semaphore, #tpu.memory_space<semaphore_mem>>) src(%dma_wait3A_258 : memref<128x32xf32, #tpu.memory_space<vmem>>) dst(%dma_wait3A_264 : memref<32768x32xf32, #tpu.memory_space<vmem_shared>>)
        tpu.yield
      }) : () -> ()
      %run_scoped3A_238 = arith.constant 1 : i32
      %run_scoped3A_239 = arith.constant 1 : i32
      "tpu.region"() ({
        %run_scoped3A_244 = tpu.sem_alloc : memref<!tpu.dma_semaphore, #tpu.memory_space<semaphore_mem>>
        %dma_start3A_245 = arith.constant 0 : i32
        %dma_start3A_246 = arith.constant 0 : i32
        %dma_start3A_247 = tpu.memref_slice %arg12[%run_scoped3A_238, %dma_start3A_245, %dma_start3A_246] : memref<4x128x32xf32, #tpu.memory_space<vmem>> -> memref<1x128x32xf32, #tpu.memory_space<vmem>>
        %dma_start3A_248 = tpu.memref_squeeze %dma_start3A_247 : memref<1x128x32xf32, #tpu.memory_space<vmem>> -> memref<128x32xf32, #tpu.memory_space<vmem>>
        %dma_start3A_249 = arith.constant 0 : i32
        %dma_start3A_250 = tpu.memref_slice %arg11[%run_scoped3A_239, %dma_start3A_249] : memref<4x128xi32, #tpu.memory_space<vmem>> -> memref<1x128xi32, #tpu.memory_space<vmem>>
        %dma_start3A_251 = tpu.memref_squeeze %dma_start3A_250 : memref<1x128xi32, #tpu.memory_space<vmem>> -> memref<128xi32, #tpu.memory_space<vmem>>
        %dma_start3A_252 = arith.constant 0 : i32
        %dma_start3A_253 = arith.constant 0 : i32
        %dma_start3A_254 = tpu.memref_slice %arg6[%dma_start3A_252, %dma_start3A_253] : memref<32768x32xf32, #tpu.memory_space<vmem_shared>> -> memref<32768x32xf32, #tpu.memory_space<vmem_shared>>
        tpu.enqueue_indirect_dma source(%dma_start3A_248 : memref<128x32xf32, #tpu.memory_space<vmem>>) target(%dma_start3A_254 : memref<32768x32xf32, #tpu.memory_space<vmem_shared>>) offsets(%dma_start3A_251 : memref<128xi32, #tpu.memory_space<vmem>>) semaphore(%run_scoped3A_244 : memref<!tpu.dma_semaphore, #tpu.memory_space<semaphore_mem>>) {add = true}
        %dma_wait3A_255 = arith.constant 0 : i32
        %dma_wait3A_256 = arith.constant 0 : i32
        %dma_wait3A_257 = tpu.memref_slice %arg12[%run_scoped3A_238, %dma_wait3A_255, %dma_wait3A_256] : memref<4x128x32xf32, #tpu.memory_space<vmem>> -> memref<1x128x32xf32, #tpu.memory_space<vmem>>
        %dma_wait3A_258 = tpu.memref_squeeze %dma_wait3A_257 : memref<1x128x32xf32, #tpu.memory_space<vmem>> -> memref<128x32xf32, #tpu.memory_space<vmem>>
        %dma_wait3A_259 = arith.constant 0 : i32
        %dma_wait3A_260 = tpu.memref_slice %arg11[%run_scoped3A_239, %dma_wait3A_259] : memref<4x128xi32, #tpu.memory_space<vmem>> -> memref<1x128xi32, #tpu.memory_space<vmem>>
        %dma_wait3A_261 = tpu.memref_squeeze %dma_wait3A_260 : memref<1x128xi32, #tpu.memory_space<vmem>> -> memref<128xi32, #tpu.memory_space<vmem>>
        %dma_wait3A_262 = arith.constant 0 : i32
        %dma_wait3A_263 = arith.constant 0 : i32
        %dma_wait3A_264 = tpu.memref_slice %arg6[%dma_wait3A_262, %dma_wait3A_263] : memref<32768x32xf32, #tpu.memory_space<vmem_shared>> -> memref<32768x32xf32, #tpu.memory_space<vmem_shared>>
        tpu.wait_indirect_dma semaphore(%run_scoped3A_244 : memref<!tpu.dma_semaphore, #tpu.memory_space<semaphore_mem>>) src(%dma_wait3A_258 : memref<128x32xf32, #tpu.memory_space<vmem>>) dst(%dma_wait3A_264 : memref<32768x32xf32, #tpu.memory_space<vmem_shared>>)
        tpu.yield
      }) : () -> ()
      %run_scoped3A_240 = arith.constant 2 : i32
      %run_scoped3A_241 = arith.constant 2 : i32
      "tpu.region"() ({
        %run_scoped3A_244 = tpu.sem_alloc : memref<!tpu.dma_semaphore, #tpu.memory_space<semaphore_mem>>
        %dma_start3A_245 = arith.constant 0 : i32
        %dma_start3A_246 = arith.constant 0 : i32
        %dma_start3A_247 = tpu.memref_slice %arg12[%run_scoped3A_240, %dma_start3A_245, %dma_start3A_246] : memref<4x128x32xf32, #tpu.memory_space<vmem>> -> memref<1x128x32xf32, #tpu.memory_space<vmem>>
        %dma_start3A_248 = tpu.memref_squeeze %dma_start3A_247 : memref<1x128x32xf32, #tpu.memory_space<vmem>> -> memref<128x32xf32, #tpu.memory_space<vmem>>
        %dma_start3A_249 = arith.constant 0 : i32
        %dma_start3A_250 = tpu.memref_slice %arg11[%run_scoped3A_241, %dma_start3A_249] : memref<4x128xi32, #tpu.memory_space<vmem>> -> memref<1x128xi32, #tpu.memory_space<vmem>>
        %dma_start3A_251 = tpu.memref_squeeze %dma_start3A_250 : memref<1x128xi32, #tpu.memory_space<vmem>> -> memref<128xi32, #tpu.memory_space<vmem>>
        %dma_start3A_252 = arith.constant 0 : i32
        %dma_start3A_253 = arith.constant 0 : i32
        %dma_start3A_254 = tpu.memref_slice %arg6[%dma_start3A_252, %dma_start3A_253] : memref<32768x32xf32, #tpu.memory_space<vmem_shared>> -> memref<32768x32xf32, #tpu.memory_space<vmem_shared>>
        tpu.enqueue_indirect_dma source(%dma_start3A_248 : memref<128x32xf32, #tpu.memory_space<vmem>>) target(%dma_start3A_254 : memref<32768x32xf32, #tpu.memory_space<vmem_shared>>) offsets(%dma_start3A_251 : memref<128xi32, #tpu.memory_space<vmem>>) semaphore(%run_scoped3A_244 : memref<!tpu.dma_semaphore, #tpu.memory_space<semaphore_mem>>) {add = true}
        %dma_wait3A_255 = arith.constant 0 : i32
        %dma_wait3A_256 = arith.constant 0 : i32
        %dma_wait3A_257 = tpu.memref_slice %arg12[%run_scoped3A_240, %dma_wait3A_255, %dma_wait3A_256] : memref<4x128x32xf32, #tpu.memory_space<vmem>> -> memref<1x128x32xf32, #tpu.memory_space<vmem>>
        %dma_wait3A_258 = tpu.memref_squeeze %dma_wait3A_257 : memref<1x128x32xf32, #tpu.memory_space<vmem>> -> memref<128x32xf32, #tpu.memory_space<vmem>>
        %dma_wait3A_259 = arith.constant 0 : i32
        %dma_wait3A_260 = tpu.memref_slice %arg11[%run_scoped3A_241, %dma_wait3A_259] : memref<4x128xi32, #tpu.memory_space<vmem>> -> memref<1x128xi32, #tpu.memory_space<vmem>>
        %dma_wait3A_261 = tpu.memref_squeeze %dma_wait3A_260 : memref<1x128xi32, #tpu.memory_space<vmem>> -> memref<128xi32, #tpu.memory_space<vmem>>
        %dma_wait3A_262 = arith.constant 0 : i32
        %dma_wait3A_263 = arith.constant 0 : i32
        %dma_wait3A_264 = tpu.memref_slice %arg6[%dma_wait3A_262, %dma_wait3A_263] : memref<32768x32xf32, #tpu.memory_space<vmem_shared>> -> memref<32768x32xf32, #tpu.memory_space<vmem_shared>>
        tpu.wait_indirect_dma semaphore(%run_scoped3A_244 : memref<!tpu.dma_semaphore, #tpu.memory_space<semaphore_mem>>) src(%dma_wait3A_258 : memref<128x32xf32, #tpu.memory_space<vmem>>) dst(%dma_wait3A_264 : memref<32768x32xf32, #tpu.memory_space<vmem_shared>>)
        tpu.yield
      }) : () -> ()
      %run_scoped3A_242 = arith.constant 3 : i32
      %run_scoped3A_243 = arith.constant 3 : i32
      "tpu.region"() ({
        %run_scoped3A_244 = tpu.sem_alloc : memref<!tpu.dma_semaphore, #tpu.memory_space<semaphore_mem>>
        %dma_start3A_245 = arith.constant 0 : i32
        %dma_start3A_246 = arith.constant 0 : i32
        %dma_start3A_247 = tpu.memref_slice %arg12[%run_scoped3A_242, %dma_start3A_245, %dma_start3A_246] : memref<4x128x32xf32, #tpu.memory_space<vmem>> -> memref<1x128x32xf32, #tpu.memory_space<vmem>>
        %dma_start3A_248 = tpu.memref_squeeze %dma_start3A_247 : memref<1x128x32xf32, #tpu.memory_space<vmem>> -> memref<128x32xf32, #tpu.memory_space<vmem>>
        %dma_start3A_249 = arith.constant 0 : i32
        %dma_start3A_250 = tpu.memref_slice %arg11[%run_scoped3A_243, %dma_start3A_249] : memref<4x128xi32, #tpu.memory_space<vmem>> -> memref<1x128xi32, #tpu.memory_space<vmem>>
        %dma_start3A_251 = tpu.memref_squeeze %dma_start3A_250 : memref<1x128xi32, #tpu.memory_space<vmem>> -> memref<128xi32, #tpu.memory_space<vmem>>
        %dma_start3A_252 = arith.constant 0 : i32
        %dma_start3A_253 = arith.constant 0 : i32
        %dma_start3A_254 = tpu.memref_slice %arg6[%dma_start3A_252, %dma_start3A_253] : memref<32768x32xf32, #tpu.memory_space<vmem_shared>> -> memref<32768x32xf32, #tpu.memory_space<vmem_shared>>
        tpu.enqueue_indirect_dma source(%dma_start3A_248 : memref<128x32xf32, #tpu.memory_space<vmem>>) target(%dma_start3A_254 : memref<32768x32xf32, #tpu.memory_space<vmem_shared>>) offsets(%dma_start3A_251 : memref<128xi32, #tpu.memory_space<vmem>>) semaphore(%run_scoped3A_244 : memref<!tpu.dma_semaphore, #tpu.memory_space<semaphore_mem>>) {add = true}
        %dma_wait3A_255 = arith.constant 0 : i32
        %dma_wait3A_256 = arith.constant 0 : i32
        %dma_wait3A_257 = tpu.memref_slice %arg12[%run_scoped3A_242, %dma_wait3A_255, %dma_wait3A_256] : memref<4x128x32xf32, #tpu.memory_space<vmem>> -> memref<1x128x32xf32, #tpu.memory_space<vmem>>
        %dma_wait3A_258 = tpu.memref_squeeze %dma_wait3A_257 : memref<1x128x32xf32, #tpu.memory_space<vmem>> -> memref<128x32xf32, #tpu.memory_space<vmem>>
        %dma_wait3A_259 = arith.constant 0 : i32
        %dma_wait3A_260 = tpu.memref_slice %arg11[%run_scoped3A_243, %dma_wait3A_259] : memref<4x128xi32, #tpu.memory_space<vmem>> -> memref<1x128xi32, #tpu.memory_space<vmem>>
        %dma_wait3A_261 = tpu.memref_squeeze %dma_wait3A_260 : memref<1x128xi32, #tpu.memory_space<vmem>> -> memref<128xi32, #tpu.memory_space<vmem>>
        %dma_wait3A_262 = arith.constant 0 : i32
        %dma_wait3A_263 = arith.constant 0 : i32
        %dma_wait3A_264 = tpu.memref_slice %arg6[%dma_wait3A_262, %dma_wait3A_263] : memref<32768x32xf32, #tpu.memory_space<vmem_shared>> -> memref<32768x32xf32, #tpu.memory_space<vmem_shared>>
        tpu.wait_indirect_dma semaphore(%run_scoped3A_244 : memref<!tpu.dma_semaphore, #tpu.memory_space<semaphore_mem>>) src(%dma_wait3A_258 : memref<128x32xf32, #tpu.memory_space<vmem>>) dst(%dma_wait3A_264 : memref<32768x32xf32, #tpu.memory_space<vmem_shared>>)
        tpu.yield
      }) : () -> ()
    }
    %scan3A_66 = arith.constant 32 : i32
    %barrier3A_67 = arith.constant 0 : index
    tpu.barrier barrier_id(%barrier3A_67)
    "tpu.region"() ({
      %run_scoped3A = tpu.sem_alloc : memref<!tpu.dma_semaphore, #tpu.memory_space<semaphore_mem>>
      %dma_start3A_68 = arith.constant 0 : i32
      %dma_start3A_69 = arith.constant 0 : i32
      %dma_start3A_70 = tpu.memref_slice %arg5[%arg0, %dma_start3A_68, %dma_start3A_69] : memref<2x32768x32xf32, #tpu.memory_space<hbm>> -> memref<1x32768x32xf32, #tpu.memory_space<hbm>>
      %dma_start3A_71 = tpu.memref_squeeze %dma_start3A_70 : memref<1x32768x32xf32, #tpu.memory_space<hbm>> -> memref<32768x32xf32, #tpu.memory_space<hbm>>
      %dma_start3A_72 = arith.constant 0 : i32
      %dma_start3A_73 = tpu.memref_slice %dma_start3A_71[%mul3A_0, %dma_start3A_72] : memref<32768x32xf32, #tpu.memory_space<hbm>> -> memref<2048x32xf32, #tpu.memory_space<hbm>>
      %dma_start3A_74 = arith.constant 0 : i32
      %dma_start3A_75 = tpu.memref_slice %arg6[%mul3A_0, %dma_start3A_74] : memref<32768x32xf32, #tpu.memory_space<vmem_shared>> -> memref<2048x32xf32, #tpu.memory_space<vmem_shared>>
      tpu.enqueue_dma source(%dma_start3A_75 : memref<2048x32xf32, #tpu.memory_space<vmem_shared>>) target(%dma_start3A_73 : memref<2048x32xf32, #tpu.memory_space<hbm>>) target_semaphore(%run_scoped3A : memref<!tpu.dma_semaphore, #tpu.memory_space<semaphore_mem>>)
      %dma_wait3A_76 = arith.constant 0 : i32
      %dma_wait3A_77 = arith.constant 0 : i32
      %dma_wait3A_78 = tpu.memref_slice %arg5[%arg0, %dma_wait3A_76, %dma_wait3A_77] : memref<2x32768x32xf32, #tpu.memory_space<hbm>> -> memref<1x32768x32xf32, #tpu.memory_space<hbm>>
      %dma_wait3A_79 = tpu.memref_squeeze %dma_wait3A_78 : memref<1x32768x32xf32, #tpu.memory_space<hbm>> -> memref<32768x32xf32, #tpu.memory_space<hbm>>
      %dma_wait3A_80 = arith.constant 0 : i32
      %dma_wait3A_81 = tpu.memref_slice %dma_wait3A_79[%mul3A_0, %dma_wait3A_80] : memref<32768x32xf32, #tpu.memory_space<hbm>> -> memref<2048x32xf32, #tpu.memory_space<hbm>>
      %dma_wait3A_82 = arith.constant 0 : i32
      %dma_wait3A_83 = tpu.memref_slice %arg6[%mul3A_0, %dma_wait3A_82] : memref<32768x32xf32, #tpu.memory_space<vmem_shared>> -> memref<2048x32xf32, #tpu.memory_space<vmem_shared>>
      tpu.wait_dma2 semaphore(%run_scoped3A : memref<!tpu.dma_semaphore, #tpu.memory_space<semaphore_mem>>) src(%dma_wait3A_83 : memref<2048x32xf32, #tpu.memory_space<vmem_shared>>) dst(%dma_wait3A_81 : memref<2048x32xf32, #tpu.memory_space<hbm>>)
      tpu.yield
    }) : () -> ()
    return
  }
}

#map = affine_map<(d0, d1) -> (0, 0)>
#map1 = affine_map<(d0, d1) -> (0, 0, 0)>
module attributes {stable_mosaic.version = 14 : i64} {
  func.func @_agg_kernel(%arg0: i32, %arg1: i32, %arg2: memref<65536x32xf32, #tpu.memory_space<hbm>>, %arg3: memref<2x4096x128xi32, #tpu.memory_space<hbm>>, %arg4: memref<4096x128xi32, #tpu.memory_space<hbm>>, %arg5: memref<2x32768x32xf32, #tpu.memory_space<hbm>>, %arg6: memref<32768x32xf32, #tpu.memory_space<vmem_shared>>, %arg7: memref<4x128xi32, #tpu.memory_space<vmem>>, %arg8: memref<4x128xi32, #tpu.memory_space<vmem>>, %arg9: memref<4x128x32xf32, #tpu.memory_space<vmem>>, %arg10: memref<4x128xi32, #tpu.memory_space<vmem>>, %arg11: memref<4x128xi32, #tpu.memory_space<vmem>>, %arg12: memref<4x128x32xf32, #tpu.memory_space<vmem>>, %arg13: memref<!tpu.dma_semaphore, #tpu.memory_space<semaphore_mem>>, %arg14: memref<!tpu.dma_semaphore, #tpu.memory_space<semaphore_mem>>) attributes {dimension_semantics = [#tpu.dimension_semantics<core_parallel>, #tpu.dimension_semantics<subcore_parallel>], iteration_bounds = array<i64: 2, 16>, scalar_prefetch = 0 : i64, scratch_operands = 9 : i64, tpu.core_type = #tpu.core_type<sc_vector_subcore>, window_params = [{transform_indices = #map}, {transform_indices = #map1}, {transform_indices = #map}, {transform_indices = #map1}]} {
    %mul3A = arith.constant 2048 : i32
    %mul3A_0 = arith.muli %arg1, %mul3A : i32
    %mul3A_1 = arith.constant 256 : i32
    %mul3A_2 = arith.muli %arg1, %mul3A_1 : i32
    %mul3A_3 = arith.constant 32768 : i32
    %mul3A_4 = arith.muli %arg0, %mul3A_3 : i32
    %add3A = arith.addi %mul3A_4, %mul3A_0 : i32
    %dma_start3A = arith.constant 0 : i32
    %dma_start3A_5 = tpu.memref_slice %arg6[%mul3A_0, %dma_start3A] : memref<32768x32xf32, #tpu.memory_space<vmem_shared>> -> memref<2048x32xf32, #tpu.memory_space<vmem_shared>>
    %dma_start3A_6 = arith.constant 0 : i32
    %dma_start3A_7 = tpu.memref_slice %arg2[%add3A, %dma_start3A_6] : memref<65536x32xf32, #tpu.memory_space<hbm>> -> memref<2048x32xf32, #tpu.memory_space<hbm>>
    tpu.enqueue_dma source(%dma_start3A_7 : memref<2048x32xf32, #tpu.memory_space<hbm>>) target(%dma_start3A_5 : memref<2048x32xf32, #tpu.memory_space<vmem_shared>>) target_semaphore(%arg13 : memref<!tpu.dma_semaphore, #tpu.memory_space<semaphore_mem>>)
    %add3A_8 = arith.constant 0 : i32
    %add3A_9 = arith.addi %mul3A_2, %add3A_8 : i32
    "tpu.region"() ({
      %run_scoped3A = tpu.sem_alloc : memref<!tpu.dma_semaphore, #tpu.memory_space<semaphore_mem>>
      %dma_start3A_68 = arith.constant 0 : i32
      %dma_start3A_69 = arith.constant 0 : i32
      %dma_start3A_70 = tpu.memref_slice %arg3[%arg0, %dma_start3A_68, %dma_start3A_69] : memref<2x4096x128xi32, #tpu.memory_space<hbm>> -> memref<1x4096x128xi32, #tpu.memory_space<hbm>>
      %dma_start3A_71 = tpu.memref_squeeze %dma_start3A_70 : memref<1x4096x128xi32, #tpu.memory_space<hbm>> -> memref<4096x128xi32, #tpu.memory_space<hbm>>
      %dma_start3A_72 = arith.constant 0 : i32
      %dma_start3A_73 = tpu.memref_slice %dma_start3A_71[%add3A_9, %dma_start3A_72] : memref<4096x128xi32, #tpu.memory_space<hbm>> -> memref<4x128xi32, #tpu.memory_space<hbm>>
      %dma_start3A_74 = arith.constant 0 : i32
      %dma_start3A_75 = arith.constant 0 : i32
      %dma_start3A_76 = tpu.memref_slice %arg3[%arg0, %dma_start3A_74, %dma_start3A_75] : memref<2x4096x128xi32, #tpu.memory_space<hbm>> -> memref<1x4096x128xi32, #tpu.memory_space<hbm>>
      %dma_start3A_77 = tpu.memref_squeeze %dma_start3A_76 : memref<1x4096x128xi32, #tpu.memory_space<hbm>> -> memref<4096x128xi32, #tpu.memory_space<hbm>>
      %dma_start3A_78 = arith.constant 0 : i32
      %dma_start3A_79 = tpu.memref_slice %dma_start3A_77[%add3A_9, %dma_start3A_78] : memref<4096x128xi32, #tpu.memory_space<hbm>> -> memref<4x128xi32, #tpu.memory_space<hbm>>
      tpu.enqueue_dma source(%dma_start3A_79 : memref<4x128xi32, #tpu.memory_space<hbm>>) target(%arg7 : memref<4x128xi32, #tpu.memory_space<vmem>>) target_semaphore(%run_scoped3A : memref<!tpu.dma_semaphore, #tpu.memory_space<semaphore_mem>>)
      %dma_wait3A_80 = arith.constant 0 : i32
      %dma_wait3A_81 = arith.constant 0 : i32
      %dma_wait3A_82 = tpu.memref_slice %arg3[%arg0, %dma_wait3A_80, %dma_wait3A_81] : memref<2x4096x128xi32, #tpu.memory_space<hbm>> -> memref<1x4096x128xi32, #tpu.memory_space<hbm>>
      %dma_wait3A_83 = tpu.memref_squeeze %dma_wait3A_82 : memref<1x4096x128xi32, #tpu.memory_space<hbm>> -> memref<4096x128xi32, #tpu.memory_space<hbm>>
      %dma_wait3A_84 = arith.constant 0 : i32
      %dma_wait3A_85 = tpu.memref_slice %dma_wait3A_83[%add3A_9, %dma_wait3A_84] : memref<4096x128xi32, #tpu.memory_space<hbm>> -> memref<4x128xi32, #tpu.memory_space<hbm>>
      %dma_wait3A_86 = arith.constant 0 : i32
      %dma_wait3A_87 = arith.constant 0 : i32
      %dma_wait3A_88 = tpu.memref_slice %arg3[%arg0, %dma_wait3A_86, %dma_wait3A_87] : memref<2x4096x128xi32, #tpu.memory_space<hbm>> -> memref<1x4096x128xi32, #tpu.memory_space<hbm>>
      %dma_wait3A_89 = tpu.memref_squeeze %dma_wait3A_88 : memref<1x4096x128xi32, #tpu.memory_space<hbm>> -> memref<4096x128xi32, #tpu.memory_space<hbm>>
      %dma_wait3A_90 = arith.constant 0 : i32
      %dma_wait3A_91 = tpu.memref_slice %dma_wait3A_89[%add3A_9, %dma_wait3A_90] : memref<4096x128xi32, #tpu.memory_space<hbm>> -> memref<4x128xi32, #tpu.memory_space<hbm>>
      tpu.wait_dma2 semaphore(%run_scoped3A : memref<!tpu.dma_semaphore, #tpu.memory_space<semaphore_mem>>) src(%dma_wait3A_91 : memref<4x128xi32, #tpu.memory_space<hbm>>) dst(%arg7 : memref<4x128xi32, #tpu.memory_space<vmem>>)
      tpu.yield
    }) : () -> ()
    %add3A_10 = arith.constant 0 : i32
    %add3A_11 = arith.addi %mul3A_2, %add3A_10 : i32
    "tpu.region"() ({
      %run_scoped3A = tpu.sem_alloc : memref<!tpu.dma_semaphore, #tpu.memory_space<semaphore_mem>>
      %dma_start3A_68 = arith.constant 0 : i32
      %dma_start3A_69 = tpu.memref_slice %arg4[%add3A_11, %dma_start3A_68] : memref<4096x128xi32, #tpu.memory_space<hbm>> -> memref<4x128xi32, #tpu.memory_space<hbm>>
      %dma_start3A_70 = arith.constant 0 : i32
      %dma_start3A_71 = tpu.memref_slice %arg4[%add3A_11, %dma_start3A_70] : memref<4096x128xi32, #tpu.memory_space<hbm>> -> memref<4x128xi32, #tpu.memory_space<hbm>>
      tpu.enqueue_dma source(%dma_start3A_71 : memref<4x128xi32, #tpu.memory_space<hbm>>) target(%arg8 : memref<4x128xi32, #tpu.memory_space<vmem>>) target_semaphore(%run_scoped3A : memref<!tpu.dma_semaphore, #tpu.memory_space<semaphore_mem>>)
      %dma_wait3A_72 = arith.constant 0 : i32
      %dma_wait3A_73 = tpu.memref_slice %arg4[%add3A_11, %dma_wait3A_72] : memref<4096x128xi32, #tpu.memory_space<hbm>> -> memref<4x128xi32, #tpu.memory_space<hbm>>
      %dma_wait3A_74 = arith.constant 0 : i32
      %dma_wait3A_75 = tpu.memref_slice %arg4[%add3A_11, %dma_wait3A_74] : memref<4096x128xi32, #tpu.memory_space<hbm>> -> memref<4x128xi32, #tpu.memory_space<hbm>>
      tpu.wait_dma2 semaphore(%run_scoped3A : memref<!tpu.dma_semaphore, #tpu.memory_space<semaphore_mem>>) src(%dma_wait3A_75 : memref<4x128xi32, #tpu.memory_space<hbm>>) dst(%arg8 : memref<4x128xi32, #tpu.memory_space<vmem>>)
      tpu.yield
    }) : () -> ()
    %dma_wait3A = arith.constant 0 : i32
    %dma_wait3A_12 = tpu.memref_slice %arg6[%mul3A_0, %dma_wait3A] : memref<32768x32xf32, #tpu.memory_space<vmem_shared>> -> memref<2048x32xf32, #tpu.memory_space<vmem_shared>>
    %dma_wait3A_13 = arith.constant 0 : i32
    %dma_wait3A_14 = tpu.memref_slice %arg2[%add3A, %dma_wait3A_13] : memref<65536x32xf32, #tpu.memory_space<hbm>> -> memref<2048x32xf32, #tpu.memory_space<hbm>>
    tpu.wait_dma2 semaphore(%arg13 : memref<!tpu.dma_semaphore, #tpu.memory_space<semaphore_mem>>) src(%dma_wait3A_14 : memref<2048x32xf32, #tpu.memory_space<hbm>>) dst(%dma_wait3A_12 : memref<2048x32xf32, #tpu.memory_space<vmem_shared>>)
    %barrier3A = arith.constant 0 : index
    tpu.barrier barrier_id(%barrier3A)
    %dma_start3A_15 = arith.constant 0 : i32
    %dma_start3A_16 = arith.constant 0 : i32
    %dma_start3A_17 = arith.constant 0 : i32
    %dma_start3A_18 = arith.constant 0 : i32
    %dma_start3A_19 = tpu.memref_slice %arg9[%dma_start3A_16, %dma_start3A_17, %dma_start3A_18] : memref<4x128x32xf32, #tpu.memory_space<vmem>> -> memref<1x128x32xf32, #tpu.memory_space<vmem>>
    %dma_start3A_20 = tpu.memref_squeeze %dma_start3A_19 : memref<1x128x32xf32, #tpu.memory_space<vmem>> -> memref<128x32xf32, #tpu.memory_space<vmem>>
    %dma_start3A_21 = arith.constant 0 : i32
    %dma_start3A_22 = tpu.memref_slice %arg7[%dma_start3A_15, %dma_start3A_21] : memref<4x128xi32, #tpu.memory_space<vmem>> -> memref<1x128xi32, #tpu.memory_space<vmem>>
    %dma_start3A_23 = tpu.memref_squeeze %dma_start3A_22 : memref<1x128xi32, #tpu.memory_space<vmem>> -> memref<128xi32, #tpu.memory_space<vmem>>
    %dma_start3A_24 = arith.constant 0 : i32
    %dma_start3A_25 = arith.constant 0 : i32
    %dma_start3A_26 = tpu.memref_slice %arg2[%dma_start3A_24, %dma_start3A_25] : memref<65536x32xf32, #tpu.memory_space<hbm>> -> memref<65536x32xf32, #tpu.memory_space<hbm>>
    tpu.enqueue_indirect_dma source(%dma_start3A_26 : memref<65536x32xf32, #tpu.memory_space<hbm>>) target(%dma_start3A_20 : memref<128x32xf32, #tpu.memory_space<vmem>>) offsets(%dma_start3A_23 : memref<128xi32, #tpu.memory_space<vmem>>) semaphore(%arg13 : memref<!tpu.dma_semaphore, #tpu.memory_space<semaphore_mem>>)
    %dma_start3A_27 = arith.constant 1 : i32
    %dma_start3A_28 = arith.constant 1 : i32
    %dma_start3A_29 = arith.constant 0 : i32
    %dma_start3A_30 = arith.constant 0 : i32
    %dma_start3A_31 = tpu.memref_slice %arg9[%dma_start3A_28, %dma_start3A_29, %dma_start3A_30] : memref<4x128x32xf32, #tpu.memory_space<vmem>> -> memref<1x128x32xf32, #tpu.memory_space<vmem>>
    %dma_start3A_32 = tpu.memref_squeeze %dma_start3A_31 : memref<1x128x32xf32, #tpu.memory_space<vmem>> -> memref<128x32xf32, #tpu.memory_space<vmem>>
    %dma_start3A_33 = arith.constant 0 : i32
    %dma_start3A_34 = tpu.memref_slice %arg7[%dma_start3A_27, %dma_start3A_33] : memref<4x128xi32, #tpu.memory_space<vmem>> -> memref<1x128xi32, #tpu.memory_space<vmem>>
    %dma_start3A_35 = tpu.memref_squeeze %dma_start3A_34 : memref<1x128xi32, #tpu.memory_space<vmem>> -> memref<128xi32, #tpu.memory_space<vmem>>
    %dma_start3A_36 = arith.constant 0 : i32
    %dma_start3A_37 = arith.constant 0 : i32
    %dma_start3A_38 = tpu.memref_slice %arg2[%dma_start3A_36, %dma_start3A_37] : memref<65536x32xf32, #tpu.memory_space<hbm>> -> memref<65536x32xf32, #tpu.memory_space<hbm>>
    tpu.enqueue_indirect_dma source(%dma_start3A_38 : memref<65536x32xf32, #tpu.memory_space<hbm>>) target(%dma_start3A_32 : memref<128x32xf32, #tpu.memory_space<vmem>>) offsets(%dma_start3A_35 : memref<128xi32, #tpu.memory_space<vmem>>) semaphore(%arg13 : memref<!tpu.dma_semaphore, #tpu.memory_space<semaphore_mem>>)
    %dma_start3A_39 = arith.constant 2 : i32
    %dma_start3A_40 = arith.constant 2 : i32
    %dma_start3A_41 = arith.constant 0 : i32
    %dma_start3A_42 = arith.constant 0 : i32
    %dma_start3A_43 = tpu.memref_slice %arg9[%dma_start3A_40, %dma_start3A_41, %dma_start3A_42] : memref<4x128x32xf32, #tpu.memory_space<vmem>> -> memref<1x128x32xf32, #tpu.memory_space<vmem>>
    %dma_start3A_44 = tpu.memref_squeeze %dma_start3A_43 : memref<1x128x32xf32, #tpu.memory_space<vmem>> -> memref<128x32xf32, #tpu.memory_space<vmem>>
    %dma_start3A_45 = arith.constant 0 : i32
    %dma_start3A_46 = tpu.memref_slice %arg7[%dma_start3A_39, %dma_start3A_45] : memref<4x128xi32, #tpu.memory_space<vmem>> -> memref<1x128xi32, #tpu.memory_space<vmem>>
    %dma_start3A_47 = tpu.memref_squeeze %dma_start3A_46 : memref<1x128xi32, #tpu.memory_space<vmem>> -> memref<128xi32, #tpu.memory_space<vmem>>
    %dma_start3A_48 = arith.constant 0 : i32
    %dma_start3A_49 = arith.constant 0 : i32
    %dma_start3A_50 = tpu.memref_slice %arg2[%dma_start3A_48, %dma_start3A_49] : memref<65536x32xf32, #tpu.memory_space<hbm>> -> memref<65536x32xf32, #tpu.memory_space<hbm>>
    tpu.enqueue_indirect_dma source(%dma_start3A_50 : memref<65536x32xf32, #tpu.memory_space<hbm>>) target(%dma_start3A_44 : memref<128x32xf32, #tpu.memory_space<vmem>>) offsets(%dma_start3A_47 : memref<128xi32, #tpu.memory_space<vmem>>) semaphore(%arg13 : memref<!tpu.dma_semaphore, #tpu.memory_space<semaphore_mem>>)
    %dma_start3A_51 = arith.constant 3 : i32
    %dma_start3A_52 = arith.constant 3 : i32
    %dma_start3A_53 = arith.constant 0 : i32
    %dma_start3A_54 = arith.constant 0 : i32
    %dma_start3A_55 = tpu.memref_slice %arg9[%dma_start3A_52, %dma_start3A_53, %dma_start3A_54] : memref<4x128x32xf32, #tpu.memory_space<vmem>> -> memref<1x128x32xf32, #tpu.memory_space<vmem>>
    %dma_start3A_56 = tpu.memref_squeeze %dma_start3A_55 : memref<1x128x32xf32, #tpu.memory_space<vmem>> -> memref<128x32xf32, #tpu.memory_space<vmem>>
    %dma_start3A_57 = arith.constant 0 : i32
    %dma_start3A_58 = tpu.memref_slice %arg7[%dma_start3A_51, %dma_start3A_57] : memref<4x128xi32, #tpu.memory_space<vmem>> -> memref<1x128xi32, #tpu.memory_space<vmem>>
    %dma_start3A_59 = tpu.memref_squeeze %dma_start3A_58 : memref<1x128xi32, #tpu.memory_space<vmem>> -> memref<128xi32, #tpu.memory_space<vmem>>
    %dma_start3A_60 = arith.constant 0 : i32
    %dma_start3A_61 = arith.constant 0 : i32
    %dma_start3A_62 = tpu.memref_slice %arg2[%dma_start3A_60, %dma_start3A_61] : memref<65536x32xf32, #tpu.memory_space<hbm>> -> memref<65536x32xf32, #tpu.memory_space<hbm>>
    tpu.enqueue_indirect_dma source(%dma_start3A_62 : memref<65536x32xf32, #tpu.memory_space<hbm>>) target(%dma_start3A_56 : memref<128x32xf32, #tpu.memory_space<vmem>>) offsets(%dma_start3A_59 : memref<128xi32, #tpu.memory_space<vmem>>) semaphore(%arg13 : memref<!tpu.dma_semaphore, #tpu.memory_space<semaphore_mem>>)
    %scan3A = arith.constant 0 : i32
    %scan3A_63 = arith.constant 32 : i32
    %scan3A_64 = arith.addi %scan3A, %scan3A_63 : i32
    %scan3A_65 = arith.constant 1 : i32
    scf.for %scan3A_68 = %scan3A to %scan3A_64 step %scan3A_65  : i32 {
      %mul3A_69 = arith.constant 2 : i32
      %mul3A_70 = arith.muli %scan3A_68, %mul3A_69 : i32
      %add3A_71 = arith.constant 0 : i32
      %add3A_72 = arith.addi %add3A_71, %mul3A_70 : i32
      %add3A_73 = arith.constant 1 : i32
      %add3A_74 = arith.addi %add3A_72, %add3A_73 : i32
      %mul3A_75 = arith.constant 4 : i32
      %mul3A_76 = arith.muli %add3A_74, %mul3A_75 : i32
      %add3A_77 = arith.addi %mul3A_2, %mul3A_76 : i32
      "tpu.region"() ({
        %run_scoped3A_244 = tpu.sem_alloc : memref<!tpu.dma_semaphore, #tpu.memory_space<semaphore_mem>>
        %dma_start3A_245 = arith.constant 0 : i32
        %dma_start3A_246 = arith.constant 0 : i32
        %dma_start3A_247 = tpu.memref_slice %arg3[%arg0, %dma_start3A_245, %dma_start3A_246] : memref<2x4096x128xi32, #tpu.memory_space<hbm>> -> memref<1x4096x128xi32, #tpu.memory_space<hbm>>
        %dma_start3A_248 = tpu.memref_squeeze %dma_start3A_247 : memref<1x4096x128xi32, #tpu.memory_space<hbm>> -> memref<4096x128xi32, #tpu.memory_space<hbm>>
        %dma_start3A_249 = arith.constant 0 : i32
        %dma_start3A_250 = tpu.memref_slice %dma_start3A_248[%add3A_77, %dma_start3A_249] : memref<4096x128xi32, #tpu.memory_space<hbm>> -> memref<4x128xi32, #tpu.memory_space<hbm>>
        %dma_start3A_251 = arith.constant 0 : i32
        %dma_start3A_252 = arith.constant 0 : i32
        %dma_start3A_253 = tpu.memref_slice %arg3[%arg0, %dma_start3A_251, %dma_start3A_252] : memref<2x4096x128xi32, #tpu.memory_space<hbm>> -> memref<1x4096x128xi32, #tpu.memory_space<hbm>>
        %dma_start3A_254 = tpu.memref_squeeze %dma_start3A_253 : memref<1x4096x128xi32, #tpu.memory_space<hbm>> -> memref<4096x128xi32, #tpu.memory_space<hbm>>
        %dma_start3A_255 = arith.constant 0 : i32
        %dma_start3A_256 = tpu.memref_slice %dma_start3A_254[%add3A_77, %dma_start3A_255] : memref<4096x128xi32, #tpu.memory_space<hbm>> -> memref<4x128xi32, #tpu.memory_space<hbm>>
        tpu.enqueue_dma source(%dma_start3A_256 : memref<4x128xi32, #tpu.memory_space<hbm>>) target(%arg10 : memref<4x128xi32, #tpu.memory_space<vmem>>) target_semaphore(%run_scoped3A_244 : memref<!tpu.dma_semaphore, #tpu.memory_space<semaphore_mem>>)
        %dma_wait3A_257 = arith.constant 0 : i32
        %dma_wait3A_258 = arith.constant 0 : i32
        %dma_wait3A_259 = tpu.memref_slice %arg3[%arg0, %dma_wait3A_257, %dma_wait3A_258] : memref<2x4096x128xi32, #tpu.memory_space<hbm>> -> memref<1x4096x128xi32, #tpu.memory_space<hbm>>
        %dma_wait3A_260 = tpu.memref_squeeze %dma_wait3A_259 : memref<1x4096x128xi32, #tpu.memory_space<hbm>> -> memref<4096x128xi32, #tpu.memory_space<hbm>>
        %dma_wait3A_261 = arith.constant 0 : i32
        %dma_wait3A_262 = tpu.memref_slice %dma_wait3A_260[%add3A_77, %dma_wait3A_261] : memref<4096x128xi32, #tpu.memory_space<hbm>> -> memref<4x128xi32, #tpu.memory_space<hbm>>
        %dma_wait3A_263 = arith.constant 0 : i32
        %dma_wait3A_264 = arith.constant 0 : i32
        %dma_wait3A_265 = tpu.memref_slice %arg3[%arg0, %dma_wait3A_263, %dma_wait3A_264] : memref<2x4096x128xi32, #tpu.memory_space<hbm>> -> memref<1x4096x128xi32, #tpu.memory_space<hbm>>
        %dma_wait3A_266 = tpu.memref_squeeze %dma_wait3A_265 : memref<1x4096x128xi32, #tpu.memory_space<hbm>> -> memref<4096x128xi32, #tpu.memory_space<hbm>>
        %dma_wait3A_267 = arith.constant 0 : i32
        %dma_wait3A_268 = tpu.memref_slice %dma_wait3A_266[%add3A_77, %dma_wait3A_267] : memref<4096x128xi32, #tpu.memory_space<hbm>> -> memref<4x128xi32, #tpu.memory_space<hbm>>
        tpu.wait_dma2 semaphore(%run_scoped3A_244 : memref<!tpu.dma_semaphore, #tpu.memory_space<semaphore_mem>>) src(%dma_wait3A_268 : memref<4x128xi32, #tpu.memory_space<hbm>>) dst(%arg10 : memref<4x128xi32, #tpu.memory_space<vmem>>)
        tpu.yield
      }) : () -> ()
      %mul3A_78 = arith.constant 4 : i32
      %mul3A_79 = arith.muli %add3A_74, %mul3A_78 : i32
      %add3A_80 = arith.addi %mul3A_2, %mul3A_79 : i32
      "tpu.region"() ({
        %run_scoped3A_244 = tpu.sem_alloc : memref<!tpu.dma_semaphore, #tpu.memory_space<semaphore_mem>>
        %dma_start3A_245 = arith.constant 0 : i32
        %dma_start3A_246 = tpu.memref_slice %arg4[%add3A_80, %dma_start3A_245] : memref<4096x128xi32, #tpu.memory_space<hbm>> -> memref<4x128xi32, #tpu.memory_space<hbm>>
        %dma_start3A_247 = arith.constant 0 : i32
        %dma_start3A_248 = tpu.memref_slice %arg4[%add3A_80, %dma_start3A_247] : memref<4096x128xi32, #tpu.memory_space<hbm>> -> memref<4x128xi32, #tpu.memory_space<hbm>>
        tpu.enqueue_dma source(%dma_start3A_248 : memref<4x128xi32, #tpu.memory_space<hbm>>) target(%arg11 : memref<4x128xi32, #tpu.memory_space<vmem>>) target_semaphore(%run_scoped3A_244 : memref<!tpu.dma_semaphore, #tpu.memory_space<semaphore_mem>>)
        %dma_wait3A_249 = arith.constant 0 : i32
        %dma_wait3A_250 = tpu.memref_slice %arg4[%add3A_80, %dma_wait3A_249] : memref<4096x128xi32, #tpu.memory_space<hbm>> -> memref<4x128xi32, #tpu.memory_space<hbm>>
        %dma_wait3A_251 = arith.constant 0 : i32
        %dma_wait3A_252 = tpu.memref_slice %arg4[%add3A_80, %dma_wait3A_251] : memref<4096x128xi32, #tpu.memory_space<hbm>> -> memref<4x128xi32, #tpu.memory_space<hbm>>
        tpu.wait_dma2 semaphore(%run_scoped3A_244 : memref<!tpu.dma_semaphore, #tpu.memory_space<semaphore_mem>>) src(%dma_wait3A_252 : memref<4x128xi32, #tpu.memory_space<hbm>>) dst(%arg11 : memref<4x128xi32, #tpu.memory_space<vmem>>)
        tpu.yield
      }) : () -> ()
      %dma_start3A_81 = arith.constant 0 : i32
      %dma_start3A_82 = arith.constant 0 : i32
      %dma_start3A_83 = arith.constant 0 : i32
      %dma_start3A_84 = arith.constant 0 : i32
      %dma_start3A_85 = tpu.memref_slice %arg12[%dma_start3A_82, %dma_start3A_83, %dma_start3A_84] : memref<4x128x32xf32, #tpu.memory_space<vmem>> -> memref<1x128x32xf32, #tpu.memory_space<vmem>>
      %dma_start3A_86 = tpu.memref_squeeze %dma_start3A_85 : memref<1x128x32xf32, #tpu.memory_space<vmem>> -> memref<128x32xf32, #tpu.memory_space<vmem>>
      %dma_start3A_87 = arith.constant 0 : i32
      %dma_start3A_88 = tpu.memref_slice %arg10[%dma_start3A_81, %dma_start3A_87] : memref<4x128xi32, #tpu.memory_space<vmem>> -> memref<1x128xi32, #tpu.memory_space<vmem>>
      %dma_start3A_89 = tpu.memref_squeeze %dma_start3A_88 : memref<1x128xi32, #tpu.memory_space<vmem>> -> memref<128xi32, #tpu.memory_space<vmem>>
      %dma_start3A_90 = arith.constant 0 : i32
      %dma_start3A_91 = arith.constant 0 : i32
      %dma_start3A_92 = tpu.memref_slice %arg2[%dma_start3A_90, %dma_start3A_91] : memref<65536x32xf32, #tpu.memory_space<hbm>> -> memref<65536x32xf32, #tpu.memory_space<hbm>>
      tpu.enqueue_indirect_dma source(%dma_start3A_92 : memref<65536x32xf32, #tpu.memory_space<hbm>>) target(%dma_start3A_86 : memref<128x32xf32, #tpu.memory_space<vmem>>) offsets(%dma_start3A_89 : memref<128xi32, #tpu.memory_space<vmem>>) semaphore(%arg14 : memref<!tpu.dma_semaphore, #tpu.memory_space<semaphore_mem>>)
      %dma_start3A_93 = arith.constant 1 : i32
      %dma_start3A_94 = arith.constant 1 : i32
      %dma_start3A_95 = arith.constant 0 : i32
      %dma_start3A_96 = arith.constant 0 : i32
      %dma_start3A_97 = tpu.memref_slice %arg12[%dma_start3A_94, %dma_start3A_95, %dma_start3A_96] : memref<4x128x32xf32, #tpu.memory_space<vmem>> -> memref<1x128x32xf32, #tpu.memory_space<vmem>>
      %dma_start3A_98 = tpu.memref_squeeze %dma_start3A_97 : memref<1x128x32xf32, #tpu.memory_space<vmem>> -> memref<128x32xf32, #tpu.memory_space<vmem>>
      %dma_start3A_99 = arith.constant 0 : i32
      %dma_start3A_100 = tpu.memref_slice %arg10[%dma_start3A_93, %dma_start3A_99] : memref<4x128xi32, #tpu.memory_space<vmem>> -> memref<1x128xi32, #tpu.memory_space<vmem>>
      %dma_start3A_101 = tpu.memref_squeeze %dma_start3A_100 : memref<1x128xi32, #tpu.memory_space<vmem>> -> memref<128xi32, #tpu.memory_space<vmem>>
      %dma_start3A_102 = arith.constant 0 : i32
      %dma_start3A_103 = arith.constant 0 : i32
      %dma_start3A_104 = tpu.memref_slice %arg2[%dma_start3A_102, %dma_start3A_103] : memref<65536x32xf32, #tpu.memory_space<hbm>> -> memref<65536x32xf32, #tpu.memory_space<hbm>>
      tpu.enqueue_indirect_dma source(%dma_start3A_104 : memref<65536x32xf32, #tpu.memory_space<hbm>>) target(%dma_start3A_98 : memref<128x32xf32, #tpu.memory_space<vmem>>) offsets(%dma_start3A_101 : memref<128xi32, #tpu.memory_space<vmem>>) semaphore(%arg14 : memref<!tpu.dma_semaphore, #tpu.memory_space<semaphore_mem>>)
      %dma_start3A_105 = arith.constant 2 : i32
      %dma_start3A_106 = arith.constant 2 : i32
      %dma_start3A_107 = arith.constant 0 : i32
      %dma_start3A_108 = arith.constant 0 : i32
      %dma_start3A_109 = tpu.memref_slice %arg12[%dma_start3A_106, %dma_start3A_107, %dma_start3A_108] : memref<4x128x32xf32, #tpu.memory_space<vmem>> -> memref<1x128x32xf32, #tpu.memory_space<vmem>>
      %dma_start3A_110 = tpu.memref_squeeze %dma_start3A_109 : memref<1x128x32xf32, #tpu.memory_space<vmem>> -> memref<128x32xf32, #tpu.memory_space<vmem>>
      %dma_start3A_111 = arith.constant 0 : i32
      %dma_start3A_112 = tpu.memref_slice %arg10[%dma_start3A_105, %dma_start3A_111] : memref<4x128xi32, #tpu.memory_space<vmem>> -> memref<1x128xi32, #tpu.memory_space<vmem>>
      %dma_start3A_113 = tpu.memref_squeeze %dma_start3A_112 : memref<1x128xi32, #tpu.memory_space<vmem>> -> memref<128xi32, #tpu.memory_space<vmem>>
      %dma_start3A_114 = arith.constant 0 : i32
      %dma_start3A_115 = arith.constant 0 : i32
      %dma_start3A_116 = tpu.memref_slice %arg2[%dma_start3A_114, %dma_start3A_115] : memref<65536x32xf32, #tpu.memory_space<hbm>> -> memref<65536x32xf32, #tpu.memory_space<hbm>>
      tpu.enqueue_indirect_dma source(%dma_start3A_116 : memref<65536x32xf32, #tpu.memory_space<hbm>>) target(%dma_start3A_110 : memref<128x32xf32, #tpu.memory_space<vmem>>) offsets(%dma_start3A_113 : memref<128xi32, #tpu.memory_space<vmem>>) semaphore(%arg14 : memref<!tpu.dma_semaphore, #tpu.memory_space<semaphore_mem>>)
      %dma_start3A_117 = arith.constant 3 : i32
      %dma_start3A_118 = arith.constant 3 : i32
      %dma_start3A_119 = arith.constant 0 : i32
      %dma_start3A_120 = arith.constant 0 : i32
      %dma_start3A_121 = tpu.memref_slice %arg12[%dma_start3A_118, %dma_start3A_119, %dma_start3A_120] : memref<4x128x32xf32, #tpu.memory_space<vmem>> -> memref<1x128x32xf32, #tpu.memory_space<vmem>>
      %dma_start3A_122 = tpu.memref_squeeze %dma_start3A_121 : memref<1x128x32xf32, #tpu.memory_space<vmem>> -> memref<128x32xf32, #tpu.memory_space<vmem>>
      %dma_start3A_123 = arith.constant 0 : i32
      %dma_start3A_124 = tpu.memref_slice %arg10[%dma_start3A_117, %dma_start3A_123] : memref<4x128xi32, #tpu.memory_space<vmem>> -> memref<1x128xi32, #tpu.memory_space<vmem>>
      %dma_start3A_125 = tpu.memref_squeeze %dma_start3A_124 : memref<1x128xi32, #tpu.memory_space<vmem>> -> memref<128xi32, #tpu.memory_space<vmem>>
      %dma_start3A_126 = arith.constant 0 : i32
      %dma_start3A_127 = arith.constant 0 : i32
      %dma_start3A_128 = tpu.memref_slice %arg2[%dma_start3A_126, %dma_start3A_127] : memref<65536x32xf32, #tpu.memory_space<hbm>> -> memref<65536x32xf32, #tpu.memory_space<hbm>>
      tpu.enqueue_indirect_dma source(%dma_start3A_128 : memref<65536x32xf32, #tpu.memory_space<hbm>>) target(%dma_start3A_122 : memref<128x32xf32, #tpu.memory_space<vmem>>) offsets(%dma_start3A_125 : memref<128xi32, #tpu.memory_space<vmem>>) semaphore(%arg14 : memref<!tpu.dma_semaphore, #tpu.memory_space<semaphore_mem>>)
      %dma_wait3A_129 = arith.constant 0 : i32
      %dma_wait3A_130 = arith.constant 0 : i32
      %dma_wait3A_131 = arith.constant 0 : i32
      %dma_wait3A_132 = arith.constant 0 : i32
      %dma_wait3A_133 = tpu.memref_slice %arg9[%dma_wait3A_130, %dma_wait3A_131, %dma_wait3A_132] : memref<4x128x32xf32, #tpu.memory_space<vmem>> -> memref<1x128x32xf32, #tpu.memory_space<vmem>>
      %dma_wait3A_134 = tpu.memref_squeeze %dma_wait3A_133 : memref<1x128x32xf32, #tpu.memory_space<vmem>> -> memref<128x32xf32, #tpu.memory_space<vmem>>
      %dma_wait3A_135 = arith.constant 0 : i32
      %dma_wait3A_136 = tpu.memref_slice %arg7[%dma_wait3A_129, %dma_wait3A_135] : memref<4x128xi32, #tpu.memory_space<vmem>> -> memref<1x128xi32, #tpu.memory_space<vmem>>
      %dma_wait3A_137 = tpu.memref_squeeze %dma_wait3A_136 : memref<1x128xi32, #tpu.memory_space<vmem>> -> memref<128xi32, #tpu.memory_space<vmem>>
      %dma_wait3A_138 = arith.constant 0 : i32
      %dma_wait3A_139 = arith.constant 0 : i32
      %dma_wait3A_140 = tpu.memref_slice %arg2[%dma_wait3A_138, %dma_wait3A_139] : memref<65536x32xf32, #tpu.memory_space<hbm>> -> memref<65536x32xf32, #tpu.memory_space<hbm>>
      tpu.wait_indirect_dma semaphore(%arg13 : memref<!tpu.dma_semaphore, #tpu.memory_space<semaphore_mem>>) src(%dma_wait3A_140 : memref<65536x32xf32, #tpu.memory_space<hbm>>) dst(%dma_wait3A_134 : memref<128x32xf32, #tpu.memory_space<vmem>>)
      %dma_wait3A_141 = arith.constant 1 : i32
      %dma_wait3A_142 = arith.constant 1 : i32
      %dma_wait3A_143 = arith.constant 0 : i32
      %dma_wait3A_144 = arith.constant 0 : i32
      %dma_wait3A_145 = tpu.memref_slice %arg9[%dma_wait3A_142, %dma_wait3A_143, %dma_wait3A_144] : memref<4x128x32xf32, #tpu.memory_space<vmem>> -> memref<1x128x32xf32, #tpu.memory_space<vmem>>
      %dma_wait3A_146 = tpu.memref_squeeze %dma_wait3A_145 : memref<1x128x32xf32, #tpu.memory_space<vmem>> -> memref<128x32xf32, #tpu.memory_space<vmem>>
      %dma_wait3A_147 = arith.constant 0 : i32
      %dma_wait3A_148 = tpu.memref_slice %arg7[%dma_wait3A_141, %dma_wait3A_147] : memref<4x128xi32, #tpu.memory_space<vmem>> -> memref<1x128xi32, #tpu.memory_space<vmem>>
      %dma_wait3A_149 = tpu.memref_squeeze %dma_wait3A_148 : memref<1x128xi32, #tpu.memory_space<vmem>> -> memref<128xi32, #tpu.memory_space<vmem>>
      %dma_wait3A_150 = arith.constant 0 : i32
      %dma_wait3A_151 = arith.constant 0 : i32
      %dma_wait3A_152 = tpu.memref_slice %arg2[%dma_wait3A_150, %dma_wait3A_151] : memref<65536x32xf32, #tpu.memory_space<hbm>> -> memref<65536x32xf32, #tpu.memory_space<hbm>>
      tpu.wait_indirect_dma semaphore(%arg13 : memref<!tpu.dma_semaphore, #tpu.memory_space<semaphore_mem>>) src(%dma_wait3A_152 : memref<65536x32xf32, #tpu.memory_space<hbm>>) dst(%dma_wait3A_146 : memref<128x32xf32, #tpu.memory_space<vmem>>)
      %dma_wait3A_153 = arith.constant 2 : i32
      %dma_wait3A_154 = arith.constant 2 : i32
      %dma_wait3A_155 = arith.constant 0 : i32
      %dma_wait3A_156 = arith.constant 0 : i32
      %dma_wait3A_157 = tpu.memref_slice %arg9[%dma_wait3A_154, %dma_wait3A_155, %dma_wait3A_156] : memref<4x128x32xf32, #tpu.memory_space<vmem>> -> memref<1x128x32xf32, #tpu.memory_space<vmem>>
      %dma_wait3A_158 = tpu.memref_squeeze %dma_wait3A_157 : memref<1x128x32xf32, #tpu.memory_space<vmem>> -> memref<128x32xf32, #tpu.memory_space<vmem>>
      %dma_wait3A_159 = arith.constant 0 : i32
      %dma_wait3A_160 = tpu.memref_slice %arg7[%dma_wait3A_153, %dma_wait3A_159] : memref<4x128xi32, #tpu.memory_space<vmem>> -> memref<1x128xi32, #tpu.memory_space<vmem>>
      %dma_wait3A_161 = tpu.memref_squeeze %dma_wait3A_160 : memref<1x128xi32, #tpu.memory_space<vmem>> -> memref<128xi32, #tpu.memory_space<vmem>>
      %dma_wait3A_162 = arith.constant 0 : i32
      %dma_wait3A_163 = arith.constant 0 : i32
      %dma_wait3A_164 = tpu.memref_slice %arg2[%dma_wait3A_162, %dma_wait3A_163] : memref<65536x32xf32, #tpu.memory_space<hbm>> -> memref<65536x32xf32, #tpu.memory_space<hbm>>
      tpu.wait_indirect_dma semaphore(%arg13 : memref<!tpu.dma_semaphore, #tpu.memory_space<semaphore_mem>>) src(%dma_wait3A_164 : memref<65536x32xf32, #tpu.memory_space<hbm>>) dst(%dma_wait3A_158 : memref<128x32xf32, #tpu.memory_space<vmem>>)
      %dma_wait3A_165 = arith.constant 3 : i32
      %dma_wait3A_166 = arith.constant 3 : i32
      %dma_wait3A_167 = arith.constant 0 : i32
      %dma_wait3A_168 = arith.constant 0 : i32
      %dma_wait3A_169 = tpu.memref_slice %arg9[%dma_wait3A_166, %dma_wait3A_167, %dma_wait3A_168] : memref<4x128x32xf32, #tpu.memory_space<vmem>> -> memref<1x128x32xf32, #tpu.memory_space<vmem>>
      %dma_wait3A_170 = tpu.memref_squeeze %dma_wait3A_169 : memref<1x128x32xf32, #tpu.memory_space<vmem>> -> memref<128x32xf32, #tpu.memory_space<vmem>>
      %dma_wait3A_171 = arith.constant 0 : i32
      %dma_wait3A_172 = tpu.memref_slice %arg7[%dma_wait3A_165, %dma_wait3A_171] : memref<4x128xi32, #tpu.memory_space<vmem>> -> memref<1x128xi32, #tpu.memory_space<vmem>>
      %dma_wait3A_173 = tpu.memref_squeeze %dma_wait3A_172 : memref<1x128xi32, #tpu.memory_space<vmem>> -> memref<128xi32, #tpu.memory_space<vmem>>
      %dma_wait3A_174 = arith.constant 0 : i32
      %dma_wait3A_175 = arith.constant 0 : i32
      %dma_wait3A_176 = tpu.memref_slice %arg2[%dma_wait3A_174, %dma_wait3A_175] : memref<65536x32xf32, #tpu.memory_space<hbm>> -> memref<65536x32xf32, #tpu.memory_space<hbm>>
      tpu.wait_indirect_dma semaphore(%arg13 : memref<!tpu.dma_semaphore, #tpu.memory_space<semaphore_mem>>) src(%dma_wait3A_176 : memref<65536x32xf32, #tpu.memory_space<hbm>>) dst(%dma_wait3A_170 : memref<128x32xf32, #tpu.memory_space<vmem>>)
      %run_scoped3A = arith.constant 0 : i32
      %run_scoped3A_177 = arith.constant 0 : i32
      "tpu.region"() ({
        %run_scoped3A_244 = tpu.sem_alloc : memref<!tpu.dma_semaphore, #tpu.memory_space<semaphore_mem>>
        %dma_start3A_245 = arith.constant 0 : i32
        %dma_start3A_246 = arith.constant 0 : i32
        %dma_start3A_247 = tpu.memref_slice %arg9[%run_scoped3A, %dma_start3A_245, %dma_start3A_246] : memref<4x128x32xf32, #tpu.memory_space<vmem>> -> memref<1x128x32xf32, #tpu.memory_space<vmem>>
        %dma_start3A_248 = tpu.memref_squeeze %dma_start3A_247 : memref<1x128x32xf32, #tpu.memory_space<vmem>> -> memref<128x32xf32, #tpu.memory_space<vmem>>
        %dma_start3A_249 = arith.constant 0 : i32
        %dma_start3A_250 = tpu.memref_slice %arg8[%run_scoped3A_177, %dma_start3A_249] : memref<4x128xi32, #tpu.memory_space<vmem>> -> memref<1x128xi32, #tpu.memory_space<vmem>>
        %dma_start3A_251 = tpu.memref_squeeze %dma_start3A_250 : memref<1x128xi32, #tpu.memory_space<vmem>> -> memref<128xi32, #tpu.memory_space<vmem>>
        %dma_start3A_252 = arith.constant 0 : i32
        %dma_start3A_253 = arith.constant 0 : i32
        %dma_start3A_254 = tpu.memref_slice %arg6[%dma_start3A_252, %dma_start3A_253] : memref<32768x32xf32, #tpu.memory_space<vmem_shared>> -> memref<32768x32xf32, #tpu.memory_space<vmem_shared>>
        tpu.enqueue_indirect_dma source(%dma_start3A_248 : memref<128x32xf32, #tpu.memory_space<vmem>>) target(%dma_start3A_254 : memref<32768x32xf32, #tpu.memory_space<vmem_shared>>) offsets(%dma_start3A_251 : memref<128xi32, #tpu.memory_space<vmem>>) semaphore(%run_scoped3A_244 : memref<!tpu.dma_semaphore, #tpu.memory_space<semaphore_mem>>) {add = true}
        %dma_wait3A_255 = arith.constant 0 : i32
        %dma_wait3A_256 = arith.constant 0 : i32
        %dma_wait3A_257 = tpu.memref_slice %arg9[%run_scoped3A, %dma_wait3A_255, %dma_wait3A_256] : memref<4x128x32xf32, #tpu.memory_space<vmem>> -> memref<1x128x32xf32, #tpu.memory_space<vmem>>
        %dma_wait3A_258 = tpu.memref_squeeze %dma_wait3A_257 : memref<1x128x32xf32, #tpu.memory_space<vmem>> -> memref<128x32xf32, #tpu.memory_space<vmem>>
        %dma_wait3A_259 = arith.constant 0 : i32
        %dma_wait3A_260 = tpu.memref_slice %arg8[%run_scoped3A_177, %dma_wait3A_259] : memref<4x128xi32, #tpu.memory_space<vmem>> -> memref<1x128xi32, #tpu.memory_space<vmem>>
        %dma_wait3A_261 = tpu.memref_squeeze %dma_wait3A_260 : memref<1x128xi32, #tpu.memory_space<vmem>> -> memref<128xi32, #tpu.memory_space<vmem>>
        %dma_wait3A_262 = arith.constant 0 : i32
        %dma_wait3A_263 = arith.constant 0 : i32
        %dma_wait3A_264 = tpu.memref_slice %arg6[%dma_wait3A_262, %dma_wait3A_263] : memref<32768x32xf32, #tpu.memory_space<vmem_shared>> -> memref<32768x32xf32, #tpu.memory_space<vmem_shared>>
        tpu.wait_indirect_dma semaphore(%run_scoped3A_244 : memref<!tpu.dma_semaphore, #tpu.memory_space<semaphore_mem>>) src(%dma_wait3A_258 : memref<128x32xf32, #tpu.memory_space<vmem>>) dst(%dma_wait3A_264 : memref<32768x32xf32, #tpu.memory_space<vmem_shared>>)
        tpu.yield
      }) : () -> ()
      %run_scoped3A_178 = arith.constant 1 : i32
      %run_scoped3A_179 = arith.constant 1 : i32
      "tpu.region"() ({
        %run_scoped3A_244 = tpu.sem_alloc : memref<!tpu.dma_semaphore, #tpu.memory_space<semaphore_mem>>
        %dma_start3A_245 = arith.constant 0 : i32
        %dma_start3A_246 = arith.constant 0 : i32
        %dma_start3A_247 = tpu.memref_slice %arg9[%run_scoped3A_178, %dma_start3A_245, %dma_start3A_246] : memref<4x128x32xf32, #tpu.memory_space<vmem>> -> memref<1x128x32xf32, #tpu.memory_space<vmem>>
        %dma_start3A_248 = tpu.memref_squeeze %dma_start3A_247 : memref<1x128x32xf32, #tpu.memory_space<vmem>> -> memref<128x32xf32, #tpu.memory_space<vmem>>
        %dma_start3A_249 = arith.constant 0 : i32
        %dma_start3A_250 = tpu.memref_slice %arg8[%run_scoped3A_179, %dma_start3A_249] : memref<4x128xi32, #tpu.memory_space<vmem>> -> memref<1x128xi32, #tpu.memory_space<vmem>>
        %dma_start3A_251 = tpu.memref_squeeze %dma_start3A_250 : memref<1x128xi32, #tpu.memory_space<vmem>> -> memref<128xi32, #tpu.memory_space<vmem>>
        %dma_start3A_252 = arith.constant 0 : i32
        %dma_start3A_253 = arith.constant 0 : i32
        %dma_start3A_254 = tpu.memref_slice %arg6[%dma_start3A_252, %dma_start3A_253] : memref<32768x32xf32, #tpu.memory_space<vmem_shared>> -> memref<32768x32xf32, #tpu.memory_space<vmem_shared>>
        tpu.enqueue_indirect_dma source(%dma_start3A_248 : memref<128x32xf32, #tpu.memory_space<vmem>>) target(%dma_start3A_254 : memref<32768x32xf32, #tpu.memory_space<vmem_shared>>) offsets(%dma_start3A_251 : memref<128xi32, #tpu.memory_space<vmem>>) semaphore(%run_scoped3A_244 : memref<!tpu.dma_semaphore, #tpu.memory_space<semaphore_mem>>) {add = true}
        %dma_wait3A_255 = arith.constant 0 : i32
        %dma_wait3A_256 = arith.constant 0 : i32
        %dma_wait3A_257 = tpu.memref_slice %arg9[%run_scoped3A_178, %dma_wait3A_255, %dma_wait3A_256] : memref<4x128x32xf32, #tpu.memory_space<vmem>> -> memref<1x128x32xf32, #tpu.memory_space<vmem>>
        %dma_wait3A_258 = tpu.memref_squeeze %dma_wait3A_257 : memref<1x128x32xf32, #tpu.memory_space<vmem>> -> memref<128x32xf32, #tpu.memory_space<vmem>>
        %dma_wait3A_259 = arith.constant 0 : i32
        %dma_wait3A_260 = tpu.memref_slice %arg8[%run_scoped3A_179, %dma_wait3A_259] : memref<4x128xi32, #tpu.memory_space<vmem>> -> memref<1x128xi32, #tpu.memory_space<vmem>>
        %dma_wait3A_261 = tpu.memref_squeeze %dma_wait3A_260 : memref<1x128xi32, #tpu.memory_space<vmem>> -> memref<128xi32, #tpu.memory_space<vmem>>
        %dma_wait3A_262 = arith.constant 0 : i32
        %dma_wait3A_263 = arith.constant 0 : i32
        %dma_wait3A_264 = tpu.memref_slice %arg6[%dma_wait3A_262, %dma_wait3A_263] : memref<32768x32xf32, #tpu.memory_space<vmem_shared>> -> memref<32768x32xf32, #tpu.memory_space<vmem_shared>>
        tpu.wait_indirect_dma semaphore(%run_scoped3A_244 : memref<!tpu.dma_semaphore, #tpu.memory_space<semaphore_mem>>) src(%dma_wait3A_258 : memref<128x32xf32, #tpu.memory_space<vmem>>) dst(%dma_wait3A_264 : memref<32768x32xf32, #tpu.memory_space<vmem_shared>>)
        tpu.yield
      }) : () -> ()
      %run_scoped3A_180 = arith.constant 2 : i32
      %run_scoped3A_181 = arith.constant 2 : i32
      "tpu.region"() ({
        %run_scoped3A_244 = tpu.sem_alloc : memref<!tpu.dma_semaphore, #tpu.memory_space<semaphore_mem>>
        %dma_start3A_245 = arith.constant 0 : i32
        %dma_start3A_246 = arith.constant 0 : i32
        %dma_start3A_247 = tpu.memref_slice %arg9[%run_scoped3A_180, %dma_start3A_245, %dma_start3A_246] : memref<4x128x32xf32, #tpu.memory_space<vmem>> -> memref<1x128x32xf32, #tpu.memory_space<vmem>>
        %dma_start3A_248 = tpu.memref_squeeze %dma_start3A_247 : memref<1x128x32xf32, #tpu.memory_space<vmem>> -> memref<128x32xf32, #tpu.memory_space<vmem>>
        %dma_start3A_249 = arith.constant 0 : i32
        %dma_start3A_250 = tpu.memref_slice %arg8[%run_scoped3A_181, %dma_start3A_249] : memref<4x128xi32, #tpu.memory_space<vmem>> -> memref<1x128xi32, #tpu.memory_space<vmem>>
        %dma_start3A_251 = tpu.memref_squeeze %dma_start3A_250 : memref<1x128xi32, #tpu.memory_space<vmem>> -> memref<128xi32, #tpu.memory_space<vmem>>
        %dma_start3A_252 = arith.constant 0 : i32
        %dma_start3A_253 = arith.constant 0 : i32
        %dma_start3A_254 = tpu.memref_slice %arg6[%dma_start3A_252, %dma_start3A_253] : memref<32768x32xf32, #tpu.memory_space<vmem_shared>> -> memref<32768x32xf32, #tpu.memory_space<vmem_shared>>
        tpu.enqueue_indirect_dma source(%dma_start3A_248 : memref<128x32xf32, #tpu.memory_space<vmem>>) target(%dma_start3A_254 : memref<32768x32xf32, #tpu.memory_space<vmem_shared>>) offsets(%dma_start3A_251 : memref<128xi32, #tpu.memory_space<vmem>>) semaphore(%run_scoped3A_244 : memref<!tpu.dma_semaphore, #tpu.memory_space<semaphore_mem>>) {add = true}
        %dma_wait3A_255 = arith.constant 0 : i32
        %dma_wait3A_256 = arith.constant 0 : i32
        %dma_wait3A_257 = tpu.memref_slice %arg9[%run_scoped3A_180, %dma_wait3A_255, %dma_wait3A_256] : memref<4x128x32xf32, #tpu.memory_space<vmem>> -> memref<1x128x32xf32, #tpu.memory_space<vmem>>
        %dma_wait3A_258 = tpu.memref_squeeze %dma_wait3A_257 : memref<1x128x32xf32, #tpu.memory_space<vmem>> -> memref<128x32xf32, #tpu.memory_space<vmem>>
        %dma_wait3A_259 = arith.constant 0 : i32
        %dma_wait3A_260 = tpu.memref_slice %arg8[%run_scoped3A_181, %dma_wait3A_259] : memref<4x128xi32, #tpu.memory_space<vmem>> -> memref<1x128xi32, #tpu.memory_space<vmem>>
        %dma_wait3A_261 = tpu.memref_squeeze %dma_wait3A_260 : memref<1x128xi32, #tpu.memory_space<vmem>> -> memref<128xi32, #tpu.memory_space<vmem>>
        %dma_wait3A_262 = arith.constant 0 : i32
        %dma_wait3A_263 = arith.constant 0 : i32
        %dma_wait3A_264 = tpu.memref_slice %arg6[%dma_wait3A_262, %dma_wait3A_263] : memref<32768x32xf32, #tpu.memory_space<vmem_shared>> -> memref<32768x32xf32, #tpu.memory_space<vmem_shared>>
        tpu.wait_indirect_dma semaphore(%run_scoped3A_244 : memref<!tpu.dma_semaphore, #tpu.memory_space<semaphore_mem>>) src(%dma_wait3A_258 : memref<128x32xf32, #tpu.memory_space<vmem>>) dst(%dma_wait3A_264 : memref<32768x32xf32, #tpu.memory_space<vmem_shared>>)
        tpu.yield
      }) : () -> ()
      %run_scoped3A_182 = arith.constant 3 : i32
      %run_scoped3A_183 = arith.constant 3 : i32
      "tpu.region"() ({
        %run_scoped3A_244 = tpu.sem_alloc : memref<!tpu.dma_semaphore, #tpu.memory_space<semaphore_mem>>
        %dma_start3A_245 = arith.constant 0 : i32
        %dma_start3A_246 = arith.constant 0 : i32
        %dma_start3A_247 = tpu.memref_slice %arg9[%run_scoped3A_182, %dma_start3A_245, %dma_start3A_246] : memref<4x128x32xf32, #tpu.memory_space<vmem>> -> memref<1x128x32xf32, #tpu.memory_space<vmem>>
        %dma_start3A_248 = tpu.memref_squeeze %dma_start3A_247 : memref<1x128x32xf32, #tpu.memory_space<vmem>> -> memref<128x32xf32, #tpu.memory_space<vmem>>
        %dma_start3A_249 = arith.constant 0 : i32
        %dma_start3A_250 = tpu.memref_slice %arg8[%run_scoped3A_183, %dma_start3A_249] : memref<4x128xi32, #tpu.memory_space<vmem>> -> memref<1x128xi32, #tpu.memory_space<vmem>>
        %dma_start3A_251 = tpu.memref_squeeze %dma_start3A_250 : memref<1x128xi32, #tpu.memory_space<vmem>> -> memref<128xi32, #tpu.memory_space<vmem>>
        %dma_start3A_252 = arith.constant 0 : i32
        %dma_start3A_253 = arith.constant 0 : i32
        %dma_start3A_254 = tpu.memref_slice %arg6[%dma_start3A_252, %dma_start3A_253] : memref<32768x32xf32, #tpu.memory_space<vmem_shared>> -> memref<32768x32xf32, #tpu.memory_space<vmem_shared>>
        tpu.enqueue_indirect_dma source(%dma_start3A_248 : memref<128x32xf32, #tpu.memory_space<vmem>>) target(%dma_start3A_254 : memref<32768x32xf32, #tpu.memory_space<vmem_shared>>) offsets(%dma_start3A_251 : memref<128xi32, #tpu.memory_space<vmem>>) semaphore(%run_scoped3A_244 : memref<!tpu.dma_semaphore, #tpu.memory_space<semaphore_mem>>) {add = true}
        %dma_wait3A_255 = arith.constant 0 : i32
        %dma_wait3A_256 = arith.constant 0 : i32
        %dma_wait3A_257 = tpu.memref_slice %arg9[%run_scoped3A_182, %dma_wait3A_255, %dma_wait3A_256] : memref<4x128x32xf32, #tpu.memory_space<vmem>> -> memref<1x128x32xf32, #tpu.memory_space<vmem>>
        %dma_wait3A_258 = tpu.memref_squeeze %dma_wait3A_257 : memref<1x128x32xf32, #tpu.memory_space<vmem>> -> memref<128x32xf32, #tpu.memory_space<vmem>>
        %dma_wait3A_259 = arith.constant 0 : i32
        %dma_wait3A_260 = tpu.memref_slice %arg8[%run_scoped3A_183, %dma_wait3A_259] : memref<4x128xi32, #tpu.memory_space<vmem>> -> memref<1x128xi32, #tpu.memory_space<vmem>>
        %dma_wait3A_261 = tpu.memref_squeeze %dma_wait3A_260 : memref<1x128xi32, #tpu.memory_space<vmem>> -> memref<128xi32, #tpu.memory_space<vmem>>
        %dma_wait3A_262 = arith.constant 0 : i32
        %dma_wait3A_263 = arith.constant 0 : i32
        %dma_wait3A_264 = tpu.memref_slice %arg6[%dma_wait3A_262, %dma_wait3A_263] : memref<32768x32xf32, #tpu.memory_space<vmem_shared>> -> memref<32768x32xf32, #tpu.memory_space<vmem_shared>>
        tpu.wait_indirect_dma semaphore(%run_scoped3A_244 : memref<!tpu.dma_semaphore, #tpu.memory_space<semaphore_mem>>) src(%dma_wait3A_258 : memref<128x32xf32, #tpu.memory_space<vmem>>) dst(%dma_wait3A_264 : memref<32768x32xf32, #tpu.memory_space<vmem_shared>>)
        tpu.yield
      }) : () -> ()
      %add3A_184 = arith.constant 2 : i32
      %add3A_185 = arith.addi %add3A_72, %add3A_184 : i32
      %lt3A = arith.constant 64 : i32
      %lt3A_186 = arith.cmpi slt, %add3A_185, %lt3A : i32
      %convert_element_type3A = arith.extui %lt3A_186 : i1 to i32
      %cond3A = arith.constant 0 : i32
      %cond3A_187 = arith.cmpi ne, %convert_element_type3A, %cond3A : i32
      scf.if %cond3A_187 {
        %add3A_244 = arith.constant 2 : i32
        %add3A_245 = arith.addi %add3A_72, %add3A_244 : i32
        %mul3A_246 = arith.constant 4 : i32
        %mul3A_247 = arith.muli %add3A_245, %mul3A_246 : i32
        %add3A_248 = arith.addi %mul3A_2, %mul3A_247 : i32
        "tpu.region"() ({
          %run_scoped3A_300 = tpu.sem_alloc : memref<!tpu.dma_semaphore, #tpu.memory_space<semaphore_mem>>
          %dma_start3A_301 = arith.constant 0 : i32
          %dma_start3A_302 = arith.constant 0 : i32
          %dma_start3A_303 = tpu.memref_slice %arg3[%arg0, %dma_start3A_301, %dma_start3A_302] : memref<2x4096x128xi32, #tpu.memory_space<hbm>> -> memref<1x4096x128xi32, #tpu.memory_space<hbm>>
          %dma_start3A_304 = tpu.memref_squeeze %dma_start3A_303 : memref<1x4096x128xi32, #tpu.memory_space<hbm>> -> memref<4096x128xi32, #tpu.memory_space<hbm>>
          %dma_start3A_305 = arith.constant 0 : i32
          %dma_start3A_306 = tpu.memref_slice %dma_start3A_304[%add3A_248, %dma_start3A_305] : memref<4096x128xi32, #tpu.memory_space<hbm>> -> memref<4x128xi32, #tpu.memory_space<hbm>>
          %dma_start3A_307 = arith.constant 0 : i32
          %dma_start3A_308 = arith.constant 0 : i32
          %dma_start3A_309 = tpu.memref_slice %arg3[%arg0, %dma_start3A_307, %dma_start3A_308] : memref<2x4096x128xi32, #tpu.memory_space<hbm>> -> memref<1x4096x128xi32, #tpu.memory_space<hbm>>
          %dma_start3A_310 = tpu.memref_squeeze %dma_start3A_309 : memref<1x4096x128xi32, #tpu.memory_space<hbm>> -> memref<4096x128xi32, #tpu.memory_space<hbm>>
          %dma_start3A_311 = arith.constant 0 : i32
          %dma_start3A_312 = tpu.memref_slice %dma_start3A_310[%add3A_248, %dma_start3A_311] : memref<4096x128xi32, #tpu.memory_space<hbm>> -> memref<4x128xi32, #tpu.memory_space<hbm>>
          tpu.enqueue_dma source(%dma_start3A_312 : memref<4x128xi32, #tpu.memory_space<hbm>>) target(%arg7 : memref<4x128xi32, #tpu.memory_space<vmem>>) target_semaphore(%run_scoped3A_300 : memref<!tpu.dma_semaphore, #tpu.memory_space<semaphore_mem>>)
          %dma_wait3A_313 = arith.constant 0 : i32
          %dma_wait3A_314 = arith.constant 0 : i32
          %dma_wait3A_315 = tpu.memref_slice %arg3[%arg0, %dma_wait3A_313, %dma_wait3A_314] : memref<2x4096x128xi32, #tpu.memory_space<hbm>> -> memref<1x4096x128xi32, #tpu.memory_space<hbm>>
          %dma_wait3A_316 = tpu.memref_squeeze %dma_wait3A_315 : memref<1x4096x128xi32, #tpu.memory_space<hbm>> -> memref<4096x128xi32, #tpu.memory_space<hbm>>
          %dma_wait3A_317 = arith.constant 0 : i32
          %dma_wait3A_318 = tpu.memref_slice %dma_wait3A_316[%add3A_248, %dma_wait3A_317] : memref<4096x128xi32, #tpu.memory_space<hbm>> -> memref<4x128xi32, #tpu.memory_space<hbm>>
          %dma_wait3A_319 = arith.constant 0 : i32
          %dma_wait3A_320 = arith.constant 0 : i32
          %dma_wait3A_321 = tpu.memref_slice %arg3[%arg0, %dma_wait3A_319, %dma_wait3A_320] : memref<2x4096x128xi32, #tpu.memory_space<hbm>> -> memref<1x4096x128xi32, #tpu.memory_space<hbm>>
          %dma_wait3A_322 = tpu.memref_squeeze %dma_wait3A_321 : memref<1x4096x128xi32, #tpu.memory_space<hbm>> -> memref<4096x128xi32, #tpu.memory_space<hbm>>
          %dma_wait3A_323 = arith.constant 0 : i32
          %dma_wait3A_324 = tpu.memref_slice %dma_wait3A_322[%add3A_248, %dma_wait3A_323] : memref<4096x128xi32, #tpu.memory_space<hbm>> -> memref<4x128xi32, #tpu.memory_space<hbm>>
          tpu.wait_dma2 semaphore(%run_scoped3A_300 : memref<!tpu.dma_semaphore, #tpu.memory_space<semaphore_mem>>) src(%dma_wait3A_324 : memref<4x128xi32, #tpu.memory_space<hbm>>) dst(%arg7 : memref<4x128xi32, #tpu.memory_space<vmem>>)
          tpu.yield
        }) : () -> ()
        %mul3A_249 = arith.constant 4 : i32
        %mul3A_250 = arith.muli %add3A_245, %mul3A_249 : i32
        %add3A_251 = arith.addi %mul3A_2, %mul3A_250 : i32
        "tpu.region"() ({
          %run_scoped3A_300 = tpu.sem_alloc : memref<!tpu.dma_semaphore, #tpu.memory_space<semaphore_mem>>
          %dma_start3A_301 = arith.constant 0 : i32
          %dma_start3A_302 = tpu.memref_slice %arg4[%add3A_251, %dma_start3A_301] : memref<4096x128xi32, #tpu.memory_space<hbm>> -> memref<4x128xi32, #tpu.memory_space<hbm>>
          %dma_start3A_303 = arith.constant 0 : i32
          %dma_start3A_304 = tpu.memref_slice %arg4[%add3A_251, %dma_start3A_303] : memref<4096x128xi32, #tpu.memory_space<hbm>> -> memref<4x128xi32, #tpu.memory_space<hbm>>
          tpu.enqueue_dma source(%dma_start3A_304 : memref<4x128xi32, #tpu.memory_space<hbm>>) target(%arg8 : memref<4x128xi32, #tpu.memory_space<vmem>>) target_semaphore(%run_scoped3A_300 : memref<!tpu.dma_semaphore, #tpu.memory_space<semaphore_mem>>)
          %dma_wait3A_305 = arith.constant 0 : i32
          %dma_wait3A_306 = tpu.memref_slice %arg4[%add3A_251, %dma_wait3A_305] : memref<4096x128xi32, #tpu.memory_space<hbm>> -> memref<4x128xi32, #tpu.memory_space<hbm>>
          %dma_wait3A_307 = arith.constant 0 : i32
          %dma_wait3A_308 = tpu.memref_slice %arg4[%add3A_251, %dma_wait3A_307] : memref<4096x128xi32, #tpu.memory_space<hbm>> -> memref<4x128xi32, #tpu.memory_space<hbm>>
          tpu.wait_dma2 semaphore(%run_scoped3A_300 : memref<!tpu.dma_semaphore, #tpu.memory_space<semaphore_mem>>) src(%dma_wait3A_308 : memref<4x128xi32, #tpu.memory_space<hbm>>) dst(%arg8 : memref<4x128xi32, #tpu.memory_space<vmem>>)
          tpu.yield
        }) : () -> ()
        %dma_start3A_252 = arith.constant 0 : i32
        %dma_start3A_253 = arith.constant 0 : i32
        %dma_start3A_254 = arith.constant 0 : i32
        %dma_start3A_255 = arith.constant 0 : i32
        %dma_start3A_256 = tpu.memref_slice %arg9[%dma_start3A_253, %dma_start3A_254, %dma_start3A_255] : memref<4x128x32xf32, #tpu.memory_space<vmem>> -> memref<1x128x32xf32, #tpu.memory_space<vmem>>
        %dma_start3A_257 = tpu.memref_squeeze %dma_start3A_256 : memref<1x128x32xf32, #tpu.memory_space<vmem>> -> memref<128x32xf32, #tpu.memory_space<vmem>>
        %dma_start3A_258 = arith.constant 0 : i32
        %dma_start3A_259 = tpu.memref_slice %arg7[%dma_start3A_252, %dma_start3A_258] : memref<4x128xi32, #tpu.memory_space<vmem>> -> memref<1x128xi32, #tpu.memory_space<vmem>>
        %dma_start3A_260 = tpu.memref_squeeze %dma_start3A_259 : memref<1x128xi32, #tpu.memory_space<vmem>> -> memref<128xi32, #tpu.memory_space<vmem>>
        %dma_start3A_261 = arith.constant 0 : i32
        %dma_start3A_262 = arith.constant 0 : i32
        %dma_start3A_263 = tpu.memref_slice %arg2[%dma_start3A_261, %dma_start3A_262] : memref<65536x32xf32, #tpu.memory_space<hbm>> -> memref<65536x32xf32, #tpu.memory_space<hbm>>
        tpu.enqueue_indirect_dma source(%dma_start3A_263 : memref<65536x32xf32, #tpu.memory_space<hbm>>) target(%dma_start3A_257 : memref<128x32xf32, #tpu.memory_space<vmem>>) offsets(%dma_start3A_260 : memref<128xi32, #tpu.memory_space<vmem>>) semaphore(%arg13 : memref<!tpu.dma_semaphore, #tpu.memory_space<semaphore_mem>>)
        %dma_start3A_264 = arith.constant 1 : i32
        %dma_start3A_265 = arith.constant 1 : i32
        %dma_start3A_266 = arith.constant 0 : i32
        %dma_start3A_267 = arith.constant 0 : i32
        %dma_start3A_268 = tpu.memref_slice %arg9[%dma_start3A_265, %dma_start3A_266, %dma_start3A_267] : memref<4x128x32xf32, #tpu.memory_space<vmem>> -> memref<1x128x32xf32, #tpu.memory_space<vmem>>
        %dma_start3A_269 = tpu.memref_squeeze %dma_start3A_268 : memref<1x128x32xf32, #tpu.memory_space<vmem>> -> memref<128x32xf32, #tpu.memory_space<vmem>>
        %dma_start3A_270 = arith.constant 0 : i32
        %dma_start3A_271 = tpu.memref_slice %arg7[%dma_start3A_264, %dma_start3A_270] : memref<4x128xi32, #tpu.memory_space<vmem>> -> memref<1x128xi32, #tpu.memory_space<vmem>>
        %dma_start3A_272 = tpu.memref_squeeze %dma_start3A_271 : memref<1x128xi32, #tpu.memory_space<vmem>> -> memref<128xi32, #tpu.memory_space<vmem>>
        %dma_start3A_273 = arith.constant 0 : i32
        %dma_start3A_274 = arith.constant 0 : i32
        %dma_start3A_275 = tpu.memref_slice %arg2[%dma_start3A_273, %dma_start3A_274] : memref<65536x32xf32, #tpu.memory_space<hbm>> -> memref<65536x32xf32, #tpu.memory_space<hbm>>
        tpu.enqueue_indirect_dma source(%dma_start3A_275 : memref<65536x32xf32, #tpu.memory_space<hbm>>) target(%dma_start3A_269 : memref<128x32xf32, #tpu.memory_space<vmem>>) offsets(%dma_start3A_272 : memref<128xi32, #tpu.memory_space<vmem>>) semaphore(%arg13 : memref<!tpu.dma_semaphore, #tpu.memory_space<semaphore_mem>>)
        %dma_start3A_276 = arith.constant 2 : i32
        %dma_start3A_277 = arith.constant 2 : i32
        %dma_start3A_278 = arith.constant 0 : i32
        %dma_start3A_279 = arith.constant 0 : i32
        %dma_start3A_280 = tpu.memref_slice %arg9[%dma_start3A_277, %dma_start3A_278, %dma_start3A_279] : memref<4x128x32xf32, #tpu.memory_space<vmem>> -> memref<1x128x32xf32, #tpu.memory_space<vmem>>
        %dma_start3A_281 = tpu.memref_squeeze %dma_start3A_280 : memref<1x128x32xf32, #tpu.memory_space<vmem>> -> memref<128x32xf32, #tpu.memory_space<vmem>>
        %dma_start3A_282 = arith.constant 0 : i32
        %dma_start3A_283 = tpu.memref_slice %arg7[%dma_start3A_276, %dma_start3A_282] : memref<4x128xi32, #tpu.memory_space<vmem>> -> memref<1x128xi32, #tpu.memory_space<vmem>>
        %dma_start3A_284 = tpu.memref_squeeze %dma_start3A_283 : memref<1x128xi32, #tpu.memory_space<vmem>> -> memref<128xi32, #tpu.memory_space<vmem>>
        %dma_start3A_285 = arith.constant 0 : i32
        %dma_start3A_286 = arith.constant 0 : i32
        %dma_start3A_287 = tpu.memref_slice %arg2[%dma_start3A_285, %dma_start3A_286] : memref<65536x32xf32, #tpu.memory_space<hbm>> -> memref<65536x32xf32, #tpu.memory_space<hbm>>
        tpu.enqueue_indirect_dma source(%dma_start3A_287 : memref<65536x32xf32, #tpu.memory_space<hbm>>) target(%dma_start3A_281 : memref<128x32xf32, #tpu.memory_space<vmem>>) offsets(%dma_start3A_284 : memref<128xi32, #tpu.memory_space<vmem>>) semaphore(%arg13 : memref<!tpu.dma_semaphore, #tpu.memory_space<semaphore_mem>>)
        %dma_start3A_288 = arith.constant 3 : i32
        %dma_start3A_289 = arith.constant 3 : i32
        %dma_start3A_290 = arith.constant 0 : i32
        %dma_start3A_291 = arith.constant 0 : i32
        %dma_start3A_292 = tpu.memref_slice %arg9[%dma_start3A_289, %dma_start3A_290, %dma_start3A_291] : memref<4x128x32xf32, #tpu.memory_space<vmem>> -> memref<1x128x32xf32, #tpu.memory_space<vmem>>
        %dma_start3A_293 = tpu.memref_squeeze %dma_start3A_292 : memref<1x128x32xf32, #tpu.memory_space<vmem>> -> memref<128x32xf32, #tpu.memory_space<vmem>>
        %dma_start3A_294 = arith.constant 0 : i32
        %dma_start3A_295 = tpu.memref_slice %arg7[%dma_start3A_288, %dma_start3A_294] : memref<4x128xi32, #tpu.memory_space<vmem>> -> memref<1x128xi32, #tpu.memory_space<vmem>>
        %dma_start3A_296 = tpu.memref_squeeze %dma_start3A_295 : memref<1x128xi32, #tpu.memory_space<vmem>> -> memref<128xi32, #tpu.memory_space<vmem>>
        %dma_start3A_297 = arith.constant 0 : i32
        %dma_start3A_298 = arith.constant 0 : i32
        %dma_start3A_299 = tpu.memref_slice %arg2[%dma_start3A_297, %dma_start3A_298] : memref<65536x32xf32, #tpu.memory_space<hbm>> -> memref<65536x32xf32, #tpu.memory_space<hbm>>
        tpu.enqueue_indirect_dma source(%dma_start3A_299 : memref<65536x32xf32, #tpu.memory_space<hbm>>) target(%dma_start3A_293 : memref<128x32xf32, #tpu.memory_space<vmem>>) offsets(%dma_start3A_296 : memref<128xi32, #tpu.memory_space<vmem>>) semaphore(%arg13 : memref<!tpu.dma_semaphore, #tpu.memory_space<semaphore_mem>>)
      } else {
      }
      %dma_wait3A_188 = arith.constant 0 : i32
      %dma_wait3A_189 = arith.constant 0 : i32
      %dma_wait3A_190 = arith.constant 0 : i32
      %dma_wait3A_191 = arith.constant 0 : i32
      %dma_wait3A_192 = tpu.memref_slice %arg12[%dma_wait3A_189, %dma_wait3A_190, %dma_wait3A_191] : memref<4x128x32xf32, #tpu.memory_space<vmem>> -> memref<1x128x32xf32, #tpu.memory_space<vmem>>
      %dma_wait3A_193 = tpu.memref_squeeze %dma_wait3A_192 : memref<1x128x32xf32, #tpu.memory_space<vmem>> -> memref<128x32xf32, #tpu.memory_space<vmem>>
      %dma_wait3A_194 = arith.constant 0 : i32
      %dma_wait3A_195 = tpu.memref_slice %arg10[%dma_wait3A_188, %dma_wait3A_194] : memref<4x128xi32, #tpu.memory_space<vmem>> -> memref<1x128xi32, #tpu.memory_space<vmem>>
      %dma_wait3A_196 = tpu.memref_squeeze %dma_wait3A_195 : memref<1x128xi32, #tpu.memory_space<vmem>> -> memref<128xi32, #tpu.memory_space<vmem>>
      %dma_wait3A_197 = arith.constant 0 : i32
      %dma_wait3A_198 = arith.constant 0 : i32
      %dma_wait3A_199 = tpu.memref_slice %arg2[%dma_wait3A_197, %dma_wait3A_198] : memref<65536x32xf32, #tpu.memory_space<hbm>> -> memref<65536x32xf32, #tpu.memory_space<hbm>>
      tpu.wait_indirect_dma semaphore(%arg14 : memref<!tpu.dma_semaphore, #tpu.memory_space<semaphore_mem>>) src(%dma_wait3A_199 : memref<65536x32xf32, #tpu.memory_space<hbm>>) dst(%dma_wait3A_193 : memref<128x32xf32, #tpu.memory_space<vmem>>)
      %dma_wait3A_200 = arith.constant 1 : i32
      %dma_wait3A_201 = arith.constant 1 : i32
      %dma_wait3A_202 = arith.constant 0 : i32
      %dma_wait3A_203 = arith.constant 0 : i32
      %dma_wait3A_204 = tpu.memref_slice %arg12[%dma_wait3A_201, %dma_wait3A_202, %dma_wait3A_203] : memref<4x128x32xf32, #tpu.memory_space<vmem>> -> memref<1x128x32xf32, #tpu.memory_space<vmem>>
      %dma_wait3A_205 = tpu.memref_squeeze %dma_wait3A_204 : memref<1x128x32xf32, #tpu.memory_space<vmem>> -> memref<128x32xf32, #tpu.memory_space<vmem>>
      %dma_wait3A_206 = arith.constant 0 : i32
      %dma_wait3A_207 = tpu.memref_slice %arg10[%dma_wait3A_200, %dma_wait3A_206] : memref<4x128xi32, #tpu.memory_space<vmem>> -> memref<1x128xi32, #tpu.memory_space<vmem>>
      %dma_wait3A_208 = tpu.memref_squeeze %dma_wait3A_207 : memref<1x128xi32, #tpu.memory_space<vmem>> -> memref<128xi32, #tpu.memory_space<vmem>>
      %dma_wait3A_209 = arith.constant 0 : i32
      %dma_wait3A_210 = arith.constant 0 : i32
      %dma_wait3A_211 = tpu.memref_slice %arg2[%dma_wait3A_209, %dma_wait3A_210] : memref<65536x32xf32, #tpu.memory_space<hbm>> -> memref<65536x32xf32, #tpu.memory_space<hbm>>
      tpu.wait_indirect_dma semaphore(%arg14 : memref<!tpu.dma_semaphore, #tpu.memory_space<semaphore_mem>>) src(%dma_wait3A_211 : memref<65536x32xf32, #tpu.memory_space<hbm>>) dst(%dma_wait3A_205 : memref<128x32xf32, #tpu.memory_space<vmem>>)
      %dma_wait3A_212 = arith.constant 2 : i32
      %dma_wait3A_213 = arith.constant 2 : i32
      %dma_wait3A_214 = arith.constant 0 : i32
      %dma_wait3A_215 = arith.constant 0 : i32
      %dma_wait3A_216 = tpu.memref_slice %arg12[%dma_wait3A_213, %dma_wait3A_214, %dma_wait3A_215] : memref<4x128x32xf32, #tpu.memory_space<vmem>> -> memref<1x128x32xf32, #tpu.memory_space<vmem>>
      %dma_wait3A_217 = tpu.memref_squeeze %dma_wait3A_216 : memref<1x128x32xf32, #tpu.memory_space<vmem>> -> memref<128x32xf32, #tpu.memory_space<vmem>>
      %dma_wait3A_218 = arith.constant 0 : i32
      %dma_wait3A_219 = tpu.memref_slice %arg10[%dma_wait3A_212, %dma_wait3A_218] : memref<4x128xi32, #tpu.memory_space<vmem>> -> memref<1x128xi32, #tpu.memory_space<vmem>>
      %dma_wait3A_220 = tpu.memref_squeeze %dma_wait3A_219 : memref<1x128xi32, #tpu.memory_space<vmem>> -> memref<128xi32, #tpu.memory_space<vmem>>
      %dma_wait3A_221 = arith.constant 0 : i32
      %dma_wait3A_222 = arith.constant 0 : i32
      %dma_wait3A_223 = tpu.memref_slice %arg2[%dma_wait3A_221, %dma_wait3A_222] : memref<65536x32xf32, #tpu.memory_space<hbm>> -> memref<65536x32xf32, #tpu.memory_space<hbm>>
      tpu.wait_indirect_dma semaphore(%arg14 : memref<!tpu.dma_semaphore, #tpu.memory_space<semaphore_mem>>) src(%dma_wait3A_223 : memref<65536x32xf32, #tpu.memory_space<hbm>>) dst(%dma_wait3A_217 : memref<128x32xf32, #tpu.memory_space<vmem>>)
      %dma_wait3A_224 = arith.constant 3 : i32
      %dma_wait3A_225 = arith.constant 3 : i32
      %dma_wait3A_226 = arith.constant 0 : i32
      %dma_wait3A_227 = arith.constant 0 : i32
      %dma_wait3A_228 = tpu.memref_slice %arg12[%dma_wait3A_225, %dma_wait3A_226, %dma_wait3A_227] : memref<4x128x32xf32, #tpu.memory_space<vmem>> -> memref<1x128x32xf32, #tpu.memory_space<vmem>>
      %dma_wait3A_229 = tpu.memref_squeeze %dma_wait3A_228 : memref<1x128x32xf32, #tpu.memory_space<vmem>> -> memref<128x32xf32, #tpu.memory_space<vmem>>
      %dma_wait3A_230 = arith.constant 0 : i32
      %dma_wait3A_231 = tpu.memref_slice %arg10[%dma_wait3A_224, %dma_wait3A_230] : memref<4x128xi32, #tpu.memory_space<vmem>> -> memref<1x128xi32, #tpu.memory_space<vmem>>
      %dma_wait3A_232 = tpu.memref_squeeze %dma_wait3A_231 : memref<1x128xi32, #tpu.memory_space<vmem>> -> memref<128xi32, #tpu.memory_space<vmem>>
      %dma_wait3A_233 = arith.constant 0 : i32
      %dma_wait3A_234 = arith.constant 0 : i32
      %dma_wait3A_235 = tpu.memref_slice %arg2[%dma_wait3A_233, %dma_wait3A_234] : memref<65536x32xf32, #tpu.memory_space<hbm>> -> memref<65536x32xf32, #tpu.memory_space<hbm>>
      tpu.wait_indirect_dma semaphore(%arg14 : memref<!tpu.dma_semaphore, #tpu.memory_space<semaphore_mem>>) src(%dma_wait3A_235 : memref<65536x32xf32, #tpu.memory_space<hbm>>) dst(%dma_wait3A_229 : memref<128x32xf32, #tpu.memory_space<vmem>>)
      %run_scoped3A_236 = arith.constant 0 : i32
      %run_scoped3A_237 = arith.constant 0 : i32
      "tpu.region"() ({
        %run_scoped3A_244 = tpu.sem_alloc : memref<!tpu.dma_semaphore, #tpu.memory_space<semaphore_mem>>
        %dma_start3A_245 = arith.constant 0 : i32
        %dma_start3A_246 = arith.constant 0 : i32
        %dma_start3A_247 = tpu.memref_slice %arg12[%run_scoped3A_236, %dma_start3A_245, %dma_start3A_246] : memref<4x128x32xf32, #tpu.memory_space<vmem>> -> memref<1x128x32xf32, #tpu.memory_space<vmem>>
        %dma_start3A_248 = tpu.memref_squeeze %dma_start3A_247 : memref<1x128x32xf32, #tpu.memory_space<vmem>> -> memref<128x32xf32, #tpu.memory_space<vmem>>
        %dma_start3A_249 = arith.constant 0 : i32
        %dma_start3A_250 = tpu.memref_slice %arg11[%run_scoped3A_237, %dma_start3A_249] : memref<4x128xi32, #tpu.memory_space<vmem>> -> memref<1x128xi32, #tpu.memory_space<vmem>>
        %dma_start3A_251 = tpu.memref_squeeze %dma_start3A_250 : memref<1x128xi32, #tpu.memory_space<vmem>> -> memref<128xi32, #tpu.memory_space<vmem>>
        %dma_start3A_252 = arith.constant 0 : i32
        %dma_start3A_253 = arith.constant 0 : i32
        %dma_start3A_254 = tpu.memref_slice %arg6[%dma_start3A_252, %dma_start3A_253] : memref<32768x32xf32, #tpu.memory_space<vmem_shared>> -> memref<32768x32xf32, #tpu.memory_space<vmem_shared>>
        tpu.enqueue_indirect_dma source(%dma_start3A_248 : memref<128x32xf32, #tpu.memory_space<vmem>>) target(%dma_start3A_254 : memref<32768x32xf32, #tpu.memory_space<vmem_shared>>) offsets(%dma_start3A_251 : memref<128xi32, #tpu.memory_space<vmem>>) semaphore(%run_scoped3A_244 : memref<!tpu.dma_semaphore, #tpu.memory_space<semaphore_mem>>) {add = true}
        %dma_wait3A_255 = arith.constant 0 : i32
        %dma_wait3A_256 = arith.constant 0 : i32
        %dma_wait3A_257 = tpu.memref_slice %arg12[%run_scoped3A_236, %dma_wait3A_255, %dma_wait3A_256] : memref<4x128x32xf32, #tpu.memory_space<vmem>> -> memref<1x128x32xf32, #tpu.memory_space<vmem>>
        %dma_wait3A_258 = tpu.memref_squeeze %dma_wait3A_257 : memref<1x128x32xf32, #tpu.memory_space<vmem>> -> memref<128x32xf32, #tpu.memory_space<vmem>>
        %dma_wait3A_259 = arith.constant 0 : i32
        %dma_wait3A_260 = tpu.memref_slice %arg11[%run_scoped3A_237, %dma_wait3A_259] : memref<4x128xi32, #tpu.memory_space<vmem>> -> memref<1x128xi32, #tpu.memory_space<vmem>>
        %dma_wait3A_261 = tpu.memref_squeeze %dma_wait3A_260 : memref<1x128xi32, #tpu.memory_space<vmem>> -> memref<128xi32, #tpu.memory_space<vmem>>
        %dma_wait3A_262 = arith.constant 0 : i32
        %dma_wait3A_263 = arith.constant 0 : i32
        %dma_wait3A_264 = tpu.memref_slice %arg6[%dma_wait3A_262, %dma_wait3A_263] : memref<32768x32xf32, #tpu.memory_space<vmem_shared>> -> memref<32768x32xf32, #tpu.memory_space<vmem_shared>>
        tpu.wait_indirect_dma semaphore(%run_scoped3A_244 : memref<!tpu.dma_semaphore, #tpu.memory_space<semaphore_mem>>) src(%dma_wait3A_258 : memref<128x32xf32, #tpu.memory_space<vmem>>) dst(%dma_wait3A_264 : memref<32768x32xf32, #tpu.memory_space<vmem_shared>>)
        tpu.yield
      }) : () -> ()
      %run_scoped3A_238 = arith.constant 1 : i32
      %run_scoped3A_239 = arith.constant 1 : i32
      "tpu.region"() ({
        %run_scoped3A_244 = tpu.sem_alloc : memref<!tpu.dma_semaphore, #tpu.memory_space<semaphore_mem>>
        %dma_start3A_245 = arith.constant 0 : i32
        %dma_start3A_246 = arith.constant 0 : i32
        %dma_start3A_247 = tpu.memref_slice %arg12[%run_scoped3A_238, %dma_start3A_245, %dma_start3A_246] : memref<4x128x32xf32, #tpu.memory_space<vmem>> -> memref<1x128x32xf32, #tpu.memory_space<vmem>>
        %dma_start3A_248 = tpu.memref_squeeze %dma_start3A_247 : memref<1x128x32xf32, #tpu.memory_space<vmem>> -> memref<128x32xf32, #tpu.memory_space<vmem>>
        %dma_start3A_249 = arith.constant 0 : i32
        %dma_start3A_250 = tpu.memref_slice %arg11[%run_scoped3A_239, %dma_start3A_249] : memref<4x128xi32, #tpu.memory_space<vmem>> -> memref<1x128xi32, #tpu.memory_space<vmem>>
        %dma_start3A_251 = tpu.memref_squeeze %dma_start3A_250 : memref<1x128xi32, #tpu.memory_space<vmem>> -> memref<128xi32, #tpu.memory_space<vmem>>
        %dma_start3A_252 = arith.constant 0 : i32
        %dma_start3A_253 = arith.constant 0 : i32
        %dma_start3A_254 = tpu.memref_slice %arg6[%dma_start3A_252, %dma_start3A_253] : memref<32768x32xf32, #tpu.memory_space<vmem_shared>> -> memref<32768x32xf32, #tpu.memory_space<vmem_shared>>
        tpu.enqueue_indirect_dma source(%dma_start3A_248 : memref<128x32xf32, #tpu.memory_space<vmem>>) target(%dma_start3A_254 : memref<32768x32xf32, #tpu.memory_space<vmem_shared>>) offsets(%dma_start3A_251 : memref<128xi32, #tpu.memory_space<vmem>>) semaphore(%run_scoped3A_244 : memref<!tpu.dma_semaphore, #tpu.memory_space<semaphore_mem>>) {add = true}
        %dma_wait3A_255 = arith.constant 0 : i32
        %dma_wait3A_256 = arith.constant 0 : i32
        %dma_wait3A_257 = tpu.memref_slice %arg12[%run_scoped3A_238, %dma_wait3A_255, %dma_wait3A_256] : memref<4x128x32xf32, #tpu.memory_space<vmem>> -> memref<1x128x32xf32, #tpu.memory_space<vmem>>
        %dma_wait3A_258 = tpu.memref_squeeze %dma_wait3A_257 : memref<1x128x32xf32, #tpu.memory_space<vmem>> -> memref<128x32xf32, #tpu.memory_space<vmem>>
        %dma_wait3A_259 = arith.constant 0 : i32
        %dma_wait3A_260 = tpu.memref_slice %arg11[%run_scoped3A_239, %dma_wait3A_259] : memref<4x128xi32, #tpu.memory_space<vmem>> -> memref<1x128xi32, #tpu.memory_space<vmem>>
        %dma_wait3A_261 = tpu.memref_squeeze %dma_wait3A_260 : memref<1x128xi32, #tpu.memory_space<vmem>> -> memref<128xi32, #tpu.memory_space<vmem>>
        %dma_wait3A_262 = arith.constant 0 : i32
        %dma_wait3A_263 = arith.constant 0 : i32
        %dma_wait3A_264 = tpu.memref_slice %arg6[%dma_wait3A_262, %dma_wait3A_263] : memref<32768x32xf32, #tpu.memory_space<vmem_shared>> -> memref<32768x32xf32, #tpu.memory_space<vmem_shared>>
        tpu.wait_indirect_dma semaphore(%run_scoped3A_244 : memref<!tpu.dma_semaphore, #tpu.memory_space<semaphore_mem>>) src(%dma_wait3A_258 : memref<128x32xf32, #tpu.memory_space<vmem>>) dst(%dma_wait3A_264 : memref<32768x32xf32, #tpu.memory_space<vmem_shared>>)
        tpu.yield
      }) : () -> ()
      %run_scoped3A_240 = arith.constant 2 : i32
      %run_scoped3A_241 = arith.constant 2 : i32
      "tpu.region"() ({
        %run_scoped3A_244 = tpu.sem_alloc : memref<!tpu.dma_semaphore, #tpu.memory_space<semaphore_mem>>
        %dma_start3A_245 = arith.constant 0 : i32
        %dma_start3A_246 = arith.constant 0 : i32
        %dma_start3A_247 = tpu.memref_slice %arg12[%run_scoped3A_240, %dma_start3A_245, %dma_start3A_246] : memref<4x128x32xf32, #tpu.memory_space<vmem>> -> memref<1x128x32xf32, #tpu.memory_space<vmem>>
        %dma_start3A_248 = tpu.memref_squeeze %dma_start3A_247 : memref<1x128x32xf32, #tpu.memory_space<vmem>> -> memref<128x32xf32, #tpu.memory_space<vmem>>
        %dma_start3A_249 = arith.constant 0 : i32
        %dma_start3A_250 = tpu.memref_slice %arg11[%run_scoped3A_241, %dma_start3A_249] : memref<4x128xi32, #tpu.memory_space<vmem>> -> memref<1x128xi32, #tpu.memory_space<vmem>>
        %dma_start3A_251 = tpu.memref_squeeze %dma_start3A_250 : memref<1x128xi32, #tpu.memory_space<vmem>> -> memref<128xi32, #tpu.memory_space<vmem>>
        %dma_start3A_252 = arith.constant 0 : i32
        %dma_start3A_253 = arith.constant 0 : i32
        %dma_start3A_254 = tpu.memref_slice %arg6[%dma_start3A_252, %dma_start3A_253] : memref<32768x32xf32, #tpu.memory_space<vmem_shared>> -> memref<32768x32xf32, #tpu.memory_space<vmem_shared>>
        tpu.enqueue_indirect_dma source(%dma_start3A_248 : memref<128x32xf32, #tpu.memory_space<vmem>>) target(%dma_start3A_254 : memref<32768x32xf32, #tpu.memory_space<vmem_shared>>) offsets(%dma_start3A_251 : memref<128xi32, #tpu.memory_space<vmem>>) semaphore(%run_scoped3A_244 : memref<!tpu.dma_semaphore, #tpu.memory_space<semaphore_mem>>) {add = true}
        %dma_wait3A_255 = arith.constant 0 : i32
        %dma_wait3A_256 = arith.constant 0 : i32
        %dma_wait3A_257 = tpu.memref_slice %arg12[%run_scoped3A_240, %dma_wait3A_255, %dma_wait3A_256] : memref<4x128x32xf32, #tpu.memory_space<vmem>> -> memref<1x128x32xf32, #tpu.memory_space<vmem>>
        %dma_wait3A_258 = tpu.memref_squeeze %dma_wait3A_257 : memref<1x128x32xf32, #tpu.memory_space<vmem>> -> memref<128x32xf32, #tpu.memory_space<vmem>>
        %dma_wait3A_259 = arith.constant 0 : i32
        %dma_wait3A_260 = tpu.memref_slice %arg11[%run_scoped3A_241, %dma_wait3A_259] : memref<4x128xi32, #tpu.memory_space<vmem>> -> memref<1x128xi32, #tpu.memory_space<vmem>>
        %dma_wait3A_261 = tpu.memref_squeeze %dma_wait3A_260 : memref<1x128xi32, #tpu.memory_space<vmem>> -> memref<128xi32, #tpu.memory_space<vmem>>
        %dma_wait3A_262 = arith.constant 0 : i32
        %dma_wait3A_263 = arith.constant 0 : i32
        %dma_wait3A_264 = tpu.memref_slice %arg6[%dma_wait3A_262, %dma_wait3A_263] : memref<32768x32xf32, #tpu.memory_space<vmem_shared>> -> memref<32768x32xf32, #tpu.memory_space<vmem_shared>>
        tpu.wait_indirect_dma semaphore(%run_scoped3A_244 : memref<!tpu.dma_semaphore, #tpu.memory_space<semaphore_mem>>) src(%dma_wait3A_258 : memref<128x32xf32, #tpu.memory_space<vmem>>) dst(%dma_wait3A_264 : memref<32768x32xf32, #tpu.memory_space<vmem_shared>>)
        tpu.yield
      }) : () -> ()
      %run_scoped3A_242 = arith.constant 3 : i32
      %run_scoped3A_243 = arith.constant 3 : i32
      "tpu.region"() ({
        %run_scoped3A_244 = tpu.sem_alloc : memref<!tpu.dma_semaphore, #tpu.memory_space<semaphore_mem>>
        %dma_start3A_245 = arith.constant 0 : i32
        %dma_start3A_246 = arith.constant 0 : i32
        %dma_start3A_247 = tpu.memref_slice %arg12[%run_scoped3A_242, %dma_start3A_245, %dma_start3A_246] : memref<4x128x32xf32, #tpu.memory_space<vmem>> -> memref<1x128x32xf32, #tpu.memory_space<vmem>>
        %dma_start3A_248 = tpu.memref_squeeze %dma_start3A_247 : memref<1x128x32xf32, #tpu.memory_space<vmem>> -> memref<128x32xf32, #tpu.memory_space<vmem>>
        %dma_start3A_249 = arith.constant 0 : i32
        %dma_start3A_250 = tpu.memref_slice %arg11[%run_scoped3A_243, %dma_start3A_249] : memref<4x128xi32, #tpu.memory_space<vmem>> -> memref<1x128xi32, #tpu.memory_space<vmem>>
        %dma_start3A_251 = tpu.memref_squeeze %dma_start3A_250 : memref<1x128xi32, #tpu.memory_space<vmem>> -> memref<128xi32, #tpu.memory_space<vmem>>
        %dma_start3A_252 = arith.constant 0 : i32
        %dma_start3A_253 = arith.constant 0 : i32
        %dma_start3A_254 = tpu.memref_slice %arg6[%dma_start3A_252, %dma_start3A_253] : memref<32768x32xf32, #tpu.memory_space<vmem_shared>> -> memref<32768x32xf32, #tpu.memory_space<vmem_shared>>
        tpu.enqueue_indirect_dma source(%dma_start3A_248 : memref<128x32xf32, #tpu.memory_space<vmem>>) target(%dma_start3A_254 : memref<32768x32xf32, #tpu.memory_space<vmem_shared>>) offsets(%dma_start3A_251 : memref<128xi32, #tpu.memory_space<vmem>>) semaphore(%run_scoped3A_244 : memref<!tpu.dma_semaphore, #tpu.memory_space<semaphore_mem>>) {add = true}
        %dma_wait3A_255 = arith.constant 0 : i32
        %dma_wait3A_256 = arith.constant 0 : i32
        %dma_wait3A_257 = tpu.memref_slice %arg12[%run_scoped3A_242, %dma_wait3A_255, %dma_wait3A_256] : memref<4x128x32xf32, #tpu.memory_space<vmem>> -> memref<1x128x32xf32, #tpu.memory_space<vmem>>
        %dma_wait3A_258 = tpu.memref_squeeze %dma_wait3A_257 : memref<1x128x32xf32, #tpu.memory_space<vmem>> -> memref<128x32xf32, #tpu.memory_space<vmem>>
        %dma_wait3A_259 = arith.constant 0 : i32
        %dma_wait3A_260 = tpu.memref_slice %arg11[%run_scoped3A_243, %dma_wait3A_259] : memref<4x128xi32, #tpu.memory_space<vmem>> -> memref<1x128xi32, #tpu.memory_space<vmem>>
        %dma_wait3A_261 = tpu.memref_squeeze %dma_wait3A_260 : memref<1x128xi32, #tpu.memory_space<vmem>> -> memref<128xi32, #tpu.memory_space<vmem>>
        %dma_wait3A_262 = arith.constant 0 : i32
        %dma_wait3A_263 = arith.constant 0 : i32
        %dma_wait3A_264 = tpu.memref_slice %arg6[%dma_wait3A_262, %dma_wait3A_263] : memref<32768x32xf32, #tpu.memory_space<vmem_shared>> -> memref<32768x32xf32, #tpu.memory_space<vmem_shared>>
        tpu.wait_indirect_dma semaphore(%run_scoped3A_244 : memref<!tpu.dma_semaphore, #tpu.memory_space<semaphore_mem>>) src(%dma_wait3A_258 : memref<128x32xf32, #tpu.memory_space<vmem>>) dst(%dma_wait3A_264 : memref<32768x32xf32, #tpu.memory_space<vmem_shared>>)
        tpu.yield
      }) : () -> ()
    }
    %scan3A_66 = arith.constant 32 : i32
    %barrier3A_67 = arith.constant 0 : index
    tpu.barrier barrier_id(%barrier3A_67)
    "tpu.region"() ({
      %run_scoped3A = tpu.sem_alloc : memref<!tpu.dma_semaphore, #tpu.memory_space<semaphore_mem>>
      %dma_start3A_68 = arith.constant 0 : i32
      %dma_start3A_69 = arith.constant 0 : i32
      %dma_start3A_70 = tpu.memref_slice %arg5[%arg0, %dma_start3A_68, %dma_start3A_69] : memref<2x32768x32xf32, #tpu.memory_space<hbm>> -> memref<1x32768x32xf32, #tpu.memory_space<hbm>>
      %dma_start3A_71 = tpu.memref_squeeze %dma_start3A_70 : memref<1x32768x32xf32, #tpu.memory_space<hbm>> -> memref<32768x32xf32, #tpu.memory_space<hbm>>
      %dma_start3A_72 = arith.constant 0 : i32
      %dma_start3A_73 = tpu.memref_slice %dma_start3A_71[%mul3A_0, %dma_start3A_72] : memref<32768x32xf32, #tpu.memory_space<hbm>> -> memref<2048x32xf32, #tpu.memory_space<hbm>>
      %dma_start3A_74 = arith.constant 0 : i32
      %dma_start3A_75 = tpu.memref_slice %arg6[%mul3A_0, %dma_start3A_74] : memref<32768x32xf32, #tpu.memory_space<vmem_shared>> -> memref<2048x32xf32, #tpu.memory_space<vmem_shared>>
      tpu.enqueue_dma source(%dma_start3A_75 : memref<2048x32xf32, #tpu.memory_space<vmem_shared>>) target(%dma_start3A_73 : memref<2048x32xf32, #tpu.memory_space<hbm>>) target_semaphore(%run_scoped3A : memref<!tpu.dma_semaphore, #tpu.memory_space<semaphore_mem>>)
      %dma_wait3A_76 = arith.constant 0 : i32
      %dma_wait3A_77 = arith.constant 0 : i32
      %dma_wait3A_78 = tpu.memref_slice %arg5[%arg0, %dma_wait3A_76, %dma_wait3A_77] : memref<2x32768x32xf32, #tpu.memory_space<hbm>> -> memref<1x32768x32xf32, #tpu.memory_space<hbm>>
      %dma_wait3A_79 = tpu.memref_squeeze %dma_wait3A_78 : memref<1x32768x32xf32, #tpu.memory_space<hbm>> -> memref<32768x32xf32, #tpu.memory_space<hbm>>
      %dma_wait3A_80 = arith.constant 0 : i32
      %dma_wait3A_81 = tpu.memref_slice %dma_wait3A_79[%mul3A_0, %dma_wait3A_80] : memref<32768x32xf32, #tpu.memory_space<hbm>> -> memref<2048x32xf32, #tpu.memory_space<hbm>>
      %dma_wait3A_82 = arith.constant 0 : i32
      %dma_wait3A_83 = tpu.memref_slice %arg6[%mul3A_0, %dma_wait3A_82] : memref<32768x32xf32, #tpu.memory_space<vmem_shared>> -> memref<2048x32xf32, #tpu.memory_space<vmem_shared>>
      tpu.wait_dma2 semaphore(%run_scoped3A : memref<!tpu.dma_semaphore, #tpu.memory_space<semaphore_mem>>) src(%dma_wait3A_83 : memref<2048x32xf32, #tpu.memory_space<vmem_shared>>) dst(%dma_wait3A_81 : memref<2048x32xf32, #tpu.memory_space<hbm>>)
      tpu.yield
    }) : () -> ()
    return
  }
}

#map = affine_map<(d0, d1) -> (0, 0)>
#map1 = affine_map<(d0, d1) -> (0, 0, 0)>
module attributes {stable_mosaic.version = 14 : i64} {
  func.func @_deg_kernel(%arg0: i32, %arg1: i32, %arg2: memref<4096x128xi32, #tpu.memory_space<hbm>>, %arg3: memref<2x32768x16xf32, #tpu.memory_space<hbm>>, %arg4: memref<32768x16xf32, #tpu.memory_space<vmem_shared>>, %arg5: memref<128x128xi32, #tpu.memory_space<vmem>>, %arg6: memref<128x16xf32, #tpu.memory_space<vmem>>, %arg7: memref<128x16xf32, #tpu.memory_space<vmem>>) attributes {dimension_semantics = [#tpu.dimension_semantics<core_parallel>, #tpu.dimension_semantics<subcore_parallel>], iteration_bounds = array<i64: 2, 16>, scalar_prefetch = 0 : i64, scratch_operands = 4 : i64, tpu.core_type = #tpu.core_type<sc_vector_subcore>, window_params = [{transform_indices = #map}, {transform_indices = #map1}]} {
    %mul3A = arith.constant 16 : i32
    %mul3A_0 = arith.muli %arg0, %mul3A : i32
    %add3A = arith.addi %mul3A_0, %arg1 : i32
    %scan3A = arith.constant 0 : i32
    %scan3A_1 = arith.constant 128 : i32
    %scan3A_2 = arith.addi %scan3A, %scan3A_1 : i32
    %scan3A_3 = arith.constant 1 : i32
    scf.for %scan3A_22 = %scan3A to %scan3A_2 step %scan3A_3  : i32 {
      %mul3A_23 = arith.constant 1 : i32
      %mul3A_24 = arith.muli %scan3A_22, %mul3A_23 : i32
      %add3A_25 = arith.constant 0 : i32
      %add3A_26 = arith.addi %add3A_25, %mul3A_24 : i32
      %broadcast_in_dim3A = arith.constant 1.000000e+00 : f32
      %broadcast_in_dim3A_27 = vector.broadcast %broadcast_in_dim3A : f32 to vector<16xf32>
      %swap3A = arith.index_cast %add3A_26 : i32 to index
      %swap3A_28 = arith.constant 0 : index
      %swap3A_29 = tpu.vector_load %arg6[%swap3A, %swap3A_28] {strides = array<i32>} : memref<128x16xf32, #tpu.memory_space<vmem>>, vector<1x16xf32>,
      %swap3A_30 = vector.shape_cast %swap3A_29 : vector<1x16xf32> to vector<16xf32>
      %swap3A_31 = vector.shape_cast %broadcast_in_dim3A_27 : vector<16xf32> to vector<1x16xf32>
      tpu.vector_store %arg6[%swap3A, %swap3A_28], %swap3A_31 {strides = array<i32>} : memref<128x16xf32, #tpu.memory_space<vmem>>, vector<1x16xf32>,
      %broadcast_in_dim3A_32 = arith.constant 0.000000e+00 : f32
      %broadcast_in_dim3A_33 = vector.broadcast %broadcast_in_dim3A_32 : f32 to vector<16xf32>
      %swap3A_34 = arith.index_cast %add3A_26 : i32 to index
      %swap3A_35 = arith.constant 0 : index
      %swap3A_36 = tpu.vector_load %arg7[%swap3A_34, %swap3A_35] {strides = array<i32>} : memref<128x16xf32, #tpu.memory_space<vmem>>, vector<1x16xf32>,
      %swap3A_37 = vector.shape_cast %swap3A_36 : vector<1x16xf32> to vector<16xf32>
      %swap3A_38 = vector.shape_cast %broadcast_in_dim3A_33 : vector<16xf32> to vector<1x16xf32>
      tpu.vector_store %arg7[%swap3A_34, %swap3A_35], %swap3A_38 {strides = array<i32>} : memref<128x16xf32, #tpu.memory_space<vmem>>, vector<1x16xf32>,
    }
    %scan3A_4 = arith.constant 128 : i32
    %mul3A_5 = arith.constant 128 : i32
    %mul3A_6 = arith.muli %add3A, %mul3A_5 : i32
    "tpu.region"() ({
      %run_scoped3A = tpu.sem_alloc : memref<!tpu.dma_semaphore, #tpu.memory_space<semaphore_mem>>
      %dma_start3A = arith.constant 0 : i32
      %dma_start3A_22 = tpu.memref_slice %arg2[%mul3A_6, %dma_start3A] : memref<4096x128xi32, #tpu.memory_space<hbm>> -> memref<128x128xi32, #tpu.memory_space<hbm>>
      %dma_start3A_23 = arith.constant 0 : i32
      %dma_start3A_24 = tpu.memref_slice %arg2[%mul3A_6, %dma_start3A_23] : memref<4096x128xi32, #tpu.memory_space<hbm>> -> memref<128x128xi32, #tpu.memory_space<hbm>>
      tpu.enqueue_dma source(%dma_start3A_24 : memref<128x128xi32, #tpu.memory_space<hbm>>) target(%arg5 : memref<128x128xi32, #tpu.memory_space<vmem>>) target_semaphore(%run_scoped3A : memref<!tpu.dma_semaphore, #tpu.memory_space<semaphore_mem>>)
      %dma_wait3A = arith.constant 0 : i32
      %dma_wait3A_25 = tpu.memref_slice %arg2[%mul3A_6, %dma_wait3A] : memref<4096x128xi32, #tpu.memory_space<hbm>> -> memref<128x128xi32, #tpu.memory_space<hbm>>
      %dma_wait3A_26 = arith.constant 0 : i32
      %dma_wait3A_27 = tpu.memref_slice %arg2[%mul3A_6, %dma_wait3A_26] : memref<4096x128xi32, #tpu.memory_space<hbm>> -> memref<128x128xi32, #tpu.memory_space<hbm>>
      tpu.wait_dma2 semaphore(%run_scoped3A : memref<!tpu.dma_semaphore, #tpu.memory_space<semaphore_mem>>) src(%dma_wait3A_27 : memref<128x128xi32, #tpu.memory_space<hbm>>) dst(%arg5 : memref<128x128xi32, #tpu.memory_space<vmem>>)
      tpu.yield
    }) : () -> ()
    %scan3A_7 = arith.constant 0 : i32
    %scan3A_8 = arith.constant 16 : i32
    %scan3A_9 = arith.addi %scan3A_7, %scan3A_8 : i32
    %scan3A_10 = arith.constant 1 : i32
    scf.for %scan3A_22 = %scan3A_7 to %scan3A_9 step %scan3A_10  : i32 {
      %mul3A_23 = arith.constant 1 : i32
      %mul3A_24 = arith.muli %scan3A_22, %mul3A_23 : i32
      %add3A_25 = arith.constant 0 : i32
      %add3A_26 = arith.addi %add3A_25, %mul3A_24 : i32
      %mul3A_27 = arith.constant 2048 : i32
      %mul3A_28 = arith.muli %arg1, %mul3A_27 : i32
      %mul3A_29 = arith.constant 128 : i32
      %mul3A_30 = arith.muli %add3A_26, %mul3A_29 : i32
      %add3A_31 = arith.addi %mul3A_28, %mul3A_30 : i32
      "tpu.region"() ({
        %run_scoped3A = tpu.sem_alloc : memref<!tpu.dma_semaphore, #tpu.memory_space<semaphore_mem>>
        %dma_start3A = arith.constant 0 : i32
        %dma_start3A_32 = tpu.memref_slice %arg4[%add3A_31, %dma_start3A] : memref<32768x16xf32, #tpu.memory_space<vmem_shared>> -> memref<128x16xf32, #tpu.memory_space<vmem_shared>>
        %dma_start3A_33 = arith.constant 0 : i32
        %dma_start3A_34 = tpu.memref_slice %arg4[%add3A_31, %dma_start3A_33] : memref<32768x16xf32, #tpu.memory_space<vmem_shared>> -> memref<128x16xf32, #tpu.memory_space<vmem_shared>>
        tpu.enqueue_dma source(%arg7 : memref<128x16xf32, #tpu.memory_space<vmem>>) target(%dma_start3A_34 : memref<128x16xf32, #tpu.memory_space<vmem_shared>>) target_semaphore(%run_scoped3A : memref<!tpu.dma_semaphore, #tpu.memory_space<semaphore_mem>>)
        %dma_wait3A = arith.constant 0 : i32
        %dma_wait3A_35 = tpu.memref_slice %arg4[%add3A_31, %dma_wait3A] : memref<32768x16xf32, #tpu.memory_space<vmem_shared>> -> memref<128x16xf32, #tpu.memory_space<vmem_shared>>
        %dma_wait3A_36 = arith.constant 0 : i32
        %dma_wait3A_37 = tpu.memref_slice %arg4[%add3A_31, %dma_wait3A_36] : memref<32768x16xf32, #tpu.memory_space<vmem_shared>> -> memref<128x16xf32, #tpu.memory_space<vmem_shared>>
        tpu.wait_dma2 semaphore(%run_scoped3A : memref<!tpu.dma_semaphore, #tpu.memory_space<semaphore_mem>>) src(%arg7 : memref<128x16xf32, #tpu.memory_space<vmem>>) dst(%dma_wait3A_37 : memref<128x16xf32, #tpu.memory_space<vmem_shared>>)
        tpu.yield
      }) : () -> ()
    }
    %scan3A_11 = arith.constant 16 : i32
    %barrier3A = arith.constant 0 : index
    tpu.barrier barrier_id(%barrier3A)
    %scan3A_12 = arith.constant 0 : i32
    %scan3A_13 = arith.constant 128 : i32
    %scan3A_14 = arith.addi %scan3A_12, %scan3A_13 : i32
    %scan3A_15 = arith.constant 1 : i32
    scf.for %scan3A_22 = %scan3A_12 to %scan3A_14 step %scan3A_15  : i32 {
      %mul3A_23 = arith.constant 1 : i32
      %mul3A_24 = arith.muli %scan3A_22, %mul3A_23 : i32
      %add3A_25 = arith.constant 0 : i32
      %add3A_26 = arith.addi %add3A_25, %mul3A_24 : i32
      "tpu.region"() ({
        %run_scoped3A = tpu.sem_alloc : memref<!tpu.dma_semaphore, #tpu.memory_space<semaphore_mem>>
        %dma_start3A = arith.constant 0 : i32
        %dma_start3A_27 = tpu.memref_slice %arg5[%add3A_26, %dma_start3A] : memref<128x128xi32, #tpu.memory_space<vmem>> -> memref<1x128xi32, #tpu.memory_space<vmem>>
        %dma_start3A_28 = tpu.memref_squeeze %dma_start3A_27 : memref<1x128xi32, #tpu.memory_space<vmem>> -> memref<128xi32, #tpu.memory_space<vmem>>
        %dma_start3A_29 = arith.constant 0 : i32
        %dma_start3A_30 = arith.constant 0 : i32
        %dma_start3A_31 = tpu.memref_slice %arg4[%dma_start3A_29, %dma_start3A_30] : memref<32768x16xf32, #tpu.memory_space<vmem_shared>> -> memref<32768x16xf32, #tpu.memory_space<vmem_shared>>
        tpu.enqueue_indirect_dma source(%arg6 : memref<128x16xf32, #tpu.memory_space<vmem>>) target(%dma_start3A_31 : memref<32768x16xf32, #tpu.memory_space<vmem_shared>>) offsets(%dma_start3A_28 : memref<128xi32, #tpu.memory_space<vmem>>) semaphore(%run_scoped3A : memref<!tpu.dma_semaphore, #tpu.memory_space<semaphore_mem>>) {add = true}
        %dma_wait3A = arith.constant 0 : i32
        %dma_wait3A_32 = tpu.memref_slice %arg5[%add3A_26, %dma_wait3A] : memref<128x128xi32, #tpu.memory_space<vmem>> -> memref<1x128xi32, #tpu.memory_space<vmem>>
        %dma_wait3A_33 = tpu.memref_squeeze %dma_wait3A_32 : memref<1x128xi32, #tpu.memory_space<vmem>> -> memref<128xi32, #tpu.memory_space<vmem>>
        %dma_wait3A_34 = arith.constant 0 : i32
        %dma_wait3A_35 = arith.constant 0 : i32
        %dma_wait3A_36 = tpu.memref_slice %arg4[%dma_wait3A_34, %dma_wait3A_35] : memref<32768x16xf32, #tpu.memory_space<vmem_shared>> -> memref<32768x16xf32, #tpu.memory_space<vmem_shared>>
        tpu.wait_indirect_dma semaphore(%run_scoped3A : memref<!tpu.dma_semaphore, #tpu.memory_space<semaphore_mem>>) src(%arg6 : memref<128x16xf32, #tpu.memory_space<vmem>>) dst(%dma_wait3A_36 : memref<32768x16xf32, #tpu.memory_space<vmem_shared>>)
        tpu.yield
      }) : () -> ()
    }
    %scan3A_16 = arith.constant 128 : i32
    %barrier3A_17 = arith.constant 0 : index
    tpu.barrier barrier_id(%barrier3A_17)
    %mul3A_18 = arith.constant 2048 : i32
    %mul3A_19 = arith.muli %arg1, %mul3A_18 : i32
    %mul3A_20 = arith.constant 2048 : i32
    %mul3A_21 = arith.muli %arg1, %mul3A_20 : i32
    "tpu.region"() ({
      %run_scoped3A = tpu.sem_alloc : memref<!tpu.dma_semaphore, #tpu.memory_space<semaphore_mem>>
      %dma_start3A = arith.constant 0 : i32
      %dma_start3A_22 = arith.constant 0 : i32
      %dma_start3A_23 = tpu.memref_slice %arg3[%arg0, %dma_start3A, %dma_start3A_22] : memref<2x32768x16xf32, #tpu.memory_space<hbm>> -> memref<1x32768x16xf32, #tpu.memory_space<hbm>>
      %dma_start3A_24 = tpu.memref_squeeze %dma_start3A_23 : memref<1x32768x16xf32, #tpu.memory_space<hbm>> -> memref<32768x16xf32, #tpu.memory_space<hbm>>
      %dma_start3A_25 = arith.constant 0 : i32
      %dma_start3A_26 = tpu.memref_slice %dma_start3A_24[%mul3A_21, %dma_start3A_25] : memref<32768x16xf32, #tpu.memory_space<hbm>> -> memref<2048x16xf32, #tpu.memory_space<hbm>>
      %dma_start3A_27 = arith.constant 0 : i32
      %dma_start3A_28 = tpu.memref_slice %arg4[%mul3A_19, %dma_start3A_27] : memref<32768x16xf32, #tpu.memory_space<vmem_shared>> -> memref<2048x16xf32, #tpu.memory_space<vmem_shared>>
      tpu.enqueue_dma source(%dma_start3A_28 : memref<2048x16xf32, #tpu.memory_space<vmem_shared>>) target(%dma_start3A_26 : memref<2048x16xf32, #tpu.memory_space<hbm>>) target_semaphore(%run_scoped3A : memref<!tpu.dma_semaphore, #tpu.memory_space<semaphore_mem>>)
      %dma_wait3A = arith.constant 0 : i32
      %dma_wait3A_29 = arith.constant 0 : i32
      %dma_wait3A_30 = tpu.memref_slice %arg3[%arg0, %dma_wait3A, %dma_wait3A_29] : memref<2x32768x16xf32, #tpu.memory_space<hbm>> -> memref<1x32768x16xf32, #tpu.memory_space<hbm>>
      %dma_wait3A_31 = tpu.memref_squeeze %dma_wait3A_30 : memref<1x32768x16xf32, #tpu.memory_space<hbm>> -> memref<32768x16xf32, #tpu.memory_space<hbm>>
      %dma_wait3A_32 = arith.constant 0 : i32
      %dma_wait3A_33 = tpu.memref_slice %dma_wait3A_31[%mul3A_21, %dma_wait3A_32] : memref<32768x16xf32, #tpu.memory_space<hbm>> -> memref<2048x16xf32, #tpu.memory_space<hbm>>
      %dma_wait3A_34 = arith.constant 0 : i32
      %dma_wait3A_35 = tpu.memref_slice %arg4[%mul3A_19, %dma_wait3A_34] : memref<32768x16xf32, #tpu.memory_space<vmem_shared>> -> memref<2048x16xf32, #tpu.memory_space<vmem_shared>>
      tpu.wait_dma2 semaphore(%run_scoped3A : memref<!tpu.dma_semaphore, #tpu.memory_space<semaphore_mem>>) src(%dma_wait3A_35 : memref<2048x16xf32, #tpu.memory_space<vmem_shared>>) dst(%dma_wait3A_33 : memref<2048x16xf32, #tpu.memory_space<hbm>>)
      tpu.yield
    }) : () -> ()
    return
  }
}

module attributes {stable_mosaic.version = 14 : i64} {
  func.func @_conv1_body(%arg0: i32, %arg1: memref<1x4104x128xf32, #tpu.memory_space<vmem>>, %arg2: memref<3x128x32xf32, #tpu.memory_space<vmem>>, %arg3: memref<1x16xf32, #tpu.memory_space<vmem>>, %arg4: memref<1x4096x16xf32, #tpu.memory_space<vmem>>) attributes {dimension_semantics = [#tpu.dimension_semantics<arbitrary>], iteration_bounds = array<i64: 16>, scalar_prefetch = 0 : i64, scratch_operands = 0 : i64, tpu.core_type = #tpu.core_type<tc>, window_params = [{transform_indices = @transform_0, window_bounds = array<i64: 1, 4104, 128>}, {pipeline_mode = #tpu.pipeline_mode<synchronous>, transform_indices = @transform_1, window_bounds = array<i64: 3, 128, 32>}, {pipeline_mode = #tpu.pipeline_mode<synchronous>, transform_indices = @transform_2, window_bounds = array<i64: 1, 16>}, {transform_indices = @transform_3, window_bounds = array<i64: 1, 4096, 16>}]} {
    %get3A = arith.constant 0 : index
    %get3A_0 = arith.constant 0 : index
    %get3A_1 = arith.constant 0 : index
    %get3A_2 = vector.load %arg1[%get3A, %get3A_0, %get3A_1] : memref<1x4104x128xf32, #tpu.memory_space<vmem>>, vector<1x4104x128xf32>
    %get3A_3 = vector.shape_cast %get3A_2 : vector<1x4104x128xf32> to vector<4104x128xf32>
    %slice3A = vector.extract_strided_slice %get3A_3 {offsets = [1, 0], sizes = [4096, 128], strides = [1, 1]} : vector<4104x128xf32> to vector<4096x128xf32>
    %get3A_4 = arith.constant 0 : index
    %get3A_5 = arith.constant 0 : index
    %get3A_6 = arith.constant 0 : index
    %get3A_7 = vector.load %arg2[%get3A_4, %get3A_5, %get3A_6] : memref<3x128x32xf32, #tpu.memory_space<vmem>>, vector<1x128x32xf32>
    %get3A_8 = vector.shape_cast %get3A_7 : vector<1x128x32xf32> to vector<128x32xf32>
    %dot_general3A = arith.constant dense<0.000000e+00> : vector<4096x32xf32>
    %dot_general3A_9 = tpu.matmul %slice3A, %get3A_8, %dot_general3A {dimension_numbers = #tpu.dot_dimension_numbers<[1], [0], [0], [1], [0, 0, 1, 1], [], []>, precision = #tpu.contract_precision<fp32>, transpose_lhs_hint = false} : vector<4096x128xf32>, vector<128x32xf32>, vector<4096x32xf32> -> vector<4096x32xf32>
    %slice3A_10 = vector.extract_strided_slice %get3A_3 {offsets = [2, 0], sizes = [4096, 128], strides = [1, 1]} : vector<4104x128xf32> to vector<4096x128xf32>
    %get3A_11 = arith.constant 1 : index
    %get3A_12 = arith.constant 0 : index
    %get3A_13 = arith.constant 0 : index
    %get3A_14 = vector.load %arg2[%get3A_11, %get3A_12, %get3A_13] : memref<3x128x32xf32, #tpu.memory_space<vmem>>, vector<1x128x32xf32>
    %get3A_15 = vector.shape_cast %get3A_14 : vector<1x128x32xf32> to vector<128x32xf32>
    %dot_general3A_16 = arith.constant dense<0.000000e+00> : vector<4096x32xf32>
    %dot_general3A_17 = tpu.matmul %slice3A_10, %get3A_15, %dot_general3A_16 {dimension_numbers = #tpu.dot_dimension_numbers<[1], [0], [0], [1], [0, 0, 1, 1], [], []>, precision = #tpu.contract_precision<fp32>, transpose_lhs_hint = false} : vector<4096x128xf32>, vector<128x32xf32>, vector<4096x32xf32> -> vector<4096x32xf32>
    %add3A = arith.addf %dot_general3A_9, %dot_general3A_17 : vector<4096x32xf32>
    %slice3A_18 = vector.extract_strided_slice %get3A_3 {offsets = [3, 0], sizes = [4096, 128], strides = [1, 1]} : vector<4104x128xf32> to vector<4096x128xf32>
    %get3A_19 = arith.constant 2 : index
    %get3A_20 = arith.constant 0 : index
    %get3A_21 = arith.constant 0 : index
    %get3A_22 = vector.load %arg2[%get3A_19, %get3A_20, %get3A_21] : memref<3x128x32xf32, #tpu.memory_space<vmem>>, vector<1x128x32xf32>
    %get3A_23 = vector.shape_cast %get3A_22 : vector<1x128x32xf32> to vector<128x32xf32>
    %dot_general3A_24 = arith.constant dense<0.000000e+00> : vector<4096x32xf32>
    %dot_general3A_25 = tpu.matmul %slice3A_18, %get3A_23, %dot_general3A_24 {dimension_numbers = #tpu.dot_dimension_numbers<[1], [0], [0], [1], [0, 0, 1, 1], [], []>, precision = #tpu.contract_precision<fp32>, transpose_lhs_hint = false} : vector<4096x128xf32>, vector<128x32xf32>, vector<4096x32xf32> -> vector<4096x32xf32>
    %add3A_26 = arith.addf %add3A, %dot_general3A_25 : vector<4096x32xf32>
    %slice3A_27 = vector.extract_strided_slice %add3A_26 {offsets = [0, 0], sizes = [4096, 16], strides = [1, 1]} : vector<4096x32xf32> to vector<4096x16xf32>
    %slice3A_28 = vector.extract_strided_slice %add3A_26 {offsets = [0, 16], sizes = [4096, 16], strides = [1, 1]} : vector<4096x32xf32> to vector<4096x16xf32>
    %max3A = arith.maximumf %slice3A_27, %slice3A_28 : vector<4096x16xf32>
    %get3A_29 = arith.constant 0 : index
    %get3A_30 = arith.constant 0 : index
    %get3A_31 = vector.load %arg3[%get3A_29, %get3A_30] : memref<1x16xf32, #tpu.memory_space<vmem>>, vector<1x16xf32>
    %add3A_32 = vector.broadcast %get3A_31 : vector<1x16xf32> to vector<4096x16xf32>
    %add3A_33 = arith.addf %max3A, %add3A_32 : vector<4096x16xf32>
    %max3A_34 = arith.constant 0.000000e+00 : f32
    %max3A_35 = vector.broadcast %max3A_34 : f32 to vector<4096x16xf32>
    %max3A_36 = arith.maximumf %add3A_33, %max3A_35 : vector<4096x16xf32>
    %swap3A = arith.constant 0 : index
    %swap3A_37 = arith.constant 0 : index
    %swap3A_38 = arith.constant 0 : index
    %swap3A_39 = vector.load %arg4[%swap3A, %swap3A_37, %swap3A_38] : memref<1x4096x16xf32, #tpu.memory_space<vmem>>, vector<1x4096x16xf32>
    %swap3A_40 = vector.shape_cast %swap3A_39 : vector<1x4096x16xf32> to vector<4096x16xf32>
    %swap3A_41 = vector.shape_cast %max3A_36 : vector<4096x16xf32> to vector<1x4096x16xf32>
    tpu.vector_store %arg4[%swap3A, %swap3A_37, %swap3A_38], %swap3A_41 {strides = array<i32>} : memref<1x4096x16xf32, #tpu.memory_space<vmem>>, vector<1x4096x16xf32>,
    return
  }
  func.func @transform_0(%arg0: i32) -> (i32, i32, i32) {
    %c0_i32 = arith.constant 0 : i32
    %c0_i32_0 = arith.constant 0 : i32
    %c0_i32_1 = arith.constant 0 : i32
    return %arg0, %c0_i32, %c0_i32_0 : i32, i32, i32
  }
  func.func @transform_1(%arg0: i32) -> (i32, i32, i32) {
    %c0_i32 = arith.constant 0 : i32
    %c0_i32_0 = arith.constant 0 : i32
    %c0_i32_1 = arith.constant 0 : i32
    %c0_i32_2 = arith.constant 0 : i32
    return %c0_i32, %c0_i32_0, %c0_i32_1 : i32, i32, i32
  }
  func.func @transform_2(%arg0: i32) -> (i32, i32) {
    %c0_i32 = arith.constant 0 : i32
    %c0_i32_0 = arith.constant 0 : i32
    %c0_i32_1 = arith.constant 0 : i32
    return %c0_i32, %c0_i32_0 : i32, i32
  }
  func.func @transform_3(%arg0: i32) -> (i32, i32, i32) {
    %c0_i32 = arith.constant 0 : i32
    %c0_i32_0 = arith.constant 0 : i32
    %c0_i32_1 = arith.constant 0 : i32
    return %arg0, %c0_i32, %c0_i32_0 : i32, i32, i32
  }
}

module attributes {stable_mosaic.version = 14 : i64} {
  func.func @_conv2_body(%arg0: i32, %arg1: memref<1x2056x32xf32, #tpu.memory_space<vmem>>, %arg2: memref<3x32x64xf32, #tpu.memory_space<vmem>>, %arg3: memref<1x32xf32, #tpu.memory_space<vmem>>, %arg4: memref<32x64xf32, #tpu.memory_space<vmem>>, %arg5: memref<2x2048x32xf32, #tpu.memory_space<vmem>>) attributes {dimension_semantics = [#tpu.dimension_semantics<arbitrary>], iteration_bounds = array<i64: 16>, scalar_prefetch = 0 : i64, scratch_operands = 0 : i64, tpu.core_type = #tpu.core_type<tc>, window_params = [{transform_indices = @transform_0, window_bounds = array<i64: 1, 2056, 32>}, {pipeline_mode = #tpu.pipeline_mode<synchronous>, transform_indices = @transform_1, window_bounds = array<i64: 3, 32, 64>}, {pipeline_mode = #tpu.pipeline_mode<synchronous>, transform_indices = @transform_2, window_bounds = array<i64: 1, 32>}, {pipeline_mode = #tpu.pipeline_mode<synchronous>, transform_indices = @transform_3, window_bounds = array<i64: 32, 64>}, {transform_indices = @transform_4, window_bounds = array<i64: 2, 2048, 32>}]} {
    %get3A = arith.constant 0 : index
    %get3A_0 = arith.constant 0 : index
    %get3A_1 = arith.constant 0 : index
    %get3A_2 = vector.load %arg1[%get3A, %get3A_0, %get3A_1] : memref<1x2056x32xf32, #tpu.memory_space<vmem>>, vector<1x2056x32xf32>
    %get3A_3 = vector.shape_cast %get3A_2 : vector<1x2056x32xf32> to vector<2056x32xf32>
    %slice3A = vector.extract_strided_slice %get3A_3 {offsets = [1, 0], sizes = [2048, 32], strides = [1, 1]} : vector<2056x32xf32> to vector<2048x32xf32>
    %get3A_4 = arith.constant 0 : index
    %get3A_5 = arith.constant 0 : index
    %get3A_6 = arith.constant 0 : index
    %get3A_7 = vector.load %arg2[%get3A_4, %get3A_5, %get3A_6] : memref<3x32x64xf32, #tpu.memory_space<vmem>>, vector<1x32x64xf32>
    %get3A_8 = vector.shape_cast %get3A_7 : vector<1x32x64xf32> to vector<32x64xf32>
    %dot_general3A = arith.constant dense<0.000000e+00> : vector<2048x64xf32>
    %dot_general3A_9 = tpu.matmul %slice3A, %get3A_8, %dot_general3A {dimension_numbers = #tpu.dot_dimension_numbers<[1], [0], [0], [1], [0, 0, 1, 1], [], []>, precision = #tpu.contract_precision<fp32>, transpose_lhs_hint = false} : vector<2048x32xf32>, vector<32x64xf32>, vector<2048x64xf32> -> vector<2048x64xf32>
    %slice3A_10 = vector.extract_strided_slice %get3A_3 {offsets = [2, 0], sizes = [2048, 32], strides = [1, 1]} : vector<2056x32xf32> to vector<2048x32xf32>
    %get3A_11 = arith.constant 1 : index
    %get3A_12 = arith.constant 0 : index
    %get3A_13 = arith.constant 0 : index
    %get3A_14 = vector.load %arg2[%get3A_11, %get3A_12, %get3A_13] : memref<3x32x64xf32, #tpu.memory_space<vmem>>, vector<1x32x64xf32>
    %get3A_15 = vector.shape_cast %get3A_14 : vector<1x32x64xf32> to vector<32x64xf32>
    %dot_general3A_16 = arith.constant dense<0.000000e+00> : vector<2048x64xf32>
    %dot_general3A_17 = tpu.matmul %slice3A_10, %get3A_15, %dot_general3A_16 {dimension_numbers = #tpu.dot_dimension_numbers<[1], [0], [0], [1], [0, 0, 1, 1], [], []>, precision = #tpu.contract_precision<fp32>, transpose_lhs_hint = false} : vector<2048x32xf32>, vector<32x64xf32>, vector<2048x64xf32> -> vector<2048x64xf32>
    %add3A = arith.addf %dot_general3A_9, %dot_general3A_17 : vector<2048x64xf32>
    %slice3A_18 = vector.extract_strided_slice %get3A_3 {offsets = [3, 0], sizes = [2048, 32], strides = [1, 1]} : vector<2056x32xf32> to vector<2048x32xf32>
    %get3A_19 = arith.constant 2 : index
    %get3A_20 = arith.constant 0 : index
    %get3A_21 = arith.constant 0 : index
    %get3A_22 = vector.load %arg2[%get3A_19, %get3A_20, %get3A_21] : memref<3x32x64xf32, #tpu.memory_space<vmem>>, vector<1x32x64xf32>
    %get3A_23 = vector.shape_cast %get3A_22 : vector<1x32x64xf32> to vector<32x64xf32>
    %dot_general3A_24 = arith.constant dense<0.000000e+00> : vector<2048x64xf32>
    %dot_general3A_25 = tpu.matmul %slice3A_18, %get3A_23, %dot_general3A_24 {dimension_numbers = #tpu.dot_dimension_numbers<[1], [0], [0], [1], [0, 0, 1, 1], [], []>, precision = #tpu.contract_precision<fp32>, transpose_lhs_hint = false} : vector<2048x32xf32>, vector<32x64xf32>, vector<2048x64xf32> -> vector<2048x64xf32>
    %add3A_26 = arith.addf %add3A, %dot_general3A_25 : vector<2048x64xf32>
    %slice3A_27 = vector.extract_strided_slice %add3A_26 {offsets = [0, 0], sizes = [2048, 32], strides = [1, 1]} : vector<2048x64xf32> to vector<2048x32xf32>
    %slice3A_28 = vector.extract_strided_slice %add3A_26 {offsets = [0, 32], sizes = [2048, 32], strides = [1, 1]} : vector<2048x64xf32> to vector<2048x32xf32>
    %max3A = arith.maximumf %slice3A_27, %slice3A_28 : vector<2048x32xf32>
    %get3A_29 = arith.constant 0 : index
    %get3A_30 = arith.constant 0 : index
    %get3A_31 = vector.load %arg3[%get3A_29, %get3A_30] : memref<1x32xf32, #tpu.memory_space<vmem>>, vector<1x32xf32>
    %add3A_32 = vector.broadcast %get3A_31 : vector<1x32xf32> to vector<2048x32xf32>
    %add3A_33 = arith.addf %max3A, %add3A_32 : vector<2048x32xf32>
    %max3A_34 = arith.constant 0.000000e+00 : f32
    %max3A_35 = vector.broadcast %max3A_34 : f32 to vector<2048x32xf32>
    %max3A_36 = arith.maximumf %add3A_33, %max3A_35 : vector<2048x32xf32>
    %get3A_37 = arith.constant 0 : index
    %get3A_38 = arith.constant 0 : index
    %get3A_39 = vector.load %arg4[%get3A_37, %get3A_38] : memref<32x64xf32, #tpu.memory_space<vmem>>, vector<32x64xf32>
    %dot_general3A_40 = arith.constant dense<0.000000e+00> : vector<2048x64xf32>
    %dot_general3A_41 = tpu.matmul %max3A_36, %get3A_39, %dot_general3A_40 {dimension_numbers = #tpu.dot_dimension_numbers<[1], [0], [0], [1], [0, 0, 1, 1], [], []>, precision = #tpu.contract_precision<fp32>, transpose_lhs_hint = false} : vector<2048x32xf32>, vector<32x64xf32>, vector<2048x64xf32> -> vector<2048x64xf32>
    %slice3A_42 = vector.extract_strided_slice %dot_general3A_41 {offsets = [0, 0], sizes = [2048, 32], strides = [1, 1]} : vector<2048x64xf32> to vector<2048x32xf32>
    %swap3A = arith.constant 0 : index
    %swap3A_43 = arith.constant 0 : index
    %swap3A_44 = arith.constant 0 : index
    %swap3A_45 = vector.load %arg5[%swap3A, %swap3A_43, %swap3A_44] : memref<2x2048x32xf32, #tpu.memory_space<vmem>>, vector<1x2048x32xf32>
    %swap3A_46 = vector.shape_cast %swap3A_45 : vector<1x2048x32xf32> to vector<2048x32xf32>
    %swap3A_47 = vector.shape_cast %slice3A_42 : vector<2048x32xf32> to vector<1x2048x32xf32>
    tpu.vector_store %arg5[%swap3A, %swap3A_43, %swap3A_44], %swap3A_47 {strides = array<i32>} : memref<2x2048x32xf32, #tpu.memory_space<vmem>>, vector<1x2048x32xf32>,
    %slice3A_48 = vector.extract_strided_slice %dot_general3A_41 {offsets = [0, 32], sizes = [2048, 32], strides = [1, 1]} : vector<2048x64xf32> to vector<2048x32xf32>
    %swap3A_49 = arith.constant 1 : index
    %swap3A_50 = arith.constant 0 : index
    %swap3A_51 = arith.constant 0 : index
    %swap3A_52 = vector.load %arg5[%swap3A_49, %swap3A_50, %swap3A_51] : memref<2x2048x32xf32, #tpu.memory_space<vmem>>, vector<1x2048x32xf32>
    %swap3A_53 = vector.shape_cast %swap3A_52 : vector<1x2048x32xf32> to vector<2048x32xf32>
    %swap3A_54 = vector.shape_cast %slice3A_48 : vector<2048x32xf32> to vector<1x2048x32xf32>
    tpu.vector_store %arg5[%swap3A_49, %swap3A_50, %swap3A_51], %swap3A_54 {strides = array<i32>} : memref<2x2048x32xf32, #tpu.memory_space<vmem>>, vector<1x2048x32xf32>,
    return
  }
  func.func @transform_0(%arg0: i32) -> (i32, i32, i32) {
    %c0_i32 = arith.constant 0 : i32
    %c0_i32_0 = arith.constant 0 : i32
    %c0_i32_1 = arith.constant 0 : i32
    return %arg0, %c0_i32, %c0_i32_0 : i32, i32, i32
  }
  func.func @transform_1(%arg0: i32) -> (i32, i32, i32) {
    %c0_i32 = arith.constant 0 : i32
    %c0_i32_0 = arith.constant 0 : i32
    %c0_i32_1 = arith.constant 0 : i32
    %c0_i32_2 = arith.constant 0 : i32
    return %c0_i32, %c0_i32_0, %c0_i32_1 : i32, i32, i32
  }
  func.func @transform_2(%arg0: i32) -> (i32, i32) {
    %c0_i32 = arith.constant 0 : i32
    %c0_i32_0 = arith.constant 0 : i32
    %c0_i32_1 = arith.constant 0 : i32
    return %c0_i32, %c0_i32_0 : i32, i32
  }
  func.func @transform_3(%arg0: i32) -> (i32, i32) {
    %c0_i32 = arith.constant 0 : i32
    %c0_i32_0 = arith.constant 0 : i32
    %c0_i32_1 = arith.constant 0 : i32
    return %c0_i32, %c0_i32_0 : i32, i32
  }
  func.func @transform_4(%arg0: i32) -> (i32, i32, i32) {
    %c0_i32 = arith.constant 0 : i32
    %c0_i32_0 = arith.constant 0 : i32
    %c0_i32_1 = arith.constant 0 : i32
    return %c0_i32, %arg0, %c0_i32_0 : i32, i32, i32
  }
}

module attributes {stable_mosaic.version = 14 : i64} {
  func.func @_scale_body(%arg0: i32, %arg1: memref<2x2048x16xf32, #tpu.memory_space<vmem>>, %arg2: memref<2x2048x32xf32, #tpu.memory_space<vmem>>, %arg3: memref<256x128xi32, #tpu.memory_space<vmem>>, %arg4: memref<2048x1xf32, #tpu.memory_space<vmem>>, %arg5: memref<2x2048x32xf32, #tpu.memory_space<vmem>>, %arg6: memref<2x256x128xi32, #tpu.memory_space<vmem>>) attributes {dimension_semantics = [#tpu.dimension_semantics<arbitrary>], iteration_bounds = array<i64: 16>, scalar_prefetch = 0 : i64, scratch_operands = 0 : i64, tpu.core_type = #tpu.core_type<tc>, window_params = [{transform_indices = @transform_0, window_bounds = array<i64: 2, 2048, 16>}, {transform_indices = @transform_1, window_bounds = array<i64: 2, 2048, 32>}, {transform_indices = @transform_2, window_bounds = array<i64: 256, 128>}, {transform_indices = @transform_3, window_bounds = array<i64: 2048, 1>}, {transform_indices = @transform_4, window_bounds = array<i64: 2, 2048, 32>}, {transform_indices = @transform_5, window_bounds = array<i64: 2, 256, 128>}]} {
    %get3A = arith.constant 0 : index
    %get3A_0 = arith.constant 0 : index
    %get3A_1 = arith.constant 0 : index
    %get3A_2 = vector.load %arg1[%get3A, %get3A_0, %get3A_1] : memref<2x2048x16xf32, #tpu.memory_space<vmem>>, vector<1x2048x1xf32>
    %get3A_3 = vector.shape_cast %get3A_2 : vector<1x2048x1xf32> to vector<2048x1xf32>
    %get3A_4 = arith.constant 1 : index
    %get3A_5 = arith.constant 0 : index
    %get3A_6 = arith.constant 0 : index
    %get3A_7 = vector.load %arg1[%get3A_4, %get3A_5, %get3A_6] : memref<2x2048x16xf32, #tpu.memory_space<vmem>>, vector<1x2048x1xf32>
    %get3A_8 = vector.shape_cast %get3A_7 : vector<1x2048x1xf32> to vector<2048x1xf32>
    %add3A = arith.addf %get3A_3, %get3A_8 : vector<2048x1xf32>
    %add3A_9 = arith.constant 1.000000e+00 : f32
    %add3A_10 = vector.broadcast %add3A_9 : f32 to vector<2048x1xf32>
    %add3A_11 = arith.addf %add3A, %add3A_10 : vector<2048x1xf32>
    %rsqrt3A = math.rsqrt %add3A_11 : vector<2048x1xf32>
    %swap3A = arith.constant 0 : index
    %swap3A_12 = arith.constant 0 : index
    %swap3A_13 = vector.load %arg4[%swap3A, %swap3A_12] : memref<2048x1xf32, #tpu.memory_space<vmem>>, vector<2048x1xf32>
    tpu.vector_store %arg4[%swap3A, %swap3A_12], %rsqrt3A {strides = array<i32>} : memref<2048x1xf32, #tpu.memory_space<vmem>>, vector<2048x1xf32>,
    %get3A_14 = arith.constant 0 : index
    %get3A_15 = arith.constant 0 : index
    %get3A_16 = arith.constant 0 : index
    %get3A_17 = vector.load %arg2[%get3A_14, %get3A_15, %get3A_16] : memref<2x2048x32xf32, #tpu.memory_space<vmem>>, vector<1x2048x32xf32>
    %get3A_18 = vector.shape_cast %get3A_17 : vector<1x2048x32xf32> to vector<2048x32xf32>
    %mul3A = vector.broadcast %rsqrt3A : vector<2048x1xf32> to vector<2048x32xf32>
    %mul3A_19 = arith.mulf %mul3A, %get3A_18 : vector<2048x32xf32>
    %swap3A_20 = arith.constant 0 : index
    %swap3A_21 = arith.constant 0 : index
    %swap3A_22 = arith.constant 0 : index
    %swap3A_23 = vector.load %arg5[%swap3A_20, %swap3A_21, %swap3A_22] : memref<2x2048x32xf32, #tpu.memory_space<vmem>>, vector<1x2048x32xf32>
    %swap3A_24 = vector.shape_cast %swap3A_23 : vector<1x2048x32xf32> to vector<2048x32xf32>
    %swap3A_25 = vector.shape_cast %mul3A_19 : vector<2048x32xf32> to vector<1x2048x32xf32>
    tpu.vector_store %arg5[%swap3A_20, %swap3A_21, %swap3A_22], %swap3A_25 {strides = array<i32>} : memref<2x2048x32xf32, #tpu.memory_space<vmem>>, vector<1x2048x32xf32>,
    %get3A_26 = arith.constant 1 : index
    %get3A_27 = arith.constant 0 : index
    %get3A_28 = arith.constant 0 : index
    %get3A_29 = vector.load %arg2[%get3A_26, %get3A_27, %get3A_28] : memref<2x2048x32xf32, #tpu.memory_space<vmem>>, vector<1x2048x32xf32>
    %get3A_30 = vector.shape_cast %get3A_29 : vector<1x2048x32xf32> to vector<2048x32xf32>
    %mul3A_31 = vector.broadcast %rsqrt3A : vector<2048x1xf32> to vector<2048x32xf32>
    %mul3A_32 = arith.mulf %mul3A_31, %get3A_30 : vector<2048x32xf32>
    %swap3A_33 = arith.constant 1 : index
    %swap3A_34 = arith.constant 0 : index
    %swap3A_35 = arith.constant 0 : index
    %swap3A_36 = vector.load %arg5[%swap3A_33, %swap3A_34, %swap3A_35] : memref<2x2048x32xf32, #tpu.memory_space<vmem>>, vector<1x2048x32xf32>
    %swap3A_37 = vector.shape_cast %swap3A_36 : vector<1x2048x32xf32> to vector<2048x32xf32>
    %swap3A_38 = vector.shape_cast %mul3A_32 : vector<2048x32xf32> to vector<1x2048x32xf32>
    tpu.vector_store %arg5[%swap3A_33, %swap3A_34, %swap3A_35], %swap3A_38 {strides = array<i32>} : memref<2x2048x32xf32, #tpu.memory_space<vmem>>, vector<1x2048x32xf32>,
    %get3A_39 = arith.constant 0 : index
    %get3A_40 = arith.constant 0 : index
    %get3A_41 = vector.load %arg3[%get3A_39, %get3A_40] : memref<256x128xi32, #tpu.memory_space<vmem>>, vector<256x128xi32>
    %swap3A_42 = arith.constant 0 : index
    %swap3A_43 = arith.constant 0 : index
    %swap3A_44 = arith.constant 0 : index
    %swap3A_45 = vector.load %arg6[%swap3A_42, %swap3A_43, %swap3A_44] : memref<2x256x128xi32, #tpu.memory_space<vmem>>, vector<1x256x128xi32>
    %swap3A_46 = vector.shape_cast %swap3A_45 : vector<1x256x128xi32> to vector<256x128xi32>
    %swap3A_47 = vector.shape_cast %get3A_41 : vector<256x128xi32> to vector<1x256x128xi32>
    tpu.vector_store %arg6[%swap3A_42, %swap3A_43, %swap3A_44], %swap3A_47 {strides = array<i32>} : memref<2x256x128xi32, #tpu.memory_space<vmem>>, vector<1x256x128xi32>,
    %add3A_48 = arith.constant 32768 : i32
    %add3A_49 = vector.broadcast %add3A_48 : i32 to vector<256x128xi32>
    %add3A_50 = arith.addi %get3A_41, %add3A_49 : vector<256x128xi32>
    %swap3A_51 = arith.constant 1 : index
    %swap3A_52 = arith.constant 0 : index
    %swap3A_53 = arith.constant 0 : index
    %swap3A_54 = vector.load %arg6[%swap3A_51, %swap3A_52, %swap3A_53] : memref<2x256x128xi32, #tpu.memory_space<vmem>>, vector<1x256x128xi32>
    %swap3A_55 = vector.shape_cast %swap3A_54 : vector<1x256x128xi32> to vector<256x128xi32>
    %swap3A_56 = vector.shape_cast %add3A_50 : vector<256x128xi32> to vector<1x256x128xi32>
    tpu.vector_store %arg6[%swap3A_51, %swap3A_52, %swap3A_53], %swap3A_56 {strides = array<i32>} : memref<2x256x128xi32, #tpu.memory_space<vmem>>, vector<1x256x128xi32>,
    return
  }
  func.func @transform_0(%arg0: i32) -> (i32, i32, i32) {
    %c0_i32 = arith.constant 0 : i32
    %c0_i32_0 = arith.constant 0 : i32
    %c0_i32_1 = arith.constant 0 : i32
    return %c0_i32, %arg0, %c0_i32_0 : i32, i32, i32
  }
  func.func @transform_1(%arg0: i32) -> (i32, i32, i32) {
    %c0_i32 = arith.constant 0 : i32
    %c0_i32_0 = arith.constant 0 : i32
    %c0_i32_1 = arith.constant 0 : i32
    return %c0_i32, %arg0, %c0_i32_0 : i32, i32, i32
  }
  func.func @transform_2(%arg0: i32) -> (i32, i32) {
    %c0_i32 = arith.constant 0 : i32
    %c0_i32_0 = arith.constant 0 : i32
    return %arg0, %c0_i32 : i32, i32
  }
  func.func @transform_3(%arg0: i32) -> (i32, i32) {
    %c0_i32 = arith.constant 0 : i32
    %c0_i32_0 = arith.constant 0 : i32
    return %arg0, %c0_i32 : i32, i32
  }
  func.func @transform_4(%arg0: i32) -> (i32, i32, i32) {
    %c0_i32 = arith.constant 0 : i32
    %c0_i32_0 = arith.constant 0 : i32
    %c0_i32_1 = arith.constant 0 : i32
    return %c0_i32, %arg0, %c0_i32_0 : i32, i32, i32
  }
  func.func @transform_5(%arg0: i32) -> (i32, i32, i32) {
    %c0_i32 = arith.constant 0 : i32
    %c0_i32_0 = arith.constant 0 : i32
    %c0_i32_1 = arith.constant 0 : i32
    return %c0_i32, %arg0, %c0_i32_0 : i32, i32, i32
  }
}

module attributes {stable_mosaic.version = 14 : i64} {
  func.func @_layer_body(%arg0: i32, %arg1: memref<2x2048x32xf32, #tpu.memory_space<vmem>>, %arg2: memref<2048x1xf32, #tpu.memory_space<vmem>>, %arg3: memref<1x64xf32, #tpu.memory_space<vmem>>, %arg4: memref<64x64xf32, #tpu.memory_space<vmem>>, %arg5: memref<2x2048x32xf32, #tpu.memory_space<vmem>>) attributes {dimension_semantics = [#tpu.dimension_semantics<arbitrary>], iteration_bounds = array<i64: 16>, scalar_prefetch = 0 : i64, scratch_operands = 0 : i64, tpu.core_type = #tpu.core_type<tc>, window_params = [{transform_indices = @transform_0, window_bounds = array<i64: 2, 2048, 32>}, {transform_indices = @transform_1, window_bounds = array<i64: 2048, 1>}, {pipeline_mode = #tpu.pipeline_mode<synchronous>, transform_indices = @transform_2, window_bounds = array<i64: 1, 64>}, {pipeline_mode = #tpu.pipeline_mode<synchronous>, transform_indices = @transform_3, window_bounds = array<i64: 64, 64>}, {transform_indices = @transform_4, window_bounds = array<i64: 2, 2048, 32>}]} {
    %get3A = arith.constant 0 : index
    %get3A_0 = arith.constant 0 : index
    %get3A_1 = vector.load %arg2[%get3A, %get3A_0] : memref<2048x1xf32, #tpu.memory_space<vmem>>, vector<2048x1xf32>
    %get3A_2 = arith.constant 0 : index
    %get3A_3 = arith.constant 0 : index
    %get3A_4 = arith.constant 0 : index
    %get3A_5 = vector.load %arg1[%get3A_2, %get3A_3, %get3A_4] : memref<2x2048x32xf32, #tpu.memory_space<vmem>>, vector<1x2048x32xf32>
    %get3A_6 = vector.shape_cast %get3A_5 : vector<1x2048x32xf32> to vector<2048x32xf32>
    %get3A_7 = arith.constant 1 : index
    %get3A_8 = arith.constant 0 : index
    %get3A_9 = arith.constant 0 : index
    %get3A_10 = vector.load %arg1[%get3A_7, %get3A_8, %get3A_9] : memref<2x2048x32xf32, #tpu.memory_space<vmem>>, vector<1x2048x32xf32>
    %get3A_11 = vector.shape_cast %get3A_10 : vector<1x2048x32xf32> to vector<2048x32xf32>
    %concatenate3A = tpu.concatenate %get3A_6, %get3A_11 in 1 : vector<2048x32xf32>, vector<2048x32xf32> -> vector<2048x64xf32>
    %mul3A = vector.broadcast %get3A_1 : vector<2048x1xf32> to vector<2048x64xf32>
    %mul3A_12 = arith.mulf %mul3A, %concatenate3A : vector<2048x64xf32>
    %get3A_13 = arith.constant 0 : index
    %get3A_14 = arith.constant 0 : index
    %get3A_15 = vector.load %arg3[%get3A_13, %get3A_14] : memref<1x64xf32, #tpu.memory_space<vmem>>, vector<1x64xf32>
    %add3A = vector.broadcast %get3A_15 : vector<1x64xf32> to vector<2048x64xf32>
    %add3A_16 = arith.addf %mul3A_12, %add3A : vector<2048x64xf32>
    %max3A = arith.constant 0.000000e+00 : f32
    %max3A_17 = vector.broadcast %max3A : f32 to vector<2048x64xf32>
    %max3A_18 = arith.maximumf %add3A_16, %max3A_17 : vector<2048x64xf32>
    %get3A_19 = arith.constant 0 : index
    %get3A_20 = arith.constant 0 : index
    %get3A_21 = vector.load %arg4[%get3A_19, %get3A_20] : memref<64x64xf32, #tpu.memory_space<vmem>>, vector<64x64xf32>
    %dot_general3A = arith.constant dense<0.000000e+00> : vector<2048x64xf32>
    %dot_general3A_22 = tpu.matmul %max3A_18, %get3A_21, %dot_general3A {dimension_numbers = #tpu.dot_dimension_numbers<[1], [0], [0], [1], [0, 0, 1, 1], [], []>, precision = #tpu.contract_precision<fp32>, transpose_lhs_hint = false} : vector<2048x64xf32>, vector<64x64xf32>, vector<2048x64xf32> -> vector<2048x64xf32>
    %mul3A_23 = vector.broadcast %get3A_1 : vector<2048x1xf32> to vector<2048x64xf32>
    %mul3A_24 = arith.mulf %mul3A_23, %dot_general3A_22 : vector<2048x64xf32>
    %slice3A = vector.extract_strided_slice %mul3A_24 {offsets = [0, 0], sizes = [2048, 32], strides = [1, 1]} : vector<2048x64xf32> to vector<2048x32xf32>
    %swap3A = arith.constant 0 : index
    %swap3A_25 = arith.constant 0 : index
    %swap3A_26 = arith.constant 0 : index
    %swap3A_27 = vector.load %arg5[%swap3A, %swap3A_25, %swap3A_26] : memref<2x2048x32xf32, #tpu.memory_space<vmem>>, vector<1x2048x32xf32>
    %swap3A_28 = vector.shape_cast %swap3A_27 : vector<1x2048x32xf32> to vector<2048x32xf32>
    %swap3A_29 = vector.shape_cast %slice3A : vector<2048x32xf32> to vector<1x2048x32xf32>
    tpu.vector_store %arg5[%swap3A, %swap3A_25, %swap3A_26], %swap3A_29 {strides = array<i32>} : memref<2x2048x32xf32, #tpu.memory_space<vmem>>, vector<1x2048x32xf32>,
    %slice3A_30 = vector.extract_strided_slice %mul3A_24 {offsets = [0, 32], sizes = [2048, 32], strides = [1, 1]} : vector<2048x64xf32> to vector<2048x32xf32>
    %swap3A_31 = arith.constant 1 : index
    %swap3A_32 = arith.constant 0 : index
    %swap3A_33 = arith.constant 0 : index
    %swap3A_34 = vector.load %arg5[%swap3A_31, %swap3A_32, %swap3A_33] : memref<2x2048x32xf32, #tpu.memory_space<vmem>>, vector<1x2048x32xf32>
    %swap3A_35 = vector.shape_cast %swap3A_34 : vector<1x2048x32xf32> to vector<2048x32xf32>
    %swap3A_36 = vector.shape_cast %slice3A_30 : vector<2048x32xf32> to vector<1x2048x32xf32>
    tpu.vector_store %arg5[%swap3A_31, %swap3A_32, %swap3A_33], %swap3A_36 {strides = array<i32>} : memref<2x2048x32xf32, #tpu.memory_space<vmem>>, vector<1x2048x32xf32>,
    return
  }
  func.func @transform_0(%arg0: i32) -> (i32, i32, i32) {
    %c0_i32 = arith.constant 0 : i32
    %c0_i32_0 = arith.constant 0 : i32
    %c0_i32_1 = arith.constant 0 : i32
    return %c0_i32, %arg0, %c0_i32_0 : i32, i32, i32
  }
  func.func @transform_1(%arg0: i32) -> (i32, i32) {
    %c0_i32 = arith.constant 0 : i32
    %c0_i32_0 = arith.constant 0 : i32
    return %arg0, %c0_i32 : i32, i32
  }
  func.func @transform_2(%arg0: i32) -> (i32, i32) {
    %c0_i32 = arith.constant 0 : i32
    %c0_i32_0 = arith.constant 0 : i32
    %c0_i32_1 = arith.constant 0 : i32
    return %c0_i32, %c0_i32_0 : i32, i32
  }
  func.func @transform_3(%arg0: i32) -> (i32, i32) {
    %c0_i32 = arith.constant 0 : i32
    %c0_i32_0 = arith.constant 0 : i32
    %c0_i32_1 = arith.constant 0 : i32
    return %c0_i32, %c0_i32_0 : i32, i32
  }
  func.func @transform_4(%arg0: i32) -> (i32, i32, i32) {
    %c0_i32 = arith.constant 0 : i32
    %c0_i32_0 = arith.constant 0 : i32
    %c0_i32_1 = arith.constant 0 : i32
    return %c0_i32, %arg0, %c0_i32_0 : i32, i32, i32
  }
}

module attributes {stable_mosaic.version = 14 : i64} {
  func.func @_head_body(%arg0: i32, %arg1: memref<2x2048x32xf32, #tpu.memory_space<vmem>>, %arg2: memref<2048x1xf32, #tpu.memory_space<vmem>>, %arg3: memref<1x64xf32, #tpu.memory_space<vmem>>, %arg4: memref<64x128xf32, #tpu.memory_space<vmem>>, %arg5: memref<1x128xf32, #tpu.memory_space<vmem>>, %arg6: memref<1x1x128xf32, #tpu.memory_space<vmem>>) attributes {dimension_semantics = [#tpu.dimension_semantics<arbitrary>], iteration_bounds = array<i64: 16>, scalar_prefetch = 0 : i64, scratch_operands = 0 : i64, tpu.core_type = #tpu.core_type<tc>, window_params = [{transform_indices = @transform_0, window_bounds = array<i64: 2, 2048, 32>}, {transform_indices = @transform_1, window_bounds = array<i64: 2048, 1>}, {pipeline_mode = #tpu.pipeline_mode<synchronous>, transform_indices = @transform_2, window_bounds = array<i64: 1, 64>}, {pipeline_mode = #tpu.pipeline_mode<synchronous>, transform_indices = @transform_3, window_bounds = array<i64: 64, 128>}, {pipeline_mode = #tpu.pipeline_mode<synchronous>, transform_indices = @transform_4, window_bounds = array<i64: 1, 128>}, {transform_indices = @transform_5, window_bounds = array<i64: 1, 1, 128>}]} {
    %get3A = arith.constant 0 : index
    %get3A_0 = arith.constant 0 : index
    %get3A_1 = vector.load %arg2[%get3A, %get3A_0] : memref<2048x1xf32, #tpu.memory_space<vmem>>, vector<2048x1xf32>
    %get3A_2 = arith.constant 0 : index
    %get3A_3 = arith.constant 0 : index
    %get3A_4 = arith.constant 0 : index
    %get3A_5 = vector.load %arg1[%get3A_2, %get3A_3, %get3A_4] : memref<2x2048x32xf32, #tpu.memory_space<vmem>>, vector<1x2048x32xf32>
    %get3A_6 = vector.shape_cast %get3A_5 : vector<1x2048x32xf32> to vector<2048x32xf32>
    %get3A_7 = arith.constant 1 : index
    %get3A_8 = arith.constant 0 : index
    %get3A_9 = arith.constant 0 : index
    %get3A_10 = vector.load %arg1[%get3A_7, %get3A_8, %get3A_9] : memref<2x2048x32xf32, #tpu.memory_space<vmem>>, vector<1x2048x32xf32>
    %get3A_11 = vector.shape_cast %get3A_10 : vector<1x2048x32xf32> to vector<2048x32xf32>
    %concatenate3A = tpu.concatenate %get3A_6, %get3A_11 in 1 : vector<2048x32xf32>, vector<2048x32xf32> -> vector<2048x64xf32>
    %mul3A = vector.broadcast %get3A_1 : vector<2048x1xf32> to vector<2048x64xf32>
    %mul3A_12 = arith.mulf %mul3A, %concatenate3A : vector<2048x64xf32>
    %get3A_13 = arith.constant 0 : index
    %get3A_14 = arith.constant 0 : index
    %get3A_15 = vector.load %arg3[%get3A_13, %get3A_14] : memref<1x64xf32, #tpu.memory_space<vmem>>, vector<1x64xf32>
    %add3A = vector.broadcast %get3A_15 : vector<1x64xf32> to vector<2048x64xf32>
    %add3A_16 = arith.addf %mul3A_12, %add3A : vector<2048x64xf32>
    %max3A = arith.constant 0.000000e+00 : f32
    %max3A_17 = vector.broadcast %max3A : f32 to vector<2048x64xf32>
    %max3A_18 = arith.maximumf %add3A_16, %max3A_17 : vector<2048x64xf32>
    %reduce_sum3A = arith.constant dense<0.000000e+00> : vector<64xf32>
    %reduce_sum3A_19 = vector.multi_reduction <add>, %max3A_18, %reduce_sum3A [0] : vector<2048x64xf32> to vector<64xf32>
    %broadcast_in_dim3A = vector.shape_cast %reduce_sum3A_19 : vector<64xf32> to vector<1x64xf32>
    %div3A = arith.constant 2.048000e+03 : f32
    %div3A_20 = vector.broadcast %div3A : f32 to vector<1x64xf32>
    %div3A_21 = arith.divf %broadcast_in_dim3A, %div3A_20 : vector<1x64xf32>
    %get3A_22 = arith.constant 0 : index
    %get3A_23 = arith.constant 0 : index
    %get3A_24 = vector.load %arg4[%get3A_22, %get3A_23] : memref<64x128xf32, #tpu.memory_space<vmem>>, vector<64x128xf32>
    %dot_general3A = arith.constant dense<0.000000e+00> : vector<1x128xf32>
    %dot_general3A_25 = tpu.matmul %div3A_21, %get3A_24, %dot_general3A {dimension_numbers = #tpu.dot_dimension_numbers<[1], [0], [0], [1], [0, 0, 1, 1], [], []>, precision = #tpu.contract_precision<fp32>, transpose_lhs_hint = false} : vector<1x64xf32>, vector<64x128xf32>, vector<1x128xf32> -> vector<1x128xf32>
    %get3A_26 = arith.constant 0 : index
    %get3A_27 = arith.constant 0 : index
    %get3A_28 = vector.load %arg5[%get3A_26, %get3A_27] : memref<1x128xf32, #tpu.memory_space<vmem>>, vector<1x128xf32>
    %add3A_29 = arith.addf %dot_general3A_25, %get3A_28 : vector<1x128xf32>
    %swap3A = arith.constant 0 : index
    %swap3A_30 = arith.constant 0 : index
    %swap3A_31 = arith.constant 0 : index
    %swap3A_32 = vector.load %arg6[%swap3A, %swap3A_30, %swap3A_31] : memref<1x1x128xf32, #tpu.memory_space<vmem>>, vector<1x1x128xf32>
    %swap3A_33 = vector.shape_cast %swap3A_32 : vector<1x1x128xf32> to vector<1x128xf32>
    %swap3A_34 = vector.shape_cast %add3A_29 : vector<1x128xf32> to vector<1x1x128xf32>
    tpu.vector_store %arg6[%swap3A, %swap3A_30, %swap3A_31], %swap3A_34 {strides = array<i32>} : memref<1x1x128xf32, #tpu.memory_space<vmem>>, vector<1x1x128xf32>,
    return
  }
  func.func @transform_0(%arg0: i32) -> (i32, i32, i32) {
    %c0_i32 = arith.constant 0 : i32
    %c0_i32_0 = arith.constant 0 : i32
    %c0_i32_1 = arith.constant 0 : i32
    return %c0_i32, %arg0, %c0_i32_0 : i32, i32, i32
  }
  func.func @transform_1(%arg0: i32) -> (i32, i32) {
    %c0_i32 = arith.constant 0 : i32
    %c0_i32_0 = arith.constant 0 : i32
    return %arg0, %c0_i32 : i32, i32
  }
  func.func @transform_2(%arg0: i32) -> (i32, i32) {
    %c0_i32 = arith.constant 0 : i32
    %c0_i32_0 = arith.constant 0 : i32
    %c0_i32_1 = arith.constant 0 : i32
    return %c0_i32, %c0_i32_0 : i32, i32
  }
  func.func @transform_3(%arg0: i32) -> (i32, i32) {
    %c0_i32 = arith.constant 0 : i32
    %c0_i32_0 = arith.constant 0 : i32
    %c0_i32_1 = arith.constant 0 : i32
    return %c0_i32, %c0_i32_0 : i32, i32
  }
  func.func @transform_4(%arg0: i32) -> (i32, i32) {
    %c0_i32 = arith.constant 0 : i32
    %c0_i32_0 = arith.constant 0 : i32
    %c0_i32_1 = arith.constant 0 : i32
    return %c0_i32, %c0_i32_0 : i32, i32
  }
  func.func @transform_5(%arg0: i32) -> (i32, i32, i32) {
    %c0_i32 = arith.constant 0 : i32
    %c0_i32_0 = arith.constant 0 : i32
    %c0_i32_1 = arith.constant 0 : i32
    return %arg0, %c0_i32, %c0_i32_0 : i32, i32, i32
  }
}

</mosaic_0001>

<sc_bundles>
// kernel: kernel.10.cloned.1.call-start
scs
__scs_entry_jumppad:
0x0: {  	(pc) =	sbr.rel $0x88, $3  }
0x1: {  	(tag) =	ssettag $0x0;
	lr =	simm.s32 $0x1  }
0x2: {  	[smem:$0x3F95] =	sst lr;
	_ =	strace $0xD0000000  }
0x3: {  	_ = 	snop  }
0x4: {  	_ = 	snop  }
0x5: {  	_ = 	snop  }
0x6: {  	_ = 	snop  }
0x7: {  	_ = 	snop  }
__scs_overlays_trampoline_lowered:
0x8: {  	[smem:$0x3FA4] =	sst s0  }
0x9: {  	[smem:$0x3FA5] =	sst s1  }
0xa: {  	[smem:$0x3FA6] =	sst s2  }
0xb: {  	[smem:$0x3FA7] =	sst s3  }
0xc: {  	[smem:$0x3FA8] =	sst s4  }
0xd: {  	[smem:$0x3FA9] =	sst s5  }
0xe: {  	[smem:$0x3FAA] =	sst s6  }
0xf: {  	[smem:$0x3FAB] =	sst s7  }
0x10: {  	[smem:$0x3FAC] =	sst s8  }
0x11: {  	[smem:$0x3FAD] =	sst s9;
	s0 =	simm.s32 @!p0 $0x0  }
0x12: {  	s1 =	sld [smem:$0x3F93];
	s0 =	simm.s32 @p0 $0x1  }
0x13: {  	[smem:$0x3FAE] =	sst s0;
	s0 =	simm.s32 @!p1 $0x0  }
0x14: {  	s2 =	sld [smem:$0x3F92];
	s0 =	simm.s32 @p1 $0x1  }
0x15: {  	[smem:$0x3FAF] =	sst s0;
	s0 =	simm.s32 @!p2 $0x0  }
0x16: {  	s3 =	sld [smem:$0x3FDB];
	s0 =	simm.s32 @p2 $0x1  }
0x17: {  	s4 =	simm.s32 $0x1BF5;
	[smem:$0x3FB1] =	sst s0  }
0x18: {  	s0 =	sld [smem:$0x3F94];
	_ =	swait.ge [sflag:s4], $0x0  }
0x19: {  	s7 =	sld [smem:$0x3F95]  }
0x1a: {  	s8 =	sadd.s32 $0xFFFFE003, lr  }
0x1b: {  	s9 =	sadd.s32 $0xFFFFFEF7, lr;
	s5 =	simm.s32 $0xFFFFFFFF;
	p2 =	slt.u32 s8, $0xFFFFF086  }
0x1c: {  	p1 =	slt.u32 s9, $0xF7A;
	s5 =	simm.s32 @!p2 $0x0  }
0x1d: {  	s5 =	simm.s32 @p1 $0x1;
	p0 =	seq.s32 s7, s2  }
0x1e: {  	s7 =	smul.u32 @!p0 $0xF7A, s2;
	p2 =	seq.s32 @!p0 s5, $0x0  }
0x1f: {  	s9 =	smul.u32 $0xF7A, s1;
	s8 =	simm.s32 @!p0 $0x1BF5;
	p2 =	por !p2, p0  }
0x20: {  	[sflag:s8] =	ssyncset.s32 @!p0 $0xFFFFF086;
	s6 =	sadd.s32 @!p0 s3, s7;
	s7 =	simm.s32 @!p0 $0x108  }
0x21: {  	s3 =	sadd.s32 s3, s9;
	s6 =	sadd.s32 @!p0 $0x88, s6;
	s7 =	simm.s32 @p2 $0x1082  }
0x22: {  	[simem:s7], [sflag:s8] =	dma.local @!p0 [hbm:s6], $0xF7A  }
0x23: {  	s9 =	sor.u32 $0xD0000000, s2;
	s6 =	simm.s32 $0x108;
	_ =	swait.ge @!p0 [sflag:s8], $0x0  }
0x24: {  	s3 =	sadd.s32 $0x88, s3;
	s6 =	simm.s32 @!p1 $0x1082;
	[sflag:s4] =	ssyncset.s32 $0xFFFFF086  }
0x25: {  	[simem:s6], [sflag:s4] =	dma.local [hbm:s3], $0xF7A  }
0x26: {  	[smem:$0x3F95] =	sst s1;
	(tag) =	ssettag s2;
	_ =	strace s9  }
0x27: {  	s1 =	sld [smem:$0x3FA5]  }
0x28: {  	s2 =	sld [smem:$0x3FA6]  }
0x29: {  	s4 =	sld [smem:$0x3FA8]  }
0x2a: {  	p0 =	seq.s32 s5, $0x0;
	s5 =	sld [smem:$0x3FA9]  }
0x2b: {  	s6 =	sld [smem:$0x3FAA]  }
0x2c: {  	s7 =	sld [smem:$0x3FAB]  }
0x2d: {  	s3 =	simm.s32 $0x108;
	s8 =	sld [smem:$0x3FAC]  }
0x2e: {  	s3 =	simm.s32 @!p0 $0x1082;
	s9 =	sld [smem:$0x3FAD]  }
0x2f: {  	lr =	sadd.s32 s0, s3;
	s0 =	sld [smem:$0x3FA4]  }
0x30: {  	s3 =	sld [smem:$0x3FA7]  }
0x31: {  	[smem:$0x3FB0] =	sst s10  }
0x32: {  	s10 =	sld [smem:$0x3FAE];
	_ =	sdelay $0x3  }
0x33: {  	p0 =	seq.s32 s10, $0x1;
	s10 =	sld [smem:$0x3FB0];
	_ =	sdelay $0x3  }
0x34: {  	[smem:$0x3FB0] =	sst s10  }
0x35: {  	s10 =	sld [smem:$0x3FAF];
	_ =	sdelay $0x3  }
0x36: {  	p1 =	seq.s32 s10, $0x1;
	s10 =	sld [smem:$0x3FB0];
	_ =	sdelay $0x3  }
0x37: {  	[smem:$0x3FB0] =	sst s10  }
0x38: {  	s10 =	sld [smem:$0x3FB1]  }
0x39: {  	_ = 	snop;
	(pc) =	sbr.ind lr, $3  }
0x3a: {  	_ = 	snop  }
0x3b: {  	_ = 	snop  }
0x3c: {  	p2 =	seq.s32 s10, $0x1;
	s10 =	sld [smem:$0x3FB0]  }
0x3d: {  	_ =	shalt  }
0x3e: {  	_ =	shalt  }
0x3f: {  	_ =	shalt  }
0x40: {  	_ =	shalt  }
0x41: {  	_ =	shalt  }
0x42: {  	_ =	shalt  }
0x43: {  	_ =	shalt  }
0x44: {  	_ =	shalt  }
0x45: {  	_ =	shalt  }
0x46: {  	_ =	shalt  }
0x47: {  	_ =	shalt  }
0x48: {  	_ =	shalt  }
0x49: {  	_ =	shalt  }
0x4a: {  	_ =	shalt  }
0x4b: {  	_ =	shalt  }
0x4c: {  	_ =	shalt  }
0x4d: {  	_ =	shalt  }
0x4e: {  	_ =	shalt  }
0x4f: {  	_ =	shalt  }
0x50: {  	_ =	shalt  }
0x51: {  	_ =	shalt  }
0x52: {  	_ =	shalt  }
0x53: {  	_ =	shalt  }
0x54: {  	_ =	shalt  }
0x55: {  	_ =	shalt  }
0x56: {  	_ =	shalt  }
0x57: {  	_ =	shalt  }
0x58: {  	_ =	shalt  }
0x59: {  	_ =	shalt  }
0x5a: {  	_ =	shalt  }
0x5b: {  	_ =	shalt  }
0x5c: {  	_ =	shalt  }
0x5d: {  	_ =	shalt  }
0x5e: {  	_ =	shalt  }
0x5f: {  	_ =	shalt  }
0x60: {  	_ =	shalt  }
0x61: {  	_ =	shalt  }
0x62: {  	_ =	shalt  }
0x63: {  	_ =	shalt  }
0x64: {  	_ =	shalt  }
0x65: {  	_ =	shalt  }
0x66: {  	_ =	shalt  }
0x67: {  	_ =	shalt  }
0x68: {  	_ =	shalt  }
0x69: {  	_ =	shalt  }
0x6a: {  	_ =	shalt  }
0x6b: {  	_ =	shalt  }
0x6c: {  	_ =	shalt  }
0x6d: {  	_ =	shalt  }
0x6e: {  	_ =	shalt  }
0x6f: {  	_ =	shalt  }
0x70: {  	_ =	shalt  }
0x71: {  	_ =	shalt  }
0x72: {  	_ =	shalt  }
0x73: {  	_ =	shalt  }
0x74: {  	_ =	shalt  }
0x75: {  	_ =	shalt  }
0x76: {  	_ =	shalt  }
0x77: {  	_ =	shalt  }
0x78: {  	_ =	shalt  }
0x79: {  	_ =	shalt  }
0x7a: {  	_ =	shalt  }
0x7b: {  	_ =	shalt  }
0x7c: {  	_ =	shalt  }
0x7d: {  	_ =	shalt  }
0x7e: {  	_ =	shalt  }
0x7f: {  	_ =	shalt  }
0x80: {  	_ =	shalt  }
0x81: {  	_ =	shalt  }
0x82: {  	_ =	shalt  }
0x83: {  	_ =	shalt  }
0x84: {  	_ =	shalt  }
0x85: {  	_ =	shalt  }
0x86: {  	_ =	shalt  }
0x87: {  	_ =	shalt  }
.Lfunc_end0:
.L_simem_size_0:
called_computation.1_lowered:
.L_overlay_start_0:
0x88: {  	s2 =	sld [smem:$0x3FD9]  }
0x89: {  	s3 =	sld [smem:$0x3FFE];
	_ =	sdelay $0x1  }
0x8a: {  	s1 =	srdreg.scid  }
0x8b: {  	s0 =	sand.u32 $0x1, s1  }
0x8c: {  	s17 =	sshll.u32 s0, $0xA;
	s2 =	sadd.s32 s3, s2  }
0x8d: {  	s2 =	sadd.s32 s2, s17  }
0x8e: {  	[smem:$0x3FBC] =	sst s2  }
0x8f: {  	_ = 	snop  }
0x90: {  	(tm) =	ssettm $0x1  }
0x91: {  	s18 =	sld [smem:$0x3FFB];
	_ =	sdelay $0x3  }
0x92: {  	_ =	strace s18  }
0x93: {  	s2 =	sld [smem:$0x3FFC];
	_ =	sdelay $0x3  }
0x94: {  	_ =	strace s2  }
0x95: {  	s2 =	sld [smem:$0x3FFD];
	_ =	sdelay $0x3  }
0x96: {  	_ =	strace s2  }
0x97: {  	_ =	strace $0x8FFFFFFF  }
0x98: {  	s19 =	sld [smem:$0x3FDB];
	_ =	sdelay $0x1  }
0x99: {  	s20 =	simm.s32 $_scs_section_size  }
0x9a: {  	s4 =	simm.s32 $_size__tile_overlayer_lowered;
	s5 =	simm.s32 $_tile_overlayer_lowered  }
0x9b: {  	s6 =	simm.s32 $0x1BFF;
	s21 =	sshll.u32 s5, $0x1;
	s3 =	sadd.s32 s20, s19  }
0x9c: {  	s22 =	simm.s32 $0x0;
	s4 =	sshll.u32 s4, $0x1;
	s5 =	sadd.s32 s21, s3  }
0x9d: {  	[timem:s22], [sflag:s6] =	dma.local [hbm:s5], s4  }
0x9e: {  	_ =	swait.ge [sflag:s6], s4  }
0x9f: {  	s4 =	ssub.s32 $0x0, s4;
	[sflag:s6] =	ssyncset.done $0x0  }
0xa0: {  	[sflag:s6] =	ssyncadd.s32 s4;
	_ =	sdelay $0x1  }
0xa1: {  	s23 =	simm.s32 $0x1B8B  }
0xa2: {  	_ =	swait.ge [sflag:s23], $0x1  }
0xa3: {  	[sflag:s23] =	ssyncset.done $0x0  }
0xa4: {  	[sflag:s23] =	ssyncadd.s32 $0xFFFFFFFF  }
0xa5: {  	s4 =	sld [smem:$0x0]  }
0xa6: {  	s5 =	sand.u32 $0xFFFFFFFE, s1  }
0xa7: {  	p0 =	sne.s32 s1, s5  }
0xa8: {  	s5 =	sshll.u32 @p0 s5, $0xE  }
0xa9: {  	s5 =	sadd.s32 @p0 $0x11B8D, s5;
	s6 =	sshll.u32 @p0 s4, $0x11  }
0xaa: {  	s5 =	sor.u32 @p0 s6, s5  }
0xab: {  	[sflag:s5] =	ssyncadd.remote.s32 @p0 $0x1;
	_ =	sdelay $0x1  }
0xac: {  	s5 =	simm.s32 @p0 $0x1B8D  }
0xad: {  	_ =	swait.eq @p0 [sflag:s5], $0x1  }
0xae: {  	[sflag:s5] =	ssyncadd.s32 @p0 $0xFFFFFFFF  }
0xaf: {  	s6 =	sshll.u32 @!p0 s1, $0xE  }
0xb0: {  	s6 =	sor.u32 @!p0 $0x4000, s6;
	s5 =	simm.s32 @!p0 $0x1B8D  }
0xb1: {  	s4 =	sshll.u32 @!p0 s4, $0x11;
	s6 =	sadd.s32 @!p0 $0x11B8D, s6;
	_ =	swait.eq @!p0 [sflag:s5], $0x1  }
0xb2: {  	s4 =	sor.u32 @!p0 s4, s6;
	[sflag:s5] =	ssyncadd.s32 @!p0 $0xFFFFFFFF  }
0xb3: {  	s25 =	simm.s32 $0x1B8E;
	s24 =	sld [smem:$0x3FFE];
	[sflag:s4] =	ssyncadd.remote.s32 @!p0 $0x1  }
0xb4: {  	s26 =	simm.s32 $execute0_lowered;
	[smem:$0x3FD2] =	sst s25  }
0xb5: {  	s5 =	sshll.u32 s26, $0x1;
	_ =	strace $0x80000049;
	[dreg:$0x1] =	wrdreg $0xFFFFFFFF  }
0xb6: {  	s28 =	simm.s32 $_size_execute0_lowered;
	s3 =	sadd.s32 s3, s5;
	[dreg:$0x0] =	wrdreg $0x0  }
0xb7: {  	s5 =	sshll.u32 s28, $0x1;
	[dreg:$0x2] =	wrdreg s3  }
0xb8: {  	[dreg:$0x3] =	wrdreg s5  }
0xb9: {  	[dreg:$0x4] =	wrdreg $0xC0  }
0xba: {  	_ =	task [dreg:s22], $0x5FFFF  }
0xbb: {  	[dreg:$0x1] =	wrdreg $0xFFFFFFFF  }
0xbc: {  	[dreg:$0x0] =	wrdreg $0x60  }
0xbd: {  	[dreg:$0x2] =	wrdreg s24  }
0xbe: {  	[dreg:$0x3] =	wrdreg $0x0  }
0xbf: {  	[dreg:$0x4] =	wrdreg $0xA  }
0xc0: {  	_ =	task.clear_ibuf [dreg:s22], $0x5FFFF;
	_ =	strace $0x90000049  }
0xc1: {  	s29 =	simm.s32 $0xA;
	_ =	strace $0x8000004B  }
0xc2: {  	_ =	swait.ge [sflag:s29], $0x1  }
0xc3: {  	[sflag:s29] =	ssyncadd.s32 $0xFFFFFFFF  }
0xc4: {  	_ =	strace $0x9000004B  }
0xc5: {  	_ =	sfence  }
0xc6: {  	s30 =	sld [smem:$0x0];
	_ =	sdelay $0x2  }
0xc7: {  	s31 =	sshll.u32 s1, $0xD;
	s1 =	sshrl.u32 s1, $0x2  }
0xc8: {  	s4 =	sand.u32 $0x4000, s31;
	s1 =	sadd.s32 s1, s30  }
0xc9: {  	s0 =	sor.u32 s4, s0;
	s1 =	sshll.u32 s1, $0x11  }
0xca: {  	s0 =	sor.u32 s1, s0  }
0xcb: {  	s0 =	sadd.s32 $0x8F2B, s0  }
0xcc: {  	[sflag:s0] =	ssyncadd.remote.s32 $0x1  }
0xcd: {  	_ =	sfence.sel $0xFFFF  }
0xce: {  	[dreg:$0x0] =	wrdreg $0xFFFFFFFF;
	(pc) =	sbr.abs _section_cstart, $3  }
0xcf: {  	[dreg:$0x1] =	wrdreg $0xFFFFFFFF  }
0xd0: {  	_ =	task.clear_ibuf [dreg:s22], $0x2FFFF;
	_ =	strace $0x9FFFFFFF  }
0xd1: {  	(tm) =	ssettm $0x7FFFFFFF  }
tec
execute0_lowered:
.L_overlay_start_1:
0x0: {  	(tag) =	ssettag $0x1  }
0x1: {  	s4 =	rddreg [dreg:$0x0]  }
0x2: {  	s2 =	rddreg [dreg:$0x1]  }
0x3: {  	s0 =	rddreg [dreg:$0x2]  }
0x4: {  	s3 =	simm.s32 $0x0;
	s1 =	stileid.u32;
	s5 =	srdreg.scid  }
0x5: {  	s22 =	simm.s32 $0x8000;
	s23 =	simm.s32 $0x1;
	s26 =	simm.s32 $0x80  }
0x6: {  	s28 =	simm.s32 $0xC000;
	[smem:$0x7FF] =	sst s3;
	s6 =	sshll.u32 s1, $0xB  }
0x7: {  	s5 =	sand.u32 $0x1, s5;
	s31 =	sshll.u32 s1, $0xF;
	s25 =	sshll.u32 s1, $0xC  }
0x8: {  	_ =	strace $0x8000004A;
	s6 =	sadd.s32 s6, s4;
	s30 =	ssub.s32 $0x2, s5  }
0x9: {  	s7 =	sshll.u32 s5, $0x10;
	s5 =	sshll.u32 s5, $0xF;
	s8 =	sshrl.u32 s30, $0x1  }
0xa: {  	s7 =	sadd.s32 s7, s4;
	s5 =	sadd.s32 s5, s6;
	s8 =	ssub.s32 s30, s8  }
0xb: {  	s4 =	sadd.s32 $0x204400, s5;
	s5 =	sadd.s32 s31, s2;
	s24 =	sadd.s32 $0x214400, s7  }
0xc: {  	s6 =	smax.u32 s8, $0x1;
	s7 =	sadd.s32 $0x800, s5;
	s8 =	sadd.s32 $0x1000, s5  }
0xd: {  	s9 =	sadd.s32 $0x1800, s5;
	s10 =	sadd.s32 $0x2000, s5;
	s11 =	sadd.s32 $0x2800, s5  }
0xe: {  	s12 =	sadd.s32 $0x3000, s5;
	s13 =	sadd.s32 $0x3800, s5;
	s14 =	sadd.s32 $0x4000, s5  }
0xf: {  	s15 =	sadd.s32 $0x4800, s5;
	s16 =	sadd.s32 $0x5000, s5;
	s17 =	sadd.s32 $0x5800, s5  }
0x10: {  	s18 =	sadd.s32 $0x6000, s5;
	s19 =	sadd.s32 $0x6800, s5;
	s20 =	sadd.s32 $0x7000, s5  }
0x11: {  	v0 =	vimm.f32 $1.000000000e+00;
	v1 =	vimm.f32 $0.0e+00;
	s21 =	sadd.s32 $0x7800, s5;
	s24 =	sadd.s32 s25, s24;
	s25 =	simm.s32 $0xC800  }
.LBB2_1:
0x12: {  	s29 =	simm.s32 $0x40;
	s30 =	simm.s32 $0x0  }
.LBB2_2:
0x13: {  	p0 =	sne.s32 s29, $0x1FC0;
	[tilespmem:s30+$0xC000] =	vst v0;
	s31 =	smov.u32 s29;
	s29 =	sadd.s32 $0x40, s29  }
.Ltmp0:
0x14: {  	[tilespmem:s30+$0xC800] =	vst v1;
	(pc) =	sbr.rel @p0 .LBB2_2-.Ltmp0, $2  }
0x15: {  	_ =	sdelay $0x2  }
0x16: {  	s30 =	sshra.s32 s31, $0x2  }
0x17: {  	[tilespmem:s30+$0xC000] =	vst v0  }
0x18: {  	[tilespmem:s30+$0xC800] =	vst v1;
	s29 =	simm.s32 $0x0  }
0x19: {  	[tilespmem:s22], [sflag:$0x1] =	stream.linear.gather [hbm4b:s4+s29], $0x4000, $0x38;
	[tilespmem:$0xD000] =	vst v63  }
0x1a: {  	_ =	swait.ge [sflag:s23], $0x4000  }
0x1b: {  	[sflag:s23] =	ssyncset.done $0x0  }
0x1c: {  	[sflag:s23] =	ssyncadd.s32 $0xFFFFC000  }
0x1d: {  	[spmem:s5] =	stream.linear.scatter [tilespmem:s25], [sflag:$0x1], $0x800, $0x38;
	[tilespmem:$0xD000] =	vst v63  }
0x1e: {  	_ =	swait.ge [sflag:s23], $0x800  }
0x1f: {  	[sflag:s23] =	ssyncset.done $0x0  }
0x20: {  	[sflag:s23] =	ssyncadd.s32 $0xFFFFF800  }
0x21: {  	[spmem:s7] =	stream.linear.scatter [tilespmem:s25], [sflag:$0x1], $0x800, $0x38;
	[tilespmem:$0xD000] =	vst v63  }
0x22: {  	_ =	swait.ge [sflag:s23], $0x800  }
0x23: {  	[sflag:s23] =	ssyncset.done $0x0  }
0x24: {  	[sflag:s23] =	ssyncadd.s32 $0xFFFFF800  }
0x25: {  	[spmem:s8] =	stream.linear.scatter [tilespmem:s25], [sflag:$0x1], $0x800, $0x38;
	[tilespmem:$0xD000] =	vst v63  }
0x26: {  	_ =	swait.ge [sflag:s23], $0x800  }
0x27: {  	[sflag:s23] =	ssyncset.done $0x0  }
0x28: {  	[sflag:s23] =	ssyncadd.s32 $0xFFFFF800  }
0x29: {  	[spmem:s9] =	stream.linear.scatter [tilespmem:s25], [sflag:$0x1], $0x800, $0x38;
	[tilespmem:$0xD000] =	vst v63  }
0x2a: {  	_ =	swait.ge [sflag:s23], $0x800  }
0x2b: {  	[sflag:s23] =	ssyncset.done $0x0  }
0x2c: {  	[sflag:s23] =	ssyncadd.s32 $0xFFFFF800  }
0x2d: {  	[spmem:s10] =	stream.linear.scatter [tilespmem:s25], [sflag:$0x1], $0x800, $0x38;
	[tilespmem:$0xD000] =	vst v63  }
0x2e: {  	_ =	swait.ge [sflag:s23], $0x800  }
0x2f: {  	[sflag:s23] =	ssyncset.done $0x0  }
0x30: {  	[sflag:s23] =	ssyncadd.s32 $0xFFFFF800  }
0x31: {  	[spmem:s11] =	stream.linear.scatter [tilespmem:s25], [sflag:$0x1], $0x800, $0x38;
	[tilespmem:$0xD000] =	vst v63  }
0x32: {  	_ =	swait.ge [sflag:s23], $0x800  }
0x33: {  	[sflag:s23] =	ssyncset.done $0x0  }
0x34: {  	[sflag:s23] =	ssyncadd.s32 $0xFFFFF800  }
0x35: {  	[spmem:s12] =	stream.linear.scatter [tilespmem:s25], [sflag:$0x1], $0x800, $0x38;
	[tilespmem:$0xD000] =	vst v63  }
0x36: {  	_ =	swait.ge [sflag:s23], $0x800  }
0x37: {  	[sflag:s23] =	ssyncset.done $0x0  }
0x38: {  	[sflag:s23] =	ssyncadd.s32 $0xFFFFF800  }
0x39: {  	[spmem:s13] =	stream.linear.scatter [tilespmem:s25], [sflag:$0x1], $0x800, $0x38;
	[tilespmem:$0xD000] =	vst v63  }
0x3a: {  	_ =	swait.ge [sflag:s23], $0x800  }
0x3b: {  	[sflag:s23] =	ssyncset.done $0x0  }
0x3c: {  	[sflag:s23] =	ssyncadd.s32 $0xFFFFF800  }
0x3d: {  	[spmem:s14] =	stream.linear.scatter [tilespmem:s25], [sflag:$0x1], $0x800, $0x38;
	[tilespmem:$0xD000] =	vst v63  }
0x3e: {  	_ =	swait.ge [sflag:s23], $0x800  }
0x3f: {  	[sflag:s23] =	ssyncset.done $0x0  }
0x40: {  	[sflag:s23] =	ssyncadd.s32 $0xFFFFF800  }
0x41: {  	[spmem:s15] =	stream.linear.scatter [tilespmem:s25], [sflag:$0x1], $0x800, $0x38;
	[tilespmem:$0xD000] =	vst v63  }
0x42: {  	_ =	swait.ge [sflag:s23], $0x800  }
0x43: {  	[sflag:s23] =	ssyncset.done $0x0  }
0x44: {  	[sflag:s23] =	ssyncadd.s32 $0xFFFFF800  }
0x45: {  	[spmem:s16] =	stream.linear.scatter [tilespmem:s25], [sflag:$0x1], $0x800, $0x38;
	[tilespmem:$0xD000] =	vst v63  }
0x46: {  	_ =	swait.ge [sflag:s23], $0x800  }
0x47: {  	[sflag:s23] =	ssyncset.done $0x0  }
0x48: {  	[sflag:s23] =	ssyncadd.s32 $0xFFFFF800  }
0x49: {  	[spmem:s17] =	stream.linear.scatter [tilespmem:s25], [sflag:$0x1], $0x800, $0x38;
	[tilespmem:$0xD000] =	vst v63  }
0x4a: {  	_ =	swait.ge [sflag:s23], $0x800  }
0x4b: {  	[sflag:s23] =	ssyncset.done $0x0  }
0x4c: {  	[sflag:s23] =	ssyncadd.s32 $0xFFFFF800  }
0x4d: {  	[spmem:s18] =	stream.linear.scatter [tilespmem:s25], [sflag:$0x1], $0x800, $0x38;
	[tilespmem:$0xD000] =	vst v63  }
0x4e: {  	_ =	swait.ge [sflag:s23], $0x800  }
0x4f: {  	[sflag:s23] =	ssyncset.done $0x0  }
0x50: {  	[sflag:s23] =	ssyncadd.s32 $0xFFFFF800  }
0x51: {  	[spmem:s19] =	stream.linear.scatter [tilespmem:s25], [sflag:$0x1], $0x800, $0x38;
	[tilespmem:$0xD000] =	vst v63  }
0x52: {  	_ =	swait.ge [sflag:s23], $0x800  }
0x53: {  	[sflag:s23] =	ssyncset.done $0x0  }
0x54: {  	[sflag:s23] =	ssyncadd.s32 $0xFFFFF800  }
0x55: {  	[spmem:s20] =	stream.linear.scatter [tilespmem:s25], [sflag:$0x1], $0x800, $0x38;
	[tilespmem:$0xD000] =	vst v63  }
0x56: {  	_ =	swait.ge [sflag:s23], $0x800  }
0x57: {  	[sflag:s23] =	ssyncset.done $0x0  }
0x58: {  	[sflag:s23] =	ssyncadd.s32 $0xFFFFF800  }
0x59: {  	[spmem:s21] =	stream.linear.scatter [tilespmem:s25], [sflag:$0x1], $0x800, $0x38;
	[tilespmem:$0xD000] =	vst v63  }
0x5a: {  	_ =	swait.ge [sflag:s23], $0x800  }
0x5b: {  	[sflag:s23] =	ssyncset.done $0x0  }
0x5c: {  	[sflag:s23] =	ssyncadd.s32 $0xFFFFF800  }
0x5d: {  	s29 =	simm.s32 $0x8000;
	[bflag:$0x0] =	sbarrier.arrive $0xFFFF  }
0x5e: {  	[spmem:s2] =	stream.indirect.scatter.add.f32 [tilespmem:s28], [sflag:$0x1], $0x10, s29, s26, $0xb8;
	[tilespmem:$0xD000] =	vst v63  }
0x5f: {  	s29 =	simm.s32 $0x200;
	_ =	swait.ge [sflag:s23], $0x800  }
.LBB2_4:
0x60: {  	s30 =	sshra.s32 s29, $0x2;
	[sflag:s23] =	ssyncset.done $0x0;
	p0 =	sne.s32 s29, $0xFE00  }
.Ltmp1:
0x61: {  	s30 =	sadd.s32 $0x8000, s30;
	[sflag:s23] =	ssyncadd.s32 $0xFFFFF800;
	(pc) =	sbr.rel @p0 .LBB2_4-.Ltmp1, $3  }
0x62: {  	[spmem:s2] =	stream.indirect.scatter.add.f32 [tilespmem:s28], [sflag:$0x1], $0x10, s30, s26, $0xb8;
	[tilespmem:$0xD000] =	vst v63  }
0x63: {  	s29 =	sadd.s32 $0x200, s29;
	_ =	sdelay $0x1  }
0x64: {  	_ =	swait.ge [sflag:s23], $0x800  }
0x65: {  	[sflag:s23] =	ssyncset.done $0x0;
	s29 =	sshll.u32 s1, $0x6;
	s3 =	sadd.s32 $0x1, s3  }
0x66: {  	s30 =	sshrl.u32 s5, $0x3;
	[sflag:s23] =	ssyncadd.s32 $0xFFFFF800;
	p0 =	sne.s32 s3, s6  }
.Ltmp2:
0x67: {  	s29 =	sor.u32 $0x1C01, s29;
	[bflag:$0x0] =	sbarrier.arrive $0xFFFF;
	(pc) =	sbr.rel @p0 .LBB2_1-.Ltmp2, $4  }
0x68: {  	[hbm:s24], [sflag:s29] =	dma.local [spmem:s30], $0x1000  }
0x69: {  	_ =	swait.ge [sflag:s23], $0x1000  }
0x6a: {  	[sflag:s23] =	ssyncset.done $0x0  }
0x6b: {  	[sflag:s23] =	ssyncadd.s32 $0xFFFFF000  }
0x6c: {  	_ =	sfence.sel $0x180000  }
0x6d: {  	[bflag:$0x0] =	sbarrier.arrive $0xFFFF  }
0x6e: {  	p0 =	sne.s32 s1, $0x0;
	_ =	strace $0x9000004A  }
0x6f: {  	s0 =	sadd.s32 @!p0 $0x100000, s0;
	[bflag:$0x2] =	sbarrier.arrive $0xFFFF  }
0x70: {  	[sflag:s0] =	ssyncadd.tile.s32 @!p0 $0x1;
	_ =	shalt  }
.Lfunc_end2:
_tile_overlayer_lowered:
.L_overlay_start_2:
0x71: {  	(tag) =	ssettag $0x2  }
0x72: {  	s0 =	rddreg [dreg:$0x0];
	s2 =	stileid.u32  }
0x73: {  	s1 =	rddreg [dreg:$0x1];
	p0 =	sne.s32 s2, $0x0  }
0x74: {  	s3 =	rddreg [dreg:$0x2];
	[bflag:$0x3] =	sbarrier.arrive $0xFFFF;
	s2 =	simm.s32 @!p0 $0x1C01  }
0x75: {  	[timem:s3], [sflag:s2] =	dma.local @!p0 [hbm:s0], s1  }
0x76: {  	s0 =	simm.s32 @!p0 $0x1  }
0x77: {  	_ =	swait.ge @!p0 [sflag:s0], s1  }
0x78: {  	s1 =	ssub.s32 @!p0 $0x0, s1;
	[sflag:s0] =	ssyncset.done @!p0 $0x0  }
0x79: {  	[sflag:s0] =	ssyncadd.s32 @!p0 s1  }
0x7a: {  	[bflag:$0x3] =	sbarrier.arrive $0xFFFF  }
0x7b: {  	_ =	shalt  }

// kernel: kernel.13.cloned.1.call-start
scs
__scs_entry_jumppad:
0x0: {  	(pc) =	sbr.rel $0x88, $3  }
0x1: {  	(tag) =	ssettag $0x0;
	lr =	simm.s32 $0x1  }
0x2: {  	[smem:$0x3F95] =	sst lr;
	_ =	strace $0xD0000000  }
0x3: {  	_ = 	snop  }
0x4: {  	_ = 	snop  }
0x5: {  	_ = 	snop  }
0x6: {  	_ = 	snop  }
0x7: {  	_ = 	snop  }
__scs_overlays_trampoline_lowered:
0x8: {  	[smem:$0x3FA4] =	sst s0  }
0x9: {  	[smem:$0x3FA5] =	sst s1  }
0xa: {  	[smem:$0x3FA6] =	sst s2  }
0xb: {  	[smem:$0x3FA7] =	sst s3  }
0xc: {  	[smem:$0x3FA8] =	sst s4  }
0xd: {  	[smem:$0x3FA9] =	sst s5  }
0xe: {  	[smem:$0x3FAA] =	sst s6  }
0xf: {  	[smem:$0x3FAB] =	sst s7  }
0x10: {  	[smem:$0x3FAC] =	sst s8  }
0x11: {  	[smem:$0x3FAD] =	sst s9;
	s0 =	simm.s32 @!p0 $0x0  }
0x12: {  	s1 =	sld [smem:$0x3F93];
	s0 =	simm.s32 @p0 $0x1  }
0x13: {  	[smem:$0x3FAE] =	sst s0;
	s0 =	simm.s32 @!p1 $0x0  }
0x14: {  	s2 =	sld [smem:$0x3F92];
	s0 =	simm.s32 @p1 $0x1  }
0x15: {  	[smem:$0x3FAF] =	sst s0;
	s0 =	simm.s32 @!p2 $0x0  }
0x16: {  	s3 =	sld [smem:$0x3FDB];
	s0 =	simm.s32 @p2 $0x1  }
0x17: {  	s4 =	simm.s32 $0x1BF5;
	[smem:$0x3FB1] =	sst s0  }
0x18: {  	s0 =	sld [smem:$0x3F94];
	_ =	swait.ge [sflag:s4], $0x0  }
0x19: {  	s7 =	sld [smem:$0x3F95]  }
0x1a: {  	s8 =	sadd.s32 $0xFFFFE003, lr  }
0x1b: {  	s9 =	sadd.s32 $0xFFFFFEF7, lr;
	s5 =	simm.s32 $0xFFFFFFFF;
	p2 =	slt.u32 s8, $0xFFFFF086  }
0x1c: {  	p1 =	slt.u32 s9, $0xF7A;
	s5 =	simm.s32 @!p2 $0x0  }
0x1d: {  	s5 =	simm.s32 @p1 $0x1;
	p0 =	seq.s32 s7, s2  }
0x1e: {  	s7 =	smul.u32 @!p0 $0xF7A, s2;
	p2 =	seq.s32 @!p0 s5, $0x0  }
0x1f: {  	s9 =	smul.u32 $0xF7A, s1;
	s8 =	simm.s32 @!p0 $0x1BF5;
	p2 =	por !p2, p0  }
0x20: {  	[sflag:s8] =	ssyncset.s32 @!p0 $0xFFFFF086;
	s6 =	sadd.s32 @!p0 s3, s7;
	s7 =	simm.s32 @!p0 $0x108  }
0x21: {  	s3 =	sadd.s32 s3, s9;
	s6 =	sadd.s32 @!p0 $0x88, s6;
	s7 =	simm.s32 @p2 $0x1082  }
0x22: {  	[simem:s7], [sflag:s8] =	dma.local @!p0 [hbm:s6], $0xF7A  }
0x23: {  	s9 =	sor.u32 $0xD0000000, s2;
	s6 =	simm.s32 $0x108;
	_ =	swait.ge @!p0 [sflag:s8], $0x0  }
0x24: {  	s3 =	sadd.s32 $0x88, s3;
	s6 =	simm.s32 @!p1 $0x1082;
	[sflag:s4] =	ssyncset.s32 $0xFFFFF086  }
0x25: {  	[simem:s6], [sflag:s4] =	dma.local [hbm:s3], $0xF7A  }
0x26: {  	[smem:$0x3F95] =	sst s1;
	(tag) =	ssettag s2;
	_ =	strace s9  }
0x27: {  	s1 =	sld [smem:$0x3FA5]  }
0x28: {  	s2 =	sld [smem:$0x3FA6]  }
0x29: {  	s4 =	sld [smem:$0x3FA8]  }
0x2a: {  	p0 =	seq.s32 s5, $0x0;
	s5 =	sld [smem:$0x3FA9]  }
0x2b: {  	s6 =	sld [smem:$0x3FAA]  }
0x2c: {  	s7 =	sld [smem:$0x3FAB]  }
0x2d: {  	s3 =	simm.s32 $0x108;
	s8 =	sld [smem:$0x3FAC]  }
0x2e: {  	s3 =	simm.s32 @!p0 $0x1082;
	s9 =	sld [smem:$0x3FAD]  }
0x2f: {  	lr =	sadd.s32 s0, s3;
	s0 =	sld [smem:$0x3FA4]  }
0x30: {  	s3 =	sld [smem:$0x3FA7]  }
0x31: {  	[smem:$0x3FB0] =	sst s10  }
0x32: {  	s10 =	sld [smem:$0x3FAE];
	_ =	sdelay $0x3  }
0x33: {  	p0 =	seq.s32 s10, $0x1;
	s10 =	sld [smem:$0x3FB0];
	_ =	sdelay $0x3  }
0x34: {  	[smem:$0x3FB0] =	sst s10  }
0x35: {  	s10 =	sld [smem:$0x3FAF];
	_ =	sdelay $0x3  }
0x36: {  	p1 =	seq.s32 s10, $0x1;
	s10 =	sld [smem:$0x3FB0];
	_ =	sdelay $0x3  }
0x37: {  	[smem:$0x3FB0] =	sst s10  }
0x38: {  	s10 =	sld [smem:$0x3FB1]  }
0x39: {  	_ = 	snop;
	(pc) =	sbr.ind lr, $3  }
0x3a: {  	_ = 	snop  }
0x3b: {  	_ = 	snop  }
0x3c: {  	p2 =	seq.s32 s10, $0x1;
	s10 =	sld [smem:$0x3FB0]  }
0x3d: {  	_ =	shalt  }
0x3e: {  	_ =	shalt  }
0x3f: {  	_ =	shalt  }
0x40: {  	_ =	shalt  }
0x41: {  	_ =	shalt  }
0x42: {  	_ =	shalt  }
0x43: {  	_ =	shalt  }
0x44: {  	_ =	shalt  }
0x45: {  	_ =	shalt  }
0x46: {  	_ =	shalt  }
0x47: {  	_ =	shalt  }
0x48: {  	_ =	shalt  }
0x49: {  	_ =	shalt  }
0x4a: {  	_ =	shalt  }
0x4b: {  	_ =	shalt  }
0x4c: {  	_ =	shalt  }
0x4d: {  	_ =	shalt  }
0x4e: {  	_ =	shalt  }
0x4f: {  	_ =	shalt  }
0x50: {  	_ =	shalt  }
0x51: {  	_ =	shalt  }
0x52: {  	_ =	shalt  }
0x53: {  	_ =	shalt  }
0x54: {  	_ =	shalt  }
0x55: {  	_ =	shalt  }
0x56: {  	_ =	shalt  }
0x57: {  	_ =	shalt  }
0x58: {  	_ =	shalt  }
0x59: {  	_ =	shalt  }
0x5a: {  	_ =	shalt  }
0x5b: {  	_ =	shalt  }
0x5c: {  	_ =	shalt  }
0x5d: {  	_ =	shalt  }
0x5e: {  	_ =	shalt  }
0x5f: {  	_ =	shalt  }
0x60: {  	_ =	shalt  }
0x61: {  	_ =	shalt  }
0x62: {  	_ =	shalt  }
0x63: {  	_ =	shalt  }
0x64: {  	_ =	shalt  }
0x65: {  	_ =	shalt  }
0x66: {  	_ =	shalt  }
0x67: {  	_ =	shalt  }
0x68: {  	_ =	shalt  }
0x69: {  	_ =	shalt  }
0x6a: {  	_ =	shalt  }
0x6b: {  	_ =	shalt  }
0x6c: {  	_ =	shalt  }
0x6d: {  	_ =	shalt  }
0x6e: {  	_ =	shalt  }
0x6f: {  	_ =	shalt  }
0x70: {  	_ =	shalt  }
0x71: {  	_ =	shalt  }
0x72: {  	_ =	shalt  }
0x73: {  	_ =	shalt  }
0x74: {  	_ =	shalt  }
0x75: {  	_ =	shalt  }
0x76: {  	_ =	shalt  }
0x77: {  	_ =	shalt  }
0x78: {  	_ =	shalt  }
0x79: {  	_ =	shalt  }
0x7a: {  	_ =	shalt  }
0x7b: {  	_ =	shalt  }
0x7c: {  	_ =	shalt  }
0x7d: {  	_ =	shalt  }
0x7e: {  	_ =	shalt  }
0x7f: {  	_ =	shalt  }
0x80: {  	_ =	shalt  }
0x81: {  	_ =	shalt  }
0x82: {  	_ =	shalt  }
0x83: {  	_ =	shalt  }
0x84: {  	_ =	shalt  }
0x85: {  	_ =	shalt  }
0x86: {  	_ =	shalt  }
0x87: {  	_ =	shalt  }
.Lfunc_end0:
.L_simem_size_0:
called_computation.2_lowered:
.L_overlay_start_0:
0x88: {  	s2 =	sld [smem:$0x3FD9]  }
0x89: {  	s3 =	sld [smem:$0x3FFE];
	_ =	sdelay $0x1  }
0x8a: {  	s1 =	srdreg.scid  }
0x8b: {  	s0 =	sand.u32 $0x1, s1  }
0x8c: {  	s16 =	sshll.u32 s0, $0xA;
	s2 =	sadd.s32 s3, s2  }
0x8d: {  	s2 =	sadd.s32 s2, s16  }
0x8e: {  	[smem:$0x3FBC] =	sst s2  }
0x8f: {  	_ = 	snop  }
0x90: {  	(tm) =	ssettm $0x1  }
0x91: {  	s17 =	sld [smem:$0x3FFB];
	_ =	sdelay $0x3  }
0x92: {  	_ =	strace s17  }
0x93: {  	s2 =	sld [smem:$0x3FFC];
	_ =	sdelay $0x3  }
0x94: {  	_ =	strace s2  }
0x95: {  	s2 =	sld [smem:$0x3FFD];
	_ =	sdelay $0x3  }
0x96: {  	_ =	strace s2  }
0x97: {  	_ =	strace $0x8FFFFFFF  }
0x98: {  	s18 =	sld [smem:$0x3FDB];
	_ =	sdelay $0x1  }
0x99: {  	s19 =	simm.s32 $_scs_section_size  }
0x9a: {  	s4 =	simm.s32 $_size__tile_overlayer_lowered;
	s5 =	simm.s32 $_tile_overlayer_lowered  }
0x9b: {  	s22 =	simm.s32 $0x1BFF;
	s21 =	sshll.u32 s5, $0x1;
	s2 =	sadd.s32 s19, s18  }
0x9c: {  	s6 =	simm.s32 $0x0;
	s20 =	sshll.u32 s4, $0x1;
	s4 =	sadd.s32 s21, s2  }
0x9d: {  	[timem:s6], [sflag:s22] =	dma.local [hbm:s4], s20  }
0x9e: {  	_ =	swait.ge [sflag:s22], s20  }
0x9f: {  	s3 =	ssub.s32 $0x0, s20;
	[sflag:s22] =	ssyncset.done $0x0  }
0xa0: {  	[sflag:s22] =	ssyncadd.s32 s3;
	_ =	sdelay $0x1  }
0xa1: {  	s23 =	simm.s32 $0x1B8B  }
0xa2: {  	_ =	swait.ge [sflag:s23], $0x1  }
0xa3: {  	[sflag:s23] =	ssyncset.done $0x0  }
0xa4: {  	s25 =	simm.s32 $0x1B8E;
	s24 =	sld [smem:$0x3FFE];
	[sflag:s23] =	ssyncadd.s32 $0xFFFFFFFF  }
0xa5: {  	s26 =	simm.s32 $execute0_lowered;
	[smem:$0x3FD2] =	sst s25  }
0xa6: {  	s4 =	sshll.u32 s26, $0x1;
	_ =	strace $0x8000004C;
	[dreg:$0x1] =	wrdreg $0xFFFFFFFF  }
0xa7: {  	s28 =	simm.s32 $_size_execute0_lowered;
	s2 =	sadd.s32 s2, s4;
	[dreg:$0x0] =	wrdreg $0x0  }
0xa8: {  	s4 =	sshll.u32 s28, $0x1;
	[dreg:$0x2] =	wrdreg s2  }
0xa9: {  	[dreg:$0x3] =	wrdreg s4  }
0xaa: {  	[dreg:$0x4] =	wrdreg $0xC0  }
0xab: {  	_ =	task [dreg:s6], $0x5FFFF  }
0xac: {  	[dreg:$0x1] =	wrdreg $0xFFFFFFFF  }
0xad: {  	[dreg:$0x0] =	wrdreg $0x60  }
0xae: {  	[dreg:$0x2] =	wrdreg s24  }
0xaf: {  	[dreg:$0x3] =	wrdreg $0x0  }
0xb0: {  	[dreg:$0x4] =	wrdreg $0x9  }
0xb1: {  	_ =	task.clear_ibuf [dreg:s6], $0x5FFFF;
	_ =	strace $0x9000004C  }
0xb2: {  	s29 =	simm.s32 $0x9;
	_ =	strace $0x8000004E  }
0xb3: {  	_ =	swait.ge [sflag:s29], $0x1  }
0xb4: {  	[sflag:s29] =	ssyncadd.s32 $0xFFFFFFFF  }
0xb5: {  	_ =	strace $0x9000004E  }
0xb6: {  	_ =	sfence  }
0xb7: {  	s30 =	sld [smem:$0x0];
	_ =	sdelay $0x2  }
0xb8: {  	s31 =	sshll.u32 s1, $0xD;
	s1 =	sshrl.u32 s1, $0x2  }
0xb9: {  	s3 =	sand.u32 $0x4000, s31;
	s1 =	sadd.s32 s1, s30  }
0xba: {  	s0 =	sor.u32 s3, s0;
	s1 =	sshll.u32 s1, $0x11  }
0xbb: {  	s0 =	sor.u32 s1, s0  }
0xbc: {  	s0 =	sadd.s32 $0x8F2B, s0  }
0xbd: {  	[sflag:s0] =	ssyncadd.remote.s32 $0x1  }
0xbe: {  	_ =	sfence.sel $0xFFFF  }
0xbf: {  	[dreg:$0x0] =	wrdreg $0xFFFFFFFF;
	(pc) =	sbr.abs _section_cstart, $3  }
0xc0: {  	[dreg:$0x1] =	wrdreg $0xFFFFFFFF  }
0xc1: {  	_ =	task.clear_ibuf [dreg:s6], $0x2FFFF;
	_ =	strace $0x9FFFFFFF  }
0xc2: {  	(tm) =	ssettm $0x7FFFFFFF  }
0xc3: {  	_ =	shalt  }
tec
execute0_lowered:
.L_overlay_start_1:
0x0: {  	(tag) =	ssettag $0x1  }
0x1: {  	s0 =	rddreg [dreg:$0x0]  }
0x2: {  	s1 =	rddreg [dreg:$0x1];
	s2 =	simm.s32 $0x0  }
0x3: {  	s3 =	srdreg.scid;
	s12 =	stileid.u32;
	s17 =	simm.s32 $0x14480  }
0x4: {  	s19 =	simm.s32 $0x14500;
	s20 =	simm.s32 $0x14580;
	s21 =	simm.s32 $0x10280  }
0x5: {  	s22 =	simm.s32 $0x10300;
	s23 =	simm.s32 $0x10380;
	s24 =	simm.s32 $0x14680  }
0x6: {  	s28 =	simm.s32 $0x14800;
	s29 =	simm.s32 $0x15800;
	s30 =	simm.s32 $0x16800  }
0x7: {  	s31 =	simm.s32 $0x17800;
	[smem:$0x7FF] =	sst s2;
	s3 =	sand.u32 $0x1, s3  }
0x8: {  	s4 =	sadd.s32 $0x24400, s0;
	_ =	strace $0x8000004D;
	[dreg:$0x3] =	wrdreg s17  }
0x9: {  	s11 =	sshll.u32 s12, $0xC;
	s18 =	sshll.u32 s12, $0xD;
	[dreg:$0x4] =	wrdreg s19  }
0xa: {  	s26 =	sshll.u32 s12, $0x10;
	s5 =	sshll.u32 s3, $0x10;
	[dreg:$0x5] =	wrdreg s20  }
0xb: {  	s25 =	ssub.s32 $0x2, s3;
	s9 =	sadd.s32 s11, s0;
	[dreg:$0x6] =	wrdreg s21  }
0xc: {  	s3 =	sshll.u32 s3, $0x11;
	s7 =	sadd.s32 s4, s18;
	[dreg:$0x7] =	wrdreg s22  }
0xd: {  	s13 =	sadd.s32 s26, s1;
	s17 =	simm.s32 $0x10400;
	[dreg:$0x8] =	wrdreg s23  }
0xe: {  	s19 =	simm.s32 $0x11400;
	[dreg:$0x9] =	wrdreg s24;
	s21 =	simm.s32 $0x12400  }
0xf: {  	s26 =	simm.s32 $0x14780;
	s23 =	simm.s32 $0x13400;
	s8 =	sadd.s32 s5, s0  }
0x10: {  	s6 =	sshrl.u32 s25, $0x1;
	s0 =	sadd.s32 s3, s0;
	s5 =	sshll.u32 s12, $0x6  }
0x11: {  	s3 =	sadd.s32 s3, s7;
	[dreg:$0xb] =	wrdreg s26;
	s26 =	simm.s32 $0x14600  }
0x12: {  	s10 =	ssub.s32 s25, s6;
	[dreg:$0xc] =	wrdreg s3;
	s14 =	sor.u32 $0x1C01, s5  }
0x13: {  	s15 =	sadd.s32 $0x4400, s8;
	s8 =	sadd.s32 $0x204400, s9;
	s0 =	sadd.s32 $0x214400, s0  }
0x14: {  	s25 =	simm.s32 $0x14700;
	s3 =	simm.s32 $0x0;
	[dreg:$0xd] =	wrdreg s14  }
0x15: {  	s16 =	smax.u32 s10, $0x1;
	s10 =	sshrl.u32 s13, $0x3;
	s11 =	sadd.s32 s11, s15  }
0x16: {  	s13 =	simm.s32 $0x3;
	s14 =	simm.s32 $0x10200;
	s15 =	simm.s32 $0x1  }
0x17: {  	[dreg:$0xa] =	wrdreg s25;
	s24 =	sadd.s32 s18, s0;
	s25 =	simm.s32 $0x14400  }
0x18: {  	s0 =	simm.s32 $0x2;
	[dreg:$0xe] =	wrdreg s16;
	s16 =	simm.s32 $0x80  }
.LBB2_1:
0x19: {  	s6 =	rddreg [dreg:$0xc]  }
0x1a: {  	s7 =	rddreg [dreg:$0xd]  }
0x1b: {  	[spmem:s10], [sflag:s7] =	dma.local [hbm:s6], $0x2000  }
0x1c: {  	s7 =	simm.s32 $0x10000  }
0x1d: {  	[tilespmem:s7], [sflag:$0x3] =	stream.linear.gather [hbm4b:s11+s2], $0x200, $0x38;
	[tilespmem:$0x18800] =	vst v63  }
0x1e: {  	_ =	swait.ge [sflag:s13], $0x200  }
0x1f: {  	[sflag:s13] =	ssyncset.done $0x0  }
0x20: {  	[sflag:s13] =	ssyncadd.s32 $0xFFFFFE00  }
0x21: {  	[tilespmem:s14], [sflag:$0x3] =	stream.linear.gather [hbm4b:s8+s2], $0x200, $0x38;
	[tilespmem:$0x18800] =	vst v63  }
0x22: {  	_ =	swait.ge [sflag:s13], $0x200  }
0x23: {  	[sflag:s13] =	ssyncset.done $0x0  }
0x24: {  	[sflag:s13] =	ssyncadd.s32 $0xFFFFFE00  }
0x25: {  	_ =	swait.ge [sflag:s15], $0x2000  }
0x26: {  	[sflag:s15] =	ssyncset.done $0x0  }
0x27: {  	[sflag:s15] =	ssyncadd.s32 $0xFFFFE000  }
0x28: {  	[bflag:$0x0] =	sbarrier.arrive $0xFFFF  }
0x29: {  	[tilespmem:s17], [sflag:$0x1] =	stream.indirect.gather [hbm4b:s4+s16], $0x20, s7, s16, $0xb8;
	[tilespmem:$0x18800] =	vst v63  }
0x2a: {  	s9 =	simm.s32 $0x10080  }
0x2b: {  	[tilespmem:s19], [sflag:$0x1] =	stream.indirect.gather [hbm4b:s4+s16], $0x20, s9, s16, $0xb8;
	[tilespmem:$0x18800] =	vst v63  }
0x2c: {  	s12 =	simm.s32 $0x10100  }
0x2d: {  	[tilespmem:s21], [sflag:$0x1] =	stream.indirect.gather [hbm4b:s4+s16], $0x20, s12, s16, $0xb8;
	[tilespmem:$0x18800] =	vst v63  }
0x2e: {  	s18 =	simm.s32 $0x10180  }
0x2f: {  	[tilespmem:s23], [sflag:$0x1] =	stream.indirect.gather [hbm4b:s4+s16], $0x20, s18, s16, $0xb8;
	[tilespmem:$0x18800] =	vst v63  }
0x30: {  	s18 =	sadd.s32 $0x0, s11  }
0x31: {  	s18 =	sadd.s32 $0x40, s18  }
0x32: {  	[tilespmem:s25], [sflag:$0x3] =	stream.linear.gather [hbm4b:s18+s2], $0x200, $0x38;
	[tilespmem:$0x18800] =	vst v63  }
0x33: {  	_ =	swait.ge [sflag:s13], $0x200  }
0x34: {  	s20 =	sadd.s32 $0x0, s8;
	[sflag:s13] =	ssyncset.done $0x0  }
0x35: {  	s18 =	sadd.s32 $0x40, s20;
	[sflag:s13] =	ssyncadd.s32 $0xFFFFFE00  }
0x36: {  	[tilespmem:s26], [sflag:$0x3] =	stream.linear.gather [hbm4b:s18+s2], $0x200, $0x38;
	[tilespmem:$0x18800] =	vst v63  }
0x37: {  	_ =	swait.ge [sflag:s13], $0x200  }
0x38: {  	[sflag:s13] =	ssyncset.done $0x0  }
0x39: {  	[sflag:s13] =	ssyncadd.s32 $0xFFFFFE00  }
0x3a: {  	[tilespmem:s28], [sflag:$0x2] =	stream.indirect.gather [hbm4b:s4+s16], $0x20, s25, s16, $0xb8;
	[tilespmem:$0x18800] =	vst v63  }
0x3b: {  	s22 =	rddreg [dreg:$0x3]  }
0x3c: {  	[tilespmem:s29], [sflag:$0x2] =	stream.indirect.gather [hbm4b:s4+s16], $0x20, s22, s16, $0xb8;
	[tilespmem:$0x18800] =	vst v63  }
0x3d: {  	s20 =	rddreg [dreg:$0x4]  }
0x3e: {  	[tilespmem:s30], [sflag:$0x2] =	stream.indirect.gather [hbm4b:s4+s16], $0x20, s20, s16, $0xb8;
	[tilespmem:$0x18800] =	vst v63  }
0x3f: {  	s6 =	rddreg [dreg:$0x5]  }
0x40: {  	[tilespmem:s31], [sflag:$0x2] =	stream.indirect.gather [hbm4b:s4+s16], $0x20, s6, s16, $0xb8;
	[tilespmem:$0x18800] =	vst v63  }
0x41: {  	_ =	swait.ge [sflag:s15], $0x1000  }
0x42: {  	[sflag:s15] =	ssyncset.done $0x0  }
0x43: {  	[sflag:s15] =	ssyncadd.s32 $0xFFFFF000  }
0x44: {  	_ =	swait.ge [sflag:s15], $0x1000  }
0x45: {  	[sflag:s15] =	ssyncset.done $0x0  }
0x46: {  	[sflag:s15] =	ssyncadd.s32 $0xFFFFF000  }
0x47: {  	_ =	swait.ge [sflag:s15], $0x1000  }
0x48: {  	[sflag:s15] =	ssyncset.done $0x0  }
0x49: {  	[sflag:s15] =	ssyncadd.s32 $0xFFFFF000  }
0x4a: {  	_ =	swait.ge [sflag:s15], $0x1000  }
0x4b: {  	[sflag:s15] =	ssyncset.done $0x0  }
0x4c: {  	[sflag:s15] =	ssyncadd.s32 $0xFFFFF000  }
0x4d: {  	[spmem:s1] =	stream.indirect.scatter.add.f32 [tilespmem:s17], [sflag:$0x3], $0x20, s14, s16, $0xb8;
	[tilespmem:$0x18800] =	vst v63  }
0x4e: {  	_ =	swait.ge [sflag:s13], $0x1000  }
0x4f: {  	[sflag:s13] =	ssyncset.done $0x0  }
0x50: {  	s7 =	rddreg [dreg:$0x6];
	[sflag:s13] =	ssyncadd.s32 $0xFFFFF000  }
0x51: {  	[spmem:s1] =	stream.indirect.scatter.add.f32 [tilespmem:s19], [sflag:$0x3], $0x20, s7, s16, $0xb8;
	[tilespmem:$0x18800] =	vst v63  }
0x52: {  	_ =	swait.ge [sflag:s13], $0x1000  }
0x53: {  	[sflag:s13] =	ssyncset.done $0x0  }
0x54: {  	s9 =	rddreg [dreg:$0x7];
	[sflag:s13] =	ssyncadd.s32 $0xFFFFF000  }
0x55: {  	[spmem:s1] =	stream.indirect.scatter.add.f32 [tilespmem:s21], [sflag:$0x3], $0x20, s9, s16, $0xb8;
	[tilespmem:$0x18800] =	vst v63  }
0x56: {  	_ =	swait.ge [sflag:s13], $0x1000  }
0x57: {  	[sflag:s13] =	ssyncset.done $0x0  }
0x58: {  	p0 =	por $0x0, $0x0;
	s12 =	rddreg [dreg:$0x8];
	[sflag:s13] =	ssyncadd.s32 $0xFFFFF000  }
0x59: {  	[spmem:s1] =	stream.indirect.scatter.add.f32 [tilespmem:s23], [sflag:$0x3], $0x20, s12, s16, $0xb8;
	[tilespmem:$0x18800] =	vst v63  }
0x5a: {  	s18 =	sadd.s32 @!p0 $0x0, s11;
	_ =	swait.ge [sflag:s13], $0x1000  }
0x5b: {  	s18 =	sadd.s32 @!p0 $0x80, s18;
	s22 =	simm.s32 @!p0 $0x10000;
	[sflag:s13] =	ssyncset.done $0x0  }
0x5c: {  	s20 =	simm.s32 @!p0 $0x0;
	s12 =	simm.s32 @!p0 $0x3;
	[sflag:s13] =	ssyncadd.s32 $0xFFFFF000  }
0x5d: {  	[tilespmem:s22], [sflag:$0x3] =	stream.linear.gather @!p0 [hbm4b:s18+s20], $0x200, $0x38;
	[tilespmem:$0x18800] =	vst v63  }
0x5e: {  	_ =	swait.ge @!p0 [sflag:s12], $0x200  }
0x5f: {  	s18 =	sadd.s32 @!p0 $0x0, s8;
	[sflag:s12] =	ssyncset.done @!p0 $0x0  }
0x60: {  	s6 =	simm.s32 @!p0 $0x10200;
	s18 =	sadd.s32 @!p0 $0x80, s18;
	[sflag:s12] =	ssyncadd.s32 @!p0 $0xFFFFFE00  }
0x61: {  	[tilespmem:s6], [sflag:$0x3] =	stream.linear.gather @!p0 [hbm4b:s18+s20], $0x200, $0x38;
	[tilespmem:$0x18800] =	vst v63  }
0x62: {  	_ =	swait.ge @!p0 [sflag:s12], $0x200  }
0x63: {  	[sflag:s12] =	ssyncset.done @!p0 $0x0  }
0x64: {  	s6 =	simm.s32 @!p0 $0x80;
	[sflag:s12] =	ssyncadd.s32 @!p0 $0xFFFFFE00;
	s12 =	simm.s32 @!p0 $0x10400  }
0x65: {  	[tilespmem:s12], [sflag:$0x1] =	stream.indirect.gather @!p0 [hbm4b:s4+s6], $0x20, s22, s6, $0xb8;
	[tilespmem:$0x18800] =	vst v63  }
0x66: {  	s18 =	simm.s32 @!p0 $0x11400;
	s12 =	simm.s32 @!p0 $0x10080  }
0x67: {  	[tilespmem:s18], [sflag:$0x1] =	stream.indirect.gather @!p0 [hbm4b:s4+s6], $0x20, s12, s6, $0xb8;
	[tilespmem:$0x18800] =	vst v63  }
0x68: {  	s12 =	simm.s32 @!p0 $0x10100;
	s18 =	simm.s32 @!p0 $0x12400  }
0x69: {  	[tilespmem:s18], [sflag:$0x1] =	stream.indirect.gather @!p0 [hbm4b:s4+s6], $0x20, s12, s6, $0xb8;
	[tilespmem:$0x18800] =	vst v63  }
0x6a: {  	s12 =	simm.s32 @!p0 $0x10180;
	s18 =	simm.s32 @!p0 $0x13400  }
0x6b: {  	[tilespmem:s18], [sflag:$0x1] =	stream.indirect.gather @!p0 [hbm4b:s4+s6], $0x20, s12, s6, $0xb8;
	[tilespmem:$0x18800] =	vst v63  }
0x6c: {  	_ =	swait.ge [sflag:s0], $0x1000  }
0x6d: {  	[sflag:s0] =	ssyncset.done $0x0  }
0x6e: {  	[sflag:s0] =	ssyncadd.s32 $0xFFFFF000  }
0x6f: {  	_ =	swait.ge [sflag:s0], $0x1000  }
0x70: {  	[sflag:s0] =	ssyncset.done $0x0  }
0x71: {  	[sflag:s0] =	ssyncadd.s32 $0xFFFFF000  }
0x72: {  	_ =	swait.ge [sflag:s0], $0x1000  }
0x73: {  	[sflag:s0] =	ssyncset.done $0x0  }
0x74: {  	[sflag:s0] =	ssyncadd.s32 $0xFFFFF000  }
0x75: {  	_ =	swait.ge [sflag:s0], $0x1000  }
0x76: {  	[sflag:s0] =	ssyncset.done $0x0  }
0x77: {  	[sflag:s0] =	ssyncadd.s32 $0xFFFFF000  }
0x78: {  	[spmem:s1] =	stream.indirect.scatter.add.f32 [tilespmem:s28], [sflag:$0x3], $0x20, s26, s16, $0xb8;
	[tilespmem:$0x18800] =	vst v63  }
0x79: {  	_ =	swait.ge [sflag:s13], $0x1000  }
0x7a: {  	[sflag:s13] =	ssyncset.done $0x0  }
0x7b: {  	s18 =	rddreg [dreg:$0x9];
	[sflag:s13] =	ssyncadd.s32 $0xFFFFF000  }
0x7c: {  	[spmem:s1] =	stream.indirect.scatter.add.f32 [tilespmem:s29], [sflag:$0x3], $0x20, s18, s16, $0xb8;
	[tilespmem:$0x18800] =	vst v63  }
0x7d: {  	_ =	swait.ge [sflag:s13], $0x1000  }
0x7e: {  	[sflag:s13] =	ssyncset.done $0x0  }
0x7f: {  	s20 =	rddreg [dreg:$0xa];
	[sflag:s13] =	ssyncadd.s32 $0xFFFFF000  }
0x80: {  	[spmem:s1] =	stream.indirect.scatter.add.f32 [tilespmem:s30], [sflag:$0x3], $0x20, s20, s16, $0xb8;
	[tilespmem:$0x18800] =	vst v63  }
0x81: {  	_ =	swait.ge [sflag:s13], $0x1000  }
0x82: {  	[sflag:s13] =	ssyncset.done $0x0  }
0x83: {  	s18 =	simm.s32 $0x80;
	s22 =	rddreg [dreg:$0xb];
	[sflag:s13] =	ssyncadd.s32 $0xFFFFF000  }
0x84: {  	[spmem:s1] =	stream.indirect.scatter.add.f32 [tilespmem:s31], [sflag:$0x3], $0x20, s22, s16, $0xb8;
	[tilespmem:$0x18800] =	vst v63  }
0x85: {  	s20 =	simm.s32 $0x100;
	s22 =	sadd.s32 $0x80, s11;
	_ =	swait.ge [sflag:s13], $0x1000  }
.LBB2_2:
0x86: {  	[sflag:s13] =	ssyncset.done $0x0  }
0x87: {  	s6 =	sadd.s32 $0x40, s22;
	[sflag:s13] =	ssyncadd.s32 $0xFFFFF000  }
0x88: {  	[tilespmem:s25], [sflag:$0x3] =	stream.linear.gather [hbm4b:s6+s2], $0x200, $0x38;
	[tilespmem:$0x18800] =	vst v63  }
0x89: {  	_ =	swait.ge [sflag:s13], $0x200  }
0x8a: {  	s7 =	sadd.s32 s18, s8;
	[sflag:s13] =	ssyncset.done $0x0  }
0x8b: {  	s6 =	sadd.s32 $0x40, s7;
	[sflag:s13] =	ssyncadd.s32 $0xFFFFFE00  }
0x8c: {  	[tilespmem:s26], [sflag:$0x3] =	stream.linear.gather [hbm4b:s6+s2], $0x200, $0x38;
	[tilespmem:$0x18800] =	vst v63  }
0x8d: {  	_ =	swait.ge [sflag:s13], $0x200  }
0x8e: {  	[sflag:s13] =	ssyncset.done $0x0  }
0x8f: {  	[sflag:s13] =	ssyncadd.s32 $0xFFFFFE00  }
0x90: {  	[tilespmem:s28], [sflag:$0x2] =	stream.indirect.gather [hbm4b:s4+s16], $0x20, s25, s16, $0xb8;
	[tilespmem:$0x18800] =	vst v63  }
0x91: {  	s9 =	rddreg [dreg:$0x3]  }
0x92: {  	[tilespmem:s29], [sflag:$0x2] =	stream.indirect.gather [hbm4b:s4+s16], $0x20, s9, s16, $0xb8;
	[tilespmem:$0x18800] =	vst v63  }
0x93: {  	s12 =	rddreg [dreg:$0x4]  }
0x94: {  	[tilespmem:s30], [sflag:$0x2] =	stream.indirect.gather [hbm4b:s4+s16], $0x20, s12, s16, $0xb8;
	[tilespmem:$0x18800] =	vst v63  }
0x95: {  	s7 =	rddreg [dreg:$0x5]  }
0x96: {  	[tilespmem:s31], [sflag:$0x2] =	stream.indirect.gather [hbm4b:s4+s16], $0x20, s7, s16, $0xb8;
	[tilespmem:$0x18800] =	vst v63  }
0x97: {  	_ =	swait.ge [sflag:s15], $0x1000  }
0x98: {  	[sflag:s15] =	ssyncset.done $0x0  }
0x99: {  	[sflag:s15] =	ssyncadd.s32 $0xFFFFF000  }
0x9a: {  	_ =	swait.ge [sflag:s15], $0x1000  }
0x9b: {  	[sflag:s15] =	ssyncset.done $0x0  }
0x9c: {  	[sflag:s15] =	ssyncadd.s32 $0xFFFFF000  }
0x9d: {  	_ =	swait.ge [sflag:s15], $0x1000  }
0x9e: {  	[sflag:s15] =	ssyncset.done $0x0  }
0x9f: {  	[sflag:s15] =	ssyncadd.s32 $0xFFFFF000  }
0xa0: {  	_ =	swait.ge [sflag:s15], $0x1000  }
0xa1: {  	[sflag:s15] =	ssyncset.done $0x0  }
0xa2: {  	[sflag:s15] =	ssyncadd.s32 $0xFFFFF000  }
0xa3: {  	[spmem:s1] =	stream.indirect.scatter.add.f32 [tilespmem:s17], [sflag:$0x3], $0x20, s14, s16, $0xb8;
	[tilespmem:$0x18800] =	vst v63  }
0xa4: {  	_ =	swait.ge [sflag:s13], $0x1000  }
0xa5: {  	[sflag:s13] =	ssyncset.done $0x0  }
0xa6: {  	s9 =	rddreg [dreg:$0x6];
	[sflag:s13] =	ssyncadd.s32 $0xFFFFF000  }
0xa7: {  	[spmem:s1] =	stream.indirect.scatter.add.f32 [tilespmem:s19], [sflag:$0x3], $0x20, s9, s16, $0xb8;
	[tilespmem:$0x18800] =	vst v63  }
0xa8: {  	_ =	swait.ge [sflag:s13], $0x1000  }
0xa9: {  	[sflag:s13] =	ssyncset.done $0x0  }
0xaa: {  	s12 =	rddreg [dreg:$0x7];
	[sflag:s13] =	ssyncadd.s32 $0xFFFFF000  }
0xab: {  	[spmem:s1] =	stream.indirect.scatter.add.f32 [tilespmem:s21], [sflag:$0x3], $0x20, s12, s16, $0xb8;
	[tilespmem:$0x18800] =	vst v63  }
0xac: {  	_ =	swait.ge [sflag:s13], $0x1000  }
0xad: {  	[sflag:s13] =	ssyncset.done $0x0  }
0xae: {  	p1 =	seq.s32 s18, $0xF80;
	s7 =	rddreg [dreg:$0x8];
	[sflag:s13] =	ssyncadd.s32 $0xFFFFF000  }
0xaf: {  	[spmem:s1] =	stream.indirect.scatter.add.f32 [tilespmem:s23], [sflag:$0x3], $0x20, s7, s16, $0xb8;
	[tilespmem:$0x18800] =	vst v63  }
0xb0: {  	s6 =	sadd.s32 @!p1 s18, s11;
	_ =	swait.ge [sflag:s13], $0x1000  }
0xb1: {  	s6 =	sadd.s32 @!p1 $0x80, s6;
	s9 =	simm.s32 @!p1 $0x3;
	[sflag:s13] =	ssyncset.done $0x0  }
0xb2: {  	s12 =	simm.s32 @!p1 $0x0;
	s7 =	simm.s32 @!p1 $0x10000;
	[sflag:s13] =	ssyncadd.s32 $0xFFFFF000  }
0xb3: {  	[tilespmem:s7], [sflag:$0x3] =	stream.linear.gather @!p1 [hbm4b:s6+s12], $0x200, $0x38;
	[tilespmem:$0x18800] =	vst v63  }
0xb4: {  	s18 =	sadd.s32 @!p1 s18, s8;
	_ =	swait.ge @!p1 [sflag:s9], $0x200  }
0xb5: {  	s22 =	smov.u32 s20;
	s6 =	sadd.s32 @!p1 $0x80, s18;
	[sflag:s9] =	ssyncset.done @!p1 $0x0  }
0xb6: {  	s18 =	smov.u32 s22;
	s22 =	simm.s32 @!p1 $0x10200;
	[sflag:s9] =	ssyncadd.s32 @!p1 $0xFFFFFE00  }
0xb7: {  	[tilespmem:s22], [sflag:$0x3] =	stream.linear.gather @!p1 [hbm4b:s6+s12], $0x200, $0x38;
	[tilespmem:$0x18800] =	vst v63  }
0xb8: {  	_ =	swait.ge @!p1 [sflag:s9], $0x200  }
0xb9: {  	[sflag:s9] =	ssyncset.done @!p1 $0x0  }
0xba: {  	s6 =	simm.s32 @!p1 $0x80;
	s12 =	simm.s32 @!p1 $0x10400;
	[sflag:s9] =	ssyncadd.s32 @!p1 $0xFFFFFE00  }
0xbb: {  	[tilespmem:s12], [sflag:$0x1] =	stream.indirect.gather @!p1 [hbm4b:s4+s6], $0x20, s7, s6, $0xb8;
	[tilespmem:$0x18800] =	vst v63  }
0xbc: {  	s22 =	simm.s32 @!p1 $0x11400;
	s9 =	simm.s32 @!p1 $0x10080  }
0xbd: {  	[tilespmem:s22], [sflag:$0x1] =	stream.indirect.gather @!p1 [hbm4b:s4+s6], $0x20, s9, s6, $0xb8;
	[tilespmem:$0x18800] =	vst v63  }
0xbe: {  	s7 =	simm.s32 @!p1 $0x10100;
	s12 =	simm.s32 @!p1 $0x12400  }
0xbf: {  	[tilespmem:s12], [sflag:$0x1] =	stream.indirect.gather @!p1 [hbm4b:s4+s6], $0x20, s7, s6, $0xb8;
	[tilespmem:$0x18800] =	vst v63  }
0xc0: {  	s9 =	simm.s32 @!p1 $0x10180;
	s22 =	simm.s32 @!p1 $0x13400  }
0xc1: {  	[tilespmem:s22], [sflag:$0x1] =	stream.indirect.gather @!p1 [hbm4b:s4+s6], $0x20, s9, s6, $0xb8;
	[tilespmem:$0x18800] =	vst v63  }
0xc2: {  	_ =	swait.ge [sflag:s0], $0x1000  }
0xc3: {  	[sflag:s0] =	ssyncset.done $0x0  }
0xc4: {  	[sflag:s0] =	ssyncadd.s32 $0xFFFFF000  }
0xc5: {  	_ =	swait.ge [sflag:s0], $0x1000  }
0xc6: {  	[sflag:s0] =	ssyncset.done $0x0  }
0xc7: {  	[sflag:s0] =	ssyncadd.s32 $0xFFFFF000  }
0xc8: {  	_ =	swait.ge [sflag:s0], $0x1000  }
0xc9: {  	[sflag:s0] =	ssyncset.done $0x0  }
0xca: {  	[sflag:s0] =	ssyncadd.s32 $0xFFFFF000  }
0xcb: {  	_ =	swait.ge [sflag:s0], $0x1000  }
0xcc: {  	[sflag:s0] =	ssyncset.done $0x0  }
0xcd: {  	[sflag:s0] =	ssyncadd.s32 $0xFFFFF000  }
0xce: {  	[spmem:s1] =	stream.indirect.scatter.add.f32 [tilespmem:s28], [sflag:$0x3], $0x20, s26, s16, $0xb8;
	[tilespmem:$0x18800] =	vst v63  }
0xcf: {  	_ =	swait.ge [sflag:s13], $0x1000  }
0xd0: {  	[sflag:s13] =	ssyncset.done $0x0  }
0xd1: {  	s9 =	rddreg [dreg:$0x9];
	[sflag:s13] =	ssyncadd.s32 $0xFFFFF000  }
0xd2: {  	[spmem:s1] =	stream.indirect.scatter.add.f32 [tilespmem:s29], [sflag:$0x3], $0x20, s9, s16, $0xb8;
	[tilespmem:$0x18800] =	vst v63  }
0xd3: {  	_ =	swait.ge [sflag:s13], $0x1000  }
0xd4: {  	s20 =	sadd.s32 $0x80, s20;
	[sflag:s13] =	ssyncset.done $0x0  }
0xd5: {  	p0 =	sne.s32 s20, $0x1000;
	s12 =	rddreg [dreg:$0xa];
	[sflag:s13] =	ssyncadd.s32 $0xFFFFF000  }
0xd6: {  	[spmem:s1] =	stream.indirect.scatter.add.f32 [tilespmem:s30], [sflag:$0x3], $0x20, s12, s16, $0xb8;
	[tilespmem:$0x18800] =	vst v63  }
.Ltmp0:
0xd7: {  	_ =	swait.ge [sflag:s13], $0x1000;
	(pc) =	sbr.rel @p0 .LBB2_2-.Ltmp0, $4  }
0xd8: {  	[sflag:s13] =	ssyncset.done $0x0  }
0xd9: {  	s22 =	rddreg [dreg:$0xb];
	[sflag:s13] =	ssyncadd.s32 $0xFFFFF000  }
0xda: {  	[spmem:s1] =	stream.indirect.scatter.add.f32 [tilespmem:s31], [sflag:$0x3], $0x20, s22, s16, $0xb8;
	[tilespmem:$0x18800] =	vst v63  }
0xdb: {  	s22 =	sadd.s32 s18, s11;
	_ =	swait.ge [sflag:s13], $0x1000  }
0xdc: {  	[sflag:s13] =	ssyncset.done $0x0  }
0xdd: {  	s6 =	sadd.s32 $0x40, s22;
	[sflag:s13] =	ssyncadd.s32 $0xFFFFF000  }
0xde: {  	[tilespmem:s25], [sflag:$0x3] =	stream.linear.gather [hbm4b:s6+s2], $0x200, $0x38;
	[tilespmem:$0x18800] =	vst v63  }
0xdf: {  	_ =	swait.ge [sflag:s13], $0x200  }
0xe0: {  	s7 =	sadd.s32 s18, s8;
	[sflag:s13] =	ssyncset.done $0x0  }
0xe1: {  	s6 =	sadd.s32 $0x40, s7;
	[sflag:s13] =	ssyncadd.s32 $0xFFFFFE00  }
0xe2: {  	[tilespmem:s26], [sflag:$0x3] =	stream.linear.gather [hbm4b:s6+s2], $0x200, $0x38;
	[tilespmem:$0x18800] =	vst v63  }
0xe3: {  	_ =	swait.ge [sflag:s13], $0x200  }
0xe4: {  	[sflag:s13] =	ssyncset.done $0x0  }
0xe5: {  	[sflag:s13] =	ssyncadd.s32 $0xFFFFFE00  }
0xe6: {  	[tilespmem:s28], [sflag:$0x2] =	stream.indirect.gather [hbm4b:s4+s16], $0x20, s25, s16, $0xb8;
	[tilespmem:$0x18800] =	vst v63  }
0xe7: {  	s9 =	rddreg [dreg:$0x3]  }
0xe8: {  	[tilespmem:s29], [sflag:$0x2] =	stream.indirect.gather [hbm4b:s4+s16], $0x20, s9, s16, $0xb8;
	[tilespmem:$0x18800] =	vst v63  }
0xe9: {  	s7 =	rddreg [dreg:$0x4]  }
0xea: {  	[tilespmem:s30], [sflag:$0x2] =	stream.indirect.gather [hbm4b:s4+s16], $0x20, s7, s16, $0xb8;
	[tilespmem:$0x18800] =	vst v63  }
0xeb: {  	s12 =	rddreg [dreg:$0x5]  }
0xec: {  	[tilespmem:s31], [sflag:$0x2] =	stream.indirect.gather [hbm4b:s4+s16], $0x20, s12, s16, $0xb8;
	[tilespmem:$0x18800] =	vst v63  }
0xed: {  	_ =	swait.ge [sflag:s15], $0x1000  }
0xee: {  	[sflag:s15] =	ssyncset.done $0x0  }
0xef: {  	[sflag:s15] =	ssyncadd.s32 $0xFFFFF000  }
0xf0: {  	_ =	swait.ge [sflag:s15], $0x1000  }
0xf1: {  	[sflag:s15] =	ssyncset.done $0x0  }
0xf2: {  	[sflag:s15] =	ssyncadd.s32 $0xFFFFF000  }
0xf3: {  	_ =	swait.ge [sflag:s15], $0x1000  }
0xf4: {  	[sflag:s15] =	ssyncset.done $0x0  }
0xf5: {  	[sflag:s15] =	ssyncadd.s32 $0xFFFFF000  }
0xf6: {  	_ =	swait.ge [sflag:s15], $0x1000  }
0xf7: {  	[sflag:s15] =	ssyncset.done $0x0  }
0xf8: {  	[sflag:s15] =	ssyncadd.s32 $0xFFFFF000  }
0xf9: {  	[spmem:s1] =	stream.indirect.scatter.add.f32 [tilespmem:s17], [sflag:$0x3], $0x20, s14, s16, $0xb8;
	[tilespmem:$0x18800] =	vst v63  }
0xfa: {  	_ =	swait.ge [sflag:s13], $0x1000  }
0xfb: {  	[sflag:s13] =	ssyncset.done $0x0  }
0xfc: {  	s20 =	rddreg [dreg:$0x6];
	[sflag:s13] =	ssyncadd.s32 $0xFFFFF000  }
0xfd: {  	[spmem:s1] =	stream.indirect.scatter.add.f32 [tilespmem:s19], [sflag:$0x3], $0x20, s20, s16, $0xb8;
	[tilespmem:$0x18800] =	vst v63  }
0xfe: {  	_ =	swait.ge [sflag:s13], $0x1000  }
0xff: {  	[sflag:s13] =	ssyncset.done $0x0  }
0x100: {  	s22 =	rddreg [dreg:$0x7];
	[sflag:s13] =	ssyncadd.s32 $0xFFFFF000  }
0x101: {  	[spmem:s1] =	stream.indirect.scatter.add.f32 [tilespmem:s21], [sflag:$0x3], $0x20, s22, s16, $0xb8;
	[tilespmem:$0x18800] =	vst v63  }
0x102: {  	_ =	swait.ge [sflag:s13], $0x1000  }
0x103: {  	[sflag:s13] =	ssyncset.done $0x0  }
0x104: {  	p0 =	seq.s32 s18, $0xF80;
	s7 =	rddreg [dreg:$0x8];
	[sflag:s13] =	ssyncadd.s32 $0xFFFFF000  }
0x105: {  	[spmem:s1] =	stream.indirect.scatter.add.f32 [tilespmem:s23], [sflag:$0x3], $0x20, s7, s16, $0xb8;
	[tilespmem:$0x18800] =	vst v63  }
0x106: {  	s6 =	sadd.s32 @!p0 s18, s11;
	_ =	swait.ge [sflag:s13], $0x1000  }
0x107: {  	s6 =	sadd.s32 @!p0 $0x80, s6;
	s9 =	simm.s32 @!p0 $0x10000;
	[sflag:s13] =	ssyncset.done $0x0  }
0x108: {  	s12 =	simm.s32 @!p0 $0x3;
	s7 =	simm.s32 @!p0 $0x0;
	[sflag:s13] =	ssyncadd.s32 $0xFFFFF000  }
0x109: {  	[tilespmem:s9], [sflag:$0x3] =	stream.linear.gather @!p0 [hbm4b:s6+s7], $0x200, $0x38;
	[tilespmem:$0x18800] =	vst v63  }
0x10a: {  	_ =	swait.ge @!p0 [sflag:s12], $0x200  }
0x10b: {  	s6 =	sadd.s32 @!p0 s18, s8;
	[sflag:s12] =	ssyncset.done @!p0 $0x0  }
0x10c: {  	s18 =	simm.s32 @!p0 $0x10200;
	s6 =	sadd.s32 @!p0 $0x80, s6;
	[sflag:s12] =	ssyncadd.s32 @!p0 $0xFFFFFE00  }
0x10d: {  	[tilespmem:s18], [sflag:$0x3] =	stream.linear.gather @!p0 [hbm4b:s6+s7], $0x200, $0x38;
	[tilespmem:$0x18800] =	vst v63  }
0x10e: {  	_ =	swait.ge @!p0 [sflag:s12], $0x200  }
0x10f: {  	[sflag:s12] =	ssyncset.done @!p0 $0x0  }
0x110: {  	s6 =	simm.s32 @!p0 $0x80;
	s7 =	simm.s32 @!p0 $0x10400;
	[sflag:s12] =	ssyncadd.s32 @!p0 $0xFFFFFE00  }
0x111: {  	[tilespmem:s7], [sflag:$0x1] =	stream.indirect.gather @!p0 [hbm4b:s4+s6], $0x20, s9, s6, $0xb8;
	[tilespmem:$0x18800] =	vst v63  }
0x112: {  	s7 =	simm.s32 @!p0 $0x10080;
	s9 =	simm.s32 @!p0 $0x11400  }
0x113: {  	[tilespmem:s9], [sflag:$0x1] =	stream.indirect.gather @!p0 [hbm4b:s4+s6], $0x20, s7, s6, $0xb8;
	[tilespmem:$0x18800] =	vst v63  }
0x114: {  	s7 =	simm.s32 @!p0 $0x10100;
	s9 =	simm.s32 @!p0 $0x12400  }
0x115: {  	[tilespmem:s9], [sflag:$0x1] =	stream.indirect.gather @!p0 [hbm4b:s4+s6], $0x20, s7, s6, $0xb8;
	[tilespmem:$0x18800] =	vst v63  }
0x116: {  	s7 =	simm.s32 @!p0 $0x10180;
	s9 =	simm.s32 @!p0 $0x13400  }
0x117: {  	[tilespmem:s9], [sflag:$0x1] =	stream.indirect.gather @!p0 [hbm4b:s4+s6], $0x20, s7, s6, $0xb8;
	[tilespmem:$0x18800] =	vst v63  }
0x118: {  	_ =	swait.ge [sflag:s0], $0x1000  }
0x119: {  	[sflag:s0] =	ssyncset.done $0x0  }
0x11a: {  	[sflag:s0] =	ssyncadd.s32 $0xFFFFF000  }
0x11b: {  	_ =	swait.ge [sflag:s0], $0x1000  }
0x11c: {  	[sflag:s0] =	ssyncset.done $0x0  }
0x11d: {  	[sflag:s0] =	ssyncadd.s32 $0xFFFFF000  }
0x11e: {  	_ =	swait.ge [sflag:s0], $0x1000  }
0x11f: {  	[sflag:s0] =	ssyncset.done $0x0  }
0x120: {  	[sflag:s0] =	ssyncadd.s32 $0xFFFFF000  }
0x121: {  	_ =	swait.ge [sflag:s0], $0x1000  }
0x122: {  	[sflag:s0] =	ssyncset.done $0x0  }
0x123: {  	[sflag:s0] =	ssyncadd.s32 $0xFFFFF000  }
0x124: {  	[spmem:s1] =	stream.indirect.scatter.add.f32 [tilespmem:s28], [sflag:$0x3], $0x20, s26, s16, $0xb8;
	[tilespmem:$0x18800] =	vst v63  }
0x125: {  	_ =	swait.ge [sflag:s13], $0x1000  }
0x126: {  	[sflag:s13] =	ssyncset.done $0x0  }
0x127: {  	s9 =	rddreg [dreg:$0x9];
	[sflag:s13] =	ssyncadd.s32 $0xFFFFF000  }
0x128: {  	[spmem:s1] =	stream.indirect.scatter.add.f32 [tilespmem:s29], [sflag:$0x3], $0x20, s9, s16, $0xb8;
	[tilespmem:$0x18800] =	vst v63  }
0x129: {  	_ =	swait.ge [sflag:s13], $0x1000  }
0x12a: {  	[sflag:s13] =	ssyncset.done $0x0  }
0x12b: {  	s12 =	rddreg [dreg:$0xa];
	[sflag:s13] =	ssyncadd.s32 $0xFFFFF000  }
0x12c: {  	[spmem:s1] =	stream.indirect.scatter.add.f32 [tilespmem:s30], [sflag:$0x3], $0x20, s12, s16, $0xb8;
	[tilespmem:$0x18800] =	vst v63  }
0x12d: {  	_ =	swait.ge [sflag:s13], $0x1000  }
0x12e: {  	[sflag:s13] =	ssyncset.done $0x0  }
0x12f: {  	s18 =	rddreg [dreg:$0xb];
	[sflag:s13] =	ssyncadd.s32 $0xFFFFF000  }
0x130: {  	[spmem:s1] =	stream.indirect.scatter.add.f32 [tilespmem:s31], [sflag:$0x3], $0x20, s18, s16, $0xb8;
	[tilespmem:$0x18800] =	vst v63  }
0x131: {  	_ =	swait.ge [sflag:s13], $0x1000  }
0x132: {  	[sflag:s13] =	ssyncset.done $0x0  }
0x133: {  	[sflag:s13] =	ssyncadd.s32 $0xFFFFF000  }
0x134: {  	s20 =	sor.u32 $0x1C03, s5;
	[bflag:$0x0] =	sbarrier.arrive $0xFFFF  }
0x135: {  	[hbm:s24], [sflag:s20] =	dma.local [spmem:s10], $0x2000  }
0x136: {  	_ =	swait.ge [sflag:s13], $0x2000  }
0x137: {  	s3 =	sadd.s32 $0x1, s3;
	s22 =	rddreg [dreg:$0xe]  }
0x138: {  	p0 =	sne.s32 s3, s22  }
.Ltmp1:
0x139: {  	_ = 	snop;
	(pc) =	sbr.rel @p0 .LBB2_1-.Ltmp1, $3  }
0x13a: {  	_ =	sdelay $0x1  }
0x13b: {  	[sflag:s13] =	ssyncset.done $0x0  }
0x13c: {  	[sflag:s13] =	ssyncadd.s32 $0xFFFFE000  }
0x13d: {  	_ =	sfence.sel $0x180000  }
0x13e: {  	[bflag:$0x0] =	sbarrier.arrive $0xFFFF  }
0x13f: {  	_ =	strace $0x9000004D  }
0x140: {  	s0 =	stileid.u32;
	[bflag:$0x2] =	sbarrier.arrive $0xFFFF  }
0x141: {  	p0 =	sne.s32 s0, $0x0;
	s0 =	rddreg [dreg:$0x2]  }
0x142: {  	s0 =	sadd.s32 @!p0 $0x100000, s0  }
0x143: {  	[sflag:s0] =	ssyncadd.tile.s32 @!p0 $0x1;
	_ =	shalt  }
.Lfunc_end2:
_tile_overlayer_lowered:
.L_overlay_start_2:
0x144: {  	(tag) =	ssettag $0x2  }
0x145: {  	s0 =	rddreg [dreg:$0x0];
	s2 =	stileid.u32  }
0x146: {  	s1 =	rddreg [dreg:$0x1];
	p0 =	sne.s32 s2, $0x0  }
0x147: {  	s3 =	rddreg [dreg:$0x2];
	[bflag:$0x3] =	sbarrier.arrive $0xFFFF;
	s2 =	simm.s32 @!p0 $0x1C03  }
0x148: {  	[timem:s3], [sflag:s2] =	dma.local @!p0 [hbm:s0], s1  }
0x149: {  	s0 =	simm.s32 @!p0 $0x3  }
0x14a: {  	_ =	swait.ge @!p0 [sflag:s0], s1  }
0x14b: {  	s1 =	ssub.s32 @!p0 $0x0, s1;
	[sflag:s0] =	ssyncset.done @!p0 $0x0  }
0x14c: {  	[sflag:s0] =	ssyncadd.s32 @!p0 s1  }
0x14d: {  	[bflag:$0x3] =	sbarrier.arrive $0xFFFF  }
0x14e: {  	_ =	shalt  }

// kernel: kernel.16.cloned.1.call-start
scs
__scs_entry_jumppad:
0x0: {  	(pc) =	sbr.rel $0x88, $3  }
0x1: {  	(tag) =	ssettag $0x0;
	lr =	simm.s32 $0x1  }
0x2: {  	[smem:$0x3F95] =	sst lr;
	_ =	strace $0xD0000000  }
0x3: {  	_ = 	snop  }
0x4: {  	_ = 	snop  }
0x5: {  	_ = 	snop  }
0x6: {  	_ = 	snop  }
0x7: {  	_ = 	snop  }
__scs_overlays_trampoline_lowered:
0x8: {  	[smem:$0x3FA4] =	sst s0  }
0x9: {  	[smem:$0x3FA5] =	sst s1  }
0xa: {  	[smem:$0x3FA6] =	sst s2  }
0xb: {  	[smem:$0x3FA7] =	sst s3  }
0xc: {  	[smem:$0x3FA8] =	sst s4  }
0xd: {  	[smem:$0x3FA9] =	sst s5  }
0xe: {  	[smem:$0x3FAA] =	sst s6  }
0xf: {  	[smem:$0x3FAB] =	sst s7  }
0x10: {  	[smem:$0x3FAC] =	sst s8  }
0x11: {  	[smem:$0x3FAD] =	sst s9;
	s0 =	simm.s32 @!p0 $0x0  }
0x12: {  	s1 =	sld [smem:$0x3F93];
	s0 =	simm.s32 @p0 $0x1  }
0x13: {  	[smem:$0x3FAE] =	sst s0;
	s0 =	simm.s32 @!p1 $0x0  }
0x14: {  	s2 =	sld [smem:$0x3F92];
	s0 =	simm.s32 @p1 $0x1  }
0x15: {  	[smem:$0x3FAF] =	sst s0;
	s0 =	simm.s32 @!p2 $0x0  }
0x16: {  	s3 =	sld [smem:$0x3FDB];
	s0 =	simm.s32 @p2 $0x1  }
0x17: {  	s4 =	simm.s32 $0x1BF5;
	[smem:$0x3FB1] =	sst s0  }
0x18: {  	s0 =	sld [smem:$0x3F94];
	_ =	swait.ge [sflag:s4], $0x0  }
0x19: {  	s7 =	sld [smem:$0x3F95]  }
0x1a: {  	s8 =	sadd.s32 $0xFFFFE003, lr  }
0x1b: {  	s9 =	sadd.s32 $0xFFFFFEF7, lr;
	s5 =	simm.s32 $0xFFFFFFFF;
	p2 =	slt.u32 s8, $0xFFFFF086  }
0x1c: {  	p1 =	slt.u32 s9, $0xF7A;
	s5 =	simm.s32 @!p2 $0x0  }
0x1d: {  	s5 =	simm.s32 @p1 $0x1;
	p0 =	seq.s32 s7, s2  }
0x1e: {  	s7 =	smul.u32 @!p0 $0xF7A, s2;
	p2 =	seq.s32 @!p0 s5, $0x0  }
0x1f: {  	s9 =	smul.u32 $0xF7A, s1;
	s8 =	simm.s32 @!p0 $0x1BF5;
	p2 =	por !p2, p0  }
0x20: {  	[sflag:s8] =	ssyncset.s32 @!p0 $0xFFFFF086;
	s6 =	sadd.s32 @!p0 s3, s7;
	s7 =	simm.s32 @!p0 $0x108  }
0x21: {  	s3 =	sadd.s32 s3, s9;
	s6 =	sadd.s32 @!p0 $0x88, s6;
	s7 =	simm.s32 @p2 $0x1082  }
0x22: {  	[simem:s7], [sflag:s8] =	dma.local @!p0 [hbm:s6], $0xF7A  }
0x23: {  	s9 =	sor.u32 $0xD0000000, s2;
	s6 =	simm.s32 $0x108;
	_ =	swait.ge @!p0 [sflag:s8], $0x0  }
0x24: {  	s3 =	sadd.s32 $0x88, s3;
	s6 =	simm.s32 @!p1 $0x1082;
	[sflag:s4] =	ssyncset.s32 $0xFFFFF086  }
0x25: {  	[simem:s6], [sflag:s4] =	dma.local [hbm:s3], $0xF7A  }
0x26: {  	[smem:$0x3F95] =	sst s1;
	(tag) =	ssettag s2;
	_ =	strace s9  }
0x27: {  	s1 =	sld [smem:$0x3FA5]  }
0x28: {  	s2 =	sld [smem:$0x3FA6]  }
0x29: {  	s4 =	sld [smem:$0x3FA8]  }
0x2a: {  	p0 =	seq.s32 s5, $0x0;
	s5 =	sld [smem:$0x3FA9]  }
0x2b: {  	s6 =	sld [smem:$0x3FAA]  }
0x2c: {  	s7 =	sld [smem:$0x3FAB]  }
0x2d: {  	s3 =	simm.s32 $0x108;
	s8 =	sld [smem:$0x3FAC]  }
0x2e: {  	s3 =	simm.s32 @!p0 $0x1082;
	s9 =	sld [smem:$0x3FAD]  }
0x2f: {  	lr =	sadd.s32 s0, s3;
	s0 =	sld [smem:$0x3FA4]  }
0x30: {  	s3 =	sld [smem:$0x3FA7]  }
0x31: {  	[smem:$0x3FB0] =	sst s10  }
0x32: {  	s10 =	sld [smem:$0x3FAE];
	_ =	sdelay $0x3  }
0x33: {  	p0 =	seq.s32 s10, $0x1;
	s10 =	sld [smem:$0x3FB0];
	_ =	sdelay $0x3  }
0x34: {  	[smem:$0x3FB0] =	sst s10  }
0x35: {  	s10 =	sld [smem:$0x3FAF];
	_ =	sdelay $0x3  }
0x36: {  	p1 =	seq.s32 s10, $0x1;
	s10 =	sld [smem:$0x3FB0];
	_ =	sdelay $0x3  }
0x37: {  	[smem:$0x3FB0] =	sst s10  }
0x38: {  	s10 =	sld [smem:$0x3FB1]  }
0x39: {  	_ = 	snop;
	(pc) =	sbr.ind lr, $3  }
0x3a: {  	_ = 	snop  }
0x3b: {  	_ = 	snop  }
0x3c: {  	p2 =	seq.s32 s10, $0x1;
	s10 =	sld [smem:$0x3FB0]  }
0x3d: {  	_ =	shalt  }
0x3e: {  	_ =	shalt  }
0x3f: {  	_ =	shalt  }
0x40: {  	_ =	shalt  }
0x41: {  	_ =	shalt  }
0x42: {  	_ =	shalt  }
0x43: {  	_ =	shalt  }
0x44: {  	_ =	shalt  }
0x45: {  	_ =	shalt  }
0x46: {  	_ =	shalt  }
0x47: {  	_ =	shalt  }
0x48: {  	_ =	shalt  }
0x49: {  	_ =	shalt  }
0x4a: {  	_ =	shalt  }
0x4b: {  	_ =	shalt  }
0x4c: {  	_ =	shalt  }
0x4d: {  	_ =	shalt  }
0x4e: {  	_ =	shalt  }
0x4f: {  	_ =	shalt  }
0x50: {  	_ =	shalt  }
0x51: {  	_ =	shalt  }
0x52: {  	_ =	shalt  }
0x53: {  	_ =	shalt  }
0x54: {  	_ =	shalt  }
0x55: {  	_ =	shalt  }
0x56: {  	_ =	shalt  }
0x57: {  	_ =	shalt  }
0x58: {  	_ =	shalt  }
0x59: {  	_ =	shalt  }
0x5a: {  	_ =	shalt  }
0x5b: {  	_ =	shalt  }
0x5c: {  	_ =	shalt  }
0x5d: {  	_ =	shalt  }
0x5e: {  	_ =	shalt  }
0x5f: {  	_ =	shalt  }
0x60: {  	_ =	shalt  }
0x61: {  	_ =	shalt  }
0x62: {  	_ =	shalt  }
0x63: {  	_ =	shalt  }
0x64: {  	_ =	shalt  }
0x65: {  	_ =	shalt  }
0x66: {  	_ =	shalt  }
0x67: {  	_ =	shalt  }
0x68: {  	_ =	shalt  }
0x69: {  	_ =	shalt  }
0x6a: {  	_ =	shalt  }
0x6b: {  	_ =	shalt  }
0x6c: {  	_ =	shalt  }
0x6d: {  	_ =	shalt  }
0x6e: {  	_ =	shalt  }
0x6f: {  	_ =	shalt  }
0x70: {  	_ =	shalt  }
0x71: {  	_ =	shalt  }
0x72: {  	_ =	shalt  }
0x73: {  	_ =	shalt  }
0x74: {  	_ =	shalt  }
0x75: {  	_ =	shalt  }
0x76: {  	_ =	shalt  }
0x77: {  	_ =	shalt  }
0x78: {  	_ =	shalt  }
0x79: {  	_ =	shalt  }
0x7a: {  	_ =	shalt  }
0x7b: {  	_ =	shalt  }
0x7c: {  	_ =	shalt  }
0x7d: {  	_ =	shalt  }
0x7e: {  	_ =	shalt  }
0x7f: {  	_ =	shalt  }
0x80: {  	_ =	shalt  }
0x81: {  	_ =	shalt  }
0x82: {  	_ =	shalt  }
0x83: {  	_ =	shalt  }
0x84: {  	_ =	shalt  }
0x85: {  	_ =	shalt  }
0x86: {  	_ =	shalt  }
0x87: {  	_ =	shalt  }
.Lfunc_end0:
.L_simem_size_0:
called_computation.3_lowered:
.L_overlay_start_0:
0x88: {  	s2 =	sld [smem:$0x3FD9]  }
0x89: {  	s3 =	sld [smem:$0x3FFE];
	_ =	sdelay $0x1  }
0x8a: {  	s1 =	srdreg.scid  }
0x8b: {  	s0 =	sand.u32 $0x1, s1  }
0x8c: {  	s16 =	sshll.u32 s0, $0xA;
	s2 =	sadd.s32 s3, s2  }
0x8d: {  	s2 =	sadd.s32 s2, s16  }
0x8e: {  	[smem:$0x3FBC] =	sst s2  }
0x8f: {  	_ = 	snop  }
0x90: {  	(tm) =	ssettm $0x1  }
0x91: {  	s17 =	sld [smem:$0x3FFB];
	_ =	sdelay $0x3  }
0x92: {  	_ =	strace s17  }
0x93: {  	s2 =	sld [smem:$0x3FFC];
	_ =	sdelay $0x3  }
0x94: {  	_ =	strace s2  }
0x95: {  	s2 =	sld [smem:$0x3FFD];
	_ =	sdelay $0x3  }
0x96: {  	_ =	strace s2  }
0x97: {  	_ =	strace $0x8FFFFFFF  }
0x98: {  	s18 =	sld [smem:$0x3FDB];
	_ =	sdelay $0x1  }
0x99: {  	s19 =	simm.s32 $_scs_section_size  }
0x9a: {  	s4 =	simm.s32 $_size__tile_overlayer_lowered;
	s5 =	simm.s32 $_tile_overlayer_lowered  }
0x9b: {  	s22 =	simm.s32 $0x1BFF;
	s21 =	sshll.u32 s5, $0x1;
	s2 =	sadd.s32 s19, s18  }
0x9c: {  	s6 =	simm.s32 $0x0;
	s20 =	sshll.u32 s4, $0x1;
	s4 =	sadd.s32 s21, s2  }
0x9d: {  	[timem:s6], [sflag:s22] =	dma.local [hbm:s4], s20  }
0x9e: {  	_ =	swait.ge [sflag:s22], s20  }
0x9f: {  	s3 =	ssub.s32 $0x0, s20;
	[sflag:s22] =	ssyncset.done $0x0  }
0xa0: {  	[sflag:s22] =	ssyncadd.s32 s3;
	_ =	sdelay $0x1  }
0xa1: {  	s23 =	simm.s32 $0x1B8B  }
0xa2: {  	_ =	swait.ge [sflag:s23], $0x1  }
0xa3: {  	[sflag:s23] =	ssyncset.done $0x0  }
0xa4: {  	s25 =	simm.s32 $0x1B8E;
	s24 =	sld [smem:$0x3FFE];
	[sflag:s23] =	ssyncadd.s32 $0xFFFFFFFF  }
0xa5: {  	s26 =	simm.s32 $execute0_lowered;
	[smem:$0x3FD2] =	sst s25  }
0xa6: {  	s4 =	sshll.u32 s26, $0x1;
	_ =	strace $0x8000004F;
	[dreg:$0x1] =	wrdreg $0xFFFFFFFF  }
0xa7: {  	s28 =	simm.s32 $_size_execute0_lowered;
	s2 =	sadd.s32 s2, s4;
	[dreg:$0x0] =	wrdreg $0x0  }
0xa8: {  	s4 =	sshll.u32 s28, $0x1;
	[dreg:$0x2] =	wrdreg s2  }
0xa9: {  	[dreg:$0x3] =	wrdreg s4  }
0xaa: {  	[dreg:$0x4] =	wrdreg $0xC0  }
0xab: {  	_ =	task [dreg:s6], $0x5FFFF  }
0xac: {  	[dreg:$0x1] =	wrdreg $0xFFFFFFFF  }
0xad: {  	[dreg:$0x0] =	wrdreg $0x60  }
0xae: {  	[dreg:$0x2] =	wrdreg s24  }
0xaf: {  	[dreg:$0x3] =	wrdreg $0x0  }
0xb0: {  	[dreg:$0x4] =	wrdreg $0x9  }
0xb1: {  	_ =	task.clear_ibuf [dreg:s6], $0x5FFFF;
	_ =	strace $0x9000004F  }
0xb2: {  	s29 =	simm.s32 $0x9;
	_ =	strace $0x80000051  }
0xb3: {  	_ =	swait.ge [sflag:s29], $0x1  }
0xb4: {  	[sflag:s29] =	ssyncadd.s32 $0xFFFFFFFF  }
0xb5: {  	_ =	strace $0x90000051  }
0xb6: {  	_ =	sfence  }
0xb7: {  	s30 =	sld [smem:$0x0];
	_ =	sdelay $0x2  }
0xb8: {  	s31 =	sshll.u32 s1, $0xD;
	s1 =	sshrl.u32 s1, $0x2  }
0xb9: {  	s3 =	sand.u32 $0x4000, s31;
	s1 =	sadd.s32 s1, s30  }
0xba: {  	s0 =	sor.u32 s3, s0;
	s1 =	sshll.u32 s1, $0x11  }
0xbb: {  	s0 =	sor.u32 s1, s0  }
0xbc: {  	s0 =	sadd.s32 $0x8F2B, s0  }
0xbd: {  	[sflag:s0] =	ssyncadd.remote.s32 $0x1  }
0xbe: {  	_ =	sfence.sel $0xFFFF  }
0xbf: {  	[dreg:$0x0] =	wrdreg $0xFFFFFFFF;
	(pc) =	sbr.abs _section_cstart, $3  }
0xc0: {  	[dreg:$0x1] =	wrdreg $0xFFFFFFFF  }
0xc1: {  	_ =	task.clear_ibuf [dreg:s6], $0x2FFFF;
	_ =	strace $0x9FFFFFFF  }
0xc2: {  	(tm) =	ssettm $0x7FFFFFFF  }
0xc3: {  	_ =	shalt  }
tec
execute0_lowered:
.L_overlay_start_1:
0x0: {  	(tag) =	ssettag $0x1  }
0x1: {  	s0 =	rddreg [dreg:$0x0]  }
0x2: {  	s1 =	rddreg [dreg:$0x1];
	s2 =	simm.s32 $0x0  }
0x3: {  	s3 =	srdreg.scid;
	s12 =	stileid.u32;
	s17 =	simm.s32 $0x14480  }
0x4: {  	s19 =	simm.s32 $0x14500;
	s20 =	simm.s32 $0x14580;
	s21 =	simm.s32 $0x10280  }
0x5: {  	s22 =	simm.s32 $0x10300;
	s23 =	simm.s32 $0x10380;
	s24 =	simm.s32 $0x14680  }
0x6: {  	s28 =	simm.s32 $0x14800;
	s29 =	simm.s32 $0x15800;
	s30 =	simm.s32 $0x16800  }
0x7: {  	s31 =	simm.s32 $0x17800;
	[smem:$0x7FF] =	sst s2;
	s3 =	sand.u32 $0x1, s3  }
0x8: {  	s4 =	sadd.s32 $0x24400, s0;
	_ =	strace $0x80000050;
	[dreg:$0x3] =	wrdreg s17  }
0x9: {  	s11 =	sshll.u32 s12, $0xC;
	s18 =	sshll.u32 s12, $0xD;
	[dreg:$0x4] =	wrdreg s19  }
0xa: {  	s26 =	sshll.u32 s12, $0x10;
	s5 =	sshll.u32 s3, $0x10;
	[dreg:$0x5] =	wrdreg s20  }
0xb: {  	s25 =	ssub.s32 $0x2, s3;
	s9 =	sadd.s32 s11, s0;
	[dreg:$0x6] =	wrdreg s21  }
0xc: {  	s3 =	sshll.u32 s3, $0x11;
	s7 =	sadd.s32 s4, s18;
	[dreg:$0x7] =	wrdreg s22  }
0xd: {  	s13 =	sadd.s32 s26, s1;
	s17 =	simm.s32 $0x10400;
	[dreg:$0x8] =	wrdreg s23  }
0xe: {  	s19 =	simm.s32 $0x11400;
	[dreg:$0x9] =	wrdreg s24;
	s21 =	simm.s32 $0x12400  }
0xf: {  	s26 =	simm.s32 $0x14780;
	s23 =	simm.s32 $0x13400;
	s8 =	sadd.s32 s5, s0  }
0x10: {  	s6 =	sshrl.u32 s25, $0x1;
	s0 =	sadd.s32 s3, s0;
	s5 =	sshll.u32 s12, $0x6  }
0x11: {  	s3 =	sadd.s32 s3, s7;
	[dreg:$0xb] =	wrdreg s26;
	s26 =	simm.s32 $0x14600  }
0x12: {  	s10 =	ssub.s32 s25, s6;
	[dreg:$0xc] =	wrdreg s3;
	s14 =	sor.u32 $0x1C01, s5  }
0x13: {  	s15 =	sadd.s32 $0x4400, s8;
	s8 =	sadd.s32 $0x204400, s9;
	s0 =	sadd.s32 $0x64400, s0  }
0x14: {  	s25 =	simm.s32 $0x14700;
	s3 =	simm.s32 $0x0;
	[dreg:$0xd] =	wrdreg s14  }
0x15: {  	s16 =	smax.u32 s10, $0x1;
	s10 =	sshrl.u32 s13, $0x3;
	s11 =	sadd.s32 s11, s15  }
0x16: {  	s13 =	simm.s32 $0x3;
	s14 =	simm.s32 $0x10200;
	s15 =	simm.s32 $0x1  }
0x17: {  	[dreg:$0xa] =	wrdreg s25;
	s24 =	sadd.s32 s18, s0;
	s25 =	simm.s32 $0x14400  }
0x18: {  	s0 =	simm.s32 $0x2;
	[dreg:$0xe] =	wrdreg s16;
	s16 =	simm.s32 $0x80  }
.LBB2_1:
0x19: {  	s6 =	rddreg [dreg:$0xc]  }
0x1a: {  	s7 =	rddreg [dreg:$0xd]  }
0x1b: {  	[spmem:s10], [sflag:s7] =	dma.local [hbm:s6], $0x2000  }
0x1c: {  	s7 =	simm.s32 $0x10000  }
0x1d: {  	[tilespmem:s7], [sflag:$0x3] =	stream.linear.gather [hbm4b:s11+s2], $0x200, $0x38;
	[tilespmem:$0x18800] =	vst v63  }
0x1e: {  	_ =	swait.ge [sflag:s13], $0x200  }
0x1f: {  	[sflag:s13] =	ssyncset.done $0x0  }
0x20: {  	[sflag:s13] =	ssyncadd.s32 $0xFFFFFE00  }
0x21: {  	[tilespmem:s14], [sflag:$0x3] =	stream.linear.gather [hbm4b:s8+s2], $0x200, $0x38;
	[tilespmem:$0x18800] =	vst v63  }
0x22: {  	_ =	swait.ge [sflag:s13], $0x200  }
0x23: {  	[sflag:s13] =	ssyncset.done $0x0  }
0x24: {  	[sflag:s13] =	ssyncadd.s32 $0xFFFFFE00  }
0x25: {  	_ =	swait.ge [sflag:s15], $0x2000  }
0x26: {  	[sflag:s15] =	ssyncset.done $0x0  }
0x27: {  	[sflag:s15] =	ssyncadd.s32 $0xFFFFE000  }
0x28: {  	[bflag:$0x0] =	sbarrier.arrive $0xFFFF  }
0x29: {  	[tilespmem:s17], [sflag:$0x1] =	stream.indirect.gather [hbm4b:s4+s16], $0x20, s7, s16, $0xb8;
	[tilespmem:$0x18800] =	vst v63  }
0x2a: {  	s9 =	simm.s32 $0x10080  }
0x2b: {  	[tilespmem:s19], [sflag:$0x1] =	stream.indirect.gather [hbm4b:s4+s16], $0x20, s9, s16, $0xb8;
	[tilespmem:$0x18800] =	vst v63  }
0x2c: {  	s12 =	simm.s32 $0x10100  }
0x2d: {  	[tilespmem:s21], [sflag:$0x1] =	stream.indirect.gather [hbm4b:s4+s16], $0x20, s12, s16, $0xb8;
	[tilespmem:$0x18800] =	vst v63  }
0x2e: {  	s18 =	simm.s32 $0x10180  }
0x2f: {  	[tilespmem:s23], [sflag:$0x1] =	stream.indirect.gather [hbm4b:s4+s16], $0x20, s18, s16, $0xb8;
	[tilespmem:$0x18800] =	vst v63  }
0x30: {  	s18 =	sadd.s32 $0x0, s11  }
0x31: {  	s18 =	sadd.s32 $0x40, s18  }
0x32: {  	[tilespmem:s25], [sflag:$0x3] =	stream.linear.gather [hbm4b:s18+s2], $0x200, $0x38;
	[tilespmem:$0x18800] =	vst v63  }
0x33: {  	_ =	swait.ge [sflag:s13], $0x200  }
0x34: {  	s20 =	sadd.s32 $0x0, s8;
	[sflag:s13] =	ssyncset.done $0x0  }
0x35: {  	s18 =	sadd.s32 $0x40, s20;
	[sflag:s13] =	ssyncadd.s32 $0xFFFFFE00  }
0x36: {  	[tilespmem:s26], [sflag:$0x3] =	stream.linear.gather [hbm4b:s18+s2], $0x200, $0x38;
	[tilespmem:$0x18800] =	vst v63  }
0x37: {  	_ =	swait.ge [sflag:s13], $0x200  }
0x38: {  	[sflag:s13] =	ssyncset.done $0x0  }
0x39: {  	[sflag:s13] =	ssyncadd.s32 $0xFFFFFE00  }
0x3a: {  	[tilespmem:s28], [sflag:$0x2] =	stream.indirect.gather [hbm4b:s4+s16], $0x20, s25, s16, $0xb8;
	[tilespmem:$0x18800] =	vst v63  }
0x3b: {  	s22 =	rddreg [dreg:$0x3]  }
0x3c: {  	[tilespmem:s29], [sflag:$0x2] =	stream.indirect.gather [hbm4b:s4+s16], $0x20, s22, s16, $0xb8;
	[tilespmem:$0x18800] =	vst v63  }
0x3d: {  	s20 =	rddreg [dreg:$0x4]  }
0x3e: {  	[tilespmem:s30], [sflag:$0x2] =	stream.indirect.gather [hbm4b:s4+s16], $0x20, s20, s16, $0xb8;
	[tilespmem:$0x18800] =	vst v63  }
0x3f: {  	s6 =	rddreg [dreg:$0x5]  }
0x40: {  	[tilespmem:s31], [sflag:$0x2] =	stream.indirect.gather [hbm4b:s4+s16], $0x20, s6, s16, $0xb8;
	[tilespmem:$0x18800] =	vst v63  }
0x41: {  	_ =	swait.ge [sflag:s15], $0x1000  }
0x42: {  	[sflag:s15] =	ssyncset.done $0x0  }
0x43: {  	[sflag:s15] =	ssyncadd.s32 $0xFFFFF000  }
0x44: {  	_ =	swait.ge [sflag:s15], $0x1000  }
0x45: {  	[sflag:s15] =	ssyncset.done $0x0  }
0x46: {  	[sflag:s15] =	ssyncadd.s32 $0xFFFFF000  }
0x47: {  	_ =	swait.ge [sflag:s15], $0x1000  }
0x48: {  	[sflag:s15] =	ssyncset.done $0x0  }
0x49: {  	[sflag:s15] =	ssyncadd.s32 $0xFFFFF000  }
0x4a: {  	_ =	swait.ge [sflag:s15], $0x1000  }
0x4b: {  	[sflag:s15] =	ssyncset.done $0x0  }
0x4c: {  	[sflag:s15] =	ssyncadd.s32 $0xFFFFF000  }
0x4d: {  	[spmem:s1] =	stream.indirect.scatter.add.f32 [tilespmem:s17], [sflag:$0x3], $0x20, s14, s16, $0xb8;
	[tilespmem:$0x18800] =	vst v63  }
0x4e: {  	_ =	swait.ge [sflag:s13], $0x1000  }
0x4f: {  	[sflag:s13] =	ssyncset.done $0x0  }
0x50: {  	s7 =	rddreg [dreg:$0x6];
	[sflag:s13] =	ssyncadd.s32 $0xFFFFF000  }
0x51: {  	[spmem:s1] =	stream.indirect.scatter.add.f32 [tilespmem:s19], [sflag:$0x3], $0x20, s7, s16, $0xb8;
	[tilespmem:$0x18800] =	vst v63  }
0x52: {  	_ =	swait.ge [sflag:s13], $0x1000  }
0x53: {  	[sflag:s13] =	ssyncset.done $0x0  }
0x54: {  	s9 =	rddreg [dreg:$0x7];
	[sflag:s13] =	ssyncadd.s32 $0xFFFFF000  }
0x55: {  	[spmem:s1] =	stream.indirect.scatter.add.f32 [tilespmem:s21], [sflag:$0x3], $0x20, s9, s16, $0xb8;
	[tilespmem:$0x18800] =	vst v63  }
0x56: {  	_ =	swait.ge [sflag:s13], $0x1000  }
0x57: {  	[sflag:s13] =	ssyncset.done $0x0  }
0x58: {  	p0 =	por $0x0, $0x0;
	s12 =	rddreg [dreg:$0x8];
	[sflag:s13] =	ssyncadd.s32 $0xFFFFF000  }
0x59: {  	[spmem:s1] =	stream.indirect.scatter.add.f32 [tilespmem:s23], [sflag:$0x3], $0x20, s12, s16, $0xb8;
	[tilespmem:$0x18800] =	vst v63  }
0x5a: {  	s18 =	sadd.s32 @!p0 $0x0, s11;
	_ =	swait.ge [sflag:s13], $0x1000  }
0x5b: {  	s18 =	sadd.s32 @!p0 $0x80, s18;
	s22 =	simm.s32 @!p0 $0x10000;
	[sflag:s13] =	ssyncset.done $0x0  }
0x5c: {  	s20 =	simm.s32 @!p0 $0x0;
	s12 =	simm.s32 @!p0 $0x3;
	[sflag:s13] =	ssyncadd.s32 $0xFFFFF000  }
0x5d: {  	[tilespmem:s22], [sflag:$0x3] =	stream.linear.gather @!p0 [hbm4b:s18+s20], $0x200, $0x38;
	[tilespmem:$0x18800] =	vst v63  }
0x5e: {  	_ =	swait.ge @!p0 [sflag:s12], $0x200  }
0x5f: {  	s18 =	sadd.s32 @!p0 $0x0, s8;
	[sflag:s12] =	ssyncset.done @!p0 $0x0  }
0x60: {  	s6 =	simm.s32 @!p0 $0x10200;
	s18 =	sadd.s32 @!p0 $0x80, s18;
	[sflag:s12] =	ssyncadd.s32 @!p0 $0xFFFFFE00  }
0x61: {  	[tilespmem:s6], [sflag:$0x3] =	stream.linear.gather @!p0 [hbm4b:s18+s20], $0x200, $0x38;
	[tilespmem:$0x18800] =	vst v63  }
0x62: {  	_ =	swait.ge @!p0 [sflag:s12], $0x200  }
0x63: {  	[sflag:s12] =	ssyncset.done @!p0 $0x0  }
0x64: {  	s6 =	simm.s32 @!p0 $0x80;
	[sflag:s12] =	ssyncadd.s32 @!p0 $0xFFFFFE00;
	s12 =	simm.s32 @!p0 $0x10400  }
0x65: {  	[tilespmem:s12], [sflag:$0x1] =	stream.indirect.gather @!p0 [hbm4b:s4+s6], $0x20, s22, s6, $0xb8;
	[tilespmem:$0x18800] =	vst v63  }
0x66: {  	s18 =	simm.s32 @!p0 $0x11400;
	s12 =	simm.s32 @!p0 $0x10080  }
0x67: {  	[tilespmem:s18], [sflag:$0x1] =	stream.indirect.gather @!p0 [hbm4b:s4+s6], $0x20, s12, s6, $0xb8;
	[tilespmem:$0x18800] =	vst v63  }
0x68: {  	s12 =	simm.s32 @!p0 $0x10100;
	s18 =	simm.s32 @!p0 $0x12400  }
0x69: {  	[tilespmem:s18], [sflag:$0x1] =	stream.indirect.gather @!p0 [hbm4b:s4+s6], $0x20, s12, s6, $0xb8;
	[tilespmem:$0x18800] =	vst v63  }
0x6a: {  	s12 =	simm.s32 @!p0 $0x10180;
	s18 =	simm.s32 @!p0 $0x13400  }
0x6b: {  	[tilespmem:s18], [sflag:$0x1] =	stream.indirect.gather @!p0 [hbm4b:s4+s6], $0x20, s12, s6, $0xb8;
	[tilespmem:$0x18800] =	vst v63  }
0x6c: {  	_ =	swait.ge [sflag:s0], $0x1000  }
0x6d: {  	[sflag:s0] =	ssyncset.done $0x0  }
0x6e: {  	[sflag:s0] =	ssyncadd.s32 $0xFFFFF000  }
0x6f: {  	_ =	swait.ge [sflag:s0], $0x1000  }
0x70: {  	[sflag:s0] =	ssyncset.done $0x0  }
0x71: {  	[sflag:s0] =	ssyncadd.s32 $0xFFFFF000  }
0x72: {  	_ =	swait.ge [sflag:s0], $0x1000  }
0x73: {  	[sflag:s0] =	ssyncset.done $0x0  }
0x74: {  	[sflag:s0] =	ssyncadd.s32 $0xFFFFF000  }
0x75: {  	_ =	swait.ge [sflag:s0], $0x1000  }
0x76: {  	[sflag:s0] =	ssyncset.done $0x0  }
0x77: {  	[sflag:s0] =	ssyncadd.s32 $0xFFFFF000  }
0x78: {  	[spmem:s1] =	stream.indirect.scatter.add.f32 [tilespmem:s28], [sflag:$0x3], $0x20, s26, s16, $0xb8;
	[tilespmem:$0x18800] =	vst v63  }
0x79: {  	_ =	swait.ge [sflag:s13], $0x1000  }
0x7a: {  	[sflag:s13] =	ssyncset.done $0x0  }
0x7b: {  	s18 =	rddreg [dreg:$0x9];
	[sflag:s13] =	ssyncadd.s32 $0xFFFFF000  }
0x7c: {  	[spmem:s1] =	stream.indirect.scatter.add.f32 [tilespmem:s29], [sflag:$0x3], $0x20, s18, s16, $0xb8;
	[tilespmem:$0x18800] =	vst v63  }
0x7d: {  	_ =	swait.ge [sflag:s13], $0x1000  }
0x7e: {  	[sflag:s13] =	ssyncset.done $0x0  }
0x7f: {  	s20 =	rddreg [dreg:$0xa];
	[sflag:s13] =	ssyncadd.s32 $0xFFFFF000  }
0x80: {  	[spmem:s1] =	stream.indirect.scatter.add.f32 [tilespmem:s30], [sflag:$0x3], $0x20, s20, s16, $0xb8;
	[tilespmem:$0x18800] =	vst v63  }
0x81: {  	_ =	swait.ge [sflag:s13], $0x1000  }
0x82: {  	[sflag:s13] =	ssyncset.done $0x0  }
0x83: {  	s18 =	simm.s32 $0x80;
	s22 =	rddreg [dreg:$0xb];
	[sflag:s13] =	ssyncadd.s32 $0xFFFFF000  }
0x84: {  	[spmem:s1] =	stream.indirect.scatter.add.f32 [tilespmem:s31], [sflag:$0x3], $0x20, s22, s16, $0xb8;
	[tilespmem:$0x18800] =	vst v63  }
0x85: {  	s20 =	simm.s32 $0x100;
	s22 =	sadd.s32 $0x80, s11;
	_ =	swait.ge [sflag:s13], $0x1000  }
.LBB2_2:
0x86: {  	[sflag:s13] =	ssyncset.done $0x0  }
0x87: {  	s6 =	sadd.s32 $0x40, s22;
	[sflag:s13] =	ssyncadd.s32 $0xFFFFF000  }
0x88: {  	[tilespmem:s25], [sflag:$0x3] =	stream.linear.gather [hbm4b:s6+s2], $0x200, $0x38;
	[tilespmem:$0x18800] =	vst v63  }
0x89: {  	_ =	swait.ge [sflag:s13], $0x200  }
0x8a: {  	s7 =	sadd.s32 s18, s8;
	[sflag:s13] =	ssyncset.done $0x0  }
0x8b: {  	s6 =	sadd.s32 $0x40, s7;
	[sflag:s13] =	ssyncadd.s32 $0xFFFFFE00  }
0x8c: {  	[tilespmem:s26], [sflag:$0x3] =	stream.linear.gather [hbm4b:s6+s2], $0x200, $0x38;
	[tilespmem:$0x18800] =	vst v63  }
0x8d: {  	_ =	swait.ge [sflag:s13], $0x200  }
0x8e: {  	[sflag:s13] =	ssyncset.done $0x0  }
0x8f: {  	[sflag:s13] =	ssyncadd.s32 $0xFFFFFE00  }
0x90: {  	[tilespmem:s28], [sflag:$0x2] =	stream.indirect.gather [hbm4b:s4+s16], $0x20, s25, s16, $0xb8;
	[tilespmem:$0x18800] =	vst v63  }
0x91: {  	s9 =	rddreg [dreg:$0x3]  }
0x92: {  	[tilespmem:s29], [sflag:$0x2] =	stream.indirect.gather [hbm4b:s4+s16], $0x20, s9, s16, $0xb8;
	[tilespmem:$0x18800] =	vst v63  }
0x93: {  	s12 =	rddreg [dreg:$0x4]  }
0x94: {  	[tilespmem:s30], [sflag:$0x2] =	stream.indirect.gather [hbm4b:s4+s16], $0x20, s12, s16, $0xb8;
	[tilespmem:$0x18800] =	vst v63  }
0x95: {  	s7 =	rddreg [dreg:$0x5]  }
0x96: {  	[tilespmem:s31], [sflag:$0x2] =	stream.indirect.gather [hbm4b:s4+s16], $0x20, s7, s16, $0xb8;
	[tilespmem:$0x18800] =	vst v63  }
0x97: {  	_ =	swait.ge [sflag:s15], $0x1000  }
0x98: {  	[sflag:s15] =	ssyncset.done $0x0  }
0x99: {  	[sflag:s15] =	ssyncadd.s32 $0xFFFFF000  }
0x9a: {  	_ =	swait.ge [sflag:s15], $0x1000  }
0x9b: {  	[sflag:s15] =	ssyncset.done $0x0  }
0x9c: {  	[sflag:s15] =	ssyncadd.s32 $0xFFFFF000  }
0x9d: {  	_ =	swait.ge [sflag:s15], $0x1000  }
0x9e: {  	[sflag:s15] =	ssyncset.done $0x0  }
0x9f: {  	[sflag:s15] =	ssyncadd.s32 $0xFFFFF000  }
0xa0: {  	_ =	swait.ge [sflag:s15], $0x1000  }
0xa1: {  	[sflag:s15] =	ssyncset.done $0x0  }
0xa2: {  	[sflag:s15] =	ssyncadd.s32 $0xFFFFF000  }
0xa3: {  	[spmem:s1] =	stream.indirect.scatter.add.f32 [tilespmem:s17], [sflag:$0x3], $0x20, s14, s16, $0xb8;
	[tilespmem:$0x18800] =	vst v63  }
0xa4: {  	_ =	swait.ge [sflag:s13], $0x1000  }
0xa5: {  	[sflag:s13] =	ssyncset.done $0x0  }
0xa6: {  	s9 =	rddreg [dreg:$0x6];
	[sflag:s13] =	ssyncadd.s32 $0xFFFFF000  }
0xa7: {  	[spmem:s1] =	stream.indirect.scatter.add.f32 [tilespmem:s19], [sflag:$0x3], $0x20, s9, s16, $0xb8;
	[tilespmem:$0x18800] =	vst v63  }
0xa8: {  	_ =	swait.ge [sflag:s13], $0x1000  }
0xa9: {  	[sflag:s13] =	ssyncset.done $0x0  }
0xaa: {  	s12 =	rddreg [dreg:$0x7];
	[sflag:s13] =	ssyncadd.s32 $0xFFFFF000  }
0xab: {  	[spmem:s1] =	stream.indirect.scatter.add.f32 [tilespmem:s21], [sflag:$0x3], $0x20, s12, s16, $0xb8;
	[tilespmem:$0x18800] =	vst v63  }
0xac: {  	_ =	swait.ge [sflag:s13], $0x1000  }
0xad: {  	[sflag:s13] =	ssyncset.done $0x0  }
0xae: {  	p1 =	seq.s32 s18, $0xF80;
	s7 =	rddreg [dreg:$0x8];
	[sflag:s13] =	ssyncadd.s32 $0xFFFFF000  }
0xaf: {  	[spmem:s1] =	stream.indirect.scatter.add.f32 [tilespmem:s23], [sflag:$0x3], $0x20, s7, s16, $0xb8;
	[tilespmem:$0x18800] =	vst v63  }
0xb0: {  	s6 =	sadd.s32 @!p1 s18, s11;
	_ =	swait.ge [sflag:s13], $0x1000  }
0xb1: {  	s6 =	sadd.s32 @!p1 $0x80, s6;
	s9 =	simm.s32 @!p1 $0x3;
	[sflag:s13] =	ssyncset.done $0x0  }
0xb2: {  	s12 =	simm.s32 @!p1 $0x0;
	s7 =	simm.s32 @!p1 $0x10000;
	[sflag:s13] =	ssyncadd.s32 $0xFFFFF000  }
0xb3: {  	[tilespmem:s7], [sflag:$0x3] =	stream.linear.gather @!p1 [hbm4b:s6+s12], $0x200, $0x38;
	[tilespmem:$0x18800] =	vst v63  }
0xb4: {  	s18 =	sadd.s32 @!p1 s18, s8;
	_ =	swait.ge @!p1 [sflag:s9], $0x200  }
0xb5: {  	s22 =	smov.u32 s20;
	s6 =	sadd.s32 @!p1 $0x80, s18;
	[sflag:s9] =	ssyncset.done @!p1 $0x0  }
0xb6: {  	s18 =	smov.u32 s22;
	s22 =	simm.s32 @!p1 $0x10200;
	[sflag:s9] =	ssyncadd.s32 @!p1 $0xFFFFFE00  }
0xb7: {  	[tilespmem:s22], [sflag:$0x3] =	stream.linear.gather @!p1 [hbm4b:s6+s12], $0x200, $0x38;
	[tilespmem:$0x18800] =	vst v63  }
0xb8: {  	_ =	swait.ge @!p1 [sflag:s9], $0x200  }
0xb9: {  	[sflag:s9] =	ssyncset.done @!p1 $0x0  }
0xba: {  	s6 =	simm.s32 @!p1 $0x80;
	s12 =	simm.s32 @!p1 $0x10400;
	[sflag:s9] =	ssyncadd.s32 @!p1 $0xFFFFFE00  }
0xbb: {  	[tilespmem:s12], [sflag:$0x1] =	stream.indirect.gather @!p1 [hbm4b:s4+s6], $0x20, s7, s6, $0xb8;
	[tilespmem:$0x18800] =	vst v63  }
0xbc: {  	s22 =	simm.s32 @!p1 $0x11400;
	s9 =	simm.s32 @!p1 $0x10080  }
0xbd: {  	[tilespmem:s22], [sflag:$0x1] =	stream.indirect.gather @!p1 [hbm4b:s4+s6], $0x20, s9, s6, $0xb8;
	[tilespmem:$0x18800] =	vst v63  }
0xbe: {  	s7 =	simm.s32 @!p1 $0x10100;
	s12 =	simm.s32 @!p1 $0x12400  }
0xbf: {  	[tilespmem:s12], [sflag:$0x1] =	stream.indirect.gather @!p1 [hbm4b:s4+s6], $0x20, s7, s6, $0xb8;
	[tilespmem:$0x18800] =	vst v63  }
0xc0: {  	s9 =	simm.s32 @!p1 $0x10180;
	s22 =	simm.s32 @!p1 $0x13400  }
0xc1: {  	[tilespmem:s22], [sflag:$0x1] =	stream.indirect.gather @!p1 [hbm4b:s4+s6], $0x20, s9, s6, $0xb8;
	[tilespmem:$0x18800] =	vst v63  }
0xc2: {  	_ =	swait.ge [sflag:s0], $0x1000  }
0xc3: {  	[sflag:s0] =	ssyncset.done $0x0  }
0xc4: {  	[sflag:s0] =	ssyncadd.s32 $0xFFFFF000  }
0xc5: {  	_ =	swait.ge [sflag:s0], $0x1000  }
0xc6: {  	[sflag:s0] =	ssyncset.done $0x0  }
0xc7: {  	[sflag:s0] =	ssyncadd.s32 $0xFFFFF000  }
0xc8: {  	_ =	swait.ge [sflag:s0], $0x1000  }
0xc9: {  	[sflag:s0] =	ssyncset.done $0x0  }
0xca: {  	[sflag:s0] =	ssyncadd.s32 $0xFFFFF000  }
0xcb: {  	_ =	swait.ge [sflag:s0], $0x1000  }
0xcc: {  	[sflag:s0] =	ssyncset.done $0x0  }
0xcd: {  	[sflag:s0] =	ssyncadd.s32 $0xFFFFF000  }
0xce: {  	[spmem:s1] =	stream.indirect.scatter.add.f32 [tilespmem:s28], [sflag:$0x3], $0x20, s26, s16, $0xb8;
	[tilespmem:$0x18800] =	vst v63  }
0xcf: {  	_ =	swait.ge [sflag:s13], $0x1000  }
0xd0: {  	[sflag:s13] =	ssyncset.done $0x0  }
0xd1: {  	s9 =	rddreg [dreg:$0x9];
	[sflag:s13] =	ssyncadd.s32 $0xFFFFF000  }
0xd2: {  	[spmem:s1] =	stream.indirect.scatter.add.f32 [tilespmem:s29], [sflag:$0x3], $0x20, s9, s16, $0xb8;
	[tilespmem:$0x18800] =	vst v63  }
0xd3: {  	_ =	swait.ge [sflag:s13], $0x1000  }
0xd4: {  	s20 =	sadd.s32 $0x80, s20;
	[sflag:s13] =	ssyncset.done $0x0  }
0xd5: {  	p0 =	sne.s32 s20, $0x1000;
	s12 =	rddreg [dreg:$0xa];
	[sflag:s13] =	ssyncadd.s32 $0xFFFFF000  }
0xd6: {  	[spmem:s1] =	stream.indirect.scatter.add.f32 [tilespmem:s30], [sflag:$0x3], $0x20, s12, s16, $0xb8;
	[tilespmem:$0x18800] =	vst v63  }
.Ltmp0:
0xd7: {  	_ =	swait.ge [sflag:s13], $0x1000;
	(pc) =	sbr.rel @p0 .LBB2_2-.Ltmp0, $4  }
0xd8: {  	[sflag:s13] =	ssyncset.done $0x0  }
0xd9: {  	s22 =	rddreg [dreg:$0xb];
	[sflag:s13] =	ssyncadd.s32 $0xFFFFF000  }
0xda: {  	[spmem:s1] =	stream.indirect.scatter.add.f32 [tilespmem:s31], [sflag:$0x3], $0x20, s22, s16, $0xb8;
	[tilespmem:$0x18800] =	vst v63  }
0xdb: {  	s22 =	sadd.s32 s18, s11;
	_ =	swait.ge [sflag:s13], $0x1000  }
0xdc: {  	[sflag:s13] =	ssyncset.done $0x0  }
0xdd: {  	s6 =	sadd.s32 $0x40, s22;
	[sflag:s13] =	ssyncadd.s32 $0xFFFFF000  }
0xde: {  	[tilespmem:s25], [sflag:$0x3] =	stream.linear.gather [hbm4b:s6+s2], $0x200, $0x38;
	[tilespmem:$0x18800] =	vst v63  }
0xdf: {  	_ =	swait.ge [sflag:s13], $0x200  }
0xe0: {  	s7 =	sadd.s32 s18, s8;
	[sflag:s13] =	ssyncset.done $0x0  }
0xe1: {  	s6 =	sadd.s32 $0x40, s7;
	[sflag:s13] =	ssyncadd.s32 $0xFFFFFE00  }
0xe2: {  	[tilespmem:s26], [sflag:$0x3] =	stream.linear.gather [hbm4b:s6+s2], $0x200, $0x38;
	[tilespmem:$0x18800] =	vst v63  }
0xe3: {  	_ =	swait.ge [sflag:s13], $0x200  }
0xe4: {  	[sflag:s13] =	ssyncset.done $0x0  }
0xe5: {  	[sflag:s13] =	ssyncadd.s32 $0xFFFFFE00  }
0xe6: {  	[tilespmem:s28], [sflag:$0x2] =	stream.indirect.gather [hbm4b:s4+s16], $0x20, s25, s16, $0xb8;
	[tilespmem:$0x18800] =	vst v63  }
0xe7: {  	s9 =	rddreg [dreg:$0x3]  }
0xe8: {  	[tilespmem:s29], [sflag:$0x2] =	stream.indirect.gather [hbm4b:s4+s16], $0x20, s9, s16, $0xb8;
	[tilespmem:$0x18800] =	vst v63  }
0xe9: {  	s7 =	rddreg [dreg:$0x4]  }
0xea: {  	[tilespmem:s30], [sflag:$0x2] =	stream.indirect.gather [hbm4b:s4+s16], $0x20, s7, s16, $0xb8;
	[tilespmem:$0x18800] =	vst v63  }
0xeb: {  	s12 =	rddreg [dreg:$0x5]  }
0xec: {  	[tilespmem:s31], [sflag:$0x2] =	stream.indirect.gather [hbm4b:s4+s16], $0x20, s12, s16, $0xb8;
	[tilespmem:$0x18800] =	vst v63  }
0xed: {  	_ =	swait.ge [sflag:s15], $0x1000  }
0xee: {  	[sflag:s15] =	ssyncset.done $0x0  }
0xef: {  	[sflag:s15] =	ssyncadd.s32 $0xFFFFF000  }
0xf0: {  	_ =	swait.ge [sflag:s15], $0x1000  }
0xf1: {  	[sflag:s15] =	ssyncset.done $0x0  }
0xf2: {  	[sflag:s15] =	ssyncadd.s32 $0xFFFFF000  }
0xf3: {  	_ =	swait.ge [sflag:s15], $0x1000  }
0xf4: {  	[sflag:s15] =	ssyncset.done $0x0  }
0xf5: {  	[sflag:s15] =	ssyncadd.s32 $0xFFFFF000  }
0xf6: {  	_ =	swait.ge [sflag:s15], $0x1000  }
0xf7: {  	[sflag:s15] =	ssyncset.done $0x0  }
0xf8: {  	[sflag:s15] =	ssyncadd.s32 $0xFFFFF000  }
0xf9: {  	[spmem:s1] =	stream.indirect.scatter.add.f32 [tilespmem:s17], [sflag:$0x3], $0x20, s14, s16, $0xb8;
	[tilespmem:$0x18800] =	vst v63  }
0xfa: {  	_ =	swait.ge [sflag:s13], $0x1000  }
0xfb: {  	[sflag:s13] =	ssyncset.done $0x0  }
0xfc: {  	s20 =	rddreg [dreg:$0x6];
	[sflag:s13] =	ssyncadd.s32 $0xFFFFF000  }
0xfd: {  	[spmem:s1] =	stream.indirect.scatter.add.f32 [tilespmem:s19], [sflag:$0x3], $0x20, s20, s16, $0xb8;
	[tilespmem:$0x18800] =	vst v63  }
0xfe: {  	_ =	swait.ge [sflag:s13], $0x1000  }
0xff: {  	[sflag:s13] =	ssyncset.done $0x0  }
0x100: {  	s22 =	rddreg [dreg:$0x7];
	[sflag:s13] =	ssyncadd.s32 $0xFFFFF000  }
0x101: {  	[spmem:s1] =	stream.indirect.scatter.add.f32 [tilespmem:s21], [sflag:$0x3], $0x20, s22, s16, $0xb8;
	[tilespmem:$0x18800] =	vst v63  }
0x102: {  	_ =	swait.ge [sflag:s13], $0x1000  }
0x103: {  	[sflag:s13] =	ssyncset.done $0x0  }
0x104: {  	p0 =	seq.s32 s18, $0xF80;
	s7 =	rddreg [dreg:$0x8];
	[sflag:s13] =	ssyncadd.s32 $0xFFFFF000  }
0x105: {  	[spmem:s1] =	stream.indirect.scatter.add.f32 [tilespmem:s23], [sflag:$0x3], $0x20, s7, s16, $0xb8;
	[tilespmem:$0x18800] =	vst v63  }
0x106: {  	s6 =	sadd.s32 @!p0 s18, s11;
	_ =	swait.ge [sflag:s13], $0x1000  }
0x107: {  	s6 =	sadd.s32 @!p0 $0x80, s6;
	s9 =	simm.s32 @!p0 $0x10000;
	[sflag:s13] =	ssyncset.done $0x0  }
0x108: {  	s12 =	simm.s32 @!p0 $0x3;
	s7 =	simm.s32 @!p0 $0x0;
	[sflag:s13] =	ssyncadd.s32 $0xFFFFF000  }
0x109: {  	[tilespmem:s9], [sflag:$0x3] =	stream.linear.gather @!p0 [hbm4b:s6+s7], $0x200, $0x38;
	[tilespmem:$0x18800] =	vst v63  }
0x10a: {  	_ =	swait.ge @!p0 [sflag:s12], $0x200  }
0x10b: {  	s6 =	sadd.s32 @!p0 s18, s8;
	[sflag:s12] =	ssyncset.done @!p0 $0x0  }
0x10c: {  	s18 =	simm.s32 @!p0 $0x10200;
	s6 =	sadd.s32 @!p0 $0x80, s6;
	[sflag:s12] =	ssyncadd.s32 @!p0 $0xFFFFFE00  }
0x10d: {  	[tilespmem:s18], [sflag:$0x3] =	stream.linear.gather @!p0 [hbm4b:s6+s7], $0x200, $0x38;
	[tilespmem:$0x18800] =	vst v63  }
0x10e: {  	_ =	swait.ge @!p0 [sflag:s12], $0x200  }
0x10f: {  	[sflag:s12] =	ssyncset.done @!p0 $0x0  }
0x110: {  	s6 =	simm.s32 @!p0 $0x80;
	s7 =	simm.s32 @!p0 $0x10400;
	[sflag:s12] =	ssyncadd.s32 @!p0 $0xFFFFFE00  }
0x111: {  	[tilespmem:s7], [sflag:$0x1] =	stream.indirect.gather @!p0 [hbm4b:s4+s6], $0x20, s9, s6, $0xb8;
	[tilespmem:$0x18800] =	vst v63  }
0x112: {  	s7 =	simm.s32 @!p0 $0x10080;
	s9 =	simm.s32 @!p0 $0x11400  }
0x113: {  	[tilespmem:s9], [sflag:$0x1] =	stream.indirect.gather @!p0 [hbm4b:s4+s6], $0x20, s7, s6, $0xb8;
	[tilespmem:$0x18800] =	vst v63  }
0x114: {  	s7 =	simm.s32 @!p0 $0x10100;
	s9 =	simm.s32 @!p0 $0x12400  }
0x115: {  	[tilespmem:s9], [sflag:$0x1] =	stream.indirect.gather @!p0 [hbm4b:s4+s6], $0x20, s7, s6, $0xb8;
	[tilespmem:$0x18800] =	vst v63  }
0x116: {  	s7 =	simm.s32 @!p0 $0x10180;
	s9 =	simm.s32 @!p0 $0x13400  }
0x117: {  	[tilespmem:s9], [sflag:$0x1] =	stream.indirect.gather @!p0 [hbm4b:s4+s6], $0x20, s7, s6, $0xb8;
	[tilespmem:$0x18800] =	vst v63  }
0x118: {  	_ =	swait.ge [sflag:s0], $0x1000  }
0x119: {  	[sflag:s0] =	ssyncset.done $0x0  }
0x11a: {  	[sflag:s0] =	ssyncadd.s32 $0xFFFFF000  }
0x11b: {  	_ =	swait.ge [sflag:s0], $0x1000  }
0x11c: {  	[sflag:s0] =	ssyncset.done $0x0  }
0x11d: {  	[sflag:s0] =	ssyncadd.s32 $0xFFFFF000  }
0x11e: {  	_ =	swait.ge [sflag:s0], $0x1000  }
0x11f: {  	[sflag:s0] =	ssyncset.done $0x0  }
0x120: {  	[sflag:s0] =	ssyncadd.s32 $0xFFFFF000  }
0x121: {  	_ =	swait.ge [sflag:s0], $0x1000  }
0x122: {  	[sflag:s0] =	ssyncset.done $0x0  }
0x123: {  	[sflag:s0] =	ssyncadd.s32 $0xFFFFF000  }
0x124: {  	[spmem:s1] =	stream.indirect.scatter.add.f32 [tilespmem:s28], [sflag:$0x3], $0x20, s26, s16, $0xb8;
	[tilespmem:$0x18800] =	vst v63  }
0x125: {  	_ =	swait.ge [sflag:s13], $0x1000  }
0x126: {  	[sflag:s13] =	ssyncset.done $0x0  }
0x127: {  	s9 =	rddreg [dreg:$0x9];
	[sflag:s13] =	ssyncadd.s32 $0xFFFFF000  }
0x128: {  	[spmem:s1] =	stream.indirect.scatter.add.f32 [tilespmem:s29], [sflag:$0x3], $0x20, s9, s16, $0xb8;
	[tilespmem:$0x18800] =	vst v63  }
0x129: {  	_ =	swait.ge [sflag:s13], $0x1000  }
0x12a: {  	[sflag:s13] =	ssyncset.done $0x0  }
0x12b: {  	s12 =	rddreg [dreg:$0xa];
	[sflag:s13] =	ssyncadd.s32 $0xFFFFF000  }
0x12c: {  	[spmem:s1] =	stream.indirect.scatter.add.f32 [tilespmem:s30], [sflag:$0x3], $0x20, s12, s16, $0xb8;
	[tilespmem:$0x18800] =	vst v63  }
0x12d: {  	_ =	swait.ge [sflag:s13], $0x1000  }
0x12e: {  	[sflag:s13] =	ssyncset.done $0x0  }
0x12f: {  	s18 =	rddreg [dreg:$0xb];
	[sflag:s13] =	ssyncadd.s32 $0xFFFFF000  }
0x130: {  	[spmem:s1] =	stream.indirect.scatter.add.f32 [tilespmem:s31], [sflag:$0x3], $0x20, s18, s16, $0xb8;
	[tilespmem:$0x18800] =	vst v63  }
0x131: {  	_ =	swait.ge [sflag:s13], $0x1000  }
0x132: {  	[sflag:s13] =	ssyncset.done $0x0  }
0x133: {  	[sflag:s13] =	ssyncadd.s32 $0xFFFFF000  }
0x134: {  	s20 =	sor.u32 $0x1C03, s5;
	[bflag:$0x0] =	sbarrier.arrive $0xFFFF  }
0x135: {  	[hbm:s24], [sflag:s20] =	dma.local [spmem:s10], $0x2000  }
0x136: {  	_ =	swait.ge [sflag:s13], $0x2000  }
0x137: {  	s3 =	sadd.s32 $0x1, s3;
	s22 =	rddreg [dreg:$0xe]  }
0x138: {  	p0 =	sne.s32 s3, s22  }
.Ltmp1:
0x139: {  	_ = 	snop;
	(pc) =	sbr.rel @p0 .LBB2_1-.Ltmp1, $3  }
0x13a: {  	_ =	sdelay $0x1  }
0x13b: {  	[sflag:s13] =	ssyncset.done $0x0  }
0x13c: {  	[sflag:s13] =	ssyncadd.s32 $0xFFFFE000  }
0x13d: {  	_ =	sfence.sel $0x180000  }
0x13e: {  	[bflag:$0x0] =	sbarrier.arrive $0xFFFF  }
0x13f: {  	_ =	strace $0x90000050  }
0x140: {  	s0 =	stileid.u32;
	[bflag:$0x2] =	sbarrier.arrive $0xFFFF  }
0x141: {  	p0 =	sne.s32 s0, $0x0;
	s0 =	rddreg [dreg:$0x2]  }
0x142: {  	s0 =	sadd.s32 @!p0 $0x100000, s0  }
0x143: {  	[sflag:s0] =	ssyncadd.tile.s32 @!p0 $0x1;
	_ =	shalt  }
.Lfunc_end2:
_tile_overlayer_lowered:
.L_overlay_start_2:
0x144: {  	(tag) =	ssettag $0x2  }
0x145: {  	s0 =	rddreg [dreg:$0x0];
	s2 =	stileid.u32  }
0x146: {  	s1 =	rddreg [dreg:$0x1];
	p0 =	sne.s32 s2, $0x0  }
0x147: {  	s3 =	rddreg [dreg:$0x2];
	[bflag:$0x3] =	sbarrier.arrive $0xFFFF;
	s2 =	simm.s32 @!p0 $0x1C03  }
0x148: {  	[timem:s3], [sflag:s2] =	dma.local @!p0 [hbm:s0], s1  }
0x149: {  	s0 =	simm.s32 @!p0 $0x3  }
0x14a: {  	_ =	swait.ge @!p0 [sflag:s0], s1  }
0x14b: {  	s1 =	ssub.s32 @!p0 $0x0, s1;
	[sflag:s0] =	ssyncset.done @!p0 $0x0  }
0x14c: {  	[sflag:s0] =	ssyncadd.s32 @!p0 s1  }
0x14d: {  	[bflag:$0x3] =	sbarrier.arrive $0xFFFF  }
0x14e: {  	_ =	shalt  }

// kernel: sparse-core-data-format-call.cloned.1.call-start
scs
called_computation_lowered:
.L_overlay_start_0:
0x0: {  	s2 =	sld [smem:$0x3FD9]  }
0x1: {  	s3 =	sld [smem:$0x3FFE];
	_ =	sdelay $0x1  }
0x2: {  	s1 =	srdreg.scid  }
0x3: {  	s0 =	sand.u32 $0x1, s1  }
0x4: {  	s18 =	sshll.u32 s0, $0xA;
	s2 =	sadd.s32 s3, s2  }
0x5: {  	s2 =	sadd.s32 s2, s18  }
0x6: {  	[smem:$0x3FBC] =	sst s2  }
0x7: {  	_ = 	snop  }
0x8: {  	s2 =	sld [smem:$0x3FC9];
	(tm) =	ssettm $0x1  }
0x9: {  	s19 =	sld [smem:$0x3FFB];
	_ =	sdelay $0x3  }
0xa: {  	_ =	strace s19  }
0xb: {  	s3 =	sld [smem:$0x3FFC];
	_ =	sdelay $0x3  }
0xc: {  	_ =	strace s3  }
0xd: {  	s3 =	sld [smem:$0x3FFD];
	_ =	sdelay $0x3  }
0xe: {  	_ =	strace s3  }
0xf: {  	_ =	strace $0x8FFFFFFF  }
0x10: {  	s20 =	sld [smem:$0x3FDB];
	_ =	sdelay $0x1  }
0x11: {  	s4 =	simm.s32 $_scs_section_size  }
0x12: {  	s5 =	simm.s32 $_size__tile_overlayer_lowered;
	s6 =	simm.s32 $_tile_overlayer_lowered  }
0x13: {  	s23 =	simm.s32 $0x1BFF;
	s22 =	sshll.u32 s6, $0x1;
	s3 =	sadd.s32 s4, s20  }
0x14: {  	s7 =	simm.s32 $0x0;
	s21 =	sshll.u32 s5, $0x1;
	s5 =	sadd.s32 s22, s3  }
0x15: {  	[timem:s7], [sflag:s23] =	dma.local [hbm:s5], s21  }
0x16: {  	_ =	swait.ge [sflag:s23], s21  }
0x17: {  	s4 =	ssub.s32 $0x0, s21;
	[sflag:s23] =	ssyncset.done $0x0  }
0x18: {  	[sflag:s23] =	ssyncadd.s32 s4;
	_ =	sdelay $0x1  }
0x19: {  	s24 =	simm.s32 $0x1B8B  }
0x1a: {  	_ =	swait.ge [sflag:s24], $0x1  }
0x1b: {  	[sflag:s24] =	ssyncset.done $0x0  }
0x1c: {  	s26 =	simm.s32 $0x1B8E;
	s25 =	sld [smem:$0x3FFE];
	[sflag:s24] =	ssyncadd.s32 $0xFFFFFFFF  }
0x1d: {  	s27 =	simm.s32 $execute0_lowered;
	[smem:$0x3FD2] =	sst s26  }
0x1e: {  	s5 =	sshll.u32 s27, $0x1;
	_ =	strace $0x80000046;
	[dreg:$0x1] =	wrdreg $0xFFFFFFFF  }
0x1f: {  	s28 =	simm.s32 $_size_execute0_lowered;
	s3 =	sadd.s32 s3, s5;
	[dreg:$0x0] =	wrdreg $0x0  }
0x20: {  	s5 =	sshll.u32 s28, $0x1;
	[dreg:$0x2] =	wrdreg s3  }
0x21: {  	[dreg:$0x3] =	wrdreg s5  }
0x22: {  	[dreg:$0x4] =	wrdreg $0xC0  }
0x23: {  	_ =	task [dreg:s7], $0x5FFFF  }
0x24: {  	[dreg:$0x1] =	wrdreg $0xFFFFFFFF  }
0x25: {  	[dreg:$0x0] =	wrdreg $0x60  }
0x26: {  	[dreg:$0x2] =	wrdreg s2  }
0x27: {  	[dreg:$0x3] =	wrdreg s25  }
0x28: {  	[dreg:$0x4] =	wrdreg $0x9  }
0x29: {  	_ =	task.clear_ibuf [dreg:s7], $0x5FFFF;
	_ =	strace $0x90000046  }
0x2a: {  	s29 =	simm.s32 $0x9;
	_ =	strace $0x80000048  }
0x2b: {  	_ =	swait.ge [sflag:s29], $0x1  }
0x2c: {  	[sflag:s29] =	ssyncadd.s32 $0xFFFFFFFF  }
0x2d: {  	_ =	strace $0x90000048  }
0x2e: {  	_ =	sfence  }
0x2f: {  	s30 =	sld [smem:$0x0];
	_ =	sdelay $0x2  }
0x30: {  	s31 =	sshll.u32 s1, $0xD;
	s1 =	sshrl.u32 s1, $0x2  }
0x31: {  	s3 =	sand.u32 $0x4000, s31;
	s1 =	sadd.s32 s1, s30  }
0x32: {  	s0 =	sor.u32 s3, s0;
	s1 =	sshll.u32 s1, $0x11  }
0x33: {  	s0 =	sor.u32 s1, s0  }
0x34: {  	s0 =	sadd.s32 $0x8F2B, s0  }
0x35: {  	[sflag:s0] =	ssyncadd.remote.s32 $0x1  }
0x36: {  	_ =	sfence.sel $0xFFFF  }
0x37: {  	[dreg:$0x0] =	wrdreg $0xFFFFFFFF;
	(pc) =	sbr.abs _section_cstart, $3  }
0x38: {  	[dreg:$0x1] =	wrdreg $0xFFFFFFFF  }
0x39: {  	_ =	task.clear_ibuf [dreg:s7], $0x2FFFF;
	_ =	strace $0x9FFFFFFF  }
0x3a: {  	(tm) =	ssettm $0x7FFFFFFF  }
0x3b: {  	_ =	shalt  }
tec
execute0_lowered:
.L_overlay_start_1:
0x0: {  	(tag) =	ssettag $0x1  }
0x1: {  	s1 =	rddreg [dreg:$0x0];
	s0 =	srdreg.scid  }
0x2: {  	s3 =	rddreg [dreg:$0x1];
	s4 =	simm.s32 $0x1;
	s7 =	simm.s32 $0x2  }
0x3: {  	s15 =	simm.s32 $0x0;
	p0 =	por $0x0, $0x0;
	s13 =	simm.s32 $0x0  }
0x4: {  	s14 =	simm.s32 $0x0;
	s10 =	simm.s32 $0x0;
	s2 =	sshll.u32 s0, $0x8  }
0x5: {  	s11 =	stileid.u32;
	s12 =	simm.s32 $0x0;
	s2 =	sand.u32 $0x100, s2  }
.Ltmp0:
0x6: {  	s0 =	rddreg [dreg:$0x2];
	s6 =	ssub.s32 $0x2000, s2;
	(pc) =	sbr.rel .LBB1_1-.Ltmp0, $4  }
0x7: {  	_ =	strace $0x80000047;
	s5 =	sadd.s32 $0x4400, s3;
	s31 =	sshrl.u32 s6, $0x8  }
0x8: {  	[sflag:s4] =	ssyncpa.u1 $0x0;
	s6 =	sshrl.u32 s6, $0x9;
	s8 =	sand.u32 $0x1, s31  }
0x9: {  	s3 =	stileid.u32;
	[sflag:s7] =	ssyncpa.u1 $0x0;
	s6 =	sadd.s32 s6, s8  }
0xa: {  	s9 =	smov.u32 s2;
	s8 =	simm.s32 $0x80;
	s7 =	sadd.s32 $0x1, s6  }
.LBB1_4:
0xb: {  	_ = 	snop  }
0xc: {  	[tilespmem:s20+$0x1860 ss:$0x41] =	vst.msk $0xffff, v8  }
0xd: {  	[tilespmem:s20+$0x1C70 ss:$0x41] =	vst.msk $0xffff, v7  }
0xe: {  	[tilespmem:s20+$0x2490 ss:$0x41] =	vst.msk $0xffff, v1  }
0xf: {  	s23 =	sor.u32 s26, s25;
	v47 =	vld.idx.msk [tilespmem:v0+s18+$0x470 ss:$0x1], $0xffff;
	[tilespmem:s20+$0x28A0 ss:$0x41] =	vst.msk $0xffff, v2  }
0x10: {  	[tilespmem:s20+$0x2CB0 ss:$0x41] =	vst.msk $0xffff, v3;
	v57 =	vld.idx.msk [tilespmem:v0+s23+$0x410 ss:$0x1], $0xffff  }
0x11: {  	[tilespmem:s20+$0x30C0 ss:$0x41] =	vst.msk $0xffff, v4;
	v58 =	vld.idx.msk [tilespmem:v0+s23+$0x420 ss:$0x1], $0xffff  }
0x12: {  	[tilespmem:s20+$0x34D0 ss:$0x41] =	vst.msk $0xffff, v5;
	v59 =	vld.idx.msk [tilespmem:v0+s23+$0x430 ss:$0x1], $0xffff  }
0x13: {  	s27 =	sshra.s32 s21, $0x2;
	[tilespmem:s20+$0x38E0 ss:$0x41] =	vst.msk $0xffff, v6;
	v60 =	vld.idx.msk [tilespmem:v0+s23+$0x440 ss:$0x1], $0xffff  }
0x14: {  	s24 =	sand.u32 $0x3B00, s23;
	s18 =	sadd.s32 s27, s19;
	v61 =	vld.idx.msk [tilespmem:v0+s23+$0x450 ss:$0x1], $0xffff;
	[tilespmem:s20+$0x3CF0 ss:$0x41] =	vst.msk $0xffff, v47  }
0x15: {  	s22 =	sand.u32 $0x80, s22;
	v62 =	vld.idx.msk [tilespmem:v0+s23+$0x460 ss:$0x1], $0xffff;
	s17 =	sadd.s32 s24, s17;
	[tilespmem:s18+$0x2490 ss:$0x41] =	vst.msk $0xffff, v57  }
0x16: {  	v63 =	vld.idx.msk [tilespmem:v0+s23+$0x470 ss:$0x1], $0xffff;
	s17 =	sadd.s32 s22, s17;
	[tilespmem:s18+$0x28A0 ss:$0x41] =	vst.msk $0xffff, v58  }
0x17: {  	v48 =	vld [tilespmem:s17+$0x400];
	[tilespmem:s18+$0x2CB0 ss:$0x41] =	vst.msk $0xffff, v59  }
0x18: {  	v49 =	vld [tilespmem:s17+$0x0];
	[tilespmem:s18+$0x30C0 ss:$0x41] =	vst.msk $0xffff, v60  }
0x19: {  	v50 =	vld [tilespmem:s17+$0x10];
	[tilespmem:s18+$0x34D0 ss:$0x41] =	vst.msk $0xffff, v61  }
0x1a: {  	v51 =	vld [tilespmem:s17+$0x20];
	[tilespmem:s18+$0x38E0 ss:$0x41] =	vst.msk $0xffff, v62  }
0x1b: {  	v52 =	vld [tilespmem:s17+$0x30];
	[tilespmem:s18+$0x3CF0 ss:$0x41] =	vst.msk $0xffff, v63  }
0x1c: {  	v53 =	vld [tilespmem:s17+$0x40];
	[tilespmem:s18+$0x2080 ss:$0x41] =	vst.msk $0xffff, v48  }
0x1d: {  	v54 =	vld [tilespmem:s17+$0x50];
	[tilespmem:s18+$0x0 ss:$0x41] =	vst.msk $0xffff, v49  }
0x1e: {  	s15 =	sshll.u32 s15, $0x7;
	s28 =	sshll.u32 s13, $0x3;
	v55 =	vld [tilespmem:s17+$0x60];
	[tilespmem:s18+$0x410 ss:$0x41] =	vst.msk $0xffff, v50  }
0x1f: {  	s29 =	sand.u32 $0xFFC00, s15;
	v56 =	vld [tilespmem:s17+$0x70];
	s17 =	sand.u32 $0xFFC00, s28;
	[tilespmem:s18+$0x820 ss:$0x41] =	vst.msk $0xffff, v51  }
0x20: {  	s14 =	sshll.u32 s14, $0x11;
	s15 =	sand.u32 $0x380, s15;
	s17 =	sadd.s32 s17, s29;
	[tilespmem:s18+$0xC30 ss:$0x41] =	vst.msk $0xffff, v52  }
0x21: {  	s30 =	sshrl.u32 s13, $0x3;
	s31 =	sand.u32 $0x7, s13;
	s15 =	sor.u32 s15, s17;
	[tilespmem:s18+$0x1040 ss:$0x41] =	vst.msk $0xffff, v53  }
0x22: {  	s14 =	sadd.s32 s5, s14;
	s17 =	sand.u32 $0xF, s30;
	s15 =	sshrl.u32 s15, $0x3;
	[tilespmem:s18+$0x1450 ss:$0x41] =	vst.msk $0xffff, v54  }
0x23: {  	s13 =	sshll.u32 s31, $0x12;
	s14 =	sadd.s32 s17, s14;
	s15 =	sand.u32 $0x1FFF0, s15;
	[tilespmem:s18+$0x1860 ss:$0x41] =	vst.msk $0xffff, v55  }
0x24: {  	s13 =	sor.u32 $0x40, s13;
	[tilespmem:s18+$0x1C70 ss:$0x41] =	vst.msk $0xffff, v56;
	s14 =	sadd.s32 s15, s14  }
0x25: {  	[hbm4b:s14+s13] =	stream.strided.scatter [tilespmem:s16], [sflag:$0x2], $0x4000, s8, s13, $0x18;
	[tilespmem:$0x10200] =	vst v63  }
.LBB1_5:
0x26: {  	s16 =	sadd.s32 $0x200, s9  }
0x27: {  	s13 =	sadd.s32 $0x40, s10;
	s17 =	smov.u32 s10;
	p2 =	sgt.s32 s16, $0x1FFF  }
0x28: {  	s17 =	smov.u32 @p2 s13  }
0x29: {  	s19 =	smov.u32 s11;
	s13 =	sadd.s32 $0x10, s11;
	p3 =	sgt.s32 s17, $0x3F  }
0x2a: {  	s19 =	smov.u32 @p3 s13  }
0x2b: {  	s16 =	smov.u32 @p2 s2;
	p2 =	sgt.s32 s19, $0xF  }
0x2c: {  	p1 =	slt.u32 s12, $0x2;
	s19 =	smov.u32 @p2 s3;
	p2 =	sne.s32 s12, s7  }
.Ltmp1:
0x2d: {  	s18 =	simm.s32 @!p1 $0x2;
	(pc) =	sbr.rel @!p2 .LBB1_6-.Ltmp1, $4  }
0x2e: {  	s15 =	smov.u32 s9;
	s14 =	smov.u32 s11;
	_ =	swait.ge @!p1 [sflag:s18], $0x4000  }
0x2f: {  	p0 =	por !p0, !p0;
	[sflag:s18] =	ssyncset.done @!p1 $0x0;
	s9 =	smov.u32 s16  }
0x30: {  	s17 =	simm.s32 @p3 $0x0;
	s13 =	smov.u32 s10;
	[sflag:s18] =	ssyncadd.s32 @!p1 $0xFFFFC000  }
0x31: {  	s10 =	smov.u32 s17;
	s12 =	sadd.s32 $0x1, s12;
	s11 =	smov.u32 s19  }
.LBB1_1:
0x32: {  	p1 =	sge.u32 s12, s6;
	s31 =	sadd.s32 $0xFFFFFFFF, s12  }
0x33: {  	s16 =	sxor.u32 @!p1 $0xFFFFFFFF, s12;
	s17 =	sand.u32 @!p1 $0x78, s9;
	s18 =	sshll.u32 @!p1 s10, $0xD  }
0x34: {  	s19 =	sshll.u32 @!p1 s10, $0x7;
	s20 =	sshll.u32 @!p1 s9, $0x3;
	s16 =	sshll.u32 @!p1 s16, $0xE  }
0x35: {  	s18 =	sand.u32 @!p1 $0x70000, s18;
	s19 =	sand.u32 @!p1 $0x380, s19;
	s16 =	sand.u32 @!p1 $0x4000, s16  }
0x36: {  	s18 =	sadd.s32 @!p1 s18, s20;
	s20 =	sand.u32 @!p1 $0x1C00, s20;
	s17 =	sor.u32 @!p1 s19, s17  }
0x37: {  	s19 =	sshll.u32 @!p1 s11, $0x10;
	s17 =	sor.u32 @!p1 s20, s17;
	s18 =	sshrl.u32 @!p1 s18, $0x3  }
0x38: {  	s19 =	sadd.s32 @!p1 s1, s19;
	s20 =	sand.u32 @!p1 $0x7, s9;
	s18 =	sand.u32 @!p1 $0xFC00, s18  }
0x39: {  	s17 =	sshrl.u32 @!p1 s17, $0x3;
	s18 =	sadd.s32 @!p1 s18, s19;
	s19 =	sshll.u32 @!p1 s20, $0x12  }
0x3a: {  	s17 =	sadd.s32 @!p1 s17, s18;
	s18 =	sor.u32 @!p1 $0x800, s19;
	s19 =	simm.s32 @!p1 $0x10000  }
0x3b: {  	[tilespmem:s16], [sflag:$0x1] =	stream.strided.gather @!p1 [hbm4b:s17+s18], $0x4000, s19, s18, $0x38;
	[tilespmem:$0x10200] =	vst v63  }
0x3c: {  	p1 =	sge.u32 s31, s6  }
.Ltmp2:
0x3d: {  	_ = 	snop;
	(pc) =	sbr.rel @p1 .LBB1_5-.Ltmp2, $1  }
0x3e: {  	_ =	sdelay $0x3  }
0x3f: {  	s19 =	simm.s32 $0x0  }
0x40: {  	s18 =	sand.u32 $0x3800, s19;
	s20 =	sand.u32 $0x380, s19  }
0x41: {  	s16 =	sand.u32 $0x1, s12;
	s18 =	sor.u32 s20, s18  }
0x42: {  	_ =	swait.ge [sflag:s4], $0x4000;
	s17 =	sshll.u32 s16, $0xE;
	s20 =	sand.u32 $0x3B00, s18  }
0x43: {  	[sflag:s4] =	ssyncset.done $0x0;
	s19 =	sand.u32 $0x80, s19;
	s20 =	sadd.s32 s20, s17  }
0x44: {  	[sflag:s4] =	ssyncadd.s32 $0xFFFFC000;
	s22 =	sadd.s32 s19, s20  }
0x45: {  	v4 =	vld [tilespmem:s22+$0x400]  }
0x46: {  	s21 =	simm.s32 $0x1;
	v5 =	vld [tilespmem:s22+$0x0]  }
0x47: {  	s21 =	simm.s32 @!p0 $0x0;
	v6 =	vld [tilespmem:s22+$0x10]  }
0x48: {  	v0 =	vmov s17;
	s31 =	smul.u32 $0x10400, s21;
	v7 =	vld [tilespmem:s22+$0x20]  }
0x49: {  	v9 =	vld [tilespmem:s22+$0x30]  }
0x4a: {  	s19 =	sshrl.u32 s31, $0x2;
	v10 =	vld [tilespmem:s22+$0x40]  }
0x4b: {  	s19 =	sor.u32 $0x8000, s19;
	v11 =	vld [tilespmem:s22+$0x50]  }
0x4c: {  	v8 =	vld [tilespmem:s22+$0x60];
	s20 =	sadd.s32 $0x0, s19  }
0x4d: {  	v1 =	vld.idx.msk [tilespmem:v0+s18+$0x410 ss:$0x1], $0xffff;
	[tilespmem:s20+$0x2080 ss:$0x41] =	vst.msk $0xffff, v4  }
0x4e: {  	v2 =	vld.idx.msk [tilespmem:v0+s18+$0x420 ss:$0x1], $0xffff;
	[tilespmem:s20+$0x0 ss:$0x41] =	vst.msk $0xffff, v5  }
0x4f: {  	v3 =	vld.idx.msk [tilespmem:v0+s18+$0x430 ss:$0x1], $0xffff;
	[tilespmem:s20+$0x410 ss:$0x41] =	vst.msk $0xffff, v6  }
0x50: {  	s16 =	smul.u32 $0x10400, s16;
	[tilespmem:s20+$0x820 ss:$0x41] =	vst.msk $0xffff, v7;
	v7 =	vld [tilespmem:s22+$0x70]  }
0x51: {  	s23 =	simm.s32 $0x100;
	s24 =	simm.s32 $0x8;
	[tilespmem:s20+$0xC30 ss:$0x41] =	vst.msk $0xffff, v9;
	v4 =	vld.idx.msk [tilespmem:v0+s18+$0x440 ss:$0x1], $0xffff  }
0x52: {  	s25 =	sand.u32 $0x3800, s23;
	s16 =	sshrl.u32 s16, $0x2;
	[tilespmem:s20+$0x1040 ss:$0x41] =	vst.msk $0xffff, v10;
	v5 =	vld.idx.msk [tilespmem:v0+s18+$0x450 ss:$0x1], $0xffff;
	s22 =	simm.s32 $0x80  }
0x53: {  	s21 =	simm.s32 $0x4;
	s16 =	sor.u32 $0x8000, s16;
	[tilespmem:s20+$0x1450 ss:$0x41] =	vst.msk $0xffff, v11;
	v6 =	vld.idx.msk [tilespmem:v0+s18+$0x460 ss:$0x1], $0xffff;
	s26 =	sand.u32 $0x380, s22  }
.LBB1_3:
0x54: {  	p1 =	sne.s32 s24, $0xFC;
	[tilespmem:s20+$0x1860 ss:$0x41] =	vst.msk $0xffff, v8;
	v8 =	vld.idx.msk [tilespmem:v0+s18+$0x470 ss:$0x1], $0xffff;
	s18 =	sor.u32 s26, s25  }
0x55: {  	s25 =	sand.u32 $0x3B00, s18;
	v9 =	vld.idx.msk [tilespmem:v0+s18+$0x410 ss:$0x1], $0xffff;
	[tilespmem:s20+$0x1C70 ss:$0x41] =	vst.msk $0xffff, v7  }
0x56: {  	s26 =	sand.u32 $0x80, s22;
	s25 =	sadd.s32 s25, s17;
	v7 =	vld.idx.msk [tilespmem:v0+s18+$0x420 ss:$0x1], $0xffff;
	[tilespmem:s20+$0x2490 ss:$0x41] =	vst.msk $0xffff, v1  }
0x57: {  	s25 =	sadd.s32 s26, s25;
	v10 =	vld.idx.msk [tilespmem:v0+s18+$0x430 ss:$0x1], $0xffff;
	[tilespmem:s20+$0x28A0 ss:$0x41] =	vst.msk $0xffff, v2  }
0x58: {  	v11 =	vld [tilespmem:s25+$0x400];
	[tilespmem:s20+$0x2CB0 ss:$0x41] =	vst.msk $0xffff, v3  }
0x59: {  	v12 =	vld [tilespmem:s25+$0x0];
	[tilespmem:s20+$0x30C0 ss:$0x41] =	vst.msk $0xffff, v4  }
0x5a: {  	v4 =	vld [tilespmem:s25+$0x10];
	[tilespmem:s20+$0x34D0 ss:$0x41] =	vst.msk $0xffff, v5  }
0x5b: {  	s26 =	sshra.s32 s21, $0x2;
	s21 =	smov.u32 s24;
	v1 =	vmov v9;
	v5 =	vld [tilespmem:s25+$0x20];
	[tilespmem:s20+$0x38E0 ss:$0x41] =	vst.msk $0xffff, v6  }
0x5c: {  	v2 =	vmov v7;
	v6 =	vld [tilespmem:s25+$0x30];
	[tilespmem:s20+$0x3CF0 ss:$0x41] =	vst.msk $0xffff, v8;
	s20 =	sadd.s32 s26, s19  }
0x5d: {  	v3 =	vmov v10;
	v9 =	vld [tilespmem:s25+$0x40];
	[tilespmem:s20+$0x2080 ss:$0x41] =	vst.msk $0xffff, v11  }
0x5e: {  	[tilespmem:s20+$0x0 ss:$0x41] =	vst.msk $0xffff, v12;
	v10 =	vld [tilespmem:s25+$0x50]  }
.Ltmp3:
0x5f: {  	[tilespmem:s20+$0x410 ss:$0x41] =	vst.msk $0xffff, v4;
	v8 =	vld [tilespmem:s25+$0x60];
	(pc) =	sbr.rel @p1 .LBB1_3-.Ltmp3, $4  }
0x60: {  	[tilespmem:s20+$0x820 ss:$0x41] =	vst.msk $0xffff, v5;
	v7 =	vld [tilespmem:s25+$0x70]  }
0x61: {  	[tilespmem:s20+$0xC30 ss:$0x41] =	vst.msk $0xffff, v6;
	v4 =	vld.idx.msk [tilespmem:v0+s18+$0x440 ss:$0x1], $0xffff  }
0x62: {  	s22 =	sadd.s32 $0x80, s22;
	s23 =	sadd.s32 $0x100, s23;
	[tilespmem:s20+$0x1040 ss:$0x41] =	vst.msk $0xffff, v9;
	v5 =	vld.idx.msk [tilespmem:v0+s18+$0x450 ss:$0x1], $0xffff  }
0x63: {  	s24 =	sadd.s32 $0x4, s24;
	s26 =	sand.u32 $0x380, s22;
	s25 =	sand.u32 $0x3800, s23;
	[tilespmem:s20+$0x1450 ss:$0x41] =	vst.msk $0xffff, v10;
	v6 =	vld.idx.msk [tilespmem:v0+s18+$0x460 ss:$0x1], $0xffff  }
.Ltmp4:
0x64: {  	_ = 	snop;
	(pc) =	sbr.rel .LBB1_4-.Ltmp4, $1  }
0x65: {  	_ =	sdelay $0x3  }
.LBB1_6:
0x66: {  	_ =	sfence.sel $0x180000  }
0x67: {  	s1 =	simm.s32 $0x1;
	[bflag:$0x0] =	sbarrier.arrive $0xFFFF  }
0x68: {  	s31 =	simm.s32 $0x2;
	[sflag:s1] =	ssyncpa.u1 $0x1  }
0x69: {  	[sflag:s31] =	ssyncpa.u1 $0x1  }
0x6a: {  	p0 =	sne.s32 s3, $0x0;
	_ =	strace $0x90000047  }
0x6b: {  	s0 =	sadd.s32 @!p0 $0x100000, s0;
	[bflag:$0x2] =	sbarrier.arrive $0xFFFF  }
0x6c: {  	[sflag:s0] =	ssyncadd.tile.s32 @!p0 $0x1;
	_ =	shalt  }
.Lfunc_end1:
_tile_overlayer_lowered:
.L_overlay_start_2:
0x6d: {  	(tag) =	ssettag $0x2  }
0x6e: {  	s0 =	rddreg [dreg:$0x0];
	s2 =	stileid.u32  }
0x6f: {  	s1 =	rddreg [dreg:$0x1];
	p0 =	sne.s32 s2, $0x0  }
0x70: {  	s3 =	rddreg [dreg:$0x2];
	[bflag:$0x3] =	sbarrier.arrive $0xFFFF;
	s2 =	simm.s32 @!p0 $0x1C01  }
0x71: {  	[timem:s3], [sflag:s2] =	dma.local @!p0 [hbm:s0], s1  }
0x72: {  	s0 =	simm.s32 @!p0 $0x1  }
0x73: {  	_ =	swait.ge @!p0 [sflag:s0], s1  }
0x74: {  	s1 =	ssub.s32 @!p0 $0x0, s1;
	[sflag:s0] =	ssyncset.done @!p0 $0x0  }
0x75: {  	[sflag:s0] =	ssyncadd.s32 @!p0 s1  }
0x76: {  	[bflag:$0x3] =	sbarrier.arrive $0xFFFF  }
0x77: {  	_ =	shalt  }

</sc_bundles>
